<compile_context>
chip_gen: v7x
topology: tpu7x:2x2x1
jax: 0.10.2.dev20260603
libtpu: 0.0.44.dev20260713+nightly
codegen_flags: <defaults>
</compile_context>

<pallas_src>
import jax
import jax.numpy as jnp
from jax import lax
from jax.experimental import pallas as pl
from jax.experimental.pallas import tpu as pltpu
from jax.experimental.pallas import tpu_sc as plsc

N = 10000
E = 320000
D = 128
H = D // 2

NC = 2
NS = 16

B = 125
CH = E // (NS * B)
CW = 16
ZB = 80
ZCH = N // ZB
ZJ = -(-ZCH // NS)


def _make_sc_aggregate(with_cnt):
    mesh = plsc.VectorSubcoreMesh(
        core_axis_name="c", subcore_axis_name="s", num_cores=NC,
        num_subcores=NS)

    out_type = [jax.ShapeDtypeStruct((ZCH, ZB, H), jnp.float32),
                jax.ShapeDtypeStruct((ZCH, ZB, H), jnp.float32)]
    if with_cnt:
        out_type += [jax.ShapeDtypeStruct((ZCH, ZB, CW), jnp.float32),
                     jax.ShapeDtypeStruct((ZCH, ZB, CW), jnp.float32)]

    scratch = [
        pltpu.VMEM((CH, B), jnp.int32),
        pltpu.VMEM((CH, B), jnp.int32),
        pltpu.VMEM((4, B, H), jnp.float32),
        pltpu.VMEM_SHARED((N, H), jnp.float32),
    ]
    if with_cnt:
        scratch += [
            pltpu.VMEM((B, CW), jnp.float32),
            pltpu.VMEM((B, CW), jnp.float32),
            pltpu.VMEM_SHARED((N, CW), jnp.float32),
        ]
    scratch += [pltpu.SemaphoreType.DMA] * 8

    def body(*refs):
        if with_cnt:
            (xv_hbm, srcA_hbm, srcB_hbm, dst_hbm, agg0, agg1, cnt0, cnt1,
             sbuf, dbuf, rowsb, acc_sh, ones, zc16, cnt_sh,
             *sems) = refs
        else:
            (xv_hbm, srcA_hbm, srcB_hbm, dst_hbm, agg0, agg1,
             sbuf, dbuf, rowsb, acc_sh, *sems) = refs
            cnt0 = cnt1 = ones = zc16 = cnt_sh = None
        rows_bufs = tuple(rowsb.at[i] for i in range(4))
        gsems = tuple(sems[:4])
        ssems = tuple(sems[4:])

        c = lax.axis_index("c")
        s = lax.axis_index("s")

        zeros16 = jnp.zeros((16,), jnp.float32)

        def zrow1(t, carry):
            rowsb[3, t // (H // 16), pl.ds((t % (H // 16)) * 16, 16)] = (
                zeros16)
            return carry
        lax.fori_loop(0, B * (H // 16), zrow1, 0)

        if with_cnt:
            def fill_small(i, carry):
                ones[i, :] = jnp.full((CW,), 1.0, jnp.float32)
                zc16[i, :] = jnp.zeros((CW,), jnp.float32)
                return carry
            lax.fori_loop(0, B, fill_small, 0)

        zsem = sems[0]
        for j in range(ZJ):
            k = s + NS * j

            @pl.when(k < ZCH)
            def _():
                pltpu.async_copy(rowsb.at[3, pl.ds(0, ZB)],
                                 acc_sh.at[pl.ds(k * ZB, ZB)], zsem)
                if with_cnt:
                    pltpu.async_copy(zc16.at[pl.ds(0, ZB)],
                                     cnt_sh.at[pl.ds(k * ZB, ZB)], zsem)
        for j in range(ZJ):
            k = s + NS * j

            @pl.when(k < ZCH)
            def _():
                pltpu.make_async_copy(rowsb.at[3, pl.ds(0, ZB)],
                                      acc_sh.at[pl.ds(k * ZB, ZB)],
                                      zsem).wait()
                if with_cnt:
                    pltpu.make_async_copy(zc16.at[pl.ds(0, ZB)],
                                          cnt_sh.at[pl.ds(k * ZB, ZB)],
                                          zsem).wait()
        plsc.subcore_barrier()

        @pl.when(c == 0)
        def _():
            pltpu.async_copy(srcA_hbm.at[pl.ds(s * CH, CH)], sbuf, zsem)

        @pl.when(c == 1)
        def _():
            pltpu.async_copy(srcB_hbm.at[pl.ds(s * CH, CH)], sbuf, zsem)
        pltpu.async_copy(dst_hbm.at[pl.ds(s * CH, CH)], dbuf, zsem)
        pltpu.make_async_copy(srcA_hbm.at[pl.ds(s * CH, CH)], sbuf,
                              zsem).wait()
        pltpu.make_async_copy(dst_hbm.at[pl.ds(s * CH, CH)], dbuf,
                              zsem).wait()

        def gather_start(k, b):
            pltpu.async_copy(xv_hbm.at[sbuf.at[k]], rows_bufs[b], gsems[b])

        def gather_wait(b):
            pltpu.make_async_copy(xv_hbm.at[sbuf.at[0]], rows_bufs[b],
                                  gsems[b]).wait()

        def do_cnt(k):
            return jnp.logical_xor(k < (CH // 2), c == 1)

        def scatter_start(k, b):
            pltpu.async_copy(rows_bufs[b], acc_sh.at[dbuf.at[k]], ssems[b],
                             add=True)
            if with_cnt:
                @pl.when(do_cnt(k))
                def _():
                    pltpu.async_copy(ones, cnt_sh.at[dbuf.at[k]], ssems[b],
                                     add=True)

        def scatter_drain(b, kd):
            pltpu.make_async_copy(rows_bufs[b], acc_sh.at[dbuf.at[0]],
                                  ssems[b]).wait()
            if with_cnt:
                @pl.when(do_cnt(kd))
                def _():
                    pltpu.make_async_copy(ones, cnt_sh.at[dbuf.at[0]],
                                          ssems[b]).wait()

        pltpu.async_copy(rows_bufs[3], acc_sh.at[dbuf.at[0]], ssems[3],
                         add=True)
        if with_cnt:
            @pl.when(c == 0)
            def _():
                pltpu.async_copy(zc16, cnt_sh.at[dbuf.at[0]],
                                 ssems[3], add=True)
        for k in range(3):
            gather_start(k, k)

        def step(g, carry):
            for b in range(4):
                k = 4 * g + b
                nb = (b + 3) % 4
                gather_wait(b)
                scatter_drain(nb, k - 1)

                @pl.when(k + 3 < CH)
                def _():
                    gather_start(k + 3, nb)

                scatter_start(k, b)
            return carry
        lax.fori_loop(0, CH // 4, step, 0)
        scatter_drain(3, CH - 1)

        plsc.subcore_barrier()

        for j in range(ZJ):
            k = s + NS * j

            @pl.when(k < ZCH)
            def _():
                @pl.when(c == 0)
                def _copy0():
                    pltpu.async_copy(acc_sh.at[pl.ds(k * ZB, ZB)],
                                     agg0.at[k], zsem)
                    if with_cnt:
                        pltpu.async_copy(cnt_sh.at[pl.ds(k * ZB, ZB)],
                                         cnt0.at[k], zsem)

                @pl.when(c == 1)
                def _copy1():
                    pltpu.async_copy(acc_sh.at[pl.ds(k * ZB, ZB)],
                                     agg1.at[k], zsem)
                    if with_cnt:
                        pltpu.async_copy(cnt_sh.at[pl.ds(k * ZB, ZB)],
                                         cnt1.at[k], zsem)
        for j in range(ZJ):
            k = s + NS * j

            @pl.when(k < ZCH)
            def _():
                pltpu.make_async_copy(acc_sh.at[pl.ds(k * ZB, ZB)],
                                      agg0.at[k], zsem).wait()
                if with_cnt:
                    pltpu.make_async_copy(cnt_sh.at[pl.ds(k * ZB, ZB)],
                                          cnt0.at[k], zsem).wait()

    return pl.kernel(body, out_type=out_type, mesh=mesh,
                     scratch_types=scratch,
                     compiler_params=pltpu.CompilerParams(
                         use_tc_tiling_on_sc=False))


_sc_agg_cnt = _make_sc_aggregate(True)
_sc_agg = _make_sc_aggregate(False)


def _dotT(a, w):
    return lax.dot_general(a, w, (((1,), (1,)), ((), ())),
                           preferred_element_type=jnp.float32)


def _tc_layer_body(a0, a1, c0, c1, xr, wl0, wl1, wr, br, out):
    inv = 1.0 / jnp.maximum(c0[:, 0:1] + c1[:, 0:1], 1.0)
    h = (_dotT(a0[...] * inv, wl0[...]) + _dotT(a1[...] * inv, wl1[...])
         + _dotT(xr[...], wr[...]) + br[...])
    out[...] = jnp.maximum(h, 0.0)


def _tc_head_body(a0, a1, c0, c1, hr, wl0, wl1, wr, br, w3, b3, out):
    inv = 1.0 / jnp.maximum(c0[:, 0:1] + c1[:, 0:1], 1.0)
    h2 = (_dotT(a0[...] * inv, wl0[...]) + _dotT(a1[...] * inv, wl1[...])
          + _dotT(hr[...], wr[...]) + br[...])
    h2 = jnp.maximum(h2, 0.0)
    out[...] = _dotT(h2, w3[...])[:, 0:1] + b3[0, 0]


_BLK = 1000
_GRID = N // _BLK


def _row_spec(width):
    return pl.BlockSpec((_BLK, width), lambda i: (i, 0))


def _full_spec(shape):
    return pl.BlockSpec(shape, lambda i: tuple(0 for _ in shape))


def _tc_layer(a0, a1, c0, c1, x, wl, wr, b):
    return pl.pallas_call(
        _tc_layer_body,
        grid=(_GRID,),
        in_specs=[_row_spec(H), _row_spec(H), _row_spec(CW), _row_spec(CW),
                  _row_spec(D),
                  _full_spec((D, H)), _full_spec((D, H)),
                  _full_spec((D, D)), _full_spec((1, D))],
        out_specs=_row_spec(D),
        out_shape=jax.ShapeDtypeStruct((N, D), jnp.float32),
    )(a0, a1, c0, c1, x, wl[:, :H], wl[:, H:], wr, b.reshape(1, D))


def _tc_head(a0, a1, c0, c1, h, wl, wr, b, w3, b3):
    return pl.pallas_call(
        _tc_head_body,
        grid=(_GRID,),
        in_specs=[_row_spec(H), _row_spec(H), _row_spec(CW), _row_spec(CW),
                  _row_spec(D),
                  _full_spec((D, H)), _full_spec((D, H)),
                  _full_spec((D, D)), _full_spec((1, D)),
                  _full_spec((D, D)), _full_spec((1, 1))],
        out_specs=_row_spec(1),
        out_shape=jax.ShapeDtypeStruct((N, 1), jnp.float32),
    )(a0, a1, c0, c1, h, wl[:, :H], wl[:, H:], wr, b.reshape(1, D),
      jnp.pad(w3, ((0, D - 1), (0, 0))), b3.reshape(1, 1))


def kernel(x, edge_index, W1_l, W1_r, b1, W2_l, W2_r, b2, W3, b3):
    srcA = (edge_index[0].astype(jnp.int32) * 2).reshape(E // B, B)
    srcB = srcA + 1
    dst = edge_index[1].astype(jnp.int32).reshape(E // B, B)
    xv = x.reshape(2 * N, H)

    agg0, agg1, cnt0, cnt1 = _sc_agg_cnt(xv, srcA, srcB, dst)
    agg0, agg1 = agg0.reshape(N, H), agg1.reshape(N, H)
    cnt0, cnt1 = cnt0.reshape(N, CW), cnt1.reshape(N, CW)
    h = _tc_layer(agg0, agg1, cnt0, cnt1, x, W1_l, W1_r, b1)
    agg0b, agg1b = _sc_agg(h.reshape(2 * N, H), srcA, srcB, dst)
    agg0b, agg1b = agg0b.reshape(N, H), agg1b.reshape(N, H)
    return _tc_head(agg0b, agg1b, cnt0, cnt1, h, W2_l, W2_r, b2, W3, b3)

# --- scband reference (transcript-rebuilt; emitter-appended) ---
"""Pipeline reference for scband-graph-sage-5660766896615 (READ-ONLY COPY).

The authoritative reference and input builder live on the scoring server;
editing this copy changes nothing except your own understanding.
"""

import jax, jax.numpy as jnp
import numpy as np

N_NODES = 10000
N_EDGES = 320000
D_IN = 128
D_HID = 128


def setup_inputs(seed: int = 0) -> dict:
    key = jax.random.key(seed)
    ks = jax.random.split(key, 12)
    x = jax.random.normal(ks[0], (N_NODES, D_IN), dtype=jnp.float32)
    edge_index = jax.random.randint(ks[1], (2, N_EDGES), 0, N_NODES, dtype=jnp.int64)
    s1 = 1.0 / np.sqrt(D_IN)
    s2 = 1.0 / np.sqrt(D_HID)
    W1_l = jax.random.uniform(ks[2], (D_HID, D_IN), jnp.float32, -s1, s1)
    W1_r = jax.random.uniform(ks[3], (D_HID, D_IN), jnp.float32, -s1, s1)
    b1 = jax.random.uniform(ks[4], (D_HID,), jnp.float32, -s1, s1)
    W2_l = jax.random.uniform(ks[5], (D_HID, D_HID), jnp.float32, -s2, s2)
    W2_r = jax.random.uniform(ks[6], (D_HID, D_HID), jnp.float32, -s2, s2)
    b2 = jax.random.uniform(ks[7], (D_HID,), jnp.float32, -s2, s2)
    W3 = jax.random.uniform(ks[8], (1, D_HID), jnp.float32, -s2, s2)
    b3 = jax.random.uniform(ks[9], (1,), jnp.float32, -s2, s2)
    return {"x": x, "edge_index": edge_index, "W1_l": W1_l, "W1_r": W1_r, "b1": b1,
            "W2_l": W2_l, "W2_r": W2_r, "b2": b2, "W3": W3, "b3": b3}


def _sage_conv(x, edge_index, W_l, W_r, b):
    src = edge_index[0]
    dst = edge_index[1]
    msgs = jnp.take(x, src, axis=0)
    agg = jax.ops.segment_sum(msgs, dst, num_segments=N_NODES)
    cnt = jax.ops.segment_sum(jnp.ones((msgs.shape[0],), dtype=x.dtype), dst, num_segments=N_NODES)
    mean_agg = agg / jnp.maximum(cnt, 1.0)[:, None]
    return mean_agg @ W_l.T + b, None


def reference(x, edge_index, W1_l, W1_r, b1, W2_l, W2_r, b2, W3, b3):
    src = edge_index[0]
    dst = edge_index[1]
    ones = jnp.ones((src.shape[0],), dtype=x.dtype)
    cnt = jax.ops.segment_sum(ones, dst, num_segments=N_NODES)
    inv_cnt = 1.0 / jnp.maximum(cnt, 1.0)

    # conv1
    msgs = jnp.take(x, src, axis=0)
    agg = jax.ops.segment_sum(msgs, dst, num_segments=N_NODES)
    mean_agg = agg * inv_cnt[:, None]
    h = mean_agg @ W1_l.T + b1 + x @ W1_r.T
    h = jax.nn.relu(h)

    # conv2
    msgs2 = jnp.take(h, src, axis=0)
    agg2 = jax.ops.segment_sum(msgs2, dst, num_segments=N_NODES)
    mean_agg2 = agg2 * inv_cnt[:, None]
    h2 = mean_agg2 @ W2_l.T + b2 + h @ W2_r.T
    h2 = jax.nn.relu(h2)

    # final linear
    out = h2 @ W3.T + b3
    return out

if __name__ == "__main__":
    import jax
    _d = setup_inputs()
    print(jax.jit(kernel)(*tuple(_d.values())))

</pallas_src>

<mosaic_0001>
#map = affine_map<(d0, d1) -> (0, 0)>
#map1 = affine_map<(d0, d1) -> (0, 0, 0)>
module attributes {stable_mosaic.version = 14 : i64} {
  func.func @body(%arg0: i32, %arg1: i32, %arg2: memref<20000x64xf32, #tpu.memory_space<hbm>>, %arg3: memref<2560x125xi32, #tpu.memory_space<hbm>>, %arg4: memref<2560x125xi32, #tpu.memory_space<hbm>>, %arg5: memref<2560x125xi32, #tpu.memory_space<hbm>>, %arg6: memref<125x80x64xf32, #tpu.memory_space<hbm>>, %arg7: memref<125x80x64xf32, #tpu.memory_space<hbm>>, %arg8: memref<125x80x16xf32, #tpu.memory_space<hbm>>, %arg9: memref<125x80x16xf32, #tpu.memory_space<hbm>>, %arg10: memref<160x125xi32, #tpu.memory_space<vmem>>, %arg11: memref<160x125xi32, #tpu.memory_space<vmem>>, %arg12: memref<4x125x64xf32, #tpu.memory_space<vmem>>, %arg13: memref<10000x64xf32, #tpu.memory_space<vmem_shared>>, %arg14: memref<125x16xf32, #tpu.memory_space<vmem>>, %arg15: memref<125x16xf32, #tpu.memory_space<vmem>>, %arg16: memref<10000x16xf32, #tpu.memory_space<vmem_shared>>, %arg17: memref<!tpu.dma_semaphore, #tpu.memory_space<semaphore_mem>>, %arg18: memref<!tpu.dma_semaphore, #tpu.memory_space<semaphore_mem>>, %arg19: memref<!tpu.dma_semaphore, #tpu.memory_space<semaphore_mem>>, %arg20: memref<!tpu.dma_semaphore, #tpu.memory_space<semaphore_mem>>, %arg21: memref<!tpu.dma_semaphore, #tpu.memory_space<semaphore_mem>>, %arg22: memref<!tpu.dma_semaphore, #tpu.memory_space<semaphore_mem>>, %arg23: memref<!tpu.dma_semaphore, #tpu.memory_space<semaphore_mem>>, %arg24: memref<!tpu.dma_semaphore, #tpu.memory_space<semaphore_mem>>) attributes {dimension_semantics = [#tpu.dimension_semantics<core_parallel>, #tpu.dimension_semantics<subcore_parallel>], iteration_bounds = array<i64: 2, 16>, scalar_prefetch = 0 : i64, scratch_operands = 15 : i64, tpu.core_type = #tpu.core_type<sc_vector_subcore>, window_params = [{transform_indices = #map}, {transform_indices = #map}, {transform_indices = #map}, {transform_indices = #map}, {transform_indices = #map1}, {transform_indices = #map1}, {transform_indices = #map1}, {transform_indices = #map1}]} {
    %broadcast_in_dim3A = arith.constant 0.000000e+00 : f32
    %broadcast_in_dim3A_0 = vector.broadcast %broadcast_in_dim3A : f32 to vector<16xf32>
    %scan3A = arith.constant 0 : i32
    %scan3A_1 = arith.constant 0 : i32
    %scan3A_2 = arith.constant 500 : i32
    %scan3A_3 = arith.addi %scan3A_1, %scan3A_2 : i32
    %scan3A_4 = arith.constant 1 : i32
    scf.for %scan3A_338 = %scan3A_1 to %scan3A_3 step %scan3A_4  : i32 {
      %jit3A = arith.constant 4 : i32
      %div3A = arith.divsi %scan3A_338, %jit3A : i32
      %sign3A = arith.constant 0 : i32
      %sign3A_339 = arith.cmpi sgt, %scan3A_338, %sign3A : i32
      %sign3A_340 = arith.extui %sign3A_339 : i1 to i32
      %sign3A_341 = arith.constant 0 : i32
      %sign3A_342 = arith.cmpi slt, %scan3A_338, %sign3A_341 : i32
      %sign3A_343 = arith.extui %sign3A_342 : i1 to i32
      %sign3A_344 = arith.subi %sign3A_340, %sign3A_343 : i32
      %sign3A_345 = arith.constant 0 : i32
      %sign3A_346 = arith.cmpi sgt, %jit3A, %sign3A_345 : i32
      %sign3A_347 = arith.extui %sign3A_346 : i1 to i32
      %sign3A_348 = arith.constant 0 : i32
      %sign3A_349 = arith.cmpi slt, %jit3A, %sign3A_348 : i32
      %sign3A_350 = arith.extui %sign3A_349 : i1 to i32
      %sign3A_351 = arith.subi %sign3A_347, %sign3A_350 : i32
      %ne3A = arith.cmpi ne, %sign3A_344, %sign3A_351 : i32
      %rem3A = arith.remsi %scan3A_338, %jit3A : i32
      %ne3A_352 = arith.constant 0 : i32
      %ne3A_353 = arith.cmpi ne, %rem3A, %ne3A_352 : i32
      %and3A = arith.andi %ne3A, %ne3A_353 : i1
      %sub3A = arith.constant 1 : i32
      %sub3A_354 = arith.subi %div3A, %sub3A : i32
      %select_n3A = arith.select %and3A, %sub3A_354, %div3A : i32
      %jit3A_355 = arith.constant 4 : i32
      %eq3A_356 = arith.constant 0 : i32
      %eq3A_357 = arith.cmpi eq, %jit3A_355, %eq3A_356 : i32
      %jit3A_358 = arith.constant 1 : i32
      %select_n3A_359 = arith.select %eq3A_357, %jit3A_358, %jit3A_355 : i32
      %rem3A_360 = arith.remsi %scan3A_338, %select_n3A_359 : i32
      %ne3A_361 = arith.constant 0 : i32
      %ne3A_362 = arith.cmpi ne, %rem3A_360, %ne3A_361 : i32
      %lt3A_363 = arith.constant 0 : i32
      %lt3A_364 = arith.cmpi slt, %rem3A_360, %lt3A_363 : i32
      %lt3A_365 = arith.constant 0 : i32
      %lt3A_366 = arith.cmpi slt, %select_n3A_359, %lt3A_365 : i32
      %ne3A_367 = arith.xori %lt3A_364, %lt3A_366 : i1
      %and3A_368 = arith.andi %ne3A_367, %ne3A_362 : i1
      %add3A_369 = arith.addi %rem3A_360, %select_n3A_359 : i32
      %select_n3A_370 = arith.select %and3A_368, %add3A_369, %rem3A_360 : i32
      %mul3A_371 = arith.constant 16 : i32
      %mul3A_372 = arith.muli %select_n3A_370, %mul3A_371 : i32
      %swap3A = arith.constant 3 : i32
      %swap3A_373 = arith.index_cast %swap3A : i32 to index
      %swap3A_374 = arith.index_cast %select_n3A : i32 to index
      %swap3A_375 = arith.index_cast %mul3A_372 : i32 to index
      %swap3A_376 = tpu.vector_load %arg12[%swap3A_373, %swap3A_374, %swap3A_375] {strides = array<i32>} : memref<4x125x64xf32, #tpu.memory_space<vmem>>, vector<1x1x16xf32>,
      %swap3A_377 = vector.shape_cast %swap3A_376 : vector<1x1x16xf32> to vector<16xf32>
      %swap3A_378 = vector.shape_cast %broadcast_in_dim3A_0 : vector<16xf32> to vector<1x1x16xf32>
      tpu.vector_store %arg12[%swap3A_373, %swap3A_374, %swap3A_375], %swap3A_378 {strides = array<i32>} : memref<4x125x64xf32, #tpu.memory_space<vmem>>, vector<1x1x16xf32>,
    }
    %scan3A_5 = arith.constant 500 : i32
    %scan3A_6 = arith.constant 0 : i32
    %scan3A_7 = arith.constant 0 : i32
    %scan3A_8 = arith.constant 125 : i32
    %scan3A_9 = arith.addi %scan3A_7, %scan3A_8 : i32
    %scan3A_10 = arith.constant 1 : i32
    scf.for %scan3A_338 = %scan3A_7 to %scan3A_9 step %scan3A_10  : i32 {
      %broadcast_in_dim3A_339 = arith.constant 1.000000e+00 : f32
      %broadcast_in_dim3A_340 = vector.broadcast %broadcast_in_dim3A_339 : f32 to vector<16xf32>
      %swap3A = arith.index_cast %scan3A_338 : i32 to index
      %swap3A_341 = arith.constant 0 : index
      %swap3A_342 = tpu.vector_load %arg14[%swap3A, %swap3A_341] {strides = array<i32>} : memref<125x16xf32, #tpu.memory_space<vmem>>, vector<1x16xf32>,
      %swap3A_343 = vector.shape_cast %swap3A_342 : vector<1x16xf32> to vector<16xf32>
      %swap3A_344 = vector.shape_cast %broadcast_in_dim3A_340 : vector<16xf32> to vector<1x16xf32>
      tpu.vector_store %arg14[%swap3A, %swap3A_341], %swap3A_344 {strides = array<i32>} : memref<125x16xf32, #tpu.memory_space<vmem>>, vector<1x16xf32>,
      %broadcast_in_dim3A_345 = arith.constant 0.000000e+00 : f32
      %broadcast_in_dim3A_346 = vector.broadcast %broadcast_in_dim3A_345 : f32 to vector<16xf32>
      %swap3A_347 = arith.index_cast %scan3A_338 : i32 to index
      %swap3A_348 = arith.constant 0 : index
      %swap3A_349 = tpu.vector_load %arg15[%swap3A_347, %swap3A_348] {strides = array<i32>} : memref<125x16xf32, #tpu.memory_space<vmem>>, vector<1x16xf32>,
      %swap3A_350 = vector.shape_cast %swap3A_349 : vector<1x16xf32> to vector<16xf32>
      %swap3A_351 = vector.shape_cast %broadcast_in_dim3A_346 : vector<16xf32> to vector<1x16xf32>
      tpu.vector_store %arg15[%swap3A_347, %swap3A_348], %swap3A_351 {strides = array<i32>} : memref<125x16xf32, #tpu.memory_space<vmem>>, vector<1x16xf32>,
    }
    %scan3A_11 = arith.constant 125 : i32
    %add3A = arith.constant 0 : i32
    %add3A_12 = arith.addi %arg1, %add3A : i32
    %lt3A = arith.constant 125 : i32
    %lt3A_13 = arith.cmpi slt, %add3A_12, %lt3A : i32
    %convert_element_type3A = arith.extui %lt3A_13 : i1 to i32
    %cond3A = arith.constant 0 : i32
    %cond3A_14 = arith.cmpi ne, %convert_element_type3A, %cond3A : i32
    scf.if %cond3A_14 {
      %mul3A_338 = arith.constant 80 : i32
      %mul3A_339 = arith.muli %add3A_12, %mul3A_338 : i32
      %dma_start3A_340 = arith.constant 3 : i32
      %dma_start3A_341 = arith.constant 0 : i32
      %dma_start3A_342 = arith.constant 0 : i32
      %dma_start3A_343 = tpu.memref_slice %arg12[%dma_start3A_340, %dma_start3A_341, %dma_start3A_342] : memref<4x125x64xf32, #tpu.memory_space<vmem>> -> memref<1x80x64xf32, #tpu.memory_space<vmem>>
      %dma_start3A_344 = tpu.memref_squeeze %dma_start3A_343 : memref<1x80x64xf32, #tpu.memory_space<vmem>> -> memref<80x64xf32, #tpu.memory_space<vmem>>
      %dma_start3A_345 = arith.constant 0 : i32
      %dma_start3A_346 = tpu.memref_slice %arg13[%mul3A_339, %dma_start3A_345] : memref<10000x64xf32, #tpu.memory_space<vmem_shared>> -> memref<80x64xf32, #tpu.memory_space<vmem_shared>>
      %dma_start3A_347 = arith.constant 0 : i32
      %dma_start3A_348 = tpu.memref_slice %arg13[%mul3A_339, %dma_start3A_347] : memref<10000x64xf32, #tpu.memory_space<vmem_shared>> -> memref<80x64xf32, #tpu.memory_space<vmem_shared>>
      %dma_start3A_349 = arith.constant 0 : i32
      %dma_start3A_350 = arith.constant 0 : i32
      %dma_start3A_351 = tpu.memref_slice %arg12[%dma_start3A_340, %dma_start3A_349, %dma_start3A_350] : memref<4x125x64xf32, #tpu.memory_space<vmem>> -> memref<1x80x64xf32, #tpu.memory_space<vmem>>
      %dma_start3A_352 = tpu.memref_squeeze %dma_start3A_351 : memref<1x80x64xf32, #tpu.memory_space<vmem>> -> memref<80x64xf32, #tpu.memory_space<vmem>>
      tpu.enqueue_dma source(%dma_start3A_352 : memref<80x64xf32, #tpu.memory_space<vmem>>) target(%dma_start3A_348 : memref<80x64xf32, #tpu.memory_space<vmem_shared>>) target_semaphore(%arg17 : memref<!tpu.dma_semaphore, #tpu.memory_space<semaphore_mem>>)
      %mul3A_353 = arith.constant 80 : i32
      %mul3A_354 = arith.muli %add3A_12, %mul3A_353 : i32
      %dma_start3A_355 = arith.constant 0 : i32
      %dma_start3A_356 = arith.constant 0 : i32
      %dma_start3A_357 = tpu.memref_slice %arg15[%dma_start3A_355, %dma_start3A_356] : memref<125x16xf32, #tpu.memory_space<vmem>> -> memref<80x16xf32, #tpu.memory_space<vmem>>
      %dma_start3A_358 = arith.constant 0 : i32
      %dma_start3A_359 = tpu.memref_slice %arg16[%mul3A_354, %dma_start3A_358] : memref<10000x16xf32, #tpu.memory_space<vmem_shared>> -> memref<80x16xf32, #tpu.memory_space<vmem_shared>>
      %dma_start3A_360 = arith.constant 0 : i32
      %dma_start3A_361 = tpu.memref_slice %arg16[%mul3A_354, %dma_start3A_360] : memref<10000x16xf32, #tpu.memory_space<vmem_shared>> -> memref<80x16xf32, #tpu.memory_space<vmem_shared>>
      %dma_start3A_362 = arith.constant 0 : i32
      %dma_start3A_363 = arith.constant 0 : i32
      %dma_start3A_364 = tpu.memref_slice %arg15[%dma_start3A_362, %dma_start3A_363] : memref<125x16xf32, #tpu.memory_space<vmem>> -> memref<80x16xf32, #tpu.memory_space<vmem>>
      tpu.enqueue_dma source(%dma_start3A_364 : memref<80x16xf32, #tpu.memory_space<vmem>>) target(%dma_start3A_361 : memref<80x16xf32, #tpu.memory_space<vmem_shared>>) target_semaphore(%arg17 : memref<!tpu.dma_semaphore, #tpu.memory_space<semaphore_mem>>)
    } else {
    }
    %add3A_15 = arith.constant 16 : i32
    %add3A_16 = arith.addi %arg1, %add3A_15 : i32
    %lt3A_17 = arith.constant 125 : i32
    %lt3A_18 = arith.cmpi slt, %add3A_16, %lt3A_17 : i32
    %convert_element_type3A_19 = arith.extui %lt3A_18 : i1 to i32
    %cond3A_20 = arith.constant 0 : i32
    %cond3A_21 = arith.cmpi ne, %convert_element_type3A_19, %cond3A_20 : i32
    scf.if %cond3A_21 {
      %mul3A_338 = arith.constant 80 : i32
      %mul3A_339 = arith.muli %add3A_16, %mul3A_338 : i32
      %dma_start3A_340 = arith.constant 3 : i32
      %dma_start3A_341 = arith.constant 0 : i32
      %dma_start3A_342 = arith.constant 0 : i32
      %dma_start3A_343 = tpu.memref_slice %arg12[%dma_start3A_340, %dma_start3A_341, %dma_start3A_342] : memref<4x125x64xf32, #tpu.memory_space<vmem>> -> memref<1x80x64xf32, #tpu.memory_space<vmem>>
      %dma_start3A_344 = tpu.memref_squeeze %dma_start3A_343 : memref<1x80x64xf32, #tpu.memory_space<vmem>> -> memref<80x64xf32, #tpu.memory_space<vmem>>
      %dma_start3A_345 = arith.constant 0 : i32
      %dma_start3A_346 = tpu.memref_slice %arg13[%mul3A_339, %dma_start3A_345] : memref<10000x64xf32, #tpu.memory_space<vmem_shared>> -> memref<80x64xf32, #tpu.memory_space<vmem_shared>>
      %dma_start3A_347 = arith.constant 0 : i32
      %dma_start3A_348 = tpu.memref_slice %arg13[%mul3A_339, %dma_start3A_347] : memref<10000x64xf32, #tpu.memory_space<vmem_shared>> -> memref<80x64xf32, #tpu.memory_space<vmem_shared>>
      %dma_start3A_349 = arith.constant 0 : i32
      %dma_start3A_350 = arith.constant 0 : i32
      %dma_start3A_351 = tpu.memref_slice %arg12[%dma_start3A_340, %dma_start3A_349, %dma_start3A_350] : memref<4x125x64xf32, #tpu.memory_space<vmem>> -> memref<1x80x64xf32, #tpu.memory_space<vmem>>
      %dma_start3A_352 = tpu.memref_squeeze %dma_start3A_351 : memref<1x80x64xf32, #tpu.memory_space<vmem>> -> memref<80x64xf32, #tpu.memory_space<vmem>>
      tpu.enqueue_dma source(%dma_start3A_352 : memref<80x64xf32, #tpu.memory_space<vmem>>) target(%dma_start3A_348 : memref<80x64xf32, #tpu.memory_space<vmem_shared>>) target_semaphore(%arg17 : memref<!tpu.dma_semaphore, #tpu.memory_space<semaphore_mem>>)
      %mul3A_353 = arith.constant 80 : i32
      %mul3A_354 = arith.muli %add3A_16, %mul3A_353 : i32
      %dma_start3A_355 = arith.constant 0 : i32
      %dma_start3A_356 = arith.constant 0 : i32
      %dma_start3A_357 = tpu.memref_slice %arg15[%dma_start3A_355, %dma_start3A_356] : memref<125x16xf32, #tpu.memory_space<vmem>> -> memref<80x16xf32, #tpu.memory_space<vmem>>
      %dma_start3A_358 = arith.constant 0 : i32
      %dma_start3A_359 = tpu.memref_slice %arg16[%mul3A_354, %dma_start3A_358] : memref<10000x16xf32, #tpu.memory_space<vmem_shared>> -> memref<80x16xf32, #tpu.memory_space<vmem_shared>>
      %dma_start3A_360 = arith.constant 0 : i32
      %dma_start3A_361 = tpu.memref_slice %arg16[%mul3A_354, %dma_start3A_360] : memref<10000x16xf32, #tpu.memory_space<vmem_shared>> -> memref<80x16xf32, #tpu.memory_space<vmem_shared>>
      %dma_start3A_362 = arith.constant 0 : i32
      %dma_start3A_363 = arith.constant 0 : i32
      %dma_start3A_364 = tpu.memref_slice %arg15[%dma_start3A_362, %dma_start3A_363] : memref<125x16xf32, #tpu.memory_space<vmem>> -> memref<80x16xf32, #tpu.memory_space<vmem>>
      tpu.enqueue_dma source(%dma_start3A_364 : memref<80x16xf32, #tpu.memory_space<vmem>>) target(%dma_start3A_361 : memref<80x16xf32, #tpu.memory_space<vmem_shared>>) target_semaphore(%arg17 : memref<!tpu.dma_semaphore, #tpu.memory_space<semaphore_mem>>)
    } else {
    }
    %add3A_22 = arith.constant 32 : i32
    %add3A_23 = arith.addi %arg1, %add3A_22 : i32
    %lt3A_24 = arith.constant 125 : i32
    %lt3A_25 = arith.cmpi slt, %add3A_23, %lt3A_24 : i32
    %convert_element_type3A_26 = arith.extui %lt3A_25 : i1 to i32
    %cond3A_27 = arith.constant 0 : i32
    %cond3A_28 = arith.cmpi ne, %convert_element_type3A_26, %cond3A_27 : i32
    scf.if %cond3A_28 {
      %mul3A_338 = arith.constant 80 : i32
      %mul3A_339 = arith.muli %add3A_23, %mul3A_338 : i32
      %dma_start3A_340 = arith.constant 3 : i32
      %dma_start3A_341 = arith.constant 0 : i32
      %dma_start3A_342 = arith.constant 0 : i32
      %dma_start3A_343 = tpu.memref_slice %arg12[%dma_start3A_340, %dma_start3A_341, %dma_start3A_342] : memref<4x125x64xf32, #tpu.memory_space<vmem>> -> memref<1x80x64xf32, #tpu.memory_space<vmem>>
      %dma_start3A_344 = tpu.memref_squeeze %dma_start3A_343 : memref<1x80x64xf32, #tpu.memory_space<vmem>> -> memref<80x64xf32, #tpu.memory_space<vmem>>
      %dma_start3A_345 = arith.constant 0 : i32
      %dma_start3A_346 = tpu.memref_slice %arg13[%mul3A_339, %dma_start3A_345] : memref<10000x64xf32, #tpu.memory_space<vmem_shared>> -> memref<80x64xf32, #tpu.memory_space<vmem_shared>>
      %dma_start3A_347 = arith.constant 0 : i32
      %dma_start3A_348 = tpu.memref_slice %arg13[%mul3A_339, %dma_start3A_347] : memref<10000x64xf32, #tpu.memory_space<vmem_shared>> -> memref<80x64xf32, #tpu.memory_space<vmem_shared>>
      %dma_start3A_349 = arith.constant 0 : i32
      %dma_start3A_350 = arith.constant 0 : i32
      %dma_start3A_351 = tpu.memref_slice %arg12[%dma_start3A_340, %dma_start3A_349, %dma_start3A_350] : memref<4x125x64xf32, #tpu.memory_space<vmem>> -> memref<1x80x64xf32, #tpu.memory_space<vmem>>
      %dma_start3A_352 = tpu.memref_squeeze %dma_start3A_351 : memref<1x80x64xf32, #tpu.memory_space<vmem>> -> memref<80x64xf32, #tpu.memory_space<vmem>>
      tpu.enqueue_dma source(%dma_start3A_352 : memref<80x64xf32, #tpu.memory_space<vmem>>) target(%dma_start3A_348 : memref<80x64xf32, #tpu.memory_space<vmem_shared>>) target_semaphore(%arg17 : memref<!tpu.dma_semaphore, #tpu.memory_space<semaphore_mem>>)
      %mul3A_353 = arith.constant 80 : i32
      %mul3A_354 = arith.muli %add3A_23, %mul3A_353 : i32
      %dma_start3A_355 = arith.constant 0 : i32
      %dma_start3A_356 = arith.constant 0 : i32
      %dma_start3A_357 = tpu.memref_slice %arg15[%dma_start3A_355, %dma_start3A_356] : memref<125x16xf32, #tpu.memory_space<vmem>> -> memref<80x16xf32, #tpu.memory_space<vmem>>
      %dma_start3A_358 = arith.constant 0 : i32
      %dma_start3A_359 = tpu.memref_slice %arg16[%mul3A_354, %dma_start3A_358] : memref<10000x16xf32, #tpu.memory_space<vmem_shared>> -> memref<80x16xf32, #tpu.memory_space<vmem_shared>>
      %dma_start3A_360 = arith.constant 0 : i32
      %dma_start3A_361 = tpu.memref_slice %arg16[%mul3A_354, %dma_start3A_360] : memref<10000x16xf32, #tpu.memory_space<vmem_shared>> -> memref<80x16xf32, #tpu.memory_space<vmem_shared>>
      %dma_start3A_362 = arith.constant 0 : i32
      %dma_start3A_363 = arith.constant 0 : i32
      %dma_start3A_364 = tpu.memref_slice %arg15[%dma_start3A_362, %dma_start3A_363] : memref<125x16xf32, #tpu.memory_space<vmem>> -> memref<80x16xf32, #tpu.memory_space<vmem>>
      tpu.enqueue_dma source(%dma_start3A_364 : memref<80x16xf32, #tpu.memory_space<vmem>>) target(%dma_start3A_361 : memref<80x16xf32, #tpu.memory_space<vmem_shared>>) target_semaphore(%arg17 : memref<!tpu.dma_semaphore, #tpu.memory_space<semaphore_mem>>)
    } else {
    }
    %add3A_29 = arith.constant 48 : i32
    %add3A_30 = arith.addi %arg1, %add3A_29 : i32
    %lt3A_31 = arith.constant 125 : i32
    %lt3A_32 = arith.cmpi slt, %add3A_30, %lt3A_31 : i32
    %convert_element_type3A_33 = arith.extui %lt3A_32 : i1 to i32
    %cond3A_34 = arith.constant 0 : i32
    %cond3A_35 = arith.cmpi ne, %convert_element_type3A_33, %cond3A_34 : i32
    scf.if %cond3A_35 {
      %mul3A_338 = arith.constant 80 : i32
      %mul3A_339 = arith.muli %add3A_30, %mul3A_338 : i32
      %dma_start3A_340 = arith.constant 3 : i32
      %dma_start3A_341 = arith.constant 0 : i32
      %dma_start3A_342 = arith.constant 0 : i32
      %dma_start3A_343 = tpu.memref_slice %arg12[%dma_start3A_340, %dma_start3A_341, %dma_start3A_342] : memref<4x125x64xf32, #tpu.memory_space<vmem>> -> memref<1x80x64xf32, #tpu.memory_space<vmem>>
      %dma_start3A_344 = tpu.memref_squeeze %dma_start3A_343 : memref<1x80x64xf32, #tpu.memory_space<vmem>> -> memref<80x64xf32, #tpu.memory_space<vmem>>
      %dma_start3A_345 = arith.constant 0 : i32
      %dma_start3A_346 = tpu.memref_slice %arg13[%mul3A_339, %dma_start3A_345] : memref<10000x64xf32, #tpu.memory_space<vmem_shared>> -> memref<80x64xf32, #tpu.memory_space<vmem_shared>>
      %dma_start3A_347 = arith.constant 0 : i32
      %dma_start3A_348 = tpu.memref_slice %arg13[%mul3A_339, %dma_start3A_347] : memref<10000x64xf32, #tpu.memory_space<vmem_shared>> -> memref<80x64xf32, #tpu.memory_space<vmem_shared>>
      %dma_start3A_349 = arith.constant 0 : i32
      %dma_start3A_350 = arith.constant 0 : i32
      %dma_start3A_351 = tpu.memref_slice %arg12[%dma_start3A_340, %dma_start3A_349, %dma_start3A_350] : memref<4x125x64xf32, #tpu.memory_space<vmem>> -> memref<1x80x64xf32, #tpu.memory_space<vmem>>
      %dma_start3A_352 = tpu.memref_squeeze %dma_start3A_351 : memref<1x80x64xf32, #tpu.memory_space<vmem>> -> memref<80x64xf32, #tpu.memory_space<vmem>>
      tpu.enqueue_dma source(%dma_start3A_352 : memref<80x64xf32, #tpu.memory_space<vmem>>) target(%dma_start3A_348 : memref<80x64xf32, #tpu.memory_space<vmem_shared>>) target_semaphore(%arg17 : memref<!tpu.dma_semaphore, #tpu.memory_space<semaphore_mem>>)
      %mul3A_353 = arith.constant 80 : i32
      %mul3A_354 = arith.muli %add3A_30, %mul3A_353 : i32
      %dma_start3A_355 = arith.constant 0 : i32
      %dma_start3A_356 = arith.constant 0 : i32
      %dma_start3A_357 = tpu.memref_slice %arg15[%dma_start3A_355, %dma_start3A_356] : memref<125x16xf32, #tpu.memory_space<vmem>> -> memref<80x16xf32, #tpu.memory_space<vmem>>
      %dma_start3A_358 = arith.constant 0 : i32
      %dma_start3A_359 = tpu.memref_slice %arg16[%mul3A_354, %dma_start3A_358] : memref<10000x16xf32, #tpu.memory_space<vmem_shared>> -> memref<80x16xf32, #tpu.memory_space<vmem_shared>>
      %dma_start3A_360 = arith.constant 0 : i32
      %dma_start3A_361 = tpu.memref_slice %arg16[%mul3A_354, %dma_start3A_360] : memref<10000x16xf32, #tpu.memory_space<vmem_shared>> -> memref<80x16xf32, #tpu.memory_space<vmem_shared>>
      %dma_start3A_362 = arith.constant 0 : i32
      %dma_start3A_363 = arith.constant 0 : i32
      %dma_start3A_364 = tpu.memref_slice %arg15[%dma_start3A_362, %dma_start3A_363] : memref<125x16xf32, #tpu.memory_space<vmem>> -> memref<80x16xf32, #tpu.memory_space<vmem>>
      tpu.enqueue_dma source(%dma_start3A_364 : memref<80x16xf32, #tpu.memory_space<vmem>>) target(%dma_start3A_361 : memref<80x16xf32, #tpu.memory_space<vmem_shared>>) target_semaphore(%arg17 : memref<!tpu.dma_semaphore, #tpu.memory_space<semaphore_mem>>)
    } else {
    }
    %add3A_36 = arith.constant 64 : i32
    %add3A_37 = arith.addi %arg1, %add3A_36 : i32
    %lt3A_38 = arith.constant 125 : i32
    %lt3A_39 = arith.cmpi slt, %add3A_37, %lt3A_38 : i32
    %convert_element_type3A_40 = arith.extui %lt3A_39 : i1 to i32
    %cond3A_41 = arith.constant 0 : i32
    %cond3A_42 = arith.cmpi ne, %convert_element_type3A_40, %cond3A_41 : i32
    scf.if %cond3A_42 {
      %mul3A_338 = arith.constant 80 : i32
      %mul3A_339 = arith.muli %add3A_37, %mul3A_338 : i32
      %dma_start3A_340 = arith.constant 3 : i32
      %dma_start3A_341 = arith.constant 0 : i32
      %dma_start3A_342 = arith.constant 0 : i32
      %dma_start3A_343 = tpu.memref_slice %arg12[%dma_start3A_340, %dma_start3A_341, %dma_start3A_342] : memref<4x125x64xf32, #tpu.memory_space<vmem>> -> memref<1x80x64xf32, #tpu.memory_space<vmem>>
      %dma_start3A_344 = tpu.memref_squeeze %dma_start3A_343 : memref<1x80x64xf32, #tpu.memory_space<vmem>> -> memref<80x64xf32, #tpu.memory_space<vmem>>
      %dma_start3A_345 = arith.constant 0 : i32
      %dma_start3A_346 = tpu.memref_slice %arg13[%mul3A_339, %dma_start3A_345] : memref<10000x64xf32, #tpu.memory_space<vmem_shared>> -> memref<80x64xf32, #tpu.memory_space<vmem_shared>>
      %dma_start3A_347 = arith.constant 0 : i32
      %dma_start3A_348 = tpu.memref_slice %arg13[%mul3A_339, %dma_start3A_347] : memref<10000x64xf32, #tpu.memory_space<vmem_shared>> -> memref<80x64xf32, #tpu.memory_space<vmem_shared>>
      %dma_start3A_349 = arith.constant 0 : i32
      %dma_start3A_350 = arith.constant 0 : i32
      %dma_start3A_351 = tpu.memref_slice %arg12[%dma_start3A_340, %dma_start3A_349, %dma_start3A_350] : memref<4x125x64xf32, #tpu.memory_space<vmem>> -> memref<1x80x64xf32, #tpu.memory_space<vmem>>
      %dma_start3A_352 = tpu.memref_squeeze %dma_start3A_351 : memref<1x80x64xf32, #tpu.memory_space<vmem>> -> memref<80x64xf32, #tpu.memory_space<vmem>>
      tpu.enqueue_dma source(%dma_start3A_352 : memref<80x64xf32, #tpu.memory_space<vmem>>) target(%dma_start3A_348 : memref<80x64xf32, #tpu.memory_space<vmem_shared>>) target_semaphore(%arg17 : memref<!tpu.dma_semaphore, #tpu.memory_space<semaphore_mem>>)
      %mul3A_353 = arith.constant 80 : i32
      %mul3A_354 = arith.muli %add3A_37, %mul3A_353 : i32
      %dma_start3A_355 = arith.constant 0 : i32
      %dma_start3A_356 = arith.constant 0 : i32
      %dma_start3A_357 = tpu.memref_slice %arg15[%dma_start3A_355, %dma_start3A_356] : memref<125x16xf32, #tpu.memory_space<vmem>> -> memref<80x16xf32, #tpu.memory_space<vmem>>
      %dma_start3A_358 = arith.constant 0 : i32
      %dma_start3A_359 = tpu.memref_slice %arg16[%mul3A_354, %dma_start3A_358] : memref<10000x16xf32, #tpu.memory_space<vmem_shared>> -> memref<80x16xf32, #tpu.memory_space<vmem_shared>>
      %dma_start3A_360 = arith.constant 0 : i32
      %dma_start3A_361 = tpu.memref_slice %arg16[%mul3A_354, %dma_start3A_360] : memref<10000x16xf32, #tpu.memory_space<vmem_shared>> -> memref<80x16xf32, #tpu.memory_space<vmem_shared>>
      %dma_start3A_362 = arith.constant 0 : i32
      %dma_start3A_363 = arith.constant 0 : i32
      %dma_start3A_364 = tpu.memref_slice %arg15[%dma_start3A_362, %dma_start3A_363] : memref<125x16xf32, #tpu.memory_space<vmem>> -> memref<80x16xf32, #tpu.memory_space<vmem>>
      tpu.enqueue_dma source(%dma_start3A_364 : memref<80x16xf32, #tpu.memory_space<vmem>>) target(%dma_start3A_361 : memref<80x16xf32, #tpu.memory_space<vmem_shared>>) target_semaphore(%arg17 : memref<!tpu.dma_semaphore, #tpu.memory_space<semaphore_mem>>)
    } else {
    }
    %add3A_43 = arith.constant 80 : i32
    %add3A_44 = arith.addi %arg1, %add3A_43 : i32
    %lt3A_45 = arith.constant 125 : i32
    %lt3A_46 = arith.cmpi slt, %add3A_44, %lt3A_45 : i32
    %convert_element_type3A_47 = arith.extui %lt3A_46 : i1 to i32
    %cond3A_48 = arith.constant 0 : i32
    %cond3A_49 = arith.cmpi ne, %convert_element_type3A_47, %cond3A_48 : i32
    scf.if %cond3A_49 {
      %mul3A_338 = arith.constant 80 : i32
      %mul3A_339 = arith.muli %add3A_44, %mul3A_338 : i32
      %dma_start3A_340 = arith.constant 3 : i32
      %dma_start3A_341 = arith.constant 0 : i32
      %dma_start3A_342 = arith.constant 0 : i32
      %dma_start3A_343 = tpu.memref_slice %arg12[%dma_start3A_340, %dma_start3A_341, %dma_start3A_342] : memref<4x125x64xf32, #tpu.memory_space<vmem>> -> memref<1x80x64xf32, #tpu.memory_space<vmem>>
      %dma_start3A_344 = tpu.memref_squeeze %dma_start3A_343 : memref<1x80x64xf32, #tpu.memory_space<vmem>> -> memref<80x64xf32, #tpu.memory_space<vmem>>
      %dma_start3A_345 = arith.constant 0 : i32
      %dma_start3A_346 = tpu.memref_slice %arg13[%mul3A_339, %dma_start3A_345] : memref<10000x64xf32, #tpu.memory_space<vmem_shared>> -> memref<80x64xf32, #tpu.memory_space<vmem_shared>>
      %dma_start3A_347 = arith.constant 0 : i32
      %dma_start3A_348 = tpu.memref_slice %arg13[%mul3A_339, %dma_start3A_347] : memref<10000x64xf32, #tpu.memory_space<vmem_shared>> -> memref<80x64xf32, #tpu.memory_space<vmem_shared>>
      %dma_start3A_349 = arith.constant 0 : i32
      %dma_start3A_350 = arith.constant 0 : i32
      %dma_start3A_351 = tpu.memref_slice %arg12[%dma_start3A_340, %dma_start3A_349, %dma_start3A_350] : memref<4x125x64xf32, #tpu.memory_space<vmem>> -> memref<1x80x64xf32, #tpu.memory_space<vmem>>
      %dma_start3A_352 = tpu.memref_squeeze %dma_start3A_351 : memref<1x80x64xf32, #tpu.memory_space<vmem>> -> memref<80x64xf32, #tpu.memory_space<vmem>>
      tpu.enqueue_dma source(%dma_start3A_352 : memref<80x64xf32, #tpu.memory_space<vmem>>) target(%dma_start3A_348 : memref<80x64xf32, #tpu.memory_space<vmem_shared>>) target_semaphore(%arg17 : memref<!tpu.dma_semaphore, #tpu.memory_space<semaphore_mem>>)
      %mul3A_353 = arith.constant 80 : i32
      %mul3A_354 = arith.muli %add3A_44, %mul3A_353 : i32
      %dma_start3A_355 = arith.constant 0 : i32
      %dma_start3A_356 = arith.constant 0 : i32
      %dma_start3A_357 = tpu.memref_slice %arg15[%dma_start3A_355, %dma_start3A_356] : memref<125x16xf32, #tpu.memory_space<vmem>> -> memref<80x16xf32, #tpu.memory_space<vmem>>
      %dma_start3A_358 = arith.constant 0 : i32
      %dma_start3A_359 = tpu.memref_slice %arg16[%mul3A_354, %dma_start3A_358] : memref<10000x16xf32, #tpu.memory_space<vmem_shared>> -> memref<80x16xf32, #tpu.memory_space<vmem_shared>>
      %dma_start3A_360 = arith.constant 0 : i32
      %dma_start3A_361 = tpu.memref_slice %arg16[%mul3A_354, %dma_start3A_360] : memref<10000x16xf32, #tpu.memory_space<vmem_shared>> -> memref<80x16xf32, #tpu.memory_space<vmem_shared>>
      %dma_start3A_362 = arith.constant 0 : i32
      %dma_start3A_363 = arith.constant 0 : i32
      %dma_start3A_364 = tpu.memref_slice %arg15[%dma_start3A_362, %dma_start3A_363] : memref<125x16xf32, #tpu.memory_space<vmem>> -> memref<80x16xf32, #tpu.memory_space<vmem>>
      tpu.enqueue_dma source(%dma_start3A_364 : memref<80x16xf32, #tpu.memory_space<vmem>>) target(%dma_start3A_361 : memref<80x16xf32, #tpu.memory_space<vmem_shared>>) target_semaphore(%arg17 : memref<!tpu.dma_semaphore, #tpu.memory_space<semaphore_mem>>)
    } else {
    }
    %add3A_50 = arith.constant 96 : i32
    %add3A_51 = arith.addi %arg1, %add3A_50 : i32
    %lt3A_52 = arith.constant 125 : i32
    %lt3A_53 = arith.cmpi slt, %add3A_51, %lt3A_52 : i32
    %convert_element_type3A_54 = arith.extui %lt3A_53 : i1 to i32
    %cond3A_55 = arith.constant 0 : i32
    %cond3A_56 = arith.cmpi ne, %convert_element_type3A_54, %cond3A_55 : i32
    scf.if %cond3A_56 {
      %mul3A_338 = arith.constant 80 : i32
      %mul3A_339 = arith.muli %add3A_51, %mul3A_338 : i32
      %dma_start3A_340 = arith.constant 3 : i32
      %dma_start3A_341 = arith.constant 0 : i32
      %dma_start3A_342 = arith.constant 0 : i32
      %dma_start3A_343 = tpu.memref_slice %arg12[%dma_start3A_340, %dma_start3A_341, %dma_start3A_342] : memref<4x125x64xf32, #tpu.memory_space<vmem>> -> memref<1x80x64xf32, #tpu.memory_space<vmem>>
      %dma_start3A_344 = tpu.memref_squeeze %dma_start3A_343 : memref<1x80x64xf32, #tpu.memory_space<vmem>> -> memref<80x64xf32, #tpu.memory_space<vmem>>
      %dma_start3A_345 = arith.constant 0 : i32
      %dma_start3A_346 = tpu.memref_slice %arg13[%mul3A_339, %dma_start3A_345] : memref<10000x64xf32, #tpu.memory_space<vmem_shared>> -> memref<80x64xf32, #tpu.memory_space<vmem_shared>>
      %dma_start3A_347 = arith.constant 0 : i32
      %dma_start3A_348 = tpu.memref_slice %arg13[%mul3A_339, %dma_start3A_347] : memref<10000x64xf32, #tpu.memory_space<vmem_shared>> -> memref<80x64xf32, #tpu.memory_space<vmem_shared>>
      %dma_start3A_349 = arith.constant 0 : i32
      %dma_start3A_350 = arith.constant 0 : i32
      %dma_start3A_351 = tpu.memref_slice %arg12[%dma_start3A_340, %dma_start3A_349, %dma_start3A_350] : memref<4x125x64xf32, #tpu.memory_space<vmem>> -> memref<1x80x64xf32, #tpu.memory_space<vmem>>
      %dma_start3A_352 = tpu.memref_squeeze %dma_start3A_351 : memref<1x80x64xf32, #tpu.memory_space<vmem>> -> memref<80x64xf32, #tpu.memory_space<vmem>>
      tpu.enqueue_dma source(%dma_start3A_352 : memref<80x64xf32, #tpu.memory_space<vmem>>) target(%dma_start3A_348 : memref<80x64xf32, #tpu.memory_space<vmem_shared>>) target_semaphore(%arg17 : memref<!tpu.dma_semaphore, #tpu.memory_space<semaphore_mem>>)
      %mul3A_353 = arith.constant 80 : i32
      %mul3A_354 = arith.muli %add3A_51, %mul3A_353 : i32
      %dma_start3A_355 = arith.constant 0 : i32
      %dma_start3A_356 = arith.constant 0 : i32
      %dma_start3A_357 = tpu.memref_slice %arg15[%dma_start3A_355, %dma_start3A_356] : memref<125x16xf32, #tpu.memory_space<vmem>> -> memref<80x16xf32, #tpu.memory_space<vmem>>
      %dma_start3A_358 = arith.constant 0 : i32
      %dma_start3A_359 = tpu.memref_slice %arg16[%mul3A_354, %dma_start3A_358] : memref<10000x16xf32, #tpu.memory_space<vmem_shared>> -> memref<80x16xf32, #tpu.memory_space<vmem_shared>>
      %dma_start3A_360 = arith.constant 0 : i32
      %dma_start3A_361 = tpu.memref_slice %arg16[%mul3A_354, %dma_start3A_360] : memref<10000x16xf32, #tpu.memory_space<vmem_shared>> -> memref<80x16xf32, #tpu.memory_space<vmem_shared>>
      %dma_start3A_362 = arith.constant 0 : i32
      %dma_start3A_363 = arith.constant 0 : i32
      %dma_start3A_364 = tpu.memref_slice %arg15[%dma_start3A_362, %dma_start3A_363] : memref<125x16xf32, #tpu.memory_space<vmem>> -> memref<80x16xf32, #tpu.memory_space<vmem>>
      tpu.enqueue_dma source(%dma_start3A_364 : memref<80x16xf32, #tpu.memory_space<vmem>>) target(%dma_start3A_361 : memref<80x16xf32, #tpu.memory_space<vmem_shared>>) target_semaphore(%arg17 : memref<!tpu.dma_semaphore, #tpu.memory_space<semaphore_mem>>)
    } else {
    }
    %add3A_57 = arith.constant 112 : i32
    %add3A_58 = arith.addi %arg1, %add3A_57 : i32
    %lt3A_59 = arith.constant 125 : i32
    %lt3A_60 = arith.cmpi slt, %add3A_58, %lt3A_59 : i32
    %convert_element_type3A_61 = arith.extui %lt3A_60 : i1 to i32
    %cond3A_62 = arith.constant 0 : i32
    %cond3A_63 = arith.cmpi ne, %convert_element_type3A_61, %cond3A_62 : i32
    scf.if %cond3A_63 {
      %mul3A_338 = arith.constant 80 : i32
      %mul3A_339 = arith.muli %add3A_58, %mul3A_338 : i32
      %dma_start3A_340 = arith.constant 3 : i32
      %dma_start3A_341 = arith.constant 0 : i32
      %dma_start3A_342 = arith.constant 0 : i32
      %dma_start3A_343 = tpu.memref_slice %arg12[%dma_start3A_340, %dma_start3A_341, %dma_start3A_342] : memref<4x125x64xf32, #tpu.memory_space<vmem>> -> memref<1x80x64xf32, #tpu.memory_space<vmem>>
      %dma_start3A_344 = tpu.memref_squeeze %dma_start3A_343 : memref<1x80x64xf32, #tpu.memory_space<vmem>> -> memref<80x64xf32, #tpu.memory_space<vmem>>
      %dma_start3A_345 = arith.constant 0 : i32
      %dma_start3A_346 = tpu.memref_slice %arg13[%mul3A_339, %dma_start3A_345] : memref<10000x64xf32, #tpu.memory_space<vmem_shared>> -> memref<80x64xf32, #tpu.memory_space<vmem_shared>>
      %dma_start3A_347 = arith.constant 0 : i32
      %dma_start3A_348 = tpu.memref_slice %arg13[%mul3A_339, %dma_start3A_347] : memref<10000x64xf32, #tpu.memory_space<vmem_shared>> -> memref<80x64xf32, #tpu.memory_space<vmem_shared>>
      %dma_start3A_349 = arith.constant 0 : i32
      %dma_start3A_350 = arith.constant 0 : i32
      %dma_start3A_351 = tpu.memref_slice %arg12[%dma_start3A_340, %dma_start3A_349, %dma_start3A_350] : memref<4x125x64xf32, #tpu.memory_space<vmem>> -> memref<1x80x64xf32, #tpu.memory_space<vmem>>
      %dma_start3A_352 = tpu.memref_squeeze %dma_start3A_351 : memref<1x80x64xf32, #tpu.memory_space<vmem>> -> memref<80x64xf32, #tpu.memory_space<vmem>>
      tpu.enqueue_dma source(%dma_start3A_352 : memref<80x64xf32, #tpu.memory_space<vmem>>) target(%dma_start3A_348 : memref<80x64xf32, #tpu.memory_space<vmem_shared>>) target_semaphore(%arg17 : memref<!tpu.dma_semaphore, #tpu.memory_space<semaphore_mem>>)
      %mul3A_353 = arith.constant 80 : i32
      %mul3A_354 = arith.muli %add3A_58, %mul3A_353 : i32
      %dma_start3A_355 = arith.constant 0 : i32
      %dma_start3A_356 = arith.constant 0 : i32
      %dma_start3A_357 = tpu.memref_slice %arg15[%dma_start3A_355, %dma_start3A_356] : memref<125x16xf32, #tpu.memory_space<vmem>> -> memref<80x16xf32, #tpu.memory_space<vmem>>
      %dma_start3A_358 = arith.constant 0 : i32
      %dma_start3A_359 = tpu.memref_slice %arg16[%mul3A_354, %dma_start3A_358] : memref<10000x16xf32, #tpu.memory_space<vmem_shared>> -> memref<80x16xf32, #tpu.memory_space<vmem_shared>>
      %dma_start3A_360 = arith.constant 0 : i32
      %dma_start3A_361 = tpu.memref_slice %arg16[%mul3A_354, %dma_start3A_360] : memref<10000x16xf32, #tpu.memory_space<vmem_shared>> -> memref<80x16xf32, #tpu.memory_space<vmem_shared>>
      %dma_start3A_362 = arith.constant 0 : i32
      %dma_start3A_363 = arith.constant 0 : i32
      %dma_start3A_364 = tpu.memref_slice %arg15[%dma_start3A_362, %dma_start3A_363] : memref<125x16xf32, #tpu.memory_space<vmem>> -> memref<80x16xf32, #tpu.memory_space<vmem>>
      tpu.enqueue_dma source(%dma_start3A_364 : memref<80x16xf32, #tpu.memory_space<vmem>>) target(%dma_start3A_361 : memref<80x16xf32, #tpu.memory_space<vmem_shared>>) target_semaphore(%arg17 : memref<!tpu.dma_semaphore, #tpu.memory_space<semaphore_mem>>)
    } else {
    }
    %add3A_64 = arith.constant 0 : i32
    %add3A_65 = arith.addi %arg1, %add3A_64 : i32
    %lt3A_66 = arith.constant 125 : i32
    %lt3A_67 = arith.cmpi slt, %add3A_65, %lt3A_66 : i32
    %convert_element_type3A_68 = arith.extui %lt3A_67 : i1 to i32
    %cond3A_69 = arith.constant 0 : i32
    %cond3A_70 = arith.cmpi ne, %convert_element_type3A_68, %cond3A_69 : i32
    scf.if %cond3A_70 {
      %mul3A_338 = arith.constant 80 : i32
      %mul3A_339 = arith.muli %add3A_65, %mul3A_338 : i32
      %dma_wait3A_340 = arith.constant 3 : i32
      %dma_wait3A_341 = arith.constant 0 : i32
      %dma_wait3A_342 = arith.constant 0 : i32
      %dma_wait3A_343 = tpu.memref_slice %arg12[%dma_wait3A_340, %dma_wait3A_341, %dma_wait3A_342] : memref<4x125x64xf32, #tpu.memory_space<vmem>> -> memref<1x80x64xf32, #tpu.memory_space<vmem>>
      %dma_wait3A_344 = tpu.memref_squeeze %dma_wait3A_343 : memref<1x80x64xf32, #tpu.memory_space<vmem>> -> memref<80x64xf32, #tpu.memory_space<vmem>>
      %dma_wait3A_345 = arith.constant 0 : i32
      %dma_wait3A_346 = tpu.memref_slice %arg13[%mul3A_339, %dma_wait3A_345] : memref<10000x64xf32, #tpu.memory_space<vmem_shared>> -> memref<80x64xf32, #tpu.memory_space<vmem_shared>>
      %dma_wait3A_347 = arith.constant 0 : i32
      %dma_wait3A_348 = tpu.memref_slice %arg13[%mul3A_339, %dma_wait3A_347] : memref<10000x64xf32, #tpu.memory_space<vmem_shared>> -> memref<80x64xf32, #tpu.memory_space<vmem_shared>>
      %dma_wait3A_349 = arith.constant 0 : i32
      %dma_wait3A_350 = arith.constant 0 : i32
      %dma_wait3A_351 = tpu.memref_slice %arg12[%dma_wait3A_340, %dma_wait3A_349, %dma_wait3A_350] : memref<4x125x64xf32, #tpu.memory_space<vmem>> -> memref<1x80x64xf32, #tpu.memory_space<vmem>>
      %dma_wait3A_352 = tpu.memref_squeeze %dma_wait3A_351 : memref<1x80x64xf32, #tpu.memory_space<vmem>> -> memref<80x64xf32, #tpu.memory_space<vmem>>
      tpu.wait_dma2 semaphore(%arg17 : memref<!tpu.dma_semaphore, #tpu.memory_space<semaphore_mem>>) src(%dma_wait3A_352 : memref<80x64xf32, #tpu.memory_space<vmem>>) dst(%dma_wait3A_348 : memref<80x64xf32, #tpu.memory_space<vmem_shared>>)
      %mul3A_353 = arith.constant 80 : i32
      %mul3A_354 = arith.muli %add3A_65, %mul3A_353 : i32
      %dma_wait3A_355 = arith.constant 0 : i32
      %dma_wait3A_356 = arith.constant 0 : i32
      %dma_wait3A_357 = tpu.memref_slice %arg15[%dma_wait3A_355, %dma_wait3A_356] : memref<125x16xf32, #tpu.memory_space<vmem>> -> memref<80x16xf32, #tpu.memory_space<vmem>>
      %dma_wait3A_358 = arith.constant 0 : i32
      %dma_wait3A_359 = tpu.memref_slice %arg16[%mul3A_354, %dma_wait3A_358] : memref<10000x16xf32, #tpu.memory_space<vmem_shared>> -> memref<80x16xf32, #tpu.memory_space<vmem_shared>>
      %dma_wait3A_360 = arith.constant 0 : i32
      %dma_wait3A_361 = tpu.memref_slice %arg16[%mul3A_354, %dma_wait3A_360] : memref<10000x16xf32, #tpu.memory_space<vmem_shared>> -> memref<80x16xf32, #tpu.memory_space<vmem_shared>>
      %dma_wait3A_362 = arith.constant 0 : i32
      %dma_wait3A_363 = arith.constant 0 : i32
      %dma_wait3A_364 = tpu.memref_slice %arg15[%dma_wait3A_362, %dma_wait3A_363] : memref<125x16xf32, #tpu.memory_space<vmem>> -> memref<80x16xf32, #tpu.memory_space<vmem>>
      tpu.wait_dma2 semaphore(%arg17 : memref<!tpu.dma_semaphore, #tpu.memory_space<semaphore_mem>>) src(%dma_wait3A_364 : memref<80x16xf32, #tpu.memory_space<vmem>>) dst(%dma_wait3A_361 : memref<80x16xf32, #tpu.memory_space<vmem_shared>>)
    } else {
    }
    %add3A_71 = arith.constant 16 : i32
    %add3A_72 = arith.addi %arg1, %add3A_71 : i32
    %lt3A_73 = arith.constant 125 : i32
    %lt3A_74 = arith.cmpi slt, %add3A_72, %lt3A_73 : i32
    %convert_element_type3A_75 = arith.extui %lt3A_74 : i1 to i32
    %cond3A_76 = arith.constant 0 : i32
    %cond3A_77 = arith.cmpi ne, %convert_element_type3A_75, %cond3A_76 : i32
    scf.if %cond3A_77 {
      %mul3A_338 = arith.constant 80 : i32
      %mul3A_339 = arith.muli %add3A_72, %mul3A_338 : i32
      %dma_wait3A_340 = arith.constant 3 : i32
      %dma_wait3A_341 = arith.constant 0 : i32
      %dma_wait3A_342 = arith.constant 0 : i32
      %dma_wait3A_343 = tpu.memref_slice %arg12[%dma_wait3A_340, %dma_wait3A_341, %dma_wait3A_342] : memref<4x125x64xf32, #tpu.memory_space<vmem>> -> memref<1x80x64xf32, #tpu.memory_space<vmem>>
      %dma_wait3A_344 = tpu.memref_squeeze %dma_wait3A_343 : memref<1x80x64xf32, #tpu.memory_space<vmem>> -> memref<80x64xf32, #tpu.memory_space<vmem>>
      %dma_wait3A_345 = arith.constant 0 : i32
      %dma_wait3A_346 = tpu.memref_slice %arg13[%mul3A_339, %dma_wait3A_345] : memref<10000x64xf32, #tpu.memory_space<vmem_shared>> -> memref<80x64xf32, #tpu.memory_space<vmem_shared>>
      %dma_wait3A_347 = arith.constant 0 : i32
      %dma_wait3A_348 = tpu.memref_slice %arg13[%mul3A_339, %dma_wait3A_347] : memref<10000x64xf32, #tpu.memory_space<vmem_shared>> -> memref<80x64xf32, #tpu.memory_space<vmem_shared>>
      %dma_wait3A_349 = arith.constant 0 : i32
      %dma_wait3A_350 = arith.constant 0 : i32
      %dma_wait3A_351 = tpu.memref_slice %arg12[%dma_wait3A_340, %dma_wait3A_349, %dma_wait3A_350] : memref<4x125x64xf32, #tpu.memory_space<vmem>> -> memref<1x80x64xf32, #tpu.memory_space<vmem>>
      %dma_wait3A_352 = tpu.memref_squeeze %dma_wait3A_351 : memref<1x80x64xf32, #tpu.memory_space<vmem>> -> memref<80x64xf32, #tpu.memory_space<vmem>>
      tpu.wait_dma2 semaphore(%arg17 : memref<!tpu.dma_semaphore, #tpu.memory_space<semaphore_mem>>) src(%dma_wait3A_352 : memref<80x64xf32, #tpu.memory_space<vmem>>) dst(%dma_wait3A_348 : memref<80x64xf32, #tpu.memory_space<vmem_shared>>)
      %mul3A_353 = arith.constant 80 : i32
      %mul3A_354 = arith.muli %add3A_72, %mul3A_353 : i32
      %dma_wait3A_355 = arith.constant 0 : i32
      %dma_wait3A_356 = arith.constant 0 : i32
      %dma_wait3A_357 = tpu.memref_slice %arg15[%dma_wait3A_355, %dma_wait3A_356] : memref<125x16xf32, #tpu.memory_space<vmem>> -> memref<80x16xf32, #tpu.memory_space<vmem>>
      %dma_wait3A_358 = arith.constant 0 : i32
      %dma_wait3A_359 = tpu.memref_slice %arg16[%mul3A_354, %dma_wait3A_358] : memref<10000x16xf32, #tpu.memory_space<vmem_shared>> -> memref<80x16xf32, #tpu.memory_space<vmem_shared>>
      %dma_wait3A_360 = arith.constant 0 : i32
      %dma_wait3A_361 = tpu.memref_slice %arg16[%mul3A_354, %dma_wait3A_360] : memref<10000x16xf32, #tpu.memory_space<vmem_shared>> -> memref<80x16xf32, #tpu.memory_space<vmem_shared>>
      %dma_wait3A_362 = arith.constant 0 : i32
      %dma_wait3A_363 = arith.constant 0 : i32
      %dma_wait3A_364 = tpu.memref_slice %arg15[%dma_wait3A_362, %dma_wait3A_363] : memref<125x16xf32, #tpu.memory_space<vmem>> -> memref<80x16xf32, #tpu.memory_space<vmem>>
      tpu.wait_dma2 semaphore(%arg17 : memref<!tpu.dma_semaphore, #tpu.memory_space<semaphore_mem>>) src(%dma_wait3A_364 : memref<80x16xf32, #tpu.memory_space<vmem>>) dst(%dma_wait3A_361 : memref<80x16xf32, #tpu.memory_space<vmem_shared>>)
    } else {
    }
    %add3A_78 = arith.constant 32 : i32
    %add3A_79 = arith.addi %arg1, %add3A_78 : i32
    %lt3A_80 = arith.constant 125 : i32
    %lt3A_81 = arith.cmpi slt, %add3A_79, %lt3A_80 : i32
    %convert_element_type3A_82 = arith.extui %lt3A_81 : i1 to i32
    %cond3A_83 = arith.constant 0 : i32
    %cond3A_84 = arith.cmpi ne, %convert_element_type3A_82, %cond3A_83 : i32
    scf.if %cond3A_84 {
      %mul3A_338 = arith.constant 80 : i32
      %mul3A_339 = arith.muli %add3A_79, %mul3A_338 : i32
      %dma_wait3A_340 = arith.constant 3 : i32
      %dma_wait3A_341 = arith.constant 0 : i32
      %dma_wait3A_342 = arith.constant 0 : i32
      %dma_wait3A_343 = tpu.memref_slice %arg12[%dma_wait3A_340, %dma_wait3A_341, %dma_wait3A_342] : memref<4x125x64xf32, #tpu.memory_space<vmem>> -> memref<1x80x64xf32, #tpu.memory_space<vmem>>
      %dma_wait3A_344 = tpu.memref_squeeze %dma_wait3A_343 : memref<1x80x64xf32, #tpu.memory_space<vmem>> -> memref<80x64xf32, #tpu.memory_space<vmem>>
      %dma_wait3A_345 = arith.constant 0 : i32
      %dma_wait3A_346 = tpu.memref_slice %arg13[%mul3A_339, %dma_wait3A_345] : memref<10000x64xf32, #tpu.memory_space<vmem_shared>> -> memref<80x64xf32, #tpu.memory_space<vmem_shared>>
      %dma_wait3A_347 = arith.constant 0 : i32
      %dma_wait3A_348 = tpu.memref_slice %arg13[%mul3A_339, %dma_wait3A_347] : memref<10000x64xf32, #tpu.memory_space<vmem_shared>> -> memref<80x64xf32, #tpu.memory_space<vmem_shared>>
      %dma_wait3A_349 = arith.constant 0 : i32
      %dma_wait3A_350 = arith.constant 0 : i32
      %dma_wait3A_351 = tpu.memref_slice %arg12[%dma_wait3A_340, %dma_wait3A_349, %dma_wait3A_350] : memref<4x125x64xf32, #tpu.memory_space<vmem>> -> memref<1x80x64xf32, #tpu.memory_space<vmem>>
      %dma_wait3A_352 = tpu.memref_squeeze %dma_wait3A_351 : memref<1x80x64xf32, #tpu.memory_space<vmem>> -> memref<80x64xf32, #tpu.memory_space<vmem>>
      tpu.wait_dma2 semaphore(%arg17 : memref<!tpu.dma_semaphore, #tpu.memory_space<semaphore_mem>>) src(%dma_wait3A_352 : memref<80x64xf32, #tpu.memory_space<vmem>>) dst(%dma_wait3A_348 : memref<80x64xf32, #tpu.memory_space<vmem_shared>>)
      %mul3A_353 = arith.constant 80 : i32
      %mul3A_354 = arith.muli %add3A_79, %mul3A_353 : i32
      %dma_wait3A_355 = arith.constant 0 : i32
      %dma_wait3A_356 = arith.constant 0 : i32
      %dma_wait3A_357 = tpu.memref_slice %arg15[%dma_wait3A_355, %dma_wait3A_356] : memref<125x16xf32, #tpu.memory_space<vmem>> -> memref<80x16xf32, #tpu.memory_space<vmem>>
      %dma_wait3A_358 = arith.constant 0 : i32
      %dma_wait3A_359 = tpu.memref_slice %arg16[%mul3A_354, %dma_wait3A_358] : memref<10000x16xf32, #tpu.memory_space<vmem_shared>> -> memref<80x16xf32, #tpu.memory_space<vmem_shared>>
      %dma_wait3A_360 = arith.constant 0 : i32
      %dma_wait3A_361 = tpu.memref_slice %arg16[%mul3A_354, %dma_wait3A_360] : memref<10000x16xf32, #tpu.memory_space<vmem_shared>> -> memref<80x16xf32, #tpu.memory_space<vmem_shared>>
      %dma_wait3A_362 = arith.constant 0 : i32
      %dma_wait3A_363 = arith.constant 0 : i32
      %dma_wait3A_364 = tpu.memref_slice %arg15[%dma_wait3A_362, %dma_wait3A_363] : memref<125x16xf32, #tpu.memory_space<vmem>> -> memref<80x16xf32, #tpu.memory_space<vmem>>
      tpu.wait_dma2 semaphore(%arg17 : memref<!tpu.dma_semaphore, #tpu.memory_space<semaphore_mem>>) src(%dma_wait3A_364 : memref<80x16xf32, #tpu.memory_space<vmem>>) dst(%dma_wait3A_361 : memref<80x16xf32, #tpu.memory_space<vmem_shared>>)
    } else {
    }
    %add3A_85 = arith.constant 48 : i32
    %add3A_86 = arith.addi %arg1, %add3A_85 : i32
    %lt3A_87 = arith.constant 125 : i32
    %lt3A_88 = arith.cmpi slt, %add3A_86, %lt3A_87 : i32
    %convert_element_type3A_89 = arith.extui %lt3A_88 : i1 to i32
    %cond3A_90 = arith.constant 0 : i32
    %cond3A_91 = arith.cmpi ne, %convert_element_type3A_89, %cond3A_90 : i32
    scf.if %cond3A_91 {
      %mul3A_338 = arith.constant 80 : i32
      %mul3A_339 = arith.muli %add3A_86, %mul3A_338 : i32
      %dma_wait3A_340 = arith.constant 3 : i32
      %dma_wait3A_341 = arith.constant 0 : i32
      %dma_wait3A_342 = arith.constant 0 : i32
      %dma_wait3A_343 = tpu.memref_slice %arg12[%dma_wait3A_340, %dma_wait3A_341, %dma_wait3A_342] : memref<4x125x64xf32, #tpu.memory_space<vmem>> -> memref<1x80x64xf32, #tpu.memory_space<vmem>>
      %dma_wait3A_344 = tpu.memref_squeeze %dma_wait3A_343 : memref<1x80x64xf32, #tpu.memory_space<vmem>> -> memref<80x64xf32, #tpu.memory_space<vmem>>
      %dma_wait3A_345 = arith.constant 0 : i32
      %dma_wait3A_346 = tpu.memref_slice %arg13[%mul3A_339, %dma_wait3A_345] : memref<10000x64xf32, #tpu.memory_space<vmem_shared>> -> memref<80x64xf32, #tpu.memory_space<vmem_shared>>
      %dma_wait3A_347 = arith.constant 0 : i32
      %dma_wait3A_348 = tpu.memref_slice %arg13[%mul3A_339, %dma_wait3A_347] : memref<10000x64xf32, #tpu.memory_space<vmem_shared>> -> memref<80x64xf32, #tpu.memory_space<vmem_shared>>
      %dma_wait3A_349 = arith.constant 0 : i32
      %dma_wait3A_350 = arith.constant 0 : i32
      %dma_wait3A_351 = tpu.memref_slice %arg12[%dma_wait3A_340, %dma_wait3A_349, %dma_wait3A_350] : memref<4x125x64xf32, #tpu.memory_space<vmem>> -> memref<1x80x64xf32, #tpu.memory_space<vmem>>
      %dma_wait3A_352 = tpu.memref_squeeze %dma_wait3A_351 : memref<1x80x64xf32, #tpu.memory_space<vmem>> -> memref<80x64xf32, #tpu.memory_space<vmem>>
      tpu.wait_dma2 semaphore(%arg17 : memref<!tpu.dma_semaphore, #tpu.memory_space<semaphore_mem>>) src(%dma_wait3A_352 : memref<80x64xf32, #tpu.memory_space<vmem>>) dst(%dma_wait3A_348 : memref<80x64xf32, #tpu.memory_space<vmem_shared>>)
      %mul3A_353 = arith.constant 80 : i32
      %mul3A_354 = arith.muli %add3A_86, %mul3A_353 : i32
      %dma_wait3A_355 = arith.constant 0 : i32
      %dma_wait3A_356 = arith.constant 0 : i32
      %dma_wait3A_357 = tpu.memref_slice %arg15[%dma_wait3A_355, %dma_wait3A_356] : memref<125x16xf32, #tpu.memory_space<vmem>> -> memref<80x16xf32, #tpu.memory_space<vmem>>
      %dma_wait3A_358 = arith.constant 0 : i32
      %dma_wait3A_359 = tpu.memref_slice %arg16[%mul3A_354, %dma_wait3A_358] : memref<10000x16xf32, #tpu.memory_space<vmem_shared>> -> memref<80x16xf32, #tpu.memory_space<vmem_shared>>
      %dma_wait3A_360 = arith.constant 0 : i32
      %dma_wait3A_361 = tpu.memref_slice %arg16[%mul3A_354, %dma_wait3A_360] : memref<10000x16xf32, #tpu.memory_space<vmem_shared>> -> memref<80x16xf32, #tpu.memory_space<vmem_shared>>
      %dma_wait3A_362 = arith.constant 0 : i32
      %dma_wait3A_363 = arith.constant 0 : i32
      %dma_wait3A_364 = tpu.memref_slice %arg15[%dma_wait3A_362, %dma_wait3A_363] : memref<125x16xf32, #tpu.memory_space<vmem>> -> memref<80x16xf32, #tpu.memory_space<vmem>>
      tpu.wait_dma2 semaphore(%arg17 : memref<!tpu.dma_semaphore, #tpu.memory_space<semaphore_mem>>) src(%dma_wait3A_364 : memref<80x16xf32, #tpu.memory_space<vmem>>) dst(%dma_wait3A_361 : memref<80x16xf32, #tpu.memory_space<vmem_shared>>)
    } else {
    }
    %add3A_92 = arith.constant 64 : i32
    %add3A_93 = arith.addi %arg1, %add3A_92 : i32
    %lt3A_94 = arith.constant 125 : i32
    %lt3A_95 = arith.cmpi slt, %add3A_93, %lt3A_94 : i32
    %convert_element_type3A_96 = arith.extui %lt3A_95 : i1 to i32
    %cond3A_97 = arith.constant 0 : i32
    %cond3A_98 = arith.cmpi ne, %convert_element_type3A_96, %cond3A_97 : i32
    scf.if %cond3A_98 {
      %mul3A_338 = arith.constant 80 : i32
      %mul3A_339 = arith.muli %add3A_93, %mul3A_338 : i32
      %dma_wait3A_340 = arith.constant 3 : i32
      %dma_wait3A_341 = arith.constant 0 : i32
      %dma_wait3A_342 = arith.constant 0 : i32
      %dma_wait3A_343 = tpu.memref_slice %arg12[%dma_wait3A_340, %dma_wait3A_341, %dma_wait3A_342] : memref<4x125x64xf32, #tpu.memory_space<vmem>> -> memref<1x80x64xf32, #tpu.memory_space<vmem>>
      %dma_wait3A_344 = tpu.memref_squeeze %dma_wait3A_343 : memref<1x80x64xf32, #tpu.memory_space<vmem>> -> memref<80x64xf32, #tpu.memory_space<vmem>>
      %dma_wait3A_345 = arith.constant 0 : i32
      %dma_wait3A_346 = tpu.memref_slice %arg13[%mul3A_339, %dma_wait3A_345] : memref<10000x64xf32, #tpu.memory_space<vmem_shared>> -> memref<80x64xf32, #tpu.memory_space<vmem_shared>>
      %dma_wait3A_347 = arith.constant 0 : i32
      %dma_wait3A_348 = tpu.memref_slice %arg13[%mul3A_339, %dma_wait3A_347] : memref<10000x64xf32, #tpu.memory_space<vmem_shared>> -> memref<80x64xf32, #tpu.memory_space<vmem_shared>>
      %dma_wait3A_349 = arith.constant 0 : i32
      %dma_wait3A_350 = arith.constant 0 : i32
      %dma_wait3A_351 = tpu.memref_slice %arg12[%dma_wait3A_340, %dma_wait3A_349, %dma_wait3A_350] : memref<4x125x64xf32, #tpu.memory_space<vmem>> -> memref<1x80x64xf32, #tpu.memory_space<vmem>>
      %dma_wait3A_352 = tpu.memref_squeeze %dma_wait3A_351 : memref<1x80x64xf32, #tpu.memory_space<vmem>> -> memref<80x64xf32, #tpu.memory_space<vmem>>
      tpu.wait_dma2 semaphore(%arg17 : memref<!tpu.dma_semaphore, #tpu.memory_space<semaphore_mem>>) src(%dma_wait3A_352 : memref<80x64xf32, #tpu.memory_space<vmem>>) dst(%dma_wait3A_348 : memref<80x64xf32, #tpu.memory_space<vmem_shared>>)
      %mul3A_353 = arith.constant 80 : i32
      %mul3A_354 = arith.muli %add3A_93, %mul3A_353 : i32
      %dma_wait3A_355 = arith.constant 0 : i32
      %dma_wait3A_356 = arith.constant 0 : i32
      %dma_wait3A_357 = tpu.memref_slice %arg15[%dma_wait3A_355, %dma_wait3A_356] : memref<125x16xf32, #tpu.memory_space<vmem>> -> memref<80x16xf32, #tpu.memory_space<vmem>>
      %dma_wait3A_358 = arith.constant 0 : i32
      %dma_wait3A_359 = tpu.memref_slice %arg16[%mul3A_354, %dma_wait3A_358] : memref<10000x16xf32, #tpu.memory_space<vmem_shared>> -> memref<80x16xf32, #tpu.memory_space<vmem_shared>>
      %dma_wait3A_360 = arith.constant 0 : i32
      %dma_wait3A_361 = tpu.memref_slice %arg16[%mul3A_354, %dma_wait3A_360] : memref<10000x16xf32, #tpu.memory_space<vmem_shared>> -> memref<80x16xf32, #tpu.memory_space<vmem_shared>>
      %dma_wait3A_362 = arith.constant 0 : i32
      %dma_wait3A_363 = arith.constant 0 : i32
      %dma_wait3A_364 = tpu.memref_slice %arg15[%dma_wait3A_362, %dma_wait3A_363] : memref<125x16xf32, #tpu.memory_space<vmem>> -> memref<80x16xf32, #tpu.memory_space<vmem>>
      tpu.wait_dma2 semaphore(%arg17 : memref<!tpu.dma_semaphore, #tpu.memory_space<semaphore_mem>>) src(%dma_wait3A_364 : memref<80x16xf32, #tpu.memory_space<vmem>>) dst(%dma_wait3A_361 : memref<80x16xf32, #tpu.memory_space<vmem_shared>>)
    } else {
    }
    %add3A_99 = arith.constant 80 : i32
    %add3A_100 = arith.addi %arg1, %add3A_99 : i32
    %lt3A_101 = arith.constant 125 : i32
    %lt3A_102 = arith.cmpi slt, %add3A_100, %lt3A_101 : i32
    %convert_element_type3A_103 = arith.extui %lt3A_102 : i1 to i32
    %cond3A_104 = arith.constant 0 : i32
    %cond3A_105 = arith.cmpi ne, %convert_element_type3A_103, %cond3A_104 : i32
    scf.if %cond3A_105 {
      %mul3A_338 = arith.constant 80 : i32
      %mul3A_339 = arith.muli %add3A_100, %mul3A_338 : i32
      %dma_wait3A_340 = arith.constant 3 : i32
      %dma_wait3A_341 = arith.constant 0 : i32
      %dma_wait3A_342 = arith.constant 0 : i32
      %dma_wait3A_343 = tpu.memref_slice %arg12[%dma_wait3A_340, %dma_wait3A_341, %dma_wait3A_342] : memref<4x125x64xf32, #tpu.memory_space<vmem>> -> memref<1x80x64xf32, #tpu.memory_space<vmem>>
      %dma_wait3A_344 = tpu.memref_squeeze %dma_wait3A_343 : memref<1x80x64xf32, #tpu.memory_space<vmem>> -> memref<80x64xf32, #tpu.memory_space<vmem>>
      %dma_wait3A_345 = arith.constant 0 : i32
      %dma_wait3A_346 = tpu.memref_slice %arg13[%mul3A_339, %dma_wait3A_345] : memref<10000x64xf32, #tpu.memory_space<vmem_shared>> -> memref<80x64xf32, #tpu.memory_space<vmem_shared>>
      %dma_wait3A_347 = arith.constant 0 : i32
      %dma_wait3A_348 = tpu.memref_slice %arg13[%mul3A_339, %dma_wait3A_347] : memref<10000x64xf32, #tpu.memory_space<vmem_shared>> -> memref<80x64xf32, #tpu.memory_space<vmem_shared>>
      %dma_wait3A_349 = arith.constant 0 : i32
      %dma_wait3A_350 = arith.constant 0 : i32
      %dma_wait3A_351 = tpu.memref_slice %arg12[%dma_wait3A_340, %dma_wait3A_349, %dma_wait3A_350] : memref<4x125x64xf32, #tpu.memory_space<vmem>> -> memref<1x80x64xf32, #tpu.memory_space<vmem>>
      %dma_wait3A_352 = tpu.memref_squeeze %dma_wait3A_351 : memref<1x80x64xf32, #tpu.memory_space<vmem>> -> memref<80x64xf32, #tpu.memory_space<vmem>>
      tpu.wait_dma2 semaphore(%arg17 : memref<!tpu.dma_semaphore, #tpu.memory_space<semaphore_mem>>) src(%dma_wait3A_352 : memref<80x64xf32, #tpu.memory_space<vmem>>) dst(%dma_wait3A_348 : memref<80x64xf32, #tpu.memory_space<vmem_shared>>)
      %mul3A_353 = arith.constant 80 : i32
      %mul3A_354 = arith.muli %add3A_100, %mul3A_353 : i32
      %dma_wait3A_355 = arith.constant 0 : i32
      %dma_wait3A_356 = arith.constant 0 : i32
      %dma_wait3A_357 = tpu.memref_slice %arg15[%dma_wait3A_355, %dma_wait3A_356] : memref<125x16xf32, #tpu.memory_space<vmem>> -> memref<80x16xf32, #tpu.memory_space<vmem>>
      %dma_wait3A_358 = arith.constant 0 : i32
      %dma_wait3A_359 = tpu.memref_slice %arg16[%mul3A_354, %dma_wait3A_358] : memref<10000x16xf32, #tpu.memory_space<vmem_shared>> -> memref<80x16xf32, #tpu.memory_space<vmem_shared>>
      %dma_wait3A_360 = arith.constant 0 : i32
      %dma_wait3A_361 = tpu.memref_slice %arg16[%mul3A_354, %dma_wait3A_360] : memref<10000x16xf32, #tpu.memory_space<vmem_shared>> -> memref<80x16xf32, #tpu.memory_space<vmem_shared>>
      %dma_wait3A_362 = arith.constant 0 : i32
      %dma_wait3A_363 = arith.constant 0 : i32
      %dma_wait3A_364 = tpu.memref_slice %arg15[%dma_wait3A_362, %dma_wait3A_363] : memref<125x16xf32, #tpu.memory_space<vmem>> -> memref<80x16xf32, #tpu.memory_space<vmem>>
      tpu.wait_dma2 semaphore(%arg17 : memref<!tpu.dma_semaphore, #tpu.memory_space<semaphore_mem>>) src(%dma_wait3A_364 : memref<80x16xf32, #tpu.memory_space<vmem>>) dst(%dma_wait3A_361 : memref<80x16xf32, #tpu.memory_space<vmem_shared>>)
    } else {
    }
    %add3A_106 = arith.constant 96 : i32
    %add3A_107 = arith.addi %arg1, %add3A_106 : i32
    %lt3A_108 = arith.constant 125 : i32
    %lt3A_109 = arith.cmpi slt, %add3A_107, %lt3A_108 : i32
    %convert_element_type3A_110 = arith.extui %lt3A_109 : i1 to i32
    %cond3A_111 = arith.constant 0 : i32
    %cond3A_112 = arith.cmpi ne, %convert_element_type3A_110, %cond3A_111 : i32
    scf.if %cond3A_112 {
      %mul3A_338 = arith.constant 80 : i32
      %mul3A_339 = arith.muli %add3A_107, %mul3A_338 : i32
      %dma_wait3A_340 = arith.constant 3 : i32
      %dma_wait3A_341 = arith.constant 0 : i32
      %dma_wait3A_342 = arith.constant 0 : i32
      %dma_wait3A_343 = tpu.memref_slice %arg12[%dma_wait3A_340, %dma_wait3A_341, %dma_wait3A_342] : memref<4x125x64xf32, #tpu.memory_space<vmem>> -> memref<1x80x64xf32, #tpu.memory_space<vmem>>
      %dma_wait3A_344 = tpu.memref_squeeze %dma_wait3A_343 : memref<1x80x64xf32, #tpu.memory_space<vmem>> -> memref<80x64xf32, #tpu.memory_space<vmem>>
      %dma_wait3A_345 = arith.constant 0 : i32
      %dma_wait3A_346 = tpu.memref_slice %arg13[%mul3A_339, %dma_wait3A_345] : memref<10000x64xf32, #tpu.memory_space<vmem_shared>> -> memref<80x64xf32, #tpu.memory_space<vmem_shared>>
      %dma_wait3A_347 = arith.constant 0 : i32
      %dma_wait3A_348 = tpu.memref_slice %arg13[%mul3A_339, %dma_wait3A_347] : memref<10000x64xf32, #tpu.memory_space<vmem_shared>> -> memref<80x64xf32, #tpu.memory_space<vmem_shared>>
      %dma_wait3A_349 = arith.constant 0 : i32
      %dma_wait3A_350 = arith.constant 0 : i32
      %dma_wait3A_351 = tpu.memref_slice %arg12[%dma_wait3A_340, %dma_wait3A_349, %dma_wait3A_350] : memref<4x125x64xf32, #tpu.memory_space<vmem>> -> memref<1x80x64xf32, #tpu.memory_space<vmem>>
      %dma_wait3A_352 = tpu.memref_squeeze %dma_wait3A_351 : memref<1x80x64xf32, #tpu.memory_space<vmem>> -> memref<80x64xf32, #tpu.memory_space<vmem>>
      tpu.wait_dma2 semaphore(%arg17 : memref<!tpu.dma_semaphore, #tpu.memory_space<semaphore_mem>>) src(%dma_wait3A_352 : memref<80x64xf32, #tpu.memory_space<vmem>>) dst(%dma_wait3A_348 : memref<80x64xf32, #tpu.memory_space<vmem_shared>>)
      %mul3A_353 = arith.constant 80 : i32
      %mul3A_354 = arith.muli %add3A_107, %mul3A_353 : i32
      %dma_wait3A_355 = arith.constant 0 : i32
      %dma_wait3A_356 = arith.constant 0 : i32
      %dma_wait3A_357 = tpu.memref_slice %arg15[%dma_wait3A_355, %dma_wait3A_356] : memref<125x16xf32, #tpu.memory_space<vmem>> -> memref<80x16xf32, #tpu.memory_space<vmem>>
      %dma_wait3A_358 = arith.constant 0 : i32
      %dma_wait3A_359 = tpu.memref_slice %arg16[%mul3A_354, %dma_wait3A_358] : memref<10000x16xf32, #tpu.memory_space<vmem_shared>> -> memref<80x16xf32, #tpu.memory_space<vmem_shared>>
      %dma_wait3A_360 = arith.constant 0 : i32
      %dma_wait3A_361 = tpu.memref_slice %arg16[%mul3A_354, %dma_wait3A_360] : memref<10000x16xf32, #tpu.memory_space<vmem_shared>> -> memref<80x16xf32, #tpu.memory_space<vmem_shared>>
      %dma_wait3A_362 = arith.constant 0 : i32
      %dma_wait3A_363 = arith.constant 0 : i32
      %dma_wait3A_364 = tpu.memref_slice %arg15[%dma_wait3A_362, %dma_wait3A_363] : memref<125x16xf32, #tpu.memory_space<vmem>> -> memref<80x16xf32, #tpu.memory_space<vmem>>
      tpu.wait_dma2 semaphore(%arg17 : memref<!tpu.dma_semaphore, #tpu.memory_space<semaphore_mem>>) src(%dma_wait3A_364 : memref<80x16xf32, #tpu.memory_space<vmem>>) dst(%dma_wait3A_361 : memref<80x16xf32, #tpu.memory_space<vmem_shared>>)
    } else {
    }
    %add3A_113 = arith.constant 112 : i32
    %add3A_114 = arith.addi %arg1, %add3A_113 : i32
    %lt3A_115 = arith.constant 125 : i32
    %lt3A_116 = arith.cmpi slt, %add3A_114, %lt3A_115 : i32
    %convert_element_type3A_117 = arith.extui %lt3A_116 : i1 to i32
    %cond3A_118 = arith.constant 0 : i32
    %cond3A_119 = arith.cmpi ne, %convert_element_type3A_117, %cond3A_118 : i32
    scf.if %cond3A_119 {
      %mul3A_338 = arith.constant 80 : i32
      %mul3A_339 = arith.muli %add3A_114, %mul3A_338 : i32
      %dma_wait3A_340 = arith.constant 3 : i32
      %dma_wait3A_341 = arith.constant 0 : i32
      %dma_wait3A_342 = arith.constant 0 : i32
      %dma_wait3A_343 = tpu.memref_slice %arg12[%dma_wait3A_340, %dma_wait3A_341, %dma_wait3A_342] : memref<4x125x64xf32, #tpu.memory_space<vmem>> -> memref<1x80x64xf32, #tpu.memory_space<vmem>>
      %dma_wait3A_344 = tpu.memref_squeeze %dma_wait3A_343 : memref<1x80x64xf32, #tpu.memory_space<vmem>> -> memref<80x64xf32, #tpu.memory_space<vmem>>
      %dma_wait3A_345 = arith.constant 0 : i32
      %dma_wait3A_346 = tpu.memref_slice %arg13[%mul3A_339, %dma_wait3A_345] : memref<10000x64xf32, #tpu.memory_space<vmem_shared>> -> memref<80x64xf32, #tpu.memory_space<vmem_shared>>
      %dma_wait3A_347 = arith.constant 0 : i32
      %dma_wait3A_348 = tpu.memref_slice %arg13[%mul3A_339, %dma_wait3A_347] : memref<10000x64xf32, #tpu.memory_space<vmem_shared>> -> memref<80x64xf32, #tpu.memory_space<vmem_shared>>
      %dma_wait3A_349 = arith.constant 0 : i32
      %dma_wait3A_350 = arith.constant 0 : i32
      %dma_wait3A_351 = tpu.memref_slice %arg12[%dma_wait3A_340, %dma_wait3A_349, %dma_wait3A_350] : memref<4x125x64xf32, #tpu.memory_space<vmem>> -> memref<1x80x64xf32, #tpu.memory_space<vmem>>
      %dma_wait3A_352 = tpu.memref_squeeze %dma_wait3A_351 : memref<1x80x64xf32, #tpu.memory_space<vmem>> -> memref<80x64xf32, #tpu.memory_space<vmem>>
      tpu.wait_dma2 semaphore(%arg17 : memref<!tpu.dma_semaphore, #tpu.memory_space<semaphore_mem>>) src(%dma_wait3A_352 : memref<80x64xf32, #tpu.memory_space<vmem>>) dst(%dma_wait3A_348 : memref<80x64xf32, #tpu.memory_space<vmem_shared>>)
      %mul3A_353 = arith.constant 80 : i32
      %mul3A_354 = arith.muli %add3A_114, %mul3A_353 : i32
      %dma_wait3A_355 = arith.constant 0 : i32
      %dma_wait3A_356 = arith.constant 0 : i32
      %dma_wait3A_357 = tpu.memref_slice %arg15[%dma_wait3A_355, %dma_wait3A_356] : memref<125x16xf32, #tpu.memory_space<vmem>> -> memref<80x16xf32, #tpu.memory_space<vmem>>
      %dma_wait3A_358 = arith.constant 0 : i32
      %dma_wait3A_359 = tpu.memref_slice %arg16[%mul3A_354, %dma_wait3A_358] : memref<10000x16xf32, #tpu.memory_space<vmem_shared>> -> memref<80x16xf32, #tpu.memory_space<vmem_shared>>
      %dma_wait3A_360 = arith.constant 0 : i32
      %dma_wait3A_361 = tpu.memref_slice %arg16[%mul3A_354, %dma_wait3A_360] : memref<10000x16xf32, #tpu.memory_space<vmem_shared>> -> memref<80x16xf32, #tpu.memory_space<vmem_shared>>
      %dma_wait3A_362 = arith.constant 0 : i32
      %dma_wait3A_363 = arith.constant 0 : i32
      %dma_wait3A_364 = tpu.memref_slice %arg15[%dma_wait3A_362, %dma_wait3A_363] : memref<125x16xf32, #tpu.memory_space<vmem>> -> memref<80x16xf32, #tpu.memory_space<vmem>>
      tpu.wait_dma2 semaphore(%arg17 : memref<!tpu.dma_semaphore, #tpu.memory_space<semaphore_mem>>) src(%dma_wait3A_364 : memref<80x16xf32, #tpu.memory_space<vmem>>) dst(%dma_wait3A_361 : memref<80x16xf32, #tpu.memory_space<vmem_shared>>)
    } else {
    }
    %barrier3A = arith.constant 0 : index
    tpu.barrier barrier_id(%barrier3A)
    %eq3A = arith.constant 0 : i32
    %eq3A_120 = arith.cmpi eq, %arg0, %eq3A : i32
    %convert_element_type3A_121 = arith.extui %eq3A_120 : i1 to i32
    %cond3A_122 = arith.constant 0 : i32
    %cond3A_123 = arith.cmpi ne, %convert_element_type3A_121, %cond3A_122 : i32
    scf.if %cond3A_123 {
      %mul3A_338 = arith.constant 160 : i32
      %mul3A_339 = arith.muli %arg1, %mul3A_338 : i32
      %dma_start3A_340 = arith.constant 0 : i32
      %dma_start3A_341 = tpu.memref_slice %arg3[%mul3A_339, %dma_start3A_340] : memref<2560x125xi32, #tpu.memory_space<hbm>> -> memref<160x125xi32, #tpu.memory_space<hbm>>
      %dma_start3A_342 = arith.constant 0 : i32
      %dma_start3A_343 = tpu.memref_slice %arg3[%mul3A_339, %dma_start3A_342] : memref<2560x125xi32, #tpu.memory_space<hbm>> -> memref<160x125xi32, #tpu.memory_space<hbm>>
      tpu.enqueue_dma source(%dma_start3A_343 : memref<160x125xi32, #tpu.memory_space<hbm>>) target(%arg10 : memref<160x125xi32, #tpu.memory_space<vmem>>) target_semaphore(%arg17 : memref<!tpu.dma_semaphore, #tpu.memory_space<semaphore_mem>>)
    } else {
    }
    %eq3A_124 = arith.constant 1 : i32
    %eq3A_125 = arith.cmpi eq, %arg0, %eq3A_124 : i32
    %convert_element_type3A_126 = arith.extui %eq3A_125 : i1 to i32
    %cond3A_127 = arith.constant 0 : i32
    %cond3A_128 = arith.cmpi ne, %convert_element_type3A_126, %cond3A_127 : i32
    scf.if %cond3A_128 {
      %mul3A_338 = arith.constant 160 : i32
      %mul3A_339 = arith.muli %arg1, %mul3A_338 : i32
      %dma_start3A_340 = arith.constant 0 : i32
      %dma_start3A_341 = tpu.memref_slice %arg4[%mul3A_339, %dma_start3A_340] : memref<2560x125xi32, #tpu.memory_space<hbm>> -> memref<160x125xi32, #tpu.memory_space<hbm>>
      %dma_start3A_342 = arith.constant 0 : i32
      %dma_start3A_343 = tpu.memref_slice %arg4[%mul3A_339, %dma_start3A_342] : memref<2560x125xi32, #tpu.memory_space<hbm>> -> memref<160x125xi32, #tpu.memory_space<hbm>>
      tpu.enqueue_dma source(%dma_start3A_343 : memref<160x125xi32, #tpu.memory_space<hbm>>) target(%arg10 : memref<160x125xi32, #tpu.memory_space<vmem>>) target_semaphore(%arg17 : memref<!tpu.dma_semaphore, #tpu.memory_space<semaphore_mem>>)
    } else {
    }
    %mul3A = arith.constant 160 : i32
    %mul3A_129 = arith.muli %arg1, %mul3A : i32
    %dma_start3A = arith.constant 0 : i32
    %dma_start3A_130 = tpu.memref_slice %arg5[%mul3A_129, %dma_start3A] : memref<2560x125xi32, #tpu.memory_space<hbm>> -> memref<160x125xi32, #tpu.memory_space<hbm>>
    %dma_start3A_131 = arith.constant 0 : i32
    %dma_start3A_132 = tpu.memref_slice %arg5[%mul3A_129, %dma_start3A_131] : memref<2560x125xi32, #tpu.memory_space<hbm>> -> memref<160x125xi32, #tpu.memory_space<hbm>>
    tpu.enqueue_dma source(%dma_start3A_132 : memref<160x125xi32, #tpu.memory_space<hbm>>) target(%arg11 : memref<160x125xi32, #tpu.memory_space<vmem>>) target_semaphore(%arg17 : memref<!tpu.dma_semaphore, #tpu.memory_space<semaphore_mem>>)
    %mul3A_133 = arith.constant 160 : i32
    %mul3A_134 = arith.muli %arg1, %mul3A_133 : i32
    %dma_wait3A = arith.constant 0 : i32
    %dma_wait3A_135 = tpu.memref_slice %arg3[%mul3A_134, %dma_wait3A] : memref<2560x125xi32, #tpu.memory_space<hbm>> -> memref<160x125xi32, #tpu.memory_space<hbm>>
    %dma_wait3A_136 = arith.constant 0 : i32
    %dma_wait3A_137 = tpu.memref_slice %arg3[%mul3A_134, %dma_wait3A_136] : memref<2560x125xi32, #tpu.memory_space<hbm>> -> memref<160x125xi32, #tpu.memory_space<hbm>>
    tpu.wait_dma2 semaphore(%arg17 : memref<!tpu.dma_semaphore, #tpu.memory_space<semaphore_mem>>) src(%dma_wait3A_137 : memref<160x125xi32, #tpu.memory_space<hbm>>) dst(%arg10 : memref<160x125xi32, #tpu.memory_space<vmem>>)
    %mul3A_138 = arith.constant 160 : i32
    %mul3A_139 = arith.muli %arg1, %mul3A_138 : i32
    %dma_wait3A_140 = arith.constant 0 : i32
    %dma_wait3A_141 = tpu.memref_slice %arg5[%mul3A_139, %dma_wait3A_140] : memref<2560x125xi32, #tpu.memory_space<hbm>> -> memref<160x125xi32, #tpu.memory_space<hbm>>
    %dma_wait3A_142 = arith.constant 0 : i32
    %dma_wait3A_143 = tpu.memref_slice %arg5[%mul3A_139, %dma_wait3A_142] : memref<2560x125xi32, #tpu.memory_space<hbm>> -> memref<160x125xi32, #tpu.memory_space<hbm>>
    tpu.wait_dma2 semaphore(%arg17 : memref<!tpu.dma_semaphore, #tpu.memory_space<semaphore_mem>>) src(%dma_wait3A_143 : memref<160x125xi32, #tpu.memory_space<hbm>>) dst(%arg11 : memref<160x125xi32, #tpu.memory_space<vmem>>)
    %dma_start3A_144 = arith.constant 3 : i32
    %dma_start3A_145 = arith.constant 0 : i32
    %dma_start3A_146 = arith.constant 0 : i32
    %dma_start3A_147 = arith.constant 0 : i32
    %dma_start3A_148 = tpu.memref_slice %arg12[%dma_start3A_144, %dma_start3A_146, %dma_start3A_147] : memref<4x125x64xf32, #tpu.memory_space<vmem>> -> memref<1x125x64xf32, #tpu.memory_space<vmem>>
    %dma_start3A_149 = tpu.memref_squeeze %dma_start3A_148 : memref<1x125x64xf32, #tpu.memory_space<vmem>> -> memref<125x64xf32, #tpu.memory_space<vmem>>
    %dma_start3A_150 = arith.constant 0 : i32
    %dma_start3A_151 = tpu.memref_slice %arg11[%dma_start3A_145, %dma_start3A_150] : memref<160x125xi32, #tpu.memory_space<vmem>> -> memref<1x125xi32, #tpu.memory_space<vmem>>
    %dma_start3A_152 = tpu.memref_squeeze %dma_start3A_151 : memref<1x125xi32, #tpu.memory_space<vmem>> -> memref<125xi32, #tpu.memory_space<vmem>>
    %dma_start3A_153 = arith.constant 0 : i32
    %dma_start3A_154 = arith.constant 0 : i32
    %dma_start3A_155 = tpu.memref_slice %arg13[%dma_start3A_153, %dma_start3A_154] : memref<10000x64xf32, #tpu.memory_space<vmem_shared>> -> memref<10000x64xf32, #tpu.memory_space<vmem_shared>>
    tpu.enqueue_indirect_dma source(%dma_start3A_149 : memref<125x64xf32, #tpu.memory_space<vmem>>) target(%dma_start3A_155 : memref<10000x64xf32, #tpu.memory_space<vmem_shared>>) offsets(%dma_start3A_152 : memref<125xi32, #tpu.memory_space<vmem>>) semaphore(%arg24 : memref<!tpu.dma_semaphore, #tpu.memory_space<semaphore_mem>>) {add = true}
    %eq3A_156 = arith.constant 0 : i32
    %eq3A_157 = arith.cmpi eq, %arg0, %eq3A_156 : i32
    %convert_element_type3A_158 = arith.extui %eq3A_157 : i1 to i32
    %cond3A_159 = arith.constant 0 : i32
    %cond3A_160 = arith.cmpi ne, %convert_element_type3A_158, %cond3A_159 : i32
    scf.if %cond3A_160 {
      %dma_start3A_338 = arith.constant 0 : i32
      %dma_start3A_339 = arith.constant 0 : i32
      %dma_start3A_340 = tpu.memref_slice %arg11[%dma_start3A_338, %dma_start3A_339] : memref<160x125xi32, #tpu.memory_space<vmem>> -> memref<1x125xi32, #tpu.memory_space<vmem>>
      %dma_start3A_341 = tpu.memref_squeeze %dma_start3A_340 : memref<1x125xi32, #tpu.memory_space<vmem>> -> memref<125xi32, #tpu.memory_space<vmem>>
      %dma_start3A_342 = arith.constant 0 : i32
      %dma_start3A_343 = arith.constant 0 : i32
      %dma_start3A_344 = tpu.memref_slice %arg16[%dma_start3A_342, %dma_start3A_343] : memref<10000x16xf32, #tpu.memory_space<vmem_shared>> -> memref<10000x16xf32, #tpu.memory_space<vmem_shared>>
      tpu.enqueue_indirect_dma source(%arg15 : memref<125x16xf32, #tpu.memory_space<vmem>>) target(%dma_start3A_344 : memref<10000x16xf32, #tpu.memory_space<vmem_shared>>) offsets(%dma_start3A_341 : memref<125xi32, #tpu.memory_space<vmem>>) semaphore(%arg24 : memref<!tpu.dma_semaphore, #tpu.memory_space<semaphore_mem>>) {add = true}
    } else {
    }
    %dma_start3A_161 = arith.constant 0 : i32
    %dma_start3A_162 = arith.constant 0 : i32
    %dma_start3A_163 = arith.constant 0 : i32
    %dma_start3A_164 = arith.constant 0 : i32
    %dma_start3A_165 = tpu.memref_slice %arg12[%dma_start3A_162, %dma_start3A_163, %dma_start3A_164] : memref<4x125x64xf32, #tpu.memory_space<vmem>> -> memref<1x125x64xf32, #tpu.memory_space<vmem>>
    %dma_start3A_166 = tpu.memref_squeeze %dma_start3A_165 : memref<1x125x64xf32, #tpu.memory_space<vmem>> -> memref<125x64xf32, #tpu.memory_space<vmem>>
    %dma_start3A_167 = arith.constant 0 : i32
    %dma_start3A_168 = tpu.memref_slice %arg10[%dma_start3A_161, %dma_start3A_167] : memref<160x125xi32, #tpu.memory_space<vmem>> -> memref<1x125xi32, #tpu.memory_space<vmem>>
    %dma_start3A_169 = tpu.memref_squeeze %dma_start3A_168 : memref<1x125xi32, #tpu.memory_space<vmem>> -> memref<125xi32, #tpu.memory_space<vmem>>
    %dma_start3A_170 = arith.constant 0 : i32
    %dma_start3A_171 = arith.constant 0 : i32
    %dma_start3A_172 = tpu.memref_slice %arg2[%dma_start3A_170, %dma_start3A_171] : memref<20000x64xf32, #tpu.memory_space<hbm>> -> memref<20000x64xf32, #tpu.memory_space<hbm>>
    tpu.enqueue_indirect_dma source(%dma_start3A_172 : memref<20000x64xf32, #tpu.memory_space<hbm>>) target(%dma_start3A_166 : memref<125x64xf32, #tpu.memory_space<vmem>>) offsets(%dma_start3A_169 : memref<125xi32, #tpu.memory_space<vmem>>) semaphore(%arg17 : memref<!tpu.dma_semaphore, #tpu.memory_space<semaphore_mem>>)
    %dma_start3A_173 = arith.constant 1 : i32
    %dma_start3A_174 = arith.constant 1 : i32
    %dma_start3A_175 = arith.constant 0 : i32
    %dma_start3A_176 = arith.constant 0 : i32
    %dma_start3A_177 = tpu.memref_slice %arg12[%dma_start3A_174, %dma_start3A_175, %dma_start3A_176] : memref<4x125x64xf32, #tpu.memory_space<vmem>> -> memref<1x125x64xf32, #tpu.memory_space<vmem>>
    %dma_start3A_178 = tpu.memref_squeeze %dma_start3A_177 : memref<1x125x64xf32, #tpu.memory_space<vmem>> -> memref<125x64xf32, #tpu.memory_space<vmem>>
    %dma_start3A_179 = arith.constant 0 : i32
    %dma_start3A_180 = tpu.memref_slice %arg10[%dma_start3A_173, %dma_start3A_179] : memref<160x125xi32, #tpu.memory_space<vmem>> -> memref<1x125xi32, #tpu.memory_space<vmem>>
    %dma_start3A_181 = tpu.memref_squeeze %dma_start3A_180 : memref<1x125xi32, #tpu.memory_space<vmem>> -> memref<125xi32, #tpu.memory_space<vmem>>
    %dma_start3A_182 = arith.constant 0 : i32
    %dma_start3A_183 = arith.constant 0 : i32
    %dma_start3A_184 = tpu.memref_slice %arg2[%dma_start3A_182, %dma_start3A_183] : memref<20000x64xf32, #tpu.memory_space<hbm>> -> memref<20000x64xf32, #tpu.memory_space<hbm>>
    tpu.enqueue_indirect_dma source(%dma_start3A_184 : memref<20000x64xf32, #tpu.memory_space<hbm>>) target(%dma_start3A_178 : memref<125x64xf32, #tpu.memory_space<vmem>>) offsets(%dma_start3A_181 : memref<125xi32, #tpu.memory_space<vmem>>) semaphore(%arg18 : memref<!tpu.dma_semaphore, #tpu.memory_space<semaphore_mem>>)
    %dma_start3A_185 = arith.constant 2 : i32
    %dma_start3A_186 = arith.constant 2 : i32
    %dma_start3A_187 = arith.constant 0 : i32
    %dma_start3A_188 = arith.constant 0 : i32
    %dma_start3A_189 = tpu.memref_slice %arg12[%dma_start3A_186, %dma_start3A_187, %dma_start3A_188] : memref<4x125x64xf32, #tpu.memory_space<vmem>> -> memref<1x125x64xf32, #tpu.memory_space<vmem>>
    %dma_start3A_190 = tpu.memref_squeeze %dma_start3A_189 : memref<1x125x64xf32, #tpu.memory_space<vmem>> -> memref<125x64xf32, #tpu.memory_space<vmem>>
    %dma_start3A_191 = arith.constant 0 : i32
    %dma_start3A_192 = tpu.memref_slice %arg10[%dma_start3A_185, %dma_start3A_191] : memref<160x125xi32, #tpu.memory_space<vmem>> -> memref<1x125xi32, #tpu.memory_space<vmem>>
    %dma_start3A_193 = tpu.memref_squeeze %dma_start3A_192 : memref<1x125xi32, #tpu.memory_space<vmem>> -> memref<125xi32, #tpu.memory_space<vmem>>
    %dma_start3A_194 = arith.constant 0 : i32
    %dma_start3A_195 = arith.constant 0 : i32
    %dma_start3A_196 = tpu.memref_slice %arg2[%dma_start3A_194, %dma_start3A_195] : memref<20000x64xf32, #tpu.memory_space<hbm>> -> memref<20000x64xf32, #tpu.memory_space<hbm>>
    tpu.enqueue_indirect_dma source(%dma_start3A_196 : memref<20000x64xf32, #tpu.memory_space<hbm>>) target(%dma_start3A_190 : memref<125x64xf32, #tpu.memory_space<vmem>>) offsets(%dma_start3A_193 : memref<125xi32, #tpu.memory_space<vmem>>) semaphore(%arg19 : memref<!tpu.dma_semaphore, #tpu.memory_space<semaphore_mem>>)
    %scan3A_197 = arith.constant 0 : i32
    %scan3A_198 = arith.constant 0 : i32
    %scan3A_199 = arith.constant 3 : i32
    %scan3A_200 = arith.constant 1 : i32
    %scan3A_201 = arith.constant 2 : i32
    %scan3A_202 = arith.constant 0 : i32
    %scan3A_203 = arith.constant 40 : i32
    %scan3A_204 = arith.addi %scan3A_202, %scan3A_203 : i32
    %scan3A_205 = arith.constant 1 : i32
    scf.for %scan3A_338 = %scan3A_202 to %scan3A_204 step %scan3A_205  : i32 {
      %mul3A_339 = arith.constant 4 : i32
      %mul3A_340 = arith.muli %mul3A_339, %scan3A_338 : i32
      %add3A_341 = arith.constant 0 : i32
      %add3A_342 = arith.addi %mul3A_340, %add3A_341 : i32
      %dma_wait3A_343 = arith.constant 0 : i32
      %dma_wait3A_344 = arith.constant 0 : i32
      %dma_wait3A_345 = arith.constant 0 : i32
      %dma_wait3A_346 = tpu.memref_slice %arg12[%scan3A_198, %dma_wait3A_344, %dma_wait3A_345] : memref<4x125x64xf32, #tpu.memory_space<vmem>> -> memref<1x125x64xf32, #tpu.memory_space<vmem>>
      %dma_wait3A_347 = tpu.memref_squeeze %dma_wait3A_346 : memref<1x125x64xf32, #tpu.memory_space<vmem>> -> memref<125x64xf32, #tpu.memory_space<vmem>>
      %dma_wait3A_348 = arith.constant 0 : i32
      %dma_wait3A_349 = tpu.memref_slice %arg10[%dma_wait3A_343, %dma_wait3A_348] : memref<160x125xi32, #tpu.memory_space<vmem>> -> memref<1x125xi32, #tpu.memory_space<vmem>>
      %dma_wait3A_350 = tpu.memref_squeeze %dma_wait3A_349 : memref<1x125xi32, #tpu.memory_space<vmem>> -> memref<125xi32, #tpu.memory_space<vmem>>
      %dma_wait3A_351 = arith.constant 0 : i32
      %dma_wait3A_352 = arith.constant 0 : i32
      %dma_wait3A_353 = tpu.memref_slice %arg2[%dma_wait3A_351, %dma_wait3A_352] : memref<20000x64xf32, #tpu.memory_space<hbm>> -> memref<20000x64xf32, #tpu.memory_space<hbm>>
      tpu.wait_indirect_dma semaphore(%arg17 : memref<!tpu.dma_semaphore, #tpu.memory_space<semaphore_mem>>) src(%dma_wait3A_353 : memref<20000x64xf32, #tpu.memory_space<hbm>>) dst(%dma_wait3A_347 : memref<125x64xf32, #tpu.memory_space<vmem>>)
      %sub3A = arith.constant 1 : i32
      %sub3A_354 = arith.subi %add3A_342, %sub3A : i32
      %dma_wait3A_355 = arith.constant 0 : i32
      %dma_wait3A_356 = arith.constant 0 : i32
      %dma_wait3A_357 = arith.constant 0 : i32
      %dma_wait3A_358 = tpu.memref_slice %arg12[%scan3A_199, %dma_wait3A_356, %dma_wait3A_357] : memref<4x125x64xf32, #tpu.memory_space<vmem>> -> memref<1x125x64xf32, #tpu.memory_space<vmem>>
      %dma_wait3A_359 = tpu.memref_squeeze %dma_wait3A_358 : memref<1x125x64xf32, #tpu.memory_space<vmem>> -> memref<125x64xf32, #tpu.memory_space<vmem>>
      %dma_wait3A_360 = arith.constant 0 : i32
      %dma_wait3A_361 = tpu.memref_slice %arg11[%dma_wait3A_355, %dma_wait3A_360] : memref<160x125xi32, #tpu.memory_space<vmem>> -> memref<1x125xi32, #tpu.memory_space<vmem>>
      %dma_wait3A_362 = tpu.memref_squeeze %dma_wait3A_361 : memref<1x125xi32, #tpu.memory_space<vmem>> -> memref<125xi32, #tpu.memory_space<vmem>>
      %dma_wait3A_363 = arith.constant 0 : i32
      %dma_wait3A_364 = arith.constant 0 : i32
      %dma_wait3A_365 = tpu.memref_slice %arg13[%dma_wait3A_363, %dma_wait3A_364] : memref<10000x64xf32, #tpu.memory_space<vmem_shared>> -> memref<10000x64xf32, #tpu.memory_space<vmem_shared>>
      tpu.wait_indirect_dma semaphore(%arg24 : memref<!tpu.dma_semaphore, #tpu.memory_space<semaphore_mem>>) src(%dma_wait3A_359 : memref<125x64xf32, #tpu.memory_space<vmem>>) dst(%dma_wait3A_365 : memref<10000x64xf32, #tpu.memory_space<vmem_shared>>)
      %lt3A_366 = arith.constant 80 : i32
      %lt3A_367 = arith.cmpi slt, %sub3A_354, %lt3A_366 : i32
      %eq3A_368 = arith.constant 1 : i32
      %eq3A_369 = arith.cmpi eq, %arg0, %eq3A_368 : i32
      %xor3A_370 = arith.xori %lt3A_367, %eq3A_369 : i1
      %convert_element_type3A_371 = arith.extui %xor3A_370 : i1 to i32
      %cond3A_372 = arith.constant 0 : i32
      %cond3A_373 = arith.cmpi ne, %convert_element_type3A_371, %cond3A_372 : i32
      scf.if %cond3A_373 {
        %dma_wait3A_582 = arith.constant 0 : i32
        %dma_wait3A_583 = arith.constant 0 : i32
        %dma_wait3A_584 = tpu.memref_slice %arg11[%dma_wait3A_582, %dma_wait3A_583] : memref<160x125xi32, #tpu.memory_space<vmem>> -> memref<1x125xi32, #tpu.memory_space<vmem>>
        %dma_wait3A_585 = tpu.memref_squeeze %dma_wait3A_584 : memref<1x125xi32, #tpu.memory_space<vmem>> -> memref<125xi32, #tpu.memory_space<vmem>>
        %dma_wait3A_586 = arith.constant 0 : i32
        %dma_wait3A_587 = arith.constant 0 : i32
        %dma_wait3A_588 = tpu.memref_slice %arg16[%dma_wait3A_586, %dma_wait3A_587] : memref<10000x16xf32, #tpu.memory_space<vmem_shared>> -> memref<10000x16xf32, #tpu.memory_space<vmem_shared>>
        tpu.wait_indirect_dma semaphore(%arg24 : memref<!tpu.dma_semaphore, #tpu.memory_space<semaphore_mem>>) src(%arg14 : memref<125x16xf32, #tpu.memory_space<vmem>>) dst(%dma_wait3A_588 : memref<10000x16xf32, #tpu.memory_space<vmem_shared>>)
      } else {
      }
      %add3A_374 = arith.constant 3 : i32
      %add3A_375 = arith.addi %add3A_342, %add3A_374 : i32
      %lt3A_376 = arith.constant 160 : i32
      %lt3A_377 = arith.cmpi slt, %add3A_375, %lt3A_376 : i32
      %convert_element_type3A_378 = arith.extui %lt3A_377 : i1 to i32
      %cond3A_379 = arith.constant 0 : i32
      %cond3A_380 = arith.cmpi ne, %convert_element_type3A_378, %cond3A_379 : i32
      scf.if %cond3A_380 {
        %add3A_582 = arith.constant 3 : i32
        %add3A_583 = arith.addi %add3A_342, %add3A_582 : i32
        %dma_start3A_584 = arith.constant 0 : i32
        %dma_start3A_585 = arith.constant 0 : i32
        %dma_start3A_586 = tpu.memref_slice %arg12[%scan3A_199, %dma_start3A_584, %dma_start3A_585] : memref<4x125x64xf32, #tpu.memory_space<vmem>> -> memref<1x125x64xf32, #tpu.memory_space<vmem>>
        %dma_start3A_587 = tpu.memref_squeeze %dma_start3A_586 : memref<1x125x64xf32, #tpu.memory_space<vmem>> -> memref<125x64xf32, #tpu.memory_space<vmem>>
        %dma_start3A_588 = arith.constant 0 : i32
        %dma_start3A_589 = tpu.memref_slice %arg10[%add3A_583, %dma_start3A_588] : memref<160x125xi32, #tpu.memory_space<vmem>> -> memref<1x125xi32, #tpu.memory_space<vmem>>
        %dma_start3A_590 = tpu.memref_squeeze %dma_start3A_589 : memref<1x125xi32, #tpu.memory_space<vmem>> -> memref<125xi32, #tpu.memory_space<vmem>>
        %dma_start3A_591 = arith.constant 0 : i32
        %dma_start3A_592 = arith.constant 0 : i32
        %dma_start3A_593 = tpu.memref_slice %arg2[%dma_start3A_591, %dma_start3A_592] : memref<20000x64xf32, #tpu.memory_space<hbm>> -> memref<20000x64xf32, #tpu.memory_space<hbm>>
        tpu.enqueue_indirect_dma source(%dma_start3A_593 : memref<20000x64xf32, #tpu.memory_space<hbm>>) target(%dma_start3A_587 : memref<125x64xf32, #tpu.memory_space<vmem>>) offsets(%dma_start3A_590 : memref<125xi32, #tpu.memory_space<vmem>>) semaphore(%arg20 : memref<!tpu.dma_semaphore, #tpu.memory_space<semaphore_mem>>)
      } else {
      }
      %dma_start3A_381 = arith.constant 0 : i32
      %dma_start3A_382 = arith.constant 0 : i32
      %dma_start3A_383 = tpu.memref_slice %arg12[%scan3A_198, %dma_start3A_381, %dma_start3A_382] : memref<4x125x64xf32, #tpu.memory_space<vmem>> -> memref<1x125x64xf32, #tpu.memory_space<vmem>>
      %dma_start3A_384 = tpu.memref_squeeze %dma_start3A_383 : memref<1x125x64xf32, #tpu.memory_space<vmem>> -> memref<125x64xf32, #tpu.memory_space<vmem>>
      %dma_start3A_385 = arith.constant 0 : i32
      %dma_start3A_386 = tpu.memref_slice %arg11[%add3A_342, %dma_start3A_385] : memref<160x125xi32, #tpu.memory_space<vmem>> -> memref<1x125xi32, #tpu.memory_space<vmem>>
      %dma_start3A_387 = tpu.memref_squeeze %dma_start3A_386 : memref<1x125xi32, #tpu.memory_space<vmem>> -> memref<125xi32, #tpu.memory_space<vmem>>
      %dma_start3A_388 = arith.constant 0 : i32
      %dma_start3A_389 = arith.constant 0 : i32
      %dma_start3A_390 = tpu.memref_slice %arg13[%dma_start3A_388, %dma_start3A_389] : memref<10000x64xf32, #tpu.memory_space<vmem_shared>> -> memref<10000x64xf32, #tpu.memory_space<vmem_shared>>
      tpu.enqueue_indirect_dma source(%dma_start3A_384 : memref<125x64xf32, #tpu.memory_space<vmem>>) target(%dma_start3A_390 : memref<10000x64xf32, #tpu.memory_space<vmem_shared>>) offsets(%dma_start3A_387 : memref<125xi32, #tpu.memory_space<vmem>>) semaphore(%arg21 : memref<!tpu.dma_semaphore, #tpu.memory_space<semaphore_mem>>) {add = true}
      %lt3A_391 = arith.constant 80 : i32
      %lt3A_392 = arith.cmpi slt, %add3A_342, %lt3A_391 : i32
      %eq3A_393 = arith.constant 1 : i32
      %eq3A_394 = arith.cmpi eq, %arg0, %eq3A_393 : i32
      %xor3A_395 = arith.xori %lt3A_392, %eq3A_394 : i1
      %convert_element_type3A_396 = arith.extui %xor3A_395 : i1 to i32
      %cond3A_397 = arith.constant 0 : i32
      %cond3A_398 = arith.cmpi ne, %convert_element_type3A_396, %cond3A_397 : i32
      scf.if %cond3A_398 {
        %dma_start3A_582 = arith.constant 0 : i32
        %dma_start3A_583 = tpu.memref_slice %arg11[%add3A_342, %dma_start3A_582] : memref<160x125xi32, #tpu.memory_space<vmem>> -> memref<1x125xi32, #tpu.memory_space<vmem>>
        %dma_start3A_584 = tpu.memref_squeeze %dma_start3A_583 : memref<1x125xi32, #tpu.memory_space<vmem>> -> memref<125xi32, #tpu.memory_space<vmem>>
        %dma_start3A_585 = arith.constant 0 : i32
        %dma_start3A_586 = arith.constant 0 : i32
        %dma_start3A_587 = tpu.memref_slice %arg16[%dma_start3A_585, %dma_start3A_586] : memref<10000x16xf32, #tpu.memory_space<vmem_shared>> -> memref<10000x16xf32, #tpu.memory_space<vmem_shared>>
        tpu.enqueue_indirect_dma source(%arg14 : memref<125x16xf32, #tpu.memory_space<vmem>>) target(%dma_start3A_587 : memref<10000x16xf32, #tpu.memory_space<vmem_shared>>) offsets(%dma_start3A_584 : memref<125xi32, #tpu.memory_space<vmem>>) semaphore(%arg21 : memref<!tpu.dma_semaphore, #tpu.memory_space<semaphore_mem>>) {add = true}
      } else {
      }
      %mul3A_399 = arith.constant 4 : i32
      %mul3A_400 = arith.muli %mul3A_399, %scan3A_338 : i32
      %add3A_401 = arith.constant 1 : i32
      %add3A_402 = arith.addi %mul3A_400, %add3A_401 : i32
      %dma_wait3A_403 = arith.constant 0 : i32
      %dma_wait3A_404 = arith.constant 0 : i32
      %dma_wait3A_405 = arith.constant 0 : i32
      %dma_wait3A_406 = tpu.memref_slice %arg12[%scan3A_200, %dma_wait3A_404, %dma_wait3A_405] : memref<4x125x64xf32, #tpu.memory_space<vmem>> -> memref<1x125x64xf32, #tpu.memory_space<vmem>>
      %dma_wait3A_407 = tpu.memref_squeeze %dma_wait3A_406 : memref<1x125x64xf32, #tpu.memory_space<vmem>> -> memref<125x64xf32, #tpu.memory_space<vmem>>
      %dma_wait3A_408 = arith.constant 0 : i32
      %dma_wait3A_409 = tpu.memref_slice %arg10[%dma_wait3A_403, %dma_wait3A_408] : memref<160x125xi32, #tpu.memory_space<vmem>> -> memref<1x125xi32, #tpu.memory_space<vmem>>
      %dma_wait3A_410 = tpu.memref_squeeze %dma_wait3A_409 : memref<1x125xi32, #tpu.memory_space<vmem>> -> memref<125xi32, #tpu.memory_space<vmem>>
      %dma_wait3A_411 = arith.constant 0 : i32
      %dma_wait3A_412 = arith.constant 0 : i32
      %dma_wait3A_413 = tpu.memref_slice %arg2[%dma_wait3A_411, %dma_wait3A_412] : memref<20000x64xf32, #tpu.memory_space<hbm>> -> memref<20000x64xf32, #tpu.memory_space<hbm>>
      tpu.wait_indirect_dma semaphore(%arg18 : memref<!tpu.dma_semaphore, #tpu.memory_space<semaphore_mem>>) src(%dma_wait3A_413 : memref<20000x64xf32, #tpu.memory_space<hbm>>) dst(%dma_wait3A_407 : memref<125x64xf32, #tpu.memory_space<vmem>>)
      %sub3A_414 = arith.constant 1 : i32
      %sub3A_415 = arith.subi %add3A_402, %sub3A_414 : i32
      %dma_wait3A_416 = arith.constant 0 : i32
      %dma_wait3A_417 = arith.constant 0 : i32
      %dma_wait3A_418 = arith.constant 0 : i32
      %dma_wait3A_419 = tpu.memref_slice %arg12[%scan3A_198, %dma_wait3A_417, %dma_wait3A_418] : memref<4x125x64xf32, #tpu.memory_space<vmem>> -> memref<1x125x64xf32, #tpu.memory_space<vmem>>
      %dma_wait3A_420 = tpu.memref_squeeze %dma_wait3A_419 : memref<1x125x64xf32, #tpu.memory_space<vmem>> -> memref<125x64xf32, #tpu.memory_space<vmem>>
      %dma_wait3A_421 = arith.constant 0 : i32
      %dma_wait3A_422 = tpu.memref_slice %arg11[%dma_wait3A_416, %dma_wait3A_421] : memref<160x125xi32, #tpu.memory_space<vmem>> -> memref<1x125xi32, #tpu.memory_space<vmem>>
      %dma_wait3A_423 = tpu.memref_squeeze %dma_wait3A_422 : memref<1x125xi32, #tpu.memory_space<vmem>> -> memref<125xi32, #tpu.memory_space<vmem>>
      %dma_wait3A_424 = arith.constant 0 : i32
      %dma_wait3A_425 = arith.constant 0 : i32
      %dma_wait3A_426 = tpu.memref_slice %arg13[%dma_wait3A_424, %dma_wait3A_425] : memref<10000x64xf32, #tpu.memory_space<vmem_shared>> -> memref<10000x64xf32, #tpu.memory_space<vmem_shared>>
      tpu.wait_indirect_dma semaphore(%arg21 : memref<!tpu.dma_semaphore, #tpu.memory_space<semaphore_mem>>) src(%dma_wait3A_420 : memref<125x64xf32, #tpu.memory_space<vmem>>) dst(%dma_wait3A_426 : memref<10000x64xf32, #tpu.memory_space<vmem_shared>>)
      %lt3A_427 = arith.constant 80 : i32
      %lt3A_428 = arith.cmpi slt, %sub3A_415, %lt3A_427 : i32
      %eq3A_429 = arith.constant 1 : i32
      %eq3A_430 = arith.cmpi eq, %arg0, %eq3A_429 : i32
      %xor3A_431 = arith.xori %lt3A_428, %eq3A_430 : i1
      %convert_element_type3A_432 = arith.extui %xor3A_431 : i1 to i32
      %cond3A_433 = arith.constant 0 : i32
      %cond3A_434 = arith.cmpi ne, %convert_element_type3A_432, %cond3A_433 : i32
      scf.if %cond3A_434 {
        %dma_wait3A_582 = arith.constant 0 : i32
        %dma_wait3A_583 = arith.constant 0 : i32
        %dma_wait3A_584 = tpu.memref_slice %arg11[%dma_wait3A_582, %dma_wait3A_583] : memref<160x125xi32, #tpu.memory_space<vmem>> -> memref<1x125xi32, #tpu.memory_space<vmem>>
        %dma_wait3A_585 = tpu.memref_squeeze %dma_wait3A_584 : memref<1x125xi32, #tpu.memory_space<vmem>> -> memref<125xi32, #tpu.memory_space<vmem>>
        %dma_wait3A_586 = arith.constant 0 : i32
        %dma_wait3A_587 = arith.constant 0 : i32
        %dma_wait3A_588 = tpu.memref_slice %arg16[%dma_wait3A_586, %dma_wait3A_587] : memref<10000x16xf32, #tpu.memory_space<vmem_shared>> -> memref<10000x16xf32, #tpu.memory_space<vmem_shared>>
        tpu.wait_indirect_dma semaphore(%arg21 : memref<!tpu.dma_semaphore, #tpu.memory_space<semaphore_mem>>) src(%arg14 : memref<125x16xf32, #tpu.memory_space<vmem>>) dst(%dma_wait3A_588 : memref<10000x16xf32, #tpu.memory_space<vmem_shared>>)
      } else {
      }
      %add3A_435 = arith.constant 3 : i32
      %add3A_436 = arith.addi %add3A_402, %add3A_435 : i32
      %lt3A_437 = arith.constant 160 : i32
      %lt3A_438 = arith.cmpi slt, %add3A_436, %lt3A_437 : i32
      %convert_element_type3A_439 = arith.extui %lt3A_438 : i1 to i32
      %cond3A_440 = arith.constant 0 : i32
      %cond3A_441 = arith.cmpi ne, %convert_element_type3A_439, %cond3A_440 : i32
      scf.if %cond3A_441 {
        %add3A_582 = arith.constant 3 : i32
        %add3A_583 = arith.addi %add3A_402, %add3A_582 : i32
        %dma_start3A_584 = arith.constant 0 : i32
        %dma_start3A_585 = arith.constant 0 : i32
        %dma_start3A_586 = tpu.memref_slice %arg12[%scan3A_198, %dma_start3A_584, %dma_start3A_585] : memref<4x125x64xf32, #tpu.memory_space<vmem>> -> memref<1x125x64xf32, #tpu.memory_space<vmem>>
        %dma_start3A_587 = tpu.memref_squeeze %dma_start3A_586 : memref<1x125x64xf32, #tpu.memory_space<vmem>> -> memref<125x64xf32, #tpu.memory_space<vmem>>
        %dma_start3A_588 = arith.constant 0 : i32
        %dma_start3A_589 = tpu.memref_slice %arg10[%add3A_583, %dma_start3A_588] : memref<160x125xi32, #tpu.memory_space<vmem>> -> memref<1x125xi32, #tpu.memory_space<vmem>>
        %dma_start3A_590 = tpu.memref_squeeze %dma_start3A_589 : memref<1x125xi32, #tpu.memory_space<vmem>> -> memref<125xi32, #tpu.memory_space<vmem>>
        %dma_start3A_591 = arith.constant 0 : i32
        %dma_start3A_592 = arith.constant 0 : i32
        %dma_start3A_593 = tpu.memref_slice %arg2[%dma_start3A_591, %dma_start3A_592] : memref<20000x64xf32, #tpu.memory_space<hbm>> -> memref<20000x64xf32, #tpu.memory_space<hbm>>
        tpu.enqueue_indirect_dma source(%dma_start3A_593 : memref<20000x64xf32, #tpu.memory_space<hbm>>) target(%dma_start3A_587 : memref<125x64xf32, #tpu.memory_space<vmem>>) offsets(%dma_start3A_590 : memref<125xi32, #tpu.memory_space<vmem>>) semaphore(%arg17 : memref<!tpu.dma_semaphore, #tpu.memory_space<semaphore_mem>>)
      } else {
      }
      %dma_start3A_442 = arith.constant 0 : i32
      %dma_start3A_443 = arith.constant 0 : i32
      %dma_start3A_444 = tpu.memref_slice %arg12[%scan3A_200, %dma_start3A_442, %dma_start3A_443] : memref<4x125x64xf32, #tpu.memory_space<vmem>> -> memref<1x125x64xf32, #tpu.memory_space<vmem>>
      %dma_start3A_445 = tpu.memref_squeeze %dma_start3A_444 : memref<1x125x64xf32, #tpu.memory_space<vmem>> -> memref<125x64xf32, #tpu.memory_space<vmem>>
      %dma_start3A_446 = arith.constant 0 : i32
      %dma_start3A_447 = tpu.memref_slice %arg11[%add3A_402, %dma_start3A_446] : memref<160x125xi32, #tpu.memory_space<vmem>> -> memref<1x125xi32, #tpu.memory_space<vmem>>
      %dma_start3A_448 = tpu.memref_squeeze %dma_start3A_447 : memref<1x125xi32, #tpu.memory_space<vmem>> -> memref<125xi32, #tpu.memory_space<vmem>>
      %dma_start3A_449 = arith.constant 0 : i32
      %dma_start3A_450 = arith.constant 0 : i32
      %dma_start3A_451 = tpu.memref_slice %arg13[%dma_start3A_449, %dma_start3A_450] : memref<10000x64xf32, #tpu.memory_space<vmem_shared>> -> memref<10000x64xf32, #tpu.memory_space<vmem_shared>>
      tpu.enqueue_indirect_dma source(%dma_start3A_445 : memref<125x64xf32, #tpu.memory_space<vmem>>) target(%dma_start3A_451 : memref<10000x64xf32, #tpu.memory_space<vmem_shared>>) offsets(%dma_start3A_448 : memref<125xi32, #tpu.memory_space<vmem>>) semaphore(%arg22 : memref<!tpu.dma_semaphore, #tpu.memory_space<semaphore_mem>>) {add = true}
      %lt3A_452 = arith.constant 80 : i32
      %lt3A_453 = arith.cmpi slt, %add3A_402, %lt3A_452 : i32
      %eq3A_454 = arith.constant 1 : i32
      %eq3A_455 = arith.cmpi eq, %arg0, %eq3A_454 : i32
      %xor3A_456 = arith.xori %lt3A_453, %eq3A_455 : i1
      %convert_element_type3A_457 = arith.extui %xor3A_456 : i1 to i32
      %cond3A_458 = arith.constant 0 : i32
      %cond3A_459 = arith.cmpi ne, %convert_element_type3A_457, %cond3A_458 : i32
      scf.if %cond3A_459 {
        %dma_start3A_582 = arith.constant 0 : i32
        %dma_start3A_583 = tpu.memref_slice %arg11[%add3A_402, %dma_start3A_582] : memref<160x125xi32, #tpu.memory_space<vmem>> -> memref<1x125xi32, #tpu.memory_space<vmem>>
        %dma_start3A_584 = tpu.memref_squeeze %dma_start3A_583 : memref<1x125xi32, #tpu.memory_space<vmem>> -> memref<125xi32, #tpu.memory_space<vmem>>
        %dma_start3A_585 = arith.constant 0 : i32
        %dma_start3A_586 = arith.constant 0 : i32
        %dma_start3A_587 = tpu.memref_slice %arg16[%dma_start3A_585, %dma_start3A_586] : memref<10000x16xf32, #tpu.memory_space<vmem_shared>> -> memref<10000x16xf32, #tpu.memory_space<vmem_shared>>
        tpu.enqueue_indirect_dma source(%arg14 : memref<125x16xf32, #tpu.memory_space<vmem>>) target(%dma_start3A_587 : memref<10000x16xf32, #tpu.memory_space<vmem_shared>>) offsets(%dma_start3A_584 : memref<125xi32, #tpu.memory_space<vmem>>) semaphore(%arg22 : memref<!tpu.dma_semaphore, #tpu.memory_space<semaphore_mem>>) {add = true}
      } else {
      }
      %mul3A_460 = arith.constant 4 : i32
      %mul3A_461 = arith.muli %mul3A_460, %scan3A_338 : i32
      %add3A_462 = arith.constant 2 : i32
      %add3A_463 = arith.addi %mul3A_461, %add3A_462 : i32
      %dma_wait3A_464 = arith.constant 0 : i32
      %dma_wait3A_465 = arith.constant 0 : i32
      %dma_wait3A_466 = arith.constant 0 : i32
      %dma_wait3A_467 = tpu.memref_slice %arg12[%scan3A_201, %dma_wait3A_465, %dma_wait3A_466] : memref<4x125x64xf32, #tpu.memory_space<vmem>> -> memref<1x125x64xf32, #tpu.memory_space<vmem>>
      %dma_wait3A_468 = tpu.memref_squeeze %dma_wait3A_467 : memref<1x125x64xf32, #tpu.memory_space<vmem>> -> memref<125x64xf32, #tpu.memory_space<vmem>>
      %dma_wait3A_469 = arith.constant 0 : i32
      %dma_wait3A_470 = tpu.memref_slice %arg10[%dma_wait3A_464, %dma_wait3A_469] : memref<160x125xi32, #tpu.memory_space<vmem>> -> memref<1x125xi32, #tpu.memory_space<vmem>>
      %dma_wait3A_471 = tpu.memref_squeeze %dma_wait3A_470 : memref<1x125xi32, #tpu.memory_space<vmem>> -> memref<125xi32, #tpu.memory_space<vmem>>
      %dma_wait3A_472 = arith.constant 0 : i32
      %dma_wait3A_473 = arith.constant 0 : i32
      %dma_wait3A_474 = tpu.memref_slice %arg2[%dma_wait3A_472, %dma_wait3A_473] : memref<20000x64xf32, #tpu.memory_space<hbm>> -> memref<20000x64xf32, #tpu.memory_space<hbm>>
      tpu.wait_indirect_dma semaphore(%arg19 : memref<!tpu.dma_semaphore, #tpu.memory_space<semaphore_mem>>) src(%dma_wait3A_474 : memref<20000x64xf32, #tpu.memory_space<hbm>>) dst(%dma_wait3A_468 : memref<125x64xf32, #tpu.memory_space<vmem>>)
      %sub3A_475 = arith.constant 1 : i32
      %sub3A_476 = arith.subi %add3A_463, %sub3A_475 : i32
      %dma_wait3A_477 = arith.constant 0 : i32
      %dma_wait3A_478 = arith.constant 0 : i32
      %dma_wait3A_479 = arith.constant 0 : i32
      %dma_wait3A_480 = tpu.memref_slice %arg12[%scan3A_200, %dma_wait3A_478, %dma_wait3A_479] : memref<4x125x64xf32, #tpu.memory_space<vmem>> -> memref<1x125x64xf32, #tpu.memory_space<vmem>>
      %dma_wait3A_481 = tpu.memref_squeeze %dma_wait3A_480 : memref<1x125x64xf32, #tpu.memory_space<vmem>> -> memref<125x64xf32, #tpu.memory_space<vmem>>
      %dma_wait3A_482 = arith.constant 0 : i32
      %dma_wait3A_483 = tpu.memref_slice %arg11[%dma_wait3A_477, %dma_wait3A_482] : memref<160x125xi32, #tpu.memory_space<vmem>> -> memref<1x125xi32, #tpu.memory_space<vmem>>
      %dma_wait3A_484 = tpu.memref_squeeze %dma_wait3A_483 : memref<1x125xi32, #tpu.memory_space<vmem>> -> memref<125xi32, #tpu.memory_space<vmem>>
      %dma_wait3A_485 = arith.constant 0 : i32
      %dma_wait3A_486 = arith.constant 0 : i32
      %dma_wait3A_487 = tpu.memref_slice %arg13[%dma_wait3A_485, %dma_wait3A_486] : memref<10000x64xf32, #tpu.memory_space<vmem_shared>> -> memref<10000x64xf32, #tpu.memory_space<vmem_shared>>
      tpu.wait_indirect_dma semaphore(%arg22 : memref<!tpu.dma_semaphore, #tpu.memory_space<semaphore_mem>>) src(%dma_wait3A_481 : memref<125x64xf32, #tpu.memory_space<vmem>>) dst(%dma_wait3A_487 : memref<10000x64xf32, #tpu.memory_space<vmem_shared>>)
      %lt3A_488 = arith.constant 80 : i32
      %lt3A_489 = arith.cmpi slt, %sub3A_476, %lt3A_488 : i32
      %eq3A_490 = arith.constant 1 : i32
      %eq3A_491 = arith.cmpi eq, %arg0, %eq3A_490 : i32
      %xor3A_492 = arith.xori %lt3A_489, %eq3A_491 : i1
      %convert_element_type3A_493 = arith.extui %xor3A_492 : i1 to i32
      %cond3A_494 = arith.constant 0 : i32
      %cond3A_495 = arith.cmpi ne, %convert_element_type3A_493, %cond3A_494 : i32
      scf.if %cond3A_495 {
        %dma_wait3A_582 = arith.constant 0 : i32
        %dma_wait3A_583 = arith.constant 0 : i32
        %dma_wait3A_584 = tpu.memref_slice %arg11[%dma_wait3A_582, %dma_wait3A_583] : memref<160x125xi32, #tpu.memory_space<vmem>> -> memref<1x125xi32, #tpu.memory_space<vmem>>
        %dma_wait3A_585 = tpu.memref_squeeze %dma_wait3A_584 : memref<1x125xi32, #tpu.memory_space<vmem>> -> memref<125xi32, #tpu.memory_space<vmem>>
        %dma_wait3A_586 = arith.constant 0 : i32
        %dma_wait3A_587 = arith.constant 0 : i32
        %dma_wait3A_588 = tpu.memref_slice %arg16[%dma_wait3A_586, %dma_wait3A_587] : memref<10000x16xf32, #tpu.memory_space<vmem_shared>> -> memref<10000x16xf32, #tpu.memory_space<vmem_shared>>
        tpu.wait_indirect_dma semaphore(%arg22 : memref<!tpu.dma_semaphore, #tpu.memory_space<semaphore_mem>>) src(%arg14 : memref<125x16xf32, #tpu.memory_space<vmem>>) dst(%dma_wait3A_588 : memref<10000x16xf32, #tpu.memory_space<vmem_shared>>)
      } else {
      }
      %add3A_496 = arith.constant 3 : i32
      %add3A_497 = arith.addi %add3A_463, %add3A_496 : i32
      %lt3A_498 = arith.constant 160 : i32
      %lt3A_499 = arith.cmpi slt, %add3A_497, %lt3A_498 : i32
      %convert_element_type3A_500 = arith.extui %lt3A_499 : i1 to i32
      %cond3A_501 = arith.constant 0 : i32
      %cond3A_502 = arith.cmpi ne, %convert_element_type3A_500, %cond3A_501 : i32
      scf.if %cond3A_502 {
        %add3A_582 = arith.constant 3 : i32
        %add3A_583 = arith.addi %add3A_463, %add3A_582 : i32
        %dma_start3A_584 = arith.constant 0 : i32
        %dma_start3A_585 = arith.constant 0 : i32
        %dma_start3A_586 = tpu.memref_slice %arg12[%scan3A_200, %dma_start3A_584, %dma_start3A_585] : memref<4x125x64xf32, #tpu.memory_space<vmem>> -> memref<1x125x64xf32, #tpu.memory_space<vmem>>
        %dma_start3A_587 = tpu.memref_squeeze %dma_start3A_586 : memref<1x125x64xf32, #tpu.memory_space<vmem>> -> memref<125x64xf32, #tpu.memory_space<vmem>>
        %dma_start3A_588 = arith.constant 0 : i32
        %dma_start3A_589 = tpu.memref_slice %arg10[%add3A_583, %dma_start3A_588] : memref<160x125xi32, #tpu.memory_space<vmem>> -> memref<1x125xi32, #tpu.memory_space<vmem>>
        %dma_start3A_590 = tpu.memref_squeeze %dma_start3A_589 : memref<1x125xi32, #tpu.memory_space<vmem>> -> memref<125xi32, #tpu.memory_space<vmem>>
        %dma_start3A_591 = arith.constant 0 : i32
        %dma_start3A_592 = arith.constant 0 : i32
        %dma_start3A_593 = tpu.memref_slice %arg2[%dma_start3A_591, %dma_start3A_592] : memref<20000x64xf32, #tpu.memory_space<hbm>> -> memref<20000x64xf32, #tpu.memory_space<hbm>>
        tpu.enqueue_indirect_dma source(%dma_start3A_593 : memref<20000x64xf32, #tpu.memory_space<hbm>>) target(%dma_start3A_587 : memref<125x64xf32, #tpu.memory_space<vmem>>) offsets(%dma_start3A_590 : memref<125xi32, #tpu.memory_space<vmem>>) semaphore(%arg18 : memref<!tpu.dma_semaphore, #tpu.memory_space<semaphore_mem>>)
      } else {
      }
      %dma_start3A_503 = arith.constant 0 : i32
      %dma_start3A_504 = arith.constant 0 : i32
      %dma_start3A_505 = tpu.memref_slice %arg12[%scan3A_201, %dma_start3A_503, %dma_start3A_504] : memref<4x125x64xf32, #tpu.memory_space<vmem>> -> memref<1x125x64xf32, #tpu.memory_space<vmem>>
      %dma_start3A_506 = tpu.memref_squeeze %dma_start3A_505 : memref<1x125x64xf32, #tpu.memory_space<vmem>> -> memref<125x64xf32, #tpu.memory_space<vmem>>
      %dma_start3A_507 = arith.constant 0 : i32
      %dma_start3A_508 = tpu.memref_slice %arg11[%add3A_463, %dma_start3A_507] : memref<160x125xi32, #tpu.memory_space<vmem>> -> memref<1x125xi32, #tpu.memory_space<vmem>>
      %dma_start3A_509 = tpu.memref_squeeze %dma_start3A_508 : memref<1x125xi32, #tpu.memory_space<vmem>> -> memref<125xi32, #tpu.memory_space<vmem>>
      %dma_start3A_510 = arith.constant 0 : i32
      %dma_start3A_511 = arith.constant 0 : i32
      %dma_start3A_512 = tpu.memref_slice %arg13[%dma_start3A_510, %dma_start3A_511] : memref<10000x64xf32, #tpu.memory_space<vmem_shared>> -> memref<10000x64xf32, #tpu.memory_space<vmem_shared>>
      tpu.enqueue_indirect_dma source(%dma_start3A_506 : memref<125x64xf32, #tpu.memory_space<vmem>>) target(%dma_start3A_512 : memref<10000x64xf32, #tpu.memory_space<vmem_shared>>) offsets(%dma_start3A_509 : memref<125xi32, #tpu.memory_space<vmem>>) semaphore(%arg23 : memref<!tpu.dma_semaphore, #tpu.memory_space<semaphore_mem>>) {add = true}
      %lt3A_513 = arith.constant 80 : i32
      %lt3A_514 = arith.cmpi slt, %add3A_463, %lt3A_513 : i32
      %eq3A_515 = arith.constant 1 : i32
      %eq3A_516 = arith.cmpi eq, %arg0, %eq3A_515 : i32
      %xor3A_517 = arith.xori %lt3A_514, %eq3A_516 : i1
      %convert_element_type3A_518 = arith.extui %xor3A_517 : i1 to i32
      %cond3A_519 = arith.constant 0 : i32
      %cond3A_520 = arith.cmpi ne, %convert_element_type3A_518, %cond3A_519 : i32
      scf.if %cond3A_520 {
        %dma_start3A_582 = arith.constant 0 : i32
        %dma_start3A_583 = tpu.memref_slice %arg11[%add3A_463, %dma_start3A_582] : memref<160x125xi32, #tpu.memory_space<vmem>> -> memref<1x125xi32, #tpu.memory_space<vmem>>
        %dma_start3A_584 = tpu.memref_squeeze %dma_start3A_583 : memref<1x125xi32, #tpu.memory_space<vmem>> -> memref<125xi32, #tpu.memory_space<vmem>>
        %dma_start3A_585 = arith.constant 0 : i32
        %dma_start3A_586 = arith.constant 0 : i32
        %dma_start3A_587 = tpu.memref_slice %arg16[%dma_start3A_585, %dma_start3A_586] : memref<10000x16xf32, #tpu.memory_space<vmem_shared>> -> memref<10000x16xf32, #tpu.memory_space<vmem_shared>>
        tpu.enqueue_indirect_dma source(%arg14 : memref<125x16xf32, #tpu.memory_space<vmem>>) target(%dma_start3A_587 : memref<10000x16xf32, #tpu.memory_space<vmem_shared>>) offsets(%dma_start3A_584 : memref<125xi32, #tpu.memory_space<vmem>>) semaphore(%arg23 : memref<!tpu.dma_semaphore, #tpu.memory_space<semaphore_mem>>) {add = true}
      } else {
      }
      %mul3A_521 = arith.constant 4 : i32
      %mul3A_522 = arith.muli %mul3A_521, %scan3A_338 : i32
      %add3A_523 = arith.constant 3 : i32
      %add3A_524 = arith.addi %mul3A_522, %add3A_523 : i32
      %dma_wait3A_525 = arith.constant 0 : i32
      %dma_wait3A_526 = arith.constant 0 : i32
      %dma_wait3A_527 = arith.constant 0 : i32
      %dma_wait3A_528 = tpu.memref_slice %arg12[%scan3A_199, %dma_wait3A_526, %dma_wait3A_527] : memref<4x125x64xf32, #tpu.memory_space<vmem>> -> memref<1x125x64xf32, #tpu.memory_space<vmem>>
      %dma_wait3A_529 = tpu.memref_squeeze %dma_wait3A_528 : memref<1x125x64xf32, #tpu.memory_space<vmem>> -> memref<125x64xf32, #tpu.memory_space<vmem>>
      %dma_wait3A_530 = arith.constant 0 : i32
      %dma_wait3A_531 = tpu.memref_slice %arg10[%dma_wait3A_525, %dma_wait3A_530] : memref<160x125xi32, #tpu.memory_space<vmem>> -> memref<1x125xi32, #tpu.memory_space<vmem>>
      %dma_wait3A_532 = tpu.memref_squeeze %dma_wait3A_531 : memref<1x125xi32, #tpu.memory_space<vmem>> -> memref<125xi32, #tpu.memory_space<vmem>>
      %dma_wait3A_533 = arith.constant 0 : i32
      %dma_wait3A_534 = arith.constant 0 : i32
      %dma_wait3A_535 = tpu.memref_slice %arg2[%dma_wait3A_533, %dma_wait3A_534] : memref<20000x64xf32, #tpu.memory_space<hbm>> -> memref<20000x64xf32, #tpu.memory_space<hbm>>
      tpu.wait_indirect_dma semaphore(%arg20 : memref<!tpu.dma_semaphore, #tpu.memory_space<semaphore_mem>>) src(%dma_wait3A_535 : memref<20000x64xf32, #tpu.memory_space<hbm>>) dst(%dma_wait3A_529 : memref<125x64xf32, #tpu.memory_space<vmem>>)
      %sub3A_536 = arith.constant 1 : i32
      %sub3A_537 = arith.subi %add3A_524, %sub3A_536 : i32
      %dma_wait3A_538 = arith.constant 0 : i32
      %dma_wait3A_539 = arith.constant 0 : i32
      %dma_wait3A_540 = arith.constant 0 : i32
      %dma_wait3A_541 = tpu.memref_slice %arg12[%scan3A_201, %dma_wait3A_539, %dma_wait3A_540] : memref<4x125x64xf32, #tpu.memory_space<vmem>> -> memref<1x125x64xf32, #tpu.memory_space<vmem>>
      %dma_wait3A_542 = tpu.memref_squeeze %dma_wait3A_541 : memref<1x125x64xf32, #tpu.memory_space<vmem>> -> memref<125x64xf32, #tpu.memory_space<vmem>>
      %dma_wait3A_543 = arith.constant 0 : i32
      %dma_wait3A_544 = tpu.memref_slice %arg11[%dma_wait3A_538, %dma_wait3A_543] : memref<160x125xi32, #tpu.memory_space<vmem>> -> memref<1x125xi32, #tpu.memory_space<vmem>>
      %dma_wait3A_545 = tpu.memref_squeeze %dma_wait3A_544 : memref<1x125xi32, #tpu.memory_space<vmem>> -> memref<125xi32, #tpu.memory_space<vmem>>
      %dma_wait3A_546 = arith.constant 0 : i32
      %dma_wait3A_547 = arith.constant 0 : i32
      %dma_wait3A_548 = tpu.memref_slice %arg13[%dma_wait3A_546, %dma_wait3A_547] : memref<10000x64xf32, #tpu.memory_space<vmem_shared>> -> memref<10000x64xf32, #tpu.memory_space<vmem_shared>>
      tpu.wait_indirect_dma semaphore(%arg23 : memref<!tpu.dma_semaphore, #tpu.memory_space<semaphore_mem>>) src(%dma_wait3A_542 : memref<125x64xf32, #tpu.memory_space<vmem>>) dst(%dma_wait3A_548 : memref<10000x64xf32, #tpu.memory_space<vmem_shared>>)
      %lt3A_549 = arith.constant 80 : i32
      %lt3A_550 = arith.cmpi slt, %sub3A_537, %lt3A_549 : i32
      %eq3A_551 = arith.constant 1 : i32
      %eq3A_552 = arith.cmpi eq, %arg0, %eq3A_551 : i32
      %xor3A_553 = arith.xori %lt3A_550, %eq3A_552 : i1
      %convert_element_type3A_554 = arith.extui %xor3A_553 : i1 to i32
      %cond3A_555 = arith.constant 0 : i32
      %cond3A_556 = arith.cmpi ne, %convert_element_type3A_554, %cond3A_555 : i32
      scf.if %cond3A_556 {
        %dma_wait3A_582 = arith.constant 0 : i32
        %dma_wait3A_583 = arith.constant 0 : i32
        %dma_wait3A_584 = tpu.memref_slice %arg11[%dma_wait3A_582, %dma_wait3A_583] : memref<160x125xi32, #tpu.memory_space<vmem>> -> memref<1x125xi32, #tpu.memory_space<vmem>>
        %dma_wait3A_585 = tpu.memref_squeeze %dma_wait3A_584 : memref<1x125xi32, #tpu.memory_space<vmem>> -> memref<125xi32, #tpu.memory_space<vmem>>
        %dma_wait3A_586 = arith.constant 0 : i32
        %dma_wait3A_587 = arith.constant 0 : i32
        %dma_wait3A_588 = tpu.memref_slice %arg16[%dma_wait3A_586, %dma_wait3A_587] : memref<10000x16xf32, #tpu.memory_space<vmem_shared>> -> memref<10000x16xf32, #tpu.memory_space<vmem_shared>>
        tpu.wait_indirect_dma semaphore(%arg23 : memref<!tpu.dma_semaphore, #tpu.memory_space<semaphore_mem>>) src(%arg14 : memref<125x16xf32, #tpu.memory_space<vmem>>) dst(%dma_wait3A_588 : memref<10000x16xf32, #tpu.memory_space<vmem_shared>>)
      } else {
      }
      %add3A_557 = arith.constant 3 : i32
      %add3A_558 = arith.addi %add3A_524, %add3A_557 : i32
      %lt3A_559 = arith.constant 160 : i32
      %lt3A_560 = arith.cmpi slt, %add3A_558, %lt3A_559 : i32
      %convert_element_type3A_561 = arith.extui %lt3A_560 : i1 to i32
      %cond3A_562 = arith.constant 0 : i32
      %cond3A_563 = arith.cmpi ne, %convert_element_type3A_561, %cond3A_562 : i32
      scf.if %cond3A_563 {
        %add3A_582 = arith.constant 3 : i32
        %add3A_583 = arith.addi %add3A_524, %add3A_582 : i32
        %dma_start3A_584 = arith.constant 0 : i32
        %dma_start3A_585 = arith.constant 0 : i32
        %dma_start3A_586 = tpu.memref_slice %arg12[%scan3A_201, %dma_start3A_584, %dma_start3A_585] : memref<4x125x64xf32, #tpu.memory_space<vmem>> -> memref<1x125x64xf32, #tpu.memory_space<vmem>>
        %dma_start3A_587 = tpu.memref_squeeze %dma_start3A_586 : memref<1x125x64xf32, #tpu.memory_space<vmem>> -> memref<125x64xf32, #tpu.memory_space<vmem>>
        %dma_start3A_588 = arith.constant 0 : i32
        %dma_start3A_589 = tpu.memref_slice %arg10[%add3A_583, %dma_start3A_588] : memref<160x125xi32, #tpu.memory_space<vmem>> -> memref<1x125xi32, #tpu.memory_space<vmem>>
        %dma_start3A_590 = tpu.memref_squeeze %dma_start3A_589 : memref<1x125xi32, #tpu.memory_space<vmem>> -> memref<125xi32, #tpu.memory_space<vmem>>
        %dma_start3A_591 = arith.constant 0 : i32
        %dma_start3A_592 = arith.constant 0 : i32
        %dma_start3A_593 = tpu.memref_slice %arg2[%dma_start3A_591, %dma_start3A_592] : memref<20000x64xf32, #tpu.memory_space<hbm>> -> memref<20000x64xf32, #tpu.memory_space<hbm>>
        tpu.enqueue_indirect_dma source(%dma_start3A_593 : memref<20000x64xf32, #tpu.memory_space<hbm>>) target(%dma_start3A_587 : memref<125x64xf32, #tpu.memory_space<vmem>>) offsets(%dma_start3A_590 : memref<125xi32, #tpu.memory_space<vmem>>) semaphore(%arg19 : memref<!tpu.dma_semaphore, #tpu.memory_space<semaphore_mem>>)
      } else {
      }
      %dma_start3A_564 = arith.constant 0 : i32
      %dma_start3A_565 = arith.constant 0 : i32
      %dma_start3A_566 = tpu.memref_slice %arg12[%scan3A_199, %dma_start3A_564, %dma_start3A_565] : memref<4x125x64xf32, #tpu.memory_space<vmem>> -> memref<1x125x64xf32, #tpu.memory_space<vmem>>
      %dma_start3A_567 = tpu.memref_squeeze %dma_start3A_566 : memref<1x125x64xf32, #tpu.memory_space<vmem>> -> memref<125x64xf32, #tpu.memory_space<vmem>>
      %dma_start3A_568 = arith.constant 0 : i32
      %dma_start3A_569 = tpu.memref_slice %arg11[%add3A_524, %dma_start3A_568] : memref<160x125xi32, #tpu.memory_space<vmem>> -> memref<1x125xi32, #tpu.memory_space<vmem>>
      %dma_start3A_570 = tpu.memref_squeeze %dma_start3A_569 : memref<1x125xi32, #tpu.memory_space<vmem>> -> memref<125xi32, #tpu.memory_space<vmem>>
      %dma_start3A_571 = arith.constant 0 : i32
      %dma_start3A_572 = arith.constant 0 : i32
      %dma_start3A_573 = tpu.memref_slice %arg13[%dma_start3A_571, %dma_start3A_572] : memref<10000x64xf32, #tpu.memory_space<vmem_shared>> -> memref<10000x64xf32, #tpu.memory_space<vmem_shared>>
      tpu.enqueue_indirect_dma source(%dma_start3A_567 : memref<125x64xf32, #tpu.memory_space<vmem>>) target(%dma_start3A_573 : memref<10000x64xf32, #tpu.memory_space<vmem_shared>>) offsets(%dma_start3A_570 : memref<125xi32, #tpu.memory_space<vmem>>) semaphore(%arg24 : memref<!tpu.dma_semaphore, #tpu.memory_space<semaphore_mem>>) {add = true}
      %lt3A_574 = arith.constant 80 : i32
      %lt3A_575 = arith.cmpi slt, %add3A_524, %lt3A_574 : i32
      %eq3A_576 = arith.constant 1 : i32
      %eq3A_577 = arith.cmpi eq, %arg0, %eq3A_576 : i32
      %xor3A_578 = arith.xori %lt3A_575, %eq3A_577 : i1
      %convert_element_type3A_579 = arith.extui %xor3A_578 : i1 to i32
      %cond3A_580 = arith.constant 0 : i32
      %cond3A_581 = arith.cmpi ne, %convert_element_type3A_579, %cond3A_580 : i32
      scf.if %cond3A_581 {
        %dma_start3A_582 = arith.constant 0 : i32
        %dma_start3A_583 = tpu.memref_slice %arg11[%add3A_524, %dma_start3A_582] : memref<160x125xi32, #tpu.memory_space<vmem>> -> memref<1x125xi32, #tpu.memory_space<vmem>>
        %dma_start3A_584 = tpu.memref_squeeze %dma_start3A_583 : memref<1x125xi32, #tpu.memory_space<vmem>> -> memref<125xi32, #tpu.memory_space<vmem>>
        %dma_start3A_585 = arith.constant 0 : i32
        %dma_start3A_586 = arith.constant 0 : i32
        %dma_start3A_587 = tpu.memref_slice %arg16[%dma_start3A_585, %dma_start3A_586] : memref<10000x16xf32, #tpu.memory_space<vmem_shared>> -> memref<10000x16xf32, #tpu.memory_space<vmem_shared>>
        tpu.enqueue_indirect_dma source(%arg14 : memref<125x16xf32, #tpu.memory_space<vmem>>) target(%dma_start3A_587 : memref<10000x16xf32, #tpu.memory_space<vmem_shared>>) offsets(%dma_start3A_584 : memref<125xi32, #tpu.memory_space<vmem>>) semaphore(%arg24 : memref<!tpu.dma_semaphore, #tpu.memory_space<semaphore_mem>>) {add = true}
      } else {
      }
    }
    %scan3A_206 = arith.constant 40 : i32
    %dma_wait3A_207 = arith.constant 3 : i32
    %dma_wait3A_208 = arith.constant 0 : i32
    %dma_wait3A_209 = arith.constant 0 : i32
    %dma_wait3A_210 = arith.constant 0 : i32
    %dma_wait3A_211 = tpu.memref_slice %arg12[%dma_wait3A_207, %dma_wait3A_209, %dma_wait3A_210] : memref<4x125x64xf32, #tpu.memory_space<vmem>> -> memref<1x125x64xf32, #tpu.memory_space<vmem>>
    %dma_wait3A_212 = tpu.memref_squeeze %dma_wait3A_211 : memref<1x125x64xf32, #tpu.memory_space<vmem>> -> memref<125x64xf32, #tpu.memory_space<vmem>>
    %dma_wait3A_213 = arith.constant 0 : i32
    %dma_wait3A_214 = tpu.memref_slice %arg11[%dma_wait3A_208, %dma_wait3A_213] : memref<160x125xi32, #tpu.memory_space<vmem>> -> memref<1x125xi32, #tpu.memory_space<vmem>>
    %dma_wait3A_215 = tpu.memref_squeeze %dma_wait3A_214 : memref<1x125xi32, #tpu.memory_space<vmem>> -> memref<125xi32, #tpu.memory_space<vmem>>
    %dma_wait3A_216 = arith.constant 0 : i32
    %dma_wait3A_217 = arith.constant 0 : i32
    %dma_wait3A_218 = tpu.memref_slice %arg13[%dma_wait3A_216, %dma_wait3A_217] : memref<10000x64xf32, #tpu.memory_space<vmem_shared>> -> memref<10000x64xf32, #tpu.memory_space<vmem_shared>>
    tpu.wait_indirect_dma semaphore(%arg24 : memref<!tpu.dma_semaphore, #tpu.memory_space<semaphore_mem>>) src(%dma_wait3A_212 : memref<125x64xf32, #tpu.memory_space<vmem>>) dst(%dma_wait3A_218 : memref<10000x64xf32, #tpu.memory_space<vmem_shared>>)
    %eq3A_219 = arith.constant 1 : i32
    %eq3A_220 = arith.cmpi eq, %arg0, %eq3A_219 : i32
    %xor3A = arith.constant false
    %xor3A_221 = arith.xori %xor3A, %eq3A_220 : i1
    %convert_element_type3A_222 = arith.extui %xor3A_221 : i1 to i32
    %cond3A_223 = arith.constant 0 : i32
    %cond3A_224 = arith.cmpi ne, %convert_element_type3A_222, %cond3A_223 : i32
    scf.if %cond3A_224 {
      %dma_wait3A_338 = arith.constant 0 : i32
      %dma_wait3A_339 = arith.constant 0 : i32
      %dma_wait3A_340 = tpu.memref_slice %arg11[%dma_wait3A_338, %dma_wait3A_339] : memref<160x125xi32, #tpu.memory_space<vmem>> -> memref<1x125xi32, #tpu.memory_space<vmem>>
      %dma_wait3A_341 = tpu.memref_squeeze %dma_wait3A_340 : memref<1x125xi32, #tpu.memory_space<vmem>> -> memref<125xi32, #tpu.memory_space<vmem>>
      %dma_wait3A_342 = arith.constant 0 : i32
      %dma_wait3A_343 = arith.constant 0 : i32
      %dma_wait3A_344 = tpu.memref_slice %arg16[%dma_wait3A_342, %dma_wait3A_343] : memref<10000x16xf32, #tpu.memory_space<vmem_shared>> -> memref<10000x16xf32, #tpu.memory_space<vmem_shared>>
      tpu.wait_indirect_dma semaphore(%arg24 : memref<!tpu.dma_semaphore, #tpu.memory_space<semaphore_mem>>) src(%arg14 : memref<125x16xf32, #tpu.memory_space<vmem>>) dst(%dma_wait3A_344 : memref<10000x16xf32, #tpu.memory_space<vmem_shared>>)
    } else {
    }
    %barrier3A_225 = arith.constant 0 : index
    tpu.barrier barrier_id(%barrier3A_225)
    %add3A_226 = arith.constant 0 : i32
    %add3A_227 = arith.addi %arg1, %add3A_226 : i32
    %lt3A_228 = arith.constant 125 : i32
    %lt3A_229 = arith.cmpi slt, %add3A_227, %lt3A_228 : i32
    %convert_element_type3A_230 = arith.extui %lt3A_229 : i1 to i32
    %cond3A_231 = arith.constant 0 : i32
    %cond3A_232 = arith.cmpi ne, %convert_element_type3A_230, %cond3A_231 : i32
    scf.if %cond3A_232 {
      %eq3A_338 = arith.constant 0 : i32
      %eq3A_339 = arith.cmpi eq, %arg0, %eq3A_338 : i32
      %convert_element_type3A_340 = arith.extui %eq3A_339 : i1 to i32
      %cond3A_341 = arith.constant 0 : i32
      %cond3A_342 = arith.cmpi ne, %convert_element_type3A_340, %cond3A_341 : i32
      scf.if %cond3A_342 {
        %mul3A_348 = arith.constant 80 : i32
        %mul3A_349 = arith.muli %add3A_227, %mul3A_348 : i32
        %dma_start3A_350 = arith.constant 0 : i32
        %dma_start3A_351 = arith.constant 0 : i32
        %dma_start3A_352 = tpu.memref_slice %arg6[%add3A_227, %dma_start3A_350, %dma_start3A_351] : memref<125x80x64xf32, #tpu.memory_space<hbm>> -> memref<1x80x64xf32, #tpu.memory_space<hbm>>
        %dma_start3A_353 = tpu.memref_squeeze %dma_start3A_352 : memref<1x80x64xf32, #tpu.memory_space<hbm>> -> memref<80x64xf32, #tpu.memory_space<hbm>>
        %dma_start3A_354 = arith.constant 0 : i32
        %dma_start3A_355 = tpu.memref_slice %arg13[%mul3A_349, %dma_start3A_354] : memref<10000x64xf32, #tpu.memory_space<vmem_shared>> -> memref<80x64xf32, #tpu.memory_space<vmem_shared>>
        tpu.enqueue_dma source(%dma_start3A_355 : memref<80x64xf32, #tpu.memory_space<vmem_shared>>) target(%dma_start3A_353 : memref<80x64xf32, #tpu.memory_space<hbm>>) target_semaphore(%arg17 : memref<!tpu.dma_semaphore, #tpu.memory_space<semaphore_mem>>)
        %mul3A_356 = arith.constant 80 : i32
        %mul3A_357 = arith.muli %add3A_227, %mul3A_356 : i32
        %dma_start3A_358 = arith.constant 0 : i32
        %dma_start3A_359 = arith.constant 0 : i32
        %dma_start3A_360 = tpu.memref_slice %arg8[%add3A_227, %dma_start3A_358, %dma_start3A_359] : memref<125x80x16xf32, #tpu.memory_space<hbm>> -> memref<1x80x16xf32, #tpu.memory_space<hbm>>
        %dma_start3A_361 = tpu.memref_squeeze %dma_start3A_360 : memref<1x80x16xf32, #tpu.memory_space<hbm>> -> memref<80x16xf32, #tpu.memory_space<hbm>>
        %dma_start3A_362 = arith.constant 0 : i32
        %dma_start3A_363 = tpu.memref_slice %arg16[%mul3A_357, %dma_start3A_362] : memref<10000x16xf32, #tpu.memory_space<vmem_shared>> -> memref<80x16xf32, #tpu.memory_space<vmem_shared>>
        tpu.enqueue_dma source(%dma_start3A_363 : memref<80x16xf32, #tpu.memory_space<vmem_shared>>) target(%dma_start3A_361 : memref<80x16xf32, #tpu.memory_space<hbm>>) target_semaphore(%arg17 : memref<!tpu.dma_semaphore, #tpu.memory_space<semaphore_mem>>)
      } else {
      }
      %eq3A_343 = arith.constant 1 : i32
      %eq3A_344 = arith.cmpi eq, %arg0, %eq3A_343 : i32
      %convert_element_type3A_345 = arith.extui %eq3A_344 : i1 to i32
      %cond3A_346 = arith.constant 0 : i32
      %cond3A_347 = arith.cmpi ne, %convert_element_type3A_345, %cond3A_346 : i32
      scf.if %cond3A_347 {
        %mul3A_348 = arith.constant 80 : i32
        %mul3A_349 = arith.muli %add3A_227, %mul3A_348 : i32
        %dma_start3A_350 = arith.constant 0 : i32
        %dma_start3A_351 = arith.constant 0 : i32
        %dma_start3A_352 = tpu.memref_slice %arg7[%add3A_227, %dma_start3A_350, %dma_start3A_351] : memref<125x80x64xf32, #tpu.memory_space<hbm>> -> memref<1x80x64xf32, #tpu.memory_space<hbm>>
        %dma_start3A_353 = tpu.memref_squeeze %dma_start3A_352 : memref<1x80x64xf32, #tpu.memory_space<hbm>> -> memref<80x64xf32, #tpu.memory_space<hbm>>
        %dma_start3A_354 = arith.constant 0 : i32
        %dma_start3A_355 = tpu.memref_slice %arg13[%mul3A_349, %dma_start3A_354] : memref<10000x64xf32, #tpu.memory_space<vmem_shared>> -> memref<80x64xf32, #tpu.memory_space<vmem_shared>>
        tpu.enqueue_dma source(%dma_start3A_355 : memref<80x64xf32, #tpu.memory_space<vmem_shared>>) target(%dma_start3A_353 : memref<80x64xf32, #tpu.memory_space<hbm>>) target_semaphore(%arg17 : memref<!tpu.dma_semaphore, #tpu.memory_space<semaphore_mem>>)
        %mul3A_356 = arith.constant 80 : i32
        %mul3A_357 = arith.muli %add3A_227, %mul3A_356 : i32
        %dma_start3A_358 = arith.constant 0 : i32
        %dma_start3A_359 = arith.constant 0 : i32
        %dma_start3A_360 = tpu.memref_slice %arg9[%add3A_227, %dma_start3A_358, %dma_start3A_359] : memref<125x80x16xf32, #tpu.memory_space<hbm>> -> memref<1x80x16xf32, #tpu.memory_space<hbm>>
        %dma_start3A_361 = tpu.memref_squeeze %dma_start3A_360 : memref<1x80x16xf32, #tpu.memory_space<hbm>> -> memref<80x16xf32, #tpu.memory_space<hbm>>
        %dma_start3A_362 = arith.constant 0 : i32
        %dma_start3A_363 = tpu.memref_slice %arg16[%mul3A_357, %dma_start3A_362] : memref<10000x16xf32, #tpu.memory_space<vmem_shared>> -> memref<80x16xf32, #tpu.memory_space<vmem_shared>>
        tpu.enqueue_dma source(%dma_start3A_363 : memref<80x16xf32, #tpu.memory_space<vmem_shared>>) target(%dma_start3A_361 : memref<80x16xf32, #tpu.memory_space<hbm>>) target_semaphore(%arg17 : memref<!tpu.dma_semaphore, #tpu.memory_space<semaphore_mem>>)
      } else {
      }
    } else {
    }
    %add3A_233 = arith.constant 16 : i32
    %add3A_234 = arith.addi %arg1, %add3A_233 : i32
    %lt3A_235 = arith.constant 125 : i32
    %lt3A_236 = arith.cmpi slt, %add3A_234, %lt3A_235 : i32
    %convert_element_type3A_237 = arith.extui %lt3A_236 : i1 to i32
    %cond3A_238 = arith.constant 0 : i32
    %cond3A_239 = arith.cmpi ne, %convert_element_type3A_237, %cond3A_238 : i32
    scf.if %cond3A_239 {
      %eq3A_338 = arith.constant 0 : i32
      %eq3A_339 = arith.cmpi eq, %arg0, %eq3A_338 : i32
      %convert_element_type3A_340 = arith.extui %eq3A_339 : i1 to i32
      %cond3A_341 = arith.constant 0 : i32
      %cond3A_342 = arith.cmpi ne, %convert_element_type3A_340, %cond3A_341 : i32
      scf.if %cond3A_342 {
        %mul3A_348 = arith.constant 80 : i32
        %mul3A_349 = arith.muli %add3A_234, %mul3A_348 : i32
        %dma_start3A_350 = arith.constant 0 : i32
        %dma_start3A_351 = arith.constant 0 : i32
        %dma_start3A_352 = tpu.memref_slice %arg6[%add3A_234, %dma_start3A_350, %dma_start3A_351] : memref<125x80x64xf32, #tpu.memory_space<hbm>> -> memref<1x80x64xf32, #tpu.memory_space<hbm>>
        %dma_start3A_353 = tpu.memref_squeeze %dma_start3A_352 : memref<1x80x64xf32, #tpu.memory_space<hbm>> -> memref<80x64xf32, #tpu.memory_space<hbm>>
        %dma_start3A_354 = arith.constant 0 : i32
        %dma_start3A_355 = tpu.memref_slice %arg13[%mul3A_349, %dma_start3A_354] : memref<10000x64xf32, #tpu.memory_space<vmem_shared>> -> memref<80x64xf32, #tpu.memory_space<vmem_shared>>
        tpu.enqueue_dma source(%dma_start3A_355 : memref<80x64xf32, #tpu.memory_space<vmem_shared>>) target(%dma_start3A_353 : memref<80x64xf32, #tpu.memory_space<hbm>>) target_semaphore(%arg17 : memref<!tpu.dma_semaphore, #tpu.memory_space<semaphore_mem>>)
        %mul3A_356 = arith.constant 80 : i32
        %mul3A_357 = arith.muli %add3A_234, %mul3A_356 : i32
        %dma_start3A_358 = arith.constant 0 : i32
        %dma_start3A_359 = arith.constant 0 : i32
        %dma_start3A_360 = tpu.memref_slice %arg8[%add3A_234, %dma_start3A_358, %dma_start3A_359] : memref<125x80x16xf32, #tpu.memory_space<hbm>> -> memref<1x80x16xf32, #tpu.memory_space<hbm>>
        %dma_start3A_361 = tpu.memref_squeeze %dma_start3A_360 : memref<1x80x16xf32, #tpu.memory_space<hbm>> -> memref<80x16xf32, #tpu.memory_space<hbm>>
        %dma_start3A_362 = arith.constant 0 : i32
        %dma_start3A_363 = tpu.memref_slice %arg16[%mul3A_357, %dma_start3A_362] : memref<10000x16xf32, #tpu.memory_space<vmem_shared>> -> memref<80x16xf32, #tpu.memory_space<vmem_shared>>
        tpu.enqueue_dma source(%dma_start3A_363 : memref<80x16xf32, #tpu.memory_space<vmem_shared>>) target(%dma_start3A_361 : memref<80x16xf32, #tpu.memory_space<hbm>>) target_semaphore(%arg17 : memref<!tpu.dma_semaphore, #tpu.memory_space<semaphore_mem>>)
      } else {
      }
      %eq3A_343 = arith.constant 1 : i32
      %eq3A_344 = arith.cmpi eq, %arg0, %eq3A_343 : i32
      %convert_element_type3A_345 = arith.extui %eq3A_344 : i1 to i32
      %cond3A_346 = arith.constant 0 : i32
      %cond3A_347 = arith.cmpi ne, %convert_element_type3A_345, %cond3A_346 : i32
      scf.if %cond3A_347 {
        %mul3A_348 = arith.constant 80 : i32
        %mul3A_349 = arith.muli %add3A_234, %mul3A_348 : i32
        %dma_start3A_350 = arith.constant 0 : i32
        %dma_start3A_351 = arith.constant 0 : i32
        %dma_start3A_352 = tpu.memref_slice %arg7[%add3A_234, %dma_start3A_350, %dma_start3A_351] : memref<125x80x64xf32, #tpu.memory_space<hbm>> -> memref<1x80x64xf32, #tpu.memory_space<hbm>>
        %dma_start3A_353 = tpu.memref_squeeze %dma_start3A_352 : memref<1x80x64xf32, #tpu.memory_space<hbm>> -> memref<80x64xf32, #tpu.memory_space<hbm>>
        %dma_start3A_354 = arith.constant 0 : i32
        %dma_start3A_355 = tpu.memref_slice %arg13[%mul3A_349, %dma_start3A_354] : memref<10000x64xf32, #tpu.memory_space<vmem_shared>> -> memref<80x64xf32, #tpu.memory_space<vmem_shared>>
        tpu.enqueue_dma source(%dma_start3A_355 : memref<80x64xf32, #tpu.memory_space<vmem_shared>>) target(%dma_start3A_353 : memref<80x64xf32, #tpu.memory_space<hbm>>) target_semaphore(%arg17 : memref<!tpu.dma_semaphore, #tpu.memory_space<semaphore_mem>>)
        %mul3A_356 = arith.constant 80 : i32
        %mul3A_357 = arith.muli %add3A_234, %mul3A_356 : i32
        %dma_start3A_358 = arith.constant 0 : i32
        %dma_start3A_359 = arith.constant 0 : i32
        %dma_start3A_360 = tpu.memref_slice %arg9[%add3A_234, %dma_start3A_358, %dma_start3A_359] : memref<125x80x16xf32, #tpu.memory_space<hbm>> -> memref<1x80x16xf32, #tpu.memory_space<hbm>>
        %dma_start3A_361 = tpu.memref_squeeze %dma_start3A_360 : memref<1x80x16xf32, #tpu.memory_space<hbm>> -> memref<80x16xf32, #tpu.memory_space<hbm>>
        %dma_start3A_362 = arith.constant 0 : i32
        %dma_start3A_363 = tpu.memref_slice %arg16[%mul3A_357, %dma_start3A_362] : memref<10000x16xf32, #tpu.memory_space<vmem_shared>> -> memref<80x16xf32, #tpu.memory_space<vmem_shared>>
        tpu.enqueue_dma source(%dma_start3A_363 : memref<80x16xf32, #tpu.memory_space<vmem_shared>>) target(%dma_start3A_361 : memref<80x16xf32, #tpu.memory_space<hbm>>) target_semaphore(%arg17 : memref<!tpu.dma_semaphore, #tpu.memory_space<semaphore_mem>>)
      } else {
      }
    } else {
    }
    %add3A_240 = arith.constant 32 : i32
    %add3A_241 = arith.addi %arg1, %add3A_240 : i32
    %lt3A_242 = arith.constant 125 : i32
    %lt3A_243 = arith.cmpi slt, %add3A_241, %lt3A_242 : i32
    %convert_element_type3A_244 = arith.extui %lt3A_243 : i1 to i32
    %cond3A_245 = arith.constant 0 : i32
    %cond3A_246 = arith.cmpi ne, %convert_element_type3A_244, %cond3A_245 : i32
    scf.if %cond3A_246 {
      %eq3A_338 = arith.constant 0 : i32
      %eq3A_339 = arith.cmpi eq, %arg0, %eq3A_338 : i32
      %convert_element_type3A_340 = arith.extui %eq3A_339 : i1 to i32
      %cond3A_341 = arith.constant 0 : i32
      %cond3A_342 = arith.cmpi ne, %convert_element_type3A_340, %cond3A_341 : i32
      scf.if %cond3A_342 {
        %mul3A_348 = arith.constant 80 : i32
        %mul3A_349 = arith.muli %add3A_241, %mul3A_348 : i32
        %dma_start3A_350 = arith.constant 0 : i32
        %dma_start3A_351 = arith.constant 0 : i32
        %dma_start3A_352 = tpu.memref_slice %arg6[%add3A_241, %dma_start3A_350, %dma_start3A_351] : memref<125x80x64xf32, #tpu.memory_space<hbm>> -> memref<1x80x64xf32, #tpu.memory_space<hbm>>
        %dma_start3A_353 = tpu.memref_squeeze %dma_start3A_352 : memref<1x80x64xf32, #tpu.memory_space<hbm>> -> memref<80x64xf32, #tpu.memory_space<hbm>>
        %dma_start3A_354 = arith.constant 0 : i32
        %dma_start3A_355 = tpu.memref_slice %arg13[%mul3A_349, %dma_start3A_354] : memref<10000x64xf32, #tpu.memory_space<vmem_shared>> -> memref<80x64xf32, #tpu.memory_space<vmem_shared>>
        tpu.enqueue_dma source(%dma_start3A_355 : memref<80x64xf32, #tpu.memory_space<vmem_shared>>) target(%dma_start3A_353 : memref<80x64xf32, #tpu.memory_space<hbm>>) target_semaphore(%arg17 : memref<!tpu.dma_semaphore, #tpu.memory_space<semaphore_mem>>)
        %mul3A_356 = arith.constant 80 : i32
        %mul3A_357 = arith.muli %add3A_241, %mul3A_356 : i32
        %dma_start3A_358 = arith.constant 0 : i32
        %dma_start3A_359 = arith.constant 0 : i32
        %dma_start3A_360 = tpu.memref_slice %arg8[%add3A_241, %dma_start3A_358, %dma_start3A_359] : memref<125x80x16xf32, #tpu.memory_space<hbm>> -> memref<1x80x16xf32, #tpu.memory_space<hbm>>
        %dma_start3A_361 = tpu.memref_squeeze %dma_start3A_360 : memref<1x80x16xf32, #tpu.memory_space<hbm>> -> memref<80x16xf32, #tpu.memory_space<hbm>>
        %dma_start3A_362 = arith.constant 0 : i32
        %dma_start3A_363 = tpu.memref_slice %arg16[%mul3A_357, %dma_start3A_362] : memref<10000x16xf32, #tpu.memory_space<vmem_shared>> -> memref<80x16xf32, #tpu.memory_space<vmem_shared>>
        tpu.enqueue_dma source(%dma_start3A_363 : memref<80x16xf32, #tpu.memory_space<vmem_shared>>) target(%dma_start3A_361 : memref<80x16xf32, #tpu.memory_space<hbm>>) target_semaphore(%arg17 : memref<!tpu.dma_semaphore, #tpu.memory_space<semaphore_mem>>)
      } else {
      }
      %eq3A_343 = arith.constant 1 : i32
      %eq3A_344 = arith.cmpi eq, %arg0, %eq3A_343 : i32
      %convert_element_type3A_345 = arith.extui %eq3A_344 : i1 to i32
      %cond3A_346 = arith.constant 0 : i32
      %cond3A_347 = arith.cmpi ne, %convert_element_type3A_345, %cond3A_346 : i32
      scf.if %cond3A_347 {
        %mul3A_348 = arith.constant 80 : i32
        %mul3A_349 = arith.muli %add3A_241, %mul3A_348 : i32
        %dma_start3A_350 = arith.constant 0 : i32
        %dma_start3A_351 = arith.constant 0 : i32
        %dma_start3A_352 = tpu.memref_slice %arg7[%add3A_241, %dma_start3A_350, %dma_start3A_351] : memref<125x80x64xf32, #tpu.memory_space<hbm>> -> memref<1x80x64xf32, #tpu.memory_space<hbm>>
        %dma_start3A_353 = tpu.memref_squeeze %dma_start3A_352 : memref<1x80x64xf32, #tpu.memory_space<hbm>> -> memref<80x64xf32, #tpu.memory_space<hbm>>
        %dma_start3A_354 = arith.constant 0 : i32
        %dma_start3A_355 = tpu.memref_slice %arg13[%mul3A_349, %dma_start3A_354] : memref<10000x64xf32, #tpu.memory_space<vmem_shared>> -> memref<80x64xf32, #tpu.memory_space<vmem_shared>>
        tpu.enqueue_dma source(%dma_start3A_355 : memref<80x64xf32, #tpu.memory_space<vmem_shared>>) target(%dma_start3A_353 : memref<80x64xf32, #tpu.memory_space<hbm>>) target_semaphore(%arg17 : memref<!tpu.dma_semaphore, #tpu.memory_space<semaphore_mem>>)
        %mul3A_356 = arith.constant 80 : i32
        %mul3A_357 = arith.muli %add3A_241, %mul3A_356 : i32
        %dma_start3A_358 = arith.constant 0 : i32
        %dma_start3A_359 = arith.constant 0 : i32
        %dma_start3A_360 = tpu.memref_slice %arg9[%add3A_241, %dma_start3A_358, %dma_start3A_359] : memref<125x80x16xf32, #tpu.memory_space<hbm>> -> memref<1x80x16xf32, #tpu.memory_space<hbm>>
        %dma_start3A_361 = tpu.memref_squeeze %dma_start3A_360 : memref<1x80x16xf32, #tpu.memory_space<hbm>> -> memref<80x16xf32, #tpu.memory_space<hbm>>
        %dma_start3A_362 = arith.constant 0 : i32
        %dma_start3A_363 = tpu.memref_slice %arg16[%mul3A_357, %dma_start3A_362] : memref<10000x16xf32, #tpu.memory_space<vmem_shared>> -> memref<80x16xf32, #tpu.memory_space<vmem_shared>>
        tpu.enqueue_dma source(%dma_start3A_363 : memref<80x16xf32, #tpu.memory_space<vmem_shared>>) target(%dma_start3A_361 : memref<80x16xf32, #tpu.memory_space<hbm>>) target_semaphore(%arg17 : memref<!tpu.dma_semaphore, #tpu.memory_space<semaphore_mem>>)
      } else {
      }
    } else {
    }
    %add3A_247 = arith.constant 48 : i32
    %add3A_248 = arith.addi %arg1, %add3A_247 : i32
    %lt3A_249 = arith.constant 125 : i32
    %lt3A_250 = arith.cmpi slt, %add3A_248, %lt3A_249 : i32
    %convert_element_type3A_251 = arith.extui %lt3A_250 : i1 to i32
    %cond3A_252 = arith.constant 0 : i32
    %cond3A_253 = arith.cmpi ne, %convert_element_type3A_251, %cond3A_252 : i32
    scf.if %cond3A_253 {
      %eq3A_338 = arith.constant 0 : i32
      %eq3A_339 = arith.cmpi eq, %arg0, %eq3A_338 : i32
      %convert_element_type3A_340 = arith.extui %eq3A_339 : i1 to i32
      %cond3A_341 = arith.constant 0 : i32
      %cond3A_342 = arith.cmpi ne, %convert_element_type3A_340, %cond3A_341 : i32
      scf.if %cond3A_342 {
        %mul3A_348 = arith.constant 80 : i32
        %mul3A_349 = arith.muli %add3A_248, %mul3A_348 : i32
        %dma_start3A_350 = arith.constant 0 : i32
        %dma_start3A_351 = arith.constant 0 : i32
        %dma_start3A_352 = tpu.memref_slice %arg6[%add3A_248, %dma_start3A_350, %dma_start3A_351] : memref<125x80x64xf32, #tpu.memory_space<hbm>> -> memref<1x80x64xf32, #tpu.memory_space<hbm>>
        %dma_start3A_353 = tpu.memref_squeeze %dma_start3A_352 : memref<1x80x64xf32, #tpu.memory_space<hbm>> -> memref<80x64xf32, #tpu.memory_space<hbm>>
        %dma_start3A_354 = arith.constant 0 : i32
        %dma_start3A_355 = tpu.memref_slice %arg13[%mul3A_349, %dma_start3A_354] : memref<10000x64xf32, #tpu.memory_space<vmem_shared>> -> memref<80x64xf32, #tpu.memory_space<vmem_shared>>
        tpu.enqueue_dma source(%dma_start3A_355 : memref<80x64xf32, #tpu.memory_space<vmem_shared>>) target(%dma_start3A_353 : memref<80x64xf32, #tpu.memory_space<hbm>>) target_semaphore(%arg17 : memref<!tpu.dma_semaphore, #tpu.memory_space<semaphore_mem>>)
        %mul3A_356 = arith.constant 80 : i32
        %mul3A_357 = arith.muli %add3A_248, %mul3A_356 : i32
        %dma_start3A_358 = arith.constant 0 : i32
        %dma_start3A_359 = arith.constant 0 : i32
        %dma_start3A_360 = tpu.memref_slice %arg8[%add3A_248, %dma_start3A_358, %dma_start3A_359] : memref<125x80x16xf32, #tpu.memory_space<hbm>> -> memref<1x80x16xf32, #tpu.memory_space<hbm>>
        %dma_start3A_361 = tpu.memref_squeeze %dma_start3A_360 : memref<1x80x16xf32, #tpu.memory_space<hbm>> -> memref<80x16xf32, #tpu.memory_space<hbm>>
        %dma_start3A_362 = arith.constant 0 : i32
        %dma_start3A_363 = tpu.memref_slice %arg16[%mul3A_357, %dma_start3A_362] : memref<10000x16xf32, #tpu.memory_space<vmem_shared>> -> memref<80x16xf32, #tpu.memory_space<vmem_shared>>
        tpu.enqueue_dma source(%dma_start3A_363 : memref<80x16xf32, #tpu.memory_space<vmem_shared>>) target(%dma_start3A_361 : memref<80x16xf32, #tpu.memory_space<hbm>>) target_semaphore(%arg17 : memref<!tpu.dma_semaphore, #tpu.memory_space<semaphore_mem>>)
      } else {
      }
      %eq3A_343 = arith.constant 1 : i32
      %eq3A_344 = arith.cmpi eq, %arg0, %eq3A_343 : i32
      %convert_element_type3A_345 = arith.extui %eq3A_344 : i1 to i32
      %cond3A_346 = arith.constant 0 : i32
      %cond3A_347 = arith.cmpi ne, %convert_element_type3A_345, %cond3A_346 : i32
      scf.if %cond3A_347 {
        %mul3A_348 = arith.constant 80 : i32
        %mul3A_349 = arith.muli %add3A_248, %mul3A_348 : i32
        %dma_start3A_350 = arith.constant 0 : i32
        %dma_start3A_351 = arith.constant 0 : i32
        %dma_start3A_352 = tpu.memref_slice %arg7[%add3A_248, %dma_start3A_350, %dma_start3A_351] : memref<125x80x64xf32, #tpu.memory_space<hbm>> -> memref<1x80x64xf32, #tpu.memory_space<hbm>>
        %dma_start3A_353 = tpu.memref_squeeze %dma_start3A_352 : memref<1x80x64xf32, #tpu.memory_space<hbm>> -> memref<80x64xf32, #tpu.memory_space<hbm>>
        %dma_start3A_354 = arith.constant 0 : i32
        %dma_start3A_355 = tpu.memref_slice %arg13[%mul3A_349, %dma_start3A_354] : memref<10000x64xf32, #tpu.memory_space<vmem_shared>> -> memref<80x64xf32, #tpu.memory_space<vmem_shared>>
        tpu.enqueue_dma source(%dma_start3A_355 : memref<80x64xf32, #tpu.memory_space<vmem_shared>>) target(%dma_start3A_353 : memref<80x64xf32, #tpu.memory_space<hbm>>) target_semaphore(%arg17 : memref<!tpu.dma_semaphore, #tpu.memory_space<semaphore_mem>>)
        %mul3A_356 = arith.constant 80 : i32
        %mul3A_357 = arith.muli %add3A_248, %mul3A_356 : i32
        %dma_start3A_358 = arith.constant 0 : i32
        %dma_start3A_359 = arith.constant 0 : i32
        %dma_start3A_360 = tpu.memref_slice %arg9[%add3A_248, %dma_start3A_358, %dma_start3A_359] : memref<125x80x16xf32, #tpu.memory_space<hbm>> -> memref<1x80x16xf32, #tpu.memory_space<hbm>>
        %dma_start3A_361 = tpu.memref_squeeze %dma_start3A_360 : memref<1x80x16xf32, #tpu.memory_space<hbm>> -> memref<80x16xf32, #tpu.memory_space<hbm>>
        %dma_start3A_362 = arith.constant 0 : i32
        %dma_start3A_363 = tpu.memref_slice %arg16[%mul3A_357, %dma_start3A_362] : memref<10000x16xf32, #tpu.memory_space<vmem_shared>> -> memref<80x16xf32, #tpu.memory_space<vmem_shared>>
        tpu.enqueue_dma source(%dma_start3A_363 : memref<80x16xf32, #tpu.memory_space<vmem_shared>>) target(%dma_start3A_361 : memref<80x16xf32, #tpu.memory_space<hbm>>) target_semaphore(%arg17 : memref<!tpu.dma_semaphore, #tpu.memory_space<semaphore_mem>>)
      } else {
      }
    } else {
    }
    %add3A_254 = arith.constant 64 : i32
    %add3A_255 = arith.addi %arg1, %add3A_254 : i32
    %lt3A_256 = arith.constant 125 : i32
    %lt3A_257 = arith.cmpi slt, %add3A_255, %lt3A_256 : i32
    %convert_element_type3A_258 = arith.extui %lt3A_257 : i1 to i32
    %cond3A_259 = arith.constant 0 : i32
    %cond3A_260 = arith.cmpi ne, %convert_element_type3A_258, %cond3A_259 : i32
    scf.if %cond3A_260 {
      %eq3A_338 = arith.constant 0 : i32
      %eq3A_339 = arith.cmpi eq, %arg0, %eq3A_338 : i32
      %convert_element_type3A_340 = arith.extui %eq3A_339 : i1 to i32
      %cond3A_341 = arith.constant 0 : i32
      %cond3A_342 = arith.cmpi ne, %convert_element_type3A_340, %cond3A_341 : i32
      scf.if %cond3A_342 {
        %mul3A_348 = arith.constant 80 : i32
        %mul3A_349 = arith.muli %add3A_255, %mul3A_348 : i32
        %dma_start3A_350 = arith.constant 0 : i32
        %dma_start3A_351 = arith.constant 0 : i32
        %dma_start3A_352 = tpu.memref_slice %arg6[%add3A_255, %dma_start3A_350, %dma_start3A_351] : memref<125x80x64xf32, #tpu.memory_space<hbm>> -> memref<1x80x64xf32, #tpu.memory_space<hbm>>
        %dma_start3A_353 = tpu.memref_squeeze %dma_start3A_352 : memref<1x80x64xf32, #tpu.memory_space<hbm>> -> memref<80x64xf32, #tpu.memory_space<hbm>>
        %dma_start3A_354 = arith.constant 0 : i32
        %dma_start3A_355 = tpu.memref_slice %arg13[%mul3A_349, %dma_start3A_354] : memref<10000x64xf32, #tpu.memory_space<vmem_shared>> -> memref<80x64xf32, #tpu.memory_space<vmem_shared>>
        tpu.enqueue_dma source(%dma_start3A_355 : memref<80x64xf32, #tpu.memory_space<vmem_shared>>) target(%dma_start3A_353 : memref<80x64xf32, #tpu.memory_space<hbm>>) target_semaphore(%arg17 : memref<!tpu.dma_semaphore, #tpu.memory_space<semaphore_mem>>)
        %mul3A_356 = arith.constant 80 : i32
        %mul3A_357 = arith.muli %add3A_255, %mul3A_356 : i32
        %dma_start3A_358 = arith.constant 0 : i32
        %dma_start3A_359 = arith.constant 0 : i32
        %dma_start3A_360 = tpu.memref_slice %arg8[%add3A_255, %dma_start3A_358, %dma_start3A_359] : memref<125x80x16xf32, #tpu.memory_space<hbm>> -> memref<1x80x16xf32, #tpu.memory_space<hbm>>
        %dma_start3A_361 = tpu.memref_squeeze %dma_start3A_360 : memref<1x80x16xf32, #tpu.memory_space<hbm>> -> memref<80x16xf32, #tpu.memory_space<hbm>>
        %dma_start3A_362 = arith.constant 0 : i32
        %dma_start3A_363 = tpu.memref_slice %arg16[%mul3A_357, %dma_start3A_362] : memref<10000x16xf32, #tpu.memory_space<vmem_shared>> -> memref<80x16xf32, #tpu.memory_space<vmem_shared>>
        tpu.enqueue_dma source(%dma_start3A_363 : memref<80x16xf32, #tpu.memory_space<vmem_shared>>) target(%dma_start3A_361 : memref<80x16xf32, #tpu.memory_space<hbm>>) target_semaphore(%arg17 : memref<!tpu.dma_semaphore, #tpu.memory_space<semaphore_mem>>)
      } else {
      }
      %eq3A_343 = arith.constant 1 : i32
      %eq3A_344 = arith.cmpi eq, %arg0, %eq3A_343 : i32
      %convert_element_type3A_345 = arith.extui %eq3A_344 : i1 to i32
      %cond3A_346 = arith.constant 0 : i32
      %cond3A_347 = arith.cmpi ne, %convert_element_type3A_345, %cond3A_346 : i32
      scf.if %cond3A_347 {
        %mul3A_348 = arith.constant 80 : i32
        %mul3A_349 = arith.muli %add3A_255, %mul3A_348 : i32
        %dma_start3A_350 = arith.constant 0 : i32
        %dma_start3A_351 = arith.constant 0 : i32
        %dma_start3A_352 = tpu.memref_slice %arg7[%add3A_255, %dma_start3A_350, %dma_start3A_351] : memref<125x80x64xf32, #tpu.memory_space<hbm>> -> memref<1x80x64xf32, #tpu.memory_space<hbm>>
        %dma_start3A_353 = tpu.memref_squeeze %dma_start3A_352 : memref<1x80x64xf32, #tpu.memory_space<hbm>> -> memref<80x64xf32, #tpu.memory_space<hbm>>
        %dma_start3A_354 = arith.constant 0 : i32
        %dma_start3A_355 = tpu.memref_slice %arg13[%mul3A_349, %dma_start3A_354] : memref<10000x64xf32, #tpu.memory_space<vmem_shared>> -> memref<80x64xf32, #tpu.memory_space<vmem_shared>>
        tpu.enqueue_dma source(%dma_start3A_355 : memref<80x64xf32, #tpu.memory_space<vmem_shared>>) target(%dma_start3A_353 : memref<80x64xf32, #tpu.memory_space<hbm>>) target_semaphore(%arg17 : memref<!tpu.dma_semaphore, #tpu.memory_space<semaphore_mem>>)
        %mul3A_356 = arith.constant 80 : i32
        %mul3A_357 = arith.muli %add3A_255, %mul3A_356 : i32
        %dma_start3A_358 = arith.constant 0 : i32
        %dma_start3A_359 = arith.constant 0 : i32
        %dma_start3A_360 = tpu.memref_slice %arg9[%add3A_255, %dma_start3A_358, %dma_start3A_359] : memref<125x80x16xf32, #tpu.memory_space<hbm>> -> memref<1x80x16xf32, #tpu.memory_space<hbm>>
        %dma_start3A_361 = tpu.memref_squeeze %dma_start3A_360 : memref<1x80x16xf32, #tpu.memory_space<hbm>> -> memref<80x16xf32, #tpu.memory_space<hbm>>
        %dma_start3A_362 = arith.constant 0 : i32
        %dma_start3A_363 = tpu.memref_slice %arg16[%mul3A_357, %dma_start3A_362] : memref<10000x16xf32, #tpu.memory_space<vmem_shared>> -> memref<80x16xf32, #tpu.memory_space<vmem_shared>>
        tpu.enqueue_dma source(%dma_start3A_363 : memref<80x16xf32, #tpu.memory_space<vmem_shared>>) target(%dma_start3A_361 : memref<80x16xf32, #tpu.memory_space<hbm>>) target_semaphore(%arg17 : memref<!tpu.dma_semaphore, #tpu.memory_space<semaphore_mem>>)
      } else {
      }
    } else {
    }
    %add3A_261 = arith.constant 80 : i32
    %add3A_262 = arith.addi %arg1, %add3A_261 : i32
    %lt3A_263 = arith.constant 125 : i32
    %lt3A_264 = arith.cmpi slt, %add3A_262, %lt3A_263 : i32
    %convert_element_type3A_265 = arith.extui %lt3A_264 : i1 to i32
    %cond3A_266 = arith.constant 0 : i32
    %cond3A_267 = arith.cmpi ne, %convert_element_type3A_265, %cond3A_266 : i32
    scf.if %cond3A_267 {
      %eq3A_338 = arith.constant 0 : i32
      %eq3A_339 = arith.cmpi eq, %arg0, %eq3A_338 : i32
      %convert_element_type3A_340 = arith.extui %eq3A_339 : i1 to i32
      %cond3A_341 = arith.constant 0 : i32
      %cond3A_342 = arith.cmpi ne, %convert_element_type3A_340, %cond3A_341 : i32
      scf.if %cond3A_342 {
        %mul3A_348 = arith.constant 80 : i32
        %mul3A_349 = arith.muli %add3A_262, %mul3A_348 : i32
        %dma_start3A_350 = arith.constant 0 : i32
        %dma_start3A_351 = arith.constant 0 : i32
        %dma_start3A_352 = tpu.memref_slice %arg6[%add3A_262, %dma_start3A_350, %dma_start3A_351] : memref<125x80x64xf32, #tpu.memory_space<hbm>> -> memref<1x80x64xf32, #tpu.memory_space<hbm>>
        %dma_start3A_353 = tpu.memref_squeeze %dma_start3A_352 : memref<1x80x64xf32, #tpu.memory_space<hbm>> -> memref<80x64xf32, #tpu.memory_space<hbm>>
        %dma_start3A_354 = arith.constant 0 : i32
        %dma_start3A_355 = tpu.memref_slice %arg13[%mul3A_349, %dma_start3A_354] : memref<10000x64xf32, #tpu.memory_space<vmem_shared>> -> memref<80x64xf32, #tpu.memory_space<vmem_shared>>
        tpu.enqueue_dma source(%dma_start3A_355 : memref<80x64xf32, #tpu.memory_space<vmem_shared>>) target(%dma_start3A_353 : memref<80x64xf32, #tpu.memory_space<hbm>>) target_semaphore(%arg17 : memref<!tpu.dma_semaphore, #tpu.memory_space<semaphore_mem>>)
        %mul3A_356 = arith.constant 80 : i32
        %mul3A_357 = arith.muli %add3A_262, %mul3A_356 : i32
        %dma_start3A_358 = arith.constant 0 : i32
        %dma_start3A_359 = arith.constant 0 : i32
        %dma_start3A_360 = tpu.memref_slice %arg8[%add3A_262, %dma_start3A_358, %dma_start3A_359] : memref<125x80x16xf32, #tpu.memory_space<hbm>> -> memref<1x80x16xf32, #tpu.memory_space<hbm>>
        %dma_start3A_361 = tpu.memref_squeeze %dma_start3A_360 : memref<1x80x16xf32, #tpu.memory_space<hbm>> -> memref<80x16xf32, #tpu.memory_space<hbm>>
        %dma_start3A_362 = arith.constant 0 : i32
        %dma_start3A_363 = tpu.memref_slice %arg16[%mul3A_357, %dma_start3A_362] : memref<10000x16xf32, #tpu.memory_space<vmem_shared>> -> memref<80x16xf32, #tpu.memory_space<vmem_shared>>
        tpu.enqueue_dma source(%dma_start3A_363 : memref<80x16xf32, #tpu.memory_space<vmem_shared>>) target(%dma_start3A_361 : memref<80x16xf32, #tpu.memory_space<hbm>>) target_semaphore(%arg17 : memref<!tpu.dma_semaphore, #tpu.memory_space<semaphore_mem>>)
      } else {
      }
      %eq3A_343 = arith.constant 1 : i32
      %eq3A_344 = arith.cmpi eq, %arg0, %eq3A_343 : i32
      %convert_element_type3A_345 = arith.extui %eq3A_344 : i1 to i32
      %cond3A_346 = arith.constant 0 : i32
      %cond3A_347 = arith.cmpi ne, %convert_element_type3A_345, %cond3A_346 : i32
      scf.if %cond3A_347 {
        %mul3A_348 = arith.constant 80 : i32
        %mul3A_349 = arith.muli %add3A_262, %mul3A_348 : i32
        %dma_start3A_350 = arith.constant 0 : i32
        %dma_start3A_351 = arith.constant 0 : i32
        %dma_start3A_352 = tpu.memref_slice %arg7[%add3A_262, %dma_start3A_350, %dma_start3A_351] : memref<125x80x64xf32, #tpu.memory_space<hbm>> -> memref<1x80x64xf32, #tpu.memory_space<hbm>>
        %dma_start3A_353 = tpu.memref_squeeze %dma_start3A_352 : memref<1x80x64xf32, #tpu.memory_space<hbm>> -> memref<80x64xf32, #tpu.memory_space<hbm>>
        %dma_start3A_354 = arith.constant 0 : i32
        %dma_start3A_355 = tpu.memref_slice %arg13[%mul3A_349, %dma_start3A_354] : memref<10000x64xf32, #tpu.memory_space<vmem_shared>> -> memref<80x64xf32, #tpu.memory_space<vmem_shared>>
        tpu.enqueue_dma source(%dma_start3A_355 : memref<80x64xf32, #tpu.memory_space<vmem_shared>>) target(%dma_start3A_353 : memref<80x64xf32, #tpu.memory_space<hbm>>) target_semaphore(%arg17 : memref<!tpu.dma_semaphore, #tpu.memory_space<semaphore_mem>>)
        %mul3A_356 = arith.constant 80 : i32
        %mul3A_357 = arith.muli %add3A_262, %mul3A_356 : i32
        %dma_start3A_358 = arith.constant 0 : i32
        %dma_start3A_359 = arith.constant 0 : i32
        %dma_start3A_360 = tpu.memref_slice %arg9[%add3A_262, %dma_start3A_358, %dma_start3A_359] : memref<125x80x16xf32, #tpu.memory_space<hbm>> -> memref<1x80x16xf32, #tpu.memory_space<hbm>>
        %dma_start3A_361 = tpu.memref_squeeze %dma_start3A_360 : memref<1x80x16xf32, #tpu.memory_space<hbm>> -> memref<80x16xf32, #tpu.memory_space<hbm>>
        %dma_start3A_362 = arith.constant 0 : i32
        %dma_start3A_363 = tpu.memref_slice %arg16[%mul3A_357, %dma_start3A_362] : memref<10000x16xf32, #tpu.memory_space<vmem_shared>> -> memref<80x16xf32, #tpu.memory_space<vmem_shared>>
        tpu.enqueue_dma source(%dma_start3A_363 : memref<80x16xf32, #tpu.memory_space<vmem_shared>>) target(%dma_start3A_361 : memref<80x16xf32, #tpu.memory_space<hbm>>) target_semaphore(%arg17 : memref<!tpu.dma_semaphore, #tpu.memory_space<semaphore_mem>>)
      } else {
      }
    } else {
    }
    %add3A_268 = arith.constant 96 : i32
    %add3A_269 = arith.addi %arg1, %add3A_268 : i32
    %lt3A_270 = arith.constant 125 : i32
    %lt3A_271 = arith.cmpi slt, %add3A_269, %lt3A_270 : i32
    %convert_element_type3A_272 = arith.extui %lt3A_271 : i1 to i32
    %cond3A_273 = arith.constant 0 : i32
    %cond3A_274 = arith.cmpi ne, %convert_element_type3A_272, %cond3A_273 : i32
    scf.if %cond3A_274 {
      %eq3A_338 = arith.constant 0 : i32
      %eq3A_339 = arith.cmpi eq, %arg0, %eq3A_338 : i32
      %convert_element_type3A_340 = arith.extui %eq3A_339 : i1 to i32
      %cond3A_341 = arith.constant 0 : i32
      %cond3A_342 = arith.cmpi ne, %convert_element_type3A_340, %cond3A_341 : i32
      scf.if %cond3A_342 {
        %mul3A_348 = arith.constant 80 : i32
        %mul3A_349 = arith.muli %add3A_269, %mul3A_348 : i32
        %dma_start3A_350 = arith.constant 0 : i32
        %dma_start3A_351 = arith.constant 0 : i32
        %dma_start3A_352 = tpu.memref_slice %arg6[%add3A_269, %dma_start3A_350, %dma_start3A_351] : memref<125x80x64xf32, #tpu.memory_space<hbm>> -> memref<1x80x64xf32, #tpu.memory_space<hbm>>
        %dma_start3A_353 = tpu.memref_squeeze %dma_start3A_352 : memref<1x80x64xf32, #tpu.memory_space<hbm>> -> memref<80x64xf32, #tpu.memory_space<hbm>>
        %dma_start3A_354 = arith.constant 0 : i32
        %dma_start3A_355 = tpu.memref_slice %arg13[%mul3A_349, %dma_start3A_354] : memref<10000x64xf32, #tpu.memory_space<vmem_shared>> -> memref<80x64xf32, #tpu.memory_space<vmem_shared>>
        tpu.enqueue_dma source(%dma_start3A_355 : memref<80x64xf32, #tpu.memory_space<vmem_shared>>) target(%dma_start3A_353 : memref<80x64xf32, #tpu.memory_space<hbm>>) target_semaphore(%arg17 : memref<!tpu.dma_semaphore, #tpu.memory_space<semaphore_mem>>)
        %mul3A_356 = arith.constant 80 : i32
        %mul3A_357 = arith.muli %add3A_269, %mul3A_356 : i32
        %dma_start3A_358 = arith.constant 0 : i32
        %dma_start3A_359 = arith.constant 0 : i32
        %dma_start3A_360 = tpu.memref_slice %arg8[%add3A_269, %dma_start3A_358, %dma_start3A_359] : memref<125x80x16xf32, #tpu.memory_space<hbm>> -> memref<1x80x16xf32, #tpu.memory_space<hbm>>
        %dma_start3A_361 = tpu.memref_squeeze %dma_start3A_360 : memref<1x80x16xf32, #tpu.memory_space<hbm>> -> memref<80x16xf32, #tpu.memory_space<hbm>>
        %dma_start3A_362 = arith.constant 0 : i32
        %dma_start3A_363 = tpu.memref_slice %arg16[%mul3A_357, %dma_start3A_362] : memref<10000x16xf32, #tpu.memory_space<vmem_shared>> -> memref<80x16xf32, #tpu.memory_space<vmem_shared>>
        tpu.enqueue_dma source(%dma_start3A_363 : memref<80x16xf32, #tpu.memory_space<vmem_shared>>) target(%dma_start3A_361 : memref<80x16xf32, #tpu.memory_space<hbm>>) target_semaphore(%arg17 : memref<!tpu.dma_semaphore, #tpu.memory_space<semaphore_mem>>)
      } else {
      }
      %eq3A_343 = arith.constant 1 : i32
      %eq3A_344 = arith.cmpi eq, %arg0, %eq3A_343 : i32
      %convert_element_type3A_345 = arith.extui %eq3A_344 : i1 to i32
      %cond3A_346 = arith.constant 0 : i32
      %cond3A_347 = arith.cmpi ne, %convert_element_type3A_345, %cond3A_346 : i32
      scf.if %cond3A_347 {
        %mul3A_348 = arith.constant 80 : i32
        %mul3A_349 = arith.muli %add3A_269, %mul3A_348 : i32
        %dma_start3A_350 = arith.constant 0 : i32
        %dma_start3A_351 = arith.constant 0 : i32
        %dma_start3A_352 = tpu.memref_slice %arg7[%add3A_269, %dma_start3A_350, %dma_start3A_351] : memref<125x80x64xf32, #tpu.memory_space<hbm>> -> memref<1x80x64xf32, #tpu.memory_space<hbm>>
        %dma_start3A_353 = tpu.memref_squeeze %dma_start3A_352 : memref<1x80x64xf32, #tpu.memory_space<hbm>> -> memref<80x64xf32, #tpu.memory_space<hbm>>
        %dma_start3A_354 = arith.constant 0 : i32
        %dma_start3A_355 = tpu.memref_slice %arg13[%mul3A_349, %dma_start3A_354] : memref<10000x64xf32, #tpu.memory_space<vmem_shared>> -> memref<80x64xf32, #tpu.memory_space<vmem_shared>>
        tpu.enqueue_dma source(%dma_start3A_355 : memref<80x64xf32, #tpu.memory_space<vmem_shared>>) target(%dma_start3A_353 : memref<80x64xf32, #tpu.memory_space<hbm>>) target_semaphore(%arg17 : memref<!tpu.dma_semaphore, #tpu.memory_space<semaphore_mem>>)
        %mul3A_356 = arith.constant 80 : i32
        %mul3A_357 = arith.muli %add3A_269, %mul3A_356 : i32
        %dma_start3A_358 = arith.constant 0 : i32
        %dma_start3A_359 = arith.constant 0 : i32
        %dma_start3A_360 = tpu.memref_slice %arg9[%add3A_269, %dma_start3A_358, %dma_start3A_359] : memref<125x80x16xf32, #tpu.memory_space<hbm>> -> memref<1x80x16xf32, #tpu.memory_space<hbm>>
        %dma_start3A_361 = tpu.memref_squeeze %dma_start3A_360 : memref<1x80x16xf32, #tpu.memory_space<hbm>> -> memref<80x16xf32, #tpu.memory_space<hbm>>
        %dma_start3A_362 = arith.constant 0 : i32
        %dma_start3A_363 = tpu.memref_slice %arg16[%mul3A_357, %dma_start3A_362] : memref<10000x16xf32, #tpu.memory_space<vmem_shared>> -> memref<80x16xf32, #tpu.memory_space<vmem_shared>>
        tpu.enqueue_dma source(%dma_start3A_363 : memref<80x16xf32, #tpu.memory_space<vmem_shared>>) target(%dma_start3A_361 : memref<80x16xf32, #tpu.memory_space<hbm>>) target_semaphore(%arg17 : memref<!tpu.dma_semaphore, #tpu.memory_space<semaphore_mem>>)
      } else {
      }
    } else {
    }
    %add3A_275 = arith.constant 112 : i32
    %add3A_276 = arith.addi %arg1, %add3A_275 : i32
    %lt3A_277 = arith.constant 125 : i32
    %lt3A_278 = arith.cmpi slt, %add3A_276, %lt3A_277 : i32
    %convert_element_type3A_279 = arith.extui %lt3A_278 : i1 to i32
    %cond3A_280 = arith.constant 0 : i32
    %cond3A_281 = arith.cmpi ne, %convert_element_type3A_279, %cond3A_280 : i32
    scf.if %cond3A_281 {
      %eq3A_338 = arith.constant 0 : i32
      %eq3A_339 = arith.cmpi eq, %arg0, %eq3A_338 : i32
      %convert_element_type3A_340 = arith.extui %eq3A_339 : i1 to i32
      %cond3A_341 = arith.constant 0 : i32
      %cond3A_342 = arith.cmpi ne, %convert_element_type3A_340, %cond3A_341 : i32
      scf.if %cond3A_342 {
        %mul3A_348 = arith.constant 80 : i32
        %mul3A_349 = arith.muli %add3A_276, %mul3A_348 : i32
        %dma_start3A_350 = arith.constant 0 : i32
        %dma_start3A_351 = arith.constant 0 : i32
        %dma_start3A_352 = tpu.memref_slice %arg6[%add3A_276, %dma_start3A_350, %dma_start3A_351] : memref<125x80x64xf32, #tpu.memory_space<hbm>> -> memref<1x80x64xf32, #tpu.memory_space<hbm>>
        %dma_start3A_353 = tpu.memref_squeeze %dma_start3A_352 : memref<1x80x64xf32, #tpu.memory_space<hbm>> -> memref<80x64xf32, #tpu.memory_space<hbm>>
        %dma_start3A_354 = arith.constant 0 : i32
        %dma_start3A_355 = tpu.memref_slice %arg13[%mul3A_349, %dma_start3A_354] : memref<10000x64xf32, #tpu.memory_space<vmem_shared>> -> memref<80x64xf32, #tpu.memory_space<vmem_shared>>
        tpu.enqueue_dma source(%dma_start3A_355 : memref<80x64xf32, #tpu.memory_space<vmem_shared>>) target(%dma_start3A_353 : memref<80x64xf32, #tpu.memory_space<hbm>>) target_semaphore(%arg17 : memref<!tpu.dma_semaphore, #tpu.memory_space<semaphore_mem>>)
        %mul3A_356 = arith.constant 80 : i32
        %mul3A_357 = arith.muli %add3A_276, %mul3A_356 : i32
        %dma_start3A_358 = arith.constant 0 : i32
        %dma_start3A_359 = arith.constant 0 : i32
        %dma_start3A_360 = tpu.memref_slice %arg8[%add3A_276, %dma_start3A_358, %dma_start3A_359] : memref<125x80x16xf32, #tpu.memory_space<hbm>> -> memref<1x80x16xf32, #tpu.memory_space<hbm>>
        %dma_start3A_361 = tpu.memref_squeeze %dma_start3A_360 : memref<1x80x16xf32, #tpu.memory_space<hbm>> -> memref<80x16xf32, #tpu.memory_space<hbm>>
        %dma_start3A_362 = arith.constant 0 : i32
        %dma_start3A_363 = tpu.memref_slice %arg16[%mul3A_357, %dma_start3A_362] : memref<10000x16xf32, #tpu.memory_space<vmem_shared>> -> memref<80x16xf32, #tpu.memory_space<vmem_shared>>
        tpu.enqueue_dma source(%dma_start3A_363 : memref<80x16xf32, #tpu.memory_space<vmem_shared>>) target(%dma_start3A_361 : memref<80x16xf32, #tpu.memory_space<hbm>>) target_semaphore(%arg17 : memref<!tpu.dma_semaphore, #tpu.memory_space<semaphore_mem>>)
      } else {
      }
      %eq3A_343 = arith.constant 1 : i32
      %eq3A_344 = arith.cmpi eq, %arg0, %eq3A_343 : i32
      %convert_element_type3A_345 = arith.extui %eq3A_344 : i1 to i32
      %cond3A_346 = arith.constant 0 : i32
      %cond3A_347 = arith.cmpi ne, %convert_element_type3A_345, %cond3A_346 : i32
      scf.if %cond3A_347 {
        %mul3A_348 = arith.constant 80 : i32
        %mul3A_349 = arith.muli %add3A_276, %mul3A_348 : i32
        %dma_start3A_350 = arith.constant 0 : i32
        %dma_start3A_351 = arith.constant 0 : i32
        %dma_start3A_352 = tpu.memref_slice %arg7[%add3A_276, %dma_start3A_350, %dma_start3A_351] : memref<125x80x64xf32, #tpu.memory_space<hbm>> -> memref<1x80x64xf32, #tpu.memory_space<hbm>>
        %dma_start3A_353 = tpu.memref_squeeze %dma_start3A_352 : memref<1x80x64xf32, #tpu.memory_space<hbm>> -> memref<80x64xf32, #tpu.memory_space<hbm>>
        %dma_start3A_354 = arith.constant 0 : i32
        %dma_start3A_355 = tpu.memref_slice %arg13[%mul3A_349, %dma_start3A_354] : memref<10000x64xf32, #tpu.memory_space<vmem_shared>> -> memref<80x64xf32, #tpu.memory_space<vmem_shared>>
        tpu.enqueue_dma source(%dma_start3A_355 : memref<80x64xf32, #tpu.memory_space<vmem_shared>>) target(%dma_start3A_353 : memref<80x64xf32, #tpu.memory_space<hbm>>) target_semaphore(%arg17 : memref<!tpu.dma_semaphore, #tpu.memory_space<semaphore_mem>>)
        %mul3A_356 = arith.constant 80 : i32
        %mul3A_357 = arith.muli %add3A_276, %mul3A_356 : i32
        %dma_start3A_358 = arith.constant 0 : i32
        %dma_start3A_359 = arith.constant 0 : i32
        %dma_start3A_360 = tpu.memref_slice %arg9[%add3A_276, %dma_start3A_358, %dma_start3A_359] : memref<125x80x16xf32, #tpu.memory_space<hbm>> -> memref<1x80x16xf32, #tpu.memory_space<hbm>>
        %dma_start3A_361 = tpu.memref_squeeze %dma_start3A_360 : memref<1x80x16xf32, #tpu.memory_space<hbm>> -> memref<80x16xf32, #tpu.memory_space<hbm>>
        %dma_start3A_362 = arith.constant 0 : i32
        %dma_start3A_363 = tpu.memref_slice %arg16[%mul3A_357, %dma_start3A_362] : memref<10000x16xf32, #tpu.memory_space<vmem_shared>> -> memref<80x16xf32, #tpu.memory_space<vmem_shared>>
        tpu.enqueue_dma source(%dma_start3A_363 : memref<80x16xf32, #tpu.memory_space<vmem_shared>>) target(%dma_start3A_361 : memref<80x16xf32, #tpu.memory_space<hbm>>) target_semaphore(%arg17 : memref<!tpu.dma_semaphore, #tpu.memory_space<semaphore_mem>>)
      } else {
      }
    } else {
    }
    %add3A_282 = arith.constant 0 : i32
    %add3A_283 = arith.addi %arg1, %add3A_282 : i32
    %lt3A_284 = arith.constant 125 : i32
    %lt3A_285 = arith.cmpi slt, %add3A_283, %lt3A_284 : i32
    %convert_element_type3A_286 = arith.extui %lt3A_285 : i1 to i32
    %cond3A_287 = arith.constant 0 : i32
    %cond3A_288 = arith.cmpi ne, %convert_element_type3A_286, %cond3A_287 : i32
    scf.if %cond3A_288 {
      %mul3A_338 = arith.constant 80 : i32
      %mul3A_339 = arith.muli %add3A_283, %mul3A_338 : i32
      %dma_wait3A_340 = arith.constant 0 : i32
      %dma_wait3A_341 = arith.constant 0 : i32
      %dma_wait3A_342 = tpu.memref_slice %arg6[%add3A_283, %dma_wait3A_340, %dma_wait3A_341] : memref<125x80x64xf32, #tpu.memory_space<hbm>> -> memref<1x80x64xf32, #tpu.memory_space<hbm>>
      %dma_wait3A_343 = tpu.memref_squeeze %dma_wait3A_342 : memref<1x80x64xf32, #tpu.memory_space<hbm>> -> memref<80x64xf32, #tpu.memory_space<hbm>>
      %dma_wait3A_344 = arith.constant 0 : i32
      %dma_wait3A_345 = tpu.memref_slice %arg13[%mul3A_339, %dma_wait3A_344] : memref<10000x64xf32, #tpu.memory_space<vmem_shared>> -> memref<80x64xf32, #tpu.memory_space<vmem_shared>>
      tpu.wait_dma2 semaphore(%arg17 : memref<!tpu.dma_semaphore, #tpu.memory_space<semaphore_mem>>) src(%dma_wait3A_345 : memref<80x64xf32, #tpu.memory_space<vmem_shared>>) dst(%dma_wait3A_343 : memref<80x64xf32, #tpu.memory_space<hbm>>)
      %mul3A_346 = arith.constant 80 : i32
      %mul3A_347 = arith.muli %add3A_283, %mul3A_346 : i32
      %dma_wait3A_348 = arith.constant 0 : i32
      %dma_wait3A_349 = arith.constant 0 : i32
      %dma_wait3A_350 = tpu.memref_slice %arg8[%add3A_283, %dma_wait3A_348, %dma_wait3A_349] : memref<125x80x16xf32, #tpu.memory_space<hbm>> -> memref<1x80x16xf32, #tpu.memory_space<hbm>>
      %dma_wait3A_351 = tpu.memref_squeeze %dma_wait3A_350 : memref<1x80x16xf32, #tpu.memory_space<hbm>> -> memref<80x16xf32, #tpu.memory_space<hbm>>
      %dma_wait3A_352 = arith.constant 0 : i32
      %dma_wait3A_353 = tpu.memref_slice %arg16[%mul3A_347, %dma_wait3A_352] : memref<10000x16xf32, #tpu.memory_space<vmem_shared>> -> memref<80x16xf32, #tpu.memory_space<vmem_shared>>
      tpu.wait_dma2 semaphore(%arg17 : memref<!tpu.dma_semaphore, #tpu.memory_space<semaphore_mem>>) src(%dma_wait3A_353 : memref<80x16xf32, #tpu.memory_space<vmem_shared>>) dst(%dma_wait3A_351 : memref<80x16xf32, #tpu.memory_space<hbm>>)
    } else {
    }
    %add3A_289 = arith.constant 16 : i32
    %add3A_290 = arith.addi %arg1, %add3A_289 : i32
    %lt3A_291 = arith.constant 125 : i32
    %lt3A_292 = arith.cmpi slt, %add3A_290, %lt3A_291 : i32
    %convert_element_type3A_293 = arith.extui %lt3A_292 : i1 to i32
    %cond3A_294 = arith.constant 0 : i32
    %cond3A_295 = arith.cmpi ne, %convert_element_type3A_293, %cond3A_294 : i32
    scf.if %cond3A_295 {
      %mul3A_338 = arith.constant 80 : i32
      %mul3A_339 = arith.muli %add3A_290, %mul3A_338 : i32
      %dma_wait3A_340 = arith.constant 0 : i32
      %dma_wait3A_341 = arith.constant 0 : i32
      %dma_wait3A_342 = tpu.memref_slice %arg6[%add3A_290, %dma_wait3A_340, %dma_wait3A_341] : memref<125x80x64xf32, #tpu.memory_space<hbm>> -> memref<1x80x64xf32, #tpu.memory_space<hbm>>
      %dma_wait3A_343 = tpu.memref_squeeze %dma_wait3A_342 : memref<1x80x64xf32, #tpu.memory_space<hbm>> -> memref<80x64xf32, #tpu.memory_space<hbm>>
      %dma_wait3A_344 = arith.constant 0 : i32
      %dma_wait3A_345 = tpu.memref_slice %arg13[%mul3A_339, %dma_wait3A_344] : memref<10000x64xf32, #tpu.memory_space<vmem_shared>> -> memref<80x64xf32, #tpu.memory_space<vmem_shared>>
      tpu.wait_dma2 semaphore(%arg17 : memref<!tpu.dma_semaphore, #tpu.memory_space<semaphore_mem>>) src(%dma_wait3A_345 : memref<80x64xf32, #tpu.memory_space<vmem_shared>>) dst(%dma_wait3A_343 : memref<80x64xf32, #tpu.memory_space<hbm>>)
      %mul3A_346 = arith.constant 80 : i32
      %mul3A_347 = arith.muli %add3A_290, %mul3A_346 : i32
      %dma_wait3A_348 = arith.constant 0 : i32
      %dma_wait3A_349 = arith.constant 0 : i32
      %dma_wait3A_350 = tpu.memref_slice %arg8[%add3A_290, %dma_wait3A_348, %dma_wait3A_349] : memref<125x80x16xf32, #tpu.memory_space<hbm>> -> memref<1x80x16xf32, #tpu.memory_space<hbm>>
      %dma_wait3A_351 = tpu.memref_squeeze %dma_wait3A_350 : memref<1x80x16xf32, #tpu.memory_space<hbm>> -> memref<80x16xf32, #tpu.memory_space<hbm>>
      %dma_wait3A_352 = arith.constant 0 : i32
      %dma_wait3A_353 = tpu.memref_slice %arg16[%mul3A_347, %dma_wait3A_352] : memref<10000x16xf32, #tpu.memory_space<vmem_shared>> -> memref<80x16xf32, #tpu.memory_space<vmem_shared>>
      tpu.wait_dma2 semaphore(%arg17 : memref<!tpu.dma_semaphore, #tpu.memory_space<semaphore_mem>>) src(%dma_wait3A_353 : memref<80x16xf32, #tpu.memory_space<vmem_shared>>) dst(%dma_wait3A_351 : memref<80x16xf32, #tpu.memory_space<hbm>>)
    } else {
    }
    %add3A_296 = arith.constant 32 : i32
    %add3A_297 = arith.addi %arg1, %add3A_296 : i32
    %lt3A_298 = arith.constant 125 : i32
    %lt3A_299 = arith.cmpi slt, %add3A_297, %lt3A_298 : i32
    %convert_element_type3A_300 = arith.extui %lt3A_299 : i1 to i32
    %cond3A_301 = arith.constant 0 : i32
    %cond3A_302 = arith.cmpi ne, %convert_element_type3A_300, %cond3A_301 : i32
    scf.if %cond3A_302 {
      %mul3A_338 = arith.constant 80 : i32
      %mul3A_339 = arith.muli %add3A_297, %mul3A_338 : i32
      %dma_wait3A_340 = arith.constant 0 : i32
      %dma_wait3A_341 = arith.constant 0 : i32
      %dma_wait3A_342 = tpu.memref_slice %arg6[%add3A_297, %dma_wait3A_340, %dma_wait3A_341] : memref<125x80x64xf32, #tpu.memory_space<hbm>> -> memref<1x80x64xf32, #tpu.memory_space<hbm>>
      %dma_wait3A_343 = tpu.memref_squeeze %dma_wait3A_342 : memref<1x80x64xf32, #tpu.memory_space<hbm>> -> memref<80x64xf32, #tpu.memory_space<hbm>>
      %dma_wait3A_344 = arith.constant 0 : i32
      %dma_wait3A_345 = tpu.memref_slice %arg13[%mul3A_339, %dma_wait3A_344] : memref<10000x64xf32, #tpu.memory_space<vmem_shared>> -> memref<80x64xf32, #tpu.memory_space<vmem_shared>>
      tpu.wait_dma2 semaphore(%arg17 : memref<!tpu.dma_semaphore, #tpu.memory_space<semaphore_mem>>) src(%dma_wait3A_345 : memref<80x64xf32, #tpu.memory_space<vmem_shared>>) dst(%dma_wait3A_343 : memref<80x64xf32, #tpu.memory_space<hbm>>)
      %mul3A_346 = arith.constant 80 : i32
      %mul3A_347 = arith.muli %add3A_297, %mul3A_346 : i32
      %dma_wait3A_348 = arith.constant 0 : i32
      %dma_wait3A_349 = arith.constant 0 : i32
      %dma_wait3A_350 = tpu.memref_slice %arg8[%add3A_297, %dma_wait3A_348, %dma_wait3A_349] : memref<125x80x16xf32, #tpu.memory_space<hbm>> -> memref<1x80x16xf32, #tpu.memory_space<hbm>>
      %dma_wait3A_351 = tpu.memref_squeeze %dma_wait3A_350 : memref<1x80x16xf32, #tpu.memory_space<hbm>> -> memref<80x16xf32, #tpu.memory_space<hbm>>
      %dma_wait3A_352 = arith.constant 0 : i32
      %dma_wait3A_353 = tpu.memref_slice %arg16[%mul3A_347, %dma_wait3A_352] : memref<10000x16xf32, #tpu.memory_space<vmem_shared>> -> memref<80x16xf32, #tpu.memory_space<vmem_shared>>
      tpu.wait_dma2 semaphore(%arg17 : memref<!tpu.dma_semaphore, #tpu.memory_space<semaphore_mem>>) src(%dma_wait3A_353 : memref<80x16xf32, #tpu.memory_space<vmem_shared>>) dst(%dma_wait3A_351 : memref<80x16xf32, #tpu.memory_space<hbm>>)
    } else {
    }
    %add3A_303 = arith.constant 48 : i32
    %add3A_304 = arith.addi %arg1, %add3A_303 : i32
    %lt3A_305 = arith.constant 125 : i32
    %lt3A_306 = arith.cmpi slt, %add3A_304, %lt3A_305 : i32
    %convert_element_type3A_307 = arith.extui %lt3A_306 : i1 to i32
    %cond3A_308 = arith.constant 0 : i32
    %cond3A_309 = arith.cmpi ne, %convert_element_type3A_307, %cond3A_308 : i32
    scf.if %cond3A_309 {
      %mul3A_338 = arith.constant 80 : i32
      %mul3A_339 = arith.muli %add3A_304, %mul3A_338 : i32
      %dma_wait3A_340 = arith.constant 0 : i32
      %dma_wait3A_341 = arith.constant 0 : i32
      %dma_wait3A_342 = tpu.memref_slice %arg6[%add3A_304, %dma_wait3A_340, %dma_wait3A_341] : memref<125x80x64xf32, #tpu.memory_space<hbm>> -> memref<1x80x64xf32, #tpu.memory_space<hbm>>
      %dma_wait3A_343 = tpu.memref_squeeze %dma_wait3A_342 : memref<1x80x64xf32, #tpu.memory_space<hbm>> -> memref<80x64xf32, #tpu.memory_space<hbm>>
      %dma_wait3A_344 = arith.constant 0 : i32
      %dma_wait3A_345 = tpu.memref_slice %arg13[%mul3A_339, %dma_wait3A_344] : memref<10000x64xf32, #tpu.memory_space<vmem_shared>> -> memref<80x64xf32, #tpu.memory_space<vmem_shared>>
      tpu.wait_dma2 semaphore(%arg17 : memref<!tpu.dma_semaphore, #tpu.memory_space<semaphore_mem>>) src(%dma_wait3A_345 : memref<80x64xf32, #tpu.memory_space<vmem_shared>>) dst(%dma_wait3A_343 : memref<80x64xf32, #tpu.memory_space<hbm>>)
      %mul3A_346 = arith.constant 80 : i32
      %mul3A_347 = arith.muli %add3A_304, %mul3A_346 : i32
      %dma_wait3A_348 = arith.constant 0 : i32
      %dma_wait3A_349 = arith.constant 0 : i32
      %dma_wait3A_350 = tpu.memref_slice %arg8[%add3A_304, %dma_wait3A_348, %dma_wait3A_349] : memref<125x80x16xf32, #tpu.memory_space<hbm>> -> memref<1x80x16xf32, #tpu.memory_space<hbm>>
      %dma_wait3A_351 = tpu.memref_squeeze %dma_wait3A_350 : memref<1x80x16xf32, #tpu.memory_space<hbm>> -> memref<80x16xf32, #tpu.memory_space<hbm>>
      %dma_wait3A_352 = arith.constant 0 : i32
      %dma_wait3A_353 = tpu.memref_slice %arg16[%mul3A_347, %dma_wait3A_352] : memref<10000x16xf32, #tpu.memory_space<vmem_shared>> -> memref<80x16xf32, #tpu.memory_space<vmem_shared>>
      tpu.wait_dma2 semaphore(%arg17 : memref<!tpu.dma_semaphore, #tpu.memory_space<semaphore_mem>>) src(%dma_wait3A_353 : memref<80x16xf32, #tpu.memory_space<vmem_shared>>) dst(%dma_wait3A_351 : memref<80x16xf32, #tpu.memory_space<hbm>>)
    } else {
    }
    %add3A_310 = arith.constant 64 : i32
    %add3A_311 = arith.addi %arg1, %add3A_310 : i32
    %lt3A_312 = arith.constant 125 : i32
    %lt3A_313 = arith.cmpi slt, %add3A_311, %lt3A_312 : i32
    %convert_element_type3A_314 = arith.extui %lt3A_313 : i1 to i32
    %cond3A_315 = arith.constant 0 : i32
    %cond3A_316 = arith.cmpi ne, %convert_element_type3A_314, %cond3A_315 : i32
    scf.if %cond3A_316 {
      %mul3A_338 = arith.constant 80 : i32
      %mul3A_339 = arith.muli %add3A_311, %mul3A_338 : i32
      %dma_wait3A_340 = arith.constant 0 : i32
      %dma_wait3A_341 = arith.constant 0 : i32
      %dma_wait3A_342 = tpu.memref_slice %arg6[%add3A_311, %dma_wait3A_340, %dma_wait3A_341] : memref<125x80x64xf32, #tpu.memory_space<hbm>> -> memref<1x80x64xf32, #tpu.memory_space<hbm>>
      %dma_wait3A_343 = tpu.memref_squeeze %dma_wait3A_342 : memref<1x80x64xf32, #tpu.memory_space<hbm>> -> memref<80x64xf32, #tpu.memory_space<hbm>>
      %dma_wait3A_344 = arith.constant 0 : i32
      %dma_wait3A_345 = tpu.memref_slice %arg13[%mul3A_339, %dma_wait3A_344] : memref<10000x64xf32, #tpu.memory_space<vmem_shared>> -> memref<80x64xf32, #tpu.memory_space<vmem_shared>>
      tpu.wait_dma2 semaphore(%arg17 : memref<!tpu.dma_semaphore, #tpu.memory_space<semaphore_mem>>) src(%dma_wait3A_345 : memref<80x64xf32, #tpu.memory_space<vmem_shared>>) dst(%dma_wait3A_343 : memref<80x64xf32, #tpu.memory_space<hbm>>)
      %mul3A_346 = arith.constant 80 : i32
      %mul3A_347 = arith.muli %add3A_311, %mul3A_346 : i32
      %dma_wait3A_348 = arith.constant 0 : i32
      %dma_wait3A_349 = arith.constant 0 : i32
      %dma_wait3A_350 = tpu.memref_slice %arg8[%add3A_311, %dma_wait3A_348, %dma_wait3A_349] : memref<125x80x16xf32, #tpu.memory_space<hbm>> -> memref<1x80x16xf32, #tpu.memory_space<hbm>>
      %dma_wait3A_351 = tpu.memref_squeeze %dma_wait3A_350 : memref<1x80x16xf32, #tpu.memory_space<hbm>> -> memref<80x16xf32, #tpu.memory_space<hbm>>
      %dma_wait3A_352 = arith.constant 0 : i32
      %dma_wait3A_353 = tpu.memref_slice %arg16[%mul3A_347, %dma_wait3A_352] : memref<10000x16xf32, #tpu.memory_space<vmem_shared>> -> memref<80x16xf32, #tpu.memory_space<vmem_shared>>
      tpu.wait_dma2 semaphore(%arg17 : memref<!tpu.dma_semaphore, #tpu.memory_space<semaphore_mem>>) src(%dma_wait3A_353 : memref<80x16xf32, #tpu.memory_space<vmem_shared>>) dst(%dma_wait3A_351 : memref<80x16xf32, #tpu.memory_space<hbm>>)
    } else {
    }
    %add3A_317 = arith.constant 80 : i32
    %add3A_318 = arith.addi %arg1, %add3A_317 : i32
    %lt3A_319 = arith.constant 125 : i32
    %lt3A_320 = arith.cmpi slt, %add3A_318, %lt3A_319 : i32
    %convert_element_type3A_321 = arith.extui %lt3A_320 : i1 to i32
    %cond3A_322 = arith.constant 0 : i32
    %cond3A_323 = arith.cmpi ne, %convert_element_type3A_321, %cond3A_322 : i32
    scf.if %cond3A_323 {
      %mul3A_338 = arith.constant 80 : i32
      %mul3A_339 = arith.muli %add3A_318, %mul3A_338 : i32
      %dma_wait3A_340 = arith.constant 0 : i32
      %dma_wait3A_341 = arith.constant 0 : i32
      %dma_wait3A_342 = tpu.memref_slice %arg6[%add3A_318, %dma_wait3A_340, %dma_wait3A_341] : memref<125x80x64xf32, #tpu.memory_space<hbm>> -> memref<1x80x64xf32, #tpu.memory_space<hbm>>
      %dma_wait3A_343 = tpu.memref_squeeze %dma_wait3A_342 : memref<1x80x64xf32, #tpu.memory_space<hbm>> -> memref<80x64xf32, #tpu.memory_space<hbm>>
      %dma_wait3A_344 = arith.constant 0 : i32
      %dma_wait3A_345 = tpu.memref_slice %arg13[%mul3A_339, %dma_wait3A_344] : memref<10000x64xf32, #tpu.memory_space<vmem_shared>> -> memref<80x64xf32, #tpu.memory_space<vmem_shared>>
      tpu.wait_dma2 semaphore(%arg17 : memref<!tpu.dma_semaphore, #tpu.memory_space<semaphore_mem>>) src(%dma_wait3A_345 : memref<80x64xf32, #tpu.memory_space<vmem_shared>>) dst(%dma_wait3A_343 : memref<80x64xf32, #tpu.memory_space<hbm>>)
      %mul3A_346 = arith.constant 80 : i32
      %mul3A_347 = arith.muli %add3A_318, %mul3A_346 : i32
      %dma_wait3A_348 = arith.constant 0 : i32
      %dma_wait3A_349 = arith.constant 0 : i32
      %dma_wait3A_350 = tpu.memref_slice %arg8[%add3A_318, %dma_wait3A_348, %dma_wait3A_349] : memref<125x80x16xf32, #tpu.memory_space<hbm>> -> memref<1x80x16xf32, #tpu.memory_space<hbm>>
      %dma_wait3A_351 = tpu.memref_squeeze %dma_wait3A_350 : memref<1x80x16xf32, #tpu.memory_space<hbm>> -> memref<80x16xf32, #tpu.memory_space<hbm>>
      %dma_wait3A_352 = arith.constant 0 : i32
      %dma_wait3A_353 = tpu.memref_slice %arg16[%mul3A_347, %dma_wait3A_352] : memref<10000x16xf32, #tpu.memory_space<vmem_shared>> -> memref<80x16xf32, #tpu.memory_space<vmem_shared>>
      tpu.wait_dma2 semaphore(%arg17 : memref<!tpu.dma_semaphore, #tpu.memory_space<semaphore_mem>>) src(%dma_wait3A_353 : memref<80x16xf32, #tpu.memory_space<vmem_shared>>) dst(%dma_wait3A_351 : memref<80x16xf32, #tpu.memory_space<hbm>>)
    } else {
    }
    %add3A_324 = arith.constant 96 : i32
    %add3A_325 = arith.addi %arg1, %add3A_324 : i32
    %lt3A_326 = arith.constant 125 : i32
    %lt3A_327 = arith.cmpi slt, %add3A_325, %lt3A_326 : i32
    %convert_element_type3A_328 = arith.extui %lt3A_327 : i1 to i32
    %cond3A_329 = arith.constant 0 : i32
    %cond3A_330 = arith.cmpi ne, %convert_element_type3A_328, %cond3A_329 : i32
    scf.if %cond3A_330 {
      %mul3A_338 = arith.constant 80 : i32
      %mul3A_339 = arith.muli %add3A_325, %mul3A_338 : i32
      %dma_wait3A_340 = arith.constant 0 : i32
      %dma_wait3A_341 = arith.constant 0 : i32
      %dma_wait3A_342 = tpu.memref_slice %arg6[%add3A_325, %dma_wait3A_340, %dma_wait3A_341] : memref<125x80x64xf32, #tpu.memory_space<hbm>> -> memref<1x80x64xf32, #tpu.memory_space<hbm>>
      %dma_wait3A_343 = tpu.memref_squeeze %dma_wait3A_342 : memref<1x80x64xf32, #tpu.memory_space<hbm>> -> memref<80x64xf32, #tpu.memory_space<hbm>>
      %dma_wait3A_344 = arith.constant 0 : i32
      %dma_wait3A_345 = tpu.memref_slice %arg13[%mul3A_339, %dma_wait3A_344] : memref<10000x64xf32, #tpu.memory_space<vmem_shared>> -> memref<80x64xf32, #tpu.memory_space<vmem_shared>>
      tpu.wait_dma2 semaphore(%arg17 : memref<!tpu.dma_semaphore, #tpu.memory_space<semaphore_mem>>) src(%dma_wait3A_345 : memref<80x64xf32, #tpu.memory_space<vmem_shared>>) dst(%dma_wait3A_343 : memref<80x64xf32, #tpu.memory_space<hbm>>)
      %mul3A_346 = arith.constant 80 : i32
      %mul3A_347 = arith.muli %add3A_325, %mul3A_346 : i32
      %dma_wait3A_348 = arith.constant 0 : i32
      %dma_wait3A_349 = arith.constant 0 : i32
      %dma_wait3A_350 = tpu.memref_slice %arg8[%add3A_325, %dma_wait3A_348, %dma_wait3A_349] : memref<125x80x16xf32, #tpu.memory_space<hbm>> -> memref<1x80x16xf32, #tpu.memory_space<hbm>>
      %dma_wait3A_351 = tpu.memref_squeeze %dma_wait3A_350 : memref<1x80x16xf32, #tpu.memory_space<hbm>> -> memref<80x16xf32, #tpu.memory_space<hbm>>
      %dma_wait3A_352 = arith.constant 0 : i32
      %dma_wait3A_353 = tpu.memref_slice %arg16[%mul3A_347, %dma_wait3A_352] : memref<10000x16xf32, #tpu.memory_space<vmem_shared>> -> memref<80x16xf32, #tpu.memory_space<vmem_shared>>
      tpu.wait_dma2 semaphore(%arg17 : memref<!tpu.dma_semaphore, #tpu.memory_space<semaphore_mem>>) src(%dma_wait3A_353 : memref<80x16xf32, #tpu.memory_space<vmem_shared>>) dst(%dma_wait3A_351 : memref<80x16xf32, #tpu.memory_space<hbm>>)
    } else {
    }
    %add3A_331 = arith.constant 112 : i32
    %add3A_332 = arith.addi %arg1, %add3A_331 : i32
    %lt3A_333 = arith.constant 125 : i32
    %lt3A_334 = arith.cmpi slt, %add3A_332, %lt3A_333 : i32
    %convert_element_type3A_335 = arith.extui %lt3A_334 : i1 to i32
    %cond3A_336 = arith.constant 0 : i32
    %cond3A_337 = arith.cmpi ne, %convert_element_type3A_335, %cond3A_336 : i32
    scf.if %cond3A_337 {
      %mul3A_338 = arith.constant 80 : i32
      %mul3A_339 = arith.muli %add3A_332, %mul3A_338 : i32
      %dma_wait3A_340 = arith.constant 0 : i32
      %dma_wait3A_341 = arith.constant 0 : i32
      %dma_wait3A_342 = tpu.memref_slice %arg6[%add3A_332, %dma_wait3A_340, %dma_wait3A_341] : memref<125x80x64xf32, #tpu.memory_space<hbm>> -> memref<1x80x64xf32, #tpu.memory_space<hbm>>
      %dma_wait3A_343 = tpu.memref_squeeze %dma_wait3A_342 : memref<1x80x64xf32, #tpu.memory_space<hbm>> -> memref<80x64xf32, #tpu.memory_space<hbm>>
      %dma_wait3A_344 = arith.constant 0 : i32
      %dma_wait3A_345 = tpu.memref_slice %arg13[%mul3A_339, %dma_wait3A_344] : memref<10000x64xf32, #tpu.memory_space<vmem_shared>> -> memref<80x64xf32, #tpu.memory_space<vmem_shared>>
      tpu.wait_dma2 semaphore(%arg17 : memref<!tpu.dma_semaphore, #tpu.memory_space<semaphore_mem>>) src(%dma_wait3A_345 : memref<80x64xf32, #tpu.memory_space<vmem_shared>>) dst(%dma_wait3A_343 : memref<80x64xf32, #tpu.memory_space<hbm>>)
      %mul3A_346 = arith.constant 80 : i32
      %mul3A_347 = arith.muli %add3A_332, %mul3A_346 : i32
      %dma_wait3A_348 = arith.constant 0 : i32
      %dma_wait3A_349 = arith.constant 0 : i32
      %dma_wait3A_350 = tpu.memref_slice %arg8[%add3A_332, %dma_wait3A_348, %dma_wait3A_349] : memref<125x80x16xf32, #tpu.memory_space<hbm>> -> memref<1x80x16xf32, #tpu.memory_space<hbm>>
      %dma_wait3A_351 = tpu.memref_squeeze %dma_wait3A_350 : memref<1x80x16xf32, #tpu.memory_space<hbm>> -> memref<80x16xf32, #tpu.memory_space<hbm>>
      %dma_wait3A_352 = arith.constant 0 : i32
      %dma_wait3A_353 = tpu.memref_slice %arg16[%mul3A_347, %dma_wait3A_352] : memref<10000x16xf32, #tpu.memory_space<vmem_shared>> -> memref<80x16xf32, #tpu.memory_space<vmem_shared>>
      tpu.wait_dma2 semaphore(%arg17 : memref<!tpu.dma_semaphore, #tpu.memory_space<semaphore_mem>>) src(%dma_wait3A_353 : memref<80x16xf32, #tpu.memory_space<vmem_shared>>) dst(%dma_wait3A_351 : memref<80x16xf32, #tpu.memory_space<hbm>>)
    } else {
    }
    return
  }
}

#map = affine_map<(d0, d1) -> (0, 0)>
#map1 = affine_map<(d0, d1) -> (0, 0, 0)>
module attributes {stable_mosaic.version = 14 : i64} {
  func.func @body(%arg0: i32, %arg1: i32, %arg2: memref<20000x64xf32, #tpu.memory_space<hbm>>, %arg3: memref<2560x125xi32, #tpu.memory_space<hbm>>, %arg4: memref<2560x125xi32, #tpu.memory_space<hbm>>, %arg5: memref<2560x125xi32, #tpu.memory_space<hbm>>, %arg6: memref<125x80x64xf32, #tpu.memory_space<hbm>>, %arg7: memref<125x80x64xf32, #tpu.memory_space<hbm>>, %arg8: memref<160x125xi32, #tpu.memory_space<vmem>>, %arg9: memref<160x125xi32, #tpu.memory_space<vmem>>, %arg10: memref<4x125x64xf32, #tpu.memory_space<vmem>>, %arg11: memref<10000x64xf32, #tpu.memory_space<vmem_shared>>, %arg12: memref<!tpu.dma_semaphore, #tpu.memory_space<semaphore_mem>>, %arg13: memref<!tpu.dma_semaphore, #tpu.memory_space<semaphore_mem>>, %arg14: memref<!tpu.dma_semaphore, #tpu.memory_space<semaphore_mem>>, %arg15: memref<!tpu.dma_semaphore, #tpu.memory_space<semaphore_mem>>, %arg16: memref<!tpu.dma_semaphore, #tpu.memory_space<semaphore_mem>>, %arg17: memref<!tpu.dma_semaphore, #tpu.memory_space<semaphore_mem>>, %arg18: memref<!tpu.dma_semaphore, #tpu.memory_space<semaphore_mem>>, %arg19: memref<!tpu.dma_semaphore, #tpu.memory_space<semaphore_mem>>) attributes {dimension_semantics = [#tpu.dimension_semantics<core_parallel>, #tpu.dimension_semantics<subcore_parallel>], iteration_bounds = array<i64: 2, 16>, scalar_prefetch = 0 : i64, scratch_operands = 12 : i64, tpu.core_type = #tpu.core_type<sc_vector_subcore>, window_params = [{transform_indices = #map}, {transform_indices = #map}, {transform_indices = #map}, {transform_indices = #map}, {transform_indices = #map1}, {transform_indices = #map1}]} {
    %broadcast_in_dim3A = arith.constant 0.000000e+00 : f32
    %broadcast_in_dim3A_0 = vector.broadcast %broadcast_in_dim3A : f32 to vector<16xf32>
    %scan3A = arith.constant 0 : i32
    %scan3A_1 = arith.constant 0 : i32
    %scan3A_2 = arith.constant 500 : i32
    %scan3A_3 = arith.addi %scan3A_1, %scan3A_2 : i32
    %scan3A_4 = arith.constant 1 : i32
    scf.for %scan3A_321 = %scan3A_1 to %scan3A_3 step %scan3A_4  : i32 {
      %jit3A = arith.constant 4 : i32
      %div3A = arith.divsi %scan3A_321, %jit3A : i32
      %sign3A = arith.constant 0 : i32
      %sign3A_322 = arith.cmpi sgt, %scan3A_321, %sign3A : i32
      %sign3A_323 = arith.extui %sign3A_322 : i1 to i32
      %sign3A_324 = arith.constant 0 : i32
      %sign3A_325 = arith.cmpi slt, %scan3A_321, %sign3A_324 : i32
      %sign3A_326 = arith.extui %sign3A_325 : i1 to i32
      %sign3A_327 = arith.subi %sign3A_323, %sign3A_326 : i32
      %sign3A_328 = arith.constant 0 : i32
      %sign3A_329 = arith.cmpi sgt, %jit3A, %sign3A_328 : i32
      %sign3A_330 = arith.extui %sign3A_329 : i1 to i32
      %sign3A_331 = arith.constant 0 : i32
      %sign3A_332 = arith.cmpi slt, %jit3A, %sign3A_331 : i32
      %sign3A_333 = arith.extui %sign3A_332 : i1 to i32
      %sign3A_334 = arith.subi %sign3A_330, %sign3A_333 : i32
      %ne3A = arith.cmpi ne, %sign3A_327, %sign3A_334 : i32
      %rem3A = arith.remsi %scan3A_321, %jit3A : i32
      %ne3A_335 = arith.constant 0 : i32
      %ne3A_336 = arith.cmpi ne, %rem3A, %ne3A_335 : i32
      %and3A = arith.andi %ne3A, %ne3A_336 : i1
      %sub3A = arith.constant 1 : i32
      %sub3A_337 = arith.subi %div3A, %sub3A : i32
      %select_n3A = arith.select %and3A, %sub3A_337, %div3A : i32
      %jit3A_338 = arith.constant 4 : i32
      %eq3A_339 = arith.constant 0 : i32
      %eq3A_340 = arith.cmpi eq, %jit3A_338, %eq3A_339 : i32
      %jit3A_341 = arith.constant 1 : i32
      %select_n3A_342 = arith.select %eq3A_340, %jit3A_341, %jit3A_338 : i32
      %rem3A_343 = arith.remsi %scan3A_321, %select_n3A_342 : i32
      %ne3A_344 = arith.constant 0 : i32
      %ne3A_345 = arith.cmpi ne, %rem3A_343, %ne3A_344 : i32
      %lt3A_346 = arith.constant 0 : i32
      %lt3A_347 = arith.cmpi slt, %rem3A_343, %lt3A_346 : i32
      %lt3A_348 = arith.constant 0 : i32
      %lt3A_349 = arith.cmpi slt, %select_n3A_342, %lt3A_348 : i32
      %ne3A_350 = arith.xori %lt3A_347, %lt3A_349 : i1
      %and3A_351 = arith.andi %ne3A_350, %ne3A_345 : i1
      %add3A_352 = arith.addi %rem3A_343, %select_n3A_342 : i32
      %select_n3A_353 = arith.select %and3A_351, %add3A_352, %rem3A_343 : i32
      %mul3A_354 = arith.constant 16 : i32
      %mul3A_355 = arith.muli %select_n3A_353, %mul3A_354 : i32
      %swap3A = arith.constant 3 : i32
      %swap3A_356 = arith.index_cast %swap3A : i32 to index
      %swap3A_357 = arith.index_cast %select_n3A : i32 to index
      %swap3A_358 = arith.index_cast %mul3A_355 : i32 to index
      %swap3A_359 = tpu.vector_load %arg10[%swap3A_356, %swap3A_357, %swap3A_358] {strides = array<i32>} : memref<4x125x64xf32, #tpu.memory_space<vmem>>, vector<1x1x16xf32>,
      %swap3A_360 = vector.shape_cast %swap3A_359 : vector<1x1x16xf32> to vector<16xf32>
      %swap3A_361 = vector.shape_cast %broadcast_in_dim3A_0 : vector<16xf32> to vector<1x1x16xf32>
      tpu.vector_store %arg10[%swap3A_356, %swap3A_357, %swap3A_358], %swap3A_361 {strides = array<i32>} : memref<4x125x64xf32, #tpu.memory_space<vmem>>, vector<1x1x16xf32>,
    }
    %scan3A_5 = arith.constant 500 : i32
    %add3A = arith.constant 0 : i32
    %add3A_6 = arith.addi %arg1, %add3A : i32
    %lt3A = arith.constant 125 : i32
    %lt3A_7 = arith.cmpi slt, %add3A_6, %lt3A : i32
    %convert_element_type3A = arith.extui %lt3A_7 : i1 to i32
    %cond3A = arith.constant 0 : i32
    %cond3A_8 = arith.cmpi ne, %convert_element_type3A, %cond3A : i32
    scf.if %cond3A_8 {
      %mul3A_321 = arith.constant 80 : i32
      %mul3A_322 = arith.muli %add3A_6, %mul3A_321 : i32
      %dma_start3A_323 = arith.constant 3 : i32
      %dma_start3A_324 = arith.constant 0 : i32
      %dma_start3A_325 = arith.constant 0 : i32
      %dma_start3A_326 = tpu.memref_slice %arg10[%dma_start3A_323, %dma_start3A_324, %dma_start3A_325] : memref<4x125x64xf32, #tpu.memory_space<vmem>> -> memref<1x80x64xf32, #tpu.memory_space<vmem>>
      %dma_start3A_327 = tpu.memref_squeeze %dma_start3A_326 : memref<1x80x64xf32, #tpu.memory_space<vmem>> -> memref<80x64xf32, #tpu.memory_space<vmem>>
      %dma_start3A_328 = arith.constant 0 : i32
      %dma_start3A_329 = tpu.memref_slice %arg11[%mul3A_322, %dma_start3A_328] : memref<10000x64xf32, #tpu.memory_space<vmem_shared>> -> memref<80x64xf32, #tpu.memory_space<vmem_shared>>
      %dma_start3A_330 = arith.constant 0 : i32
      %dma_start3A_331 = tpu.memref_slice %arg11[%mul3A_322, %dma_start3A_330] : memref<10000x64xf32, #tpu.memory_space<vmem_shared>> -> memref<80x64xf32, #tpu.memory_space<vmem_shared>>
      %dma_start3A_332 = arith.constant 0 : i32
      %dma_start3A_333 = arith.constant 0 : i32
      %dma_start3A_334 = tpu.memref_slice %arg10[%dma_start3A_323, %dma_start3A_332, %dma_start3A_333] : memref<4x125x64xf32, #tpu.memory_space<vmem>> -> memref<1x80x64xf32, #tpu.memory_space<vmem>>
      %dma_start3A_335 = tpu.memref_squeeze %dma_start3A_334 : memref<1x80x64xf32, #tpu.memory_space<vmem>> -> memref<80x64xf32, #tpu.memory_space<vmem>>
      tpu.enqueue_dma source(%dma_start3A_335 : memref<80x64xf32, #tpu.memory_space<vmem>>) target(%dma_start3A_331 : memref<80x64xf32, #tpu.memory_space<vmem_shared>>) target_semaphore(%arg12 : memref<!tpu.dma_semaphore, #tpu.memory_space<semaphore_mem>>)
    } else {
    }
    %add3A_9 = arith.constant 16 : i32
    %add3A_10 = arith.addi %arg1, %add3A_9 : i32
    %lt3A_11 = arith.constant 125 : i32
    %lt3A_12 = arith.cmpi slt, %add3A_10, %lt3A_11 : i32
    %convert_element_type3A_13 = arith.extui %lt3A_12 : i1 to i32
    %cond3A_14 = arith.constant 0 : i32
    %cond3A_15 = arith.cmpi ne, %convert_element_type3A_13, %cond3A_14 : i32
    scf.if %cond3A_15 {
      %mul3A_321 = arith.constant 80 : i32
      %mul3A_322 = arith.muli %add3A_10, %mul3A_321 : i32
      %dma_start3A_323 = arith.constant 3 : i32
      %dma_start3A_324 = arith.constant 0 : i32
      %dma_start3A_325 = arith.constant 0 : i32
      %dma_start3A_326 = tpu.memref_slice %arg10[%dma_start3A_323, %dma_start3A_324, %dma_start3A_325] : memref<4x125x64xf32, #tpu.memory_space<vmem>> -> memref<1x80x64xf32, #tpu.memory_space<vmem>>
      %dma_start3A_327 = tpu.memref_squeeze %dma_start3A_326 : memref<1x80x64xf32, #tpu.memory_space<vmem>> -> memref<80x64xf32, #tpu.memory_space<vmem>>
      %dma_start3A_328 = arith.constant 0 : i32
      %dma_start3A_329 = tpu.memref_slice %arg11[%mul3A_322, %dma_start3A_328] : memref<10000x64xf32, #tpu.memory_space<vmem_shared>> -> memref<80x64xf32, #tpu.memory_space<vmem_shared>>
      %dma_start3A_330 = arith.constant 0 : i32
      %dma_start3A_331 = tpu.memref_slice %arg11[%mul3A_322, %dma_start3A_330] : memref<10000x64xf32, #tpu.memory_space<vmem_shared>> -> memref<80x64xf32, #tpu.memory_space<vmem_shared>>
      %dma_start3A_332 = arith.constant 0 : i32
      %dma_start3A_333 = arith.constant 0 : i32
      %dma_start3A_334 = tpu.memref_slice %arg10[%dma_start3A_323, %dma_start3A_332, %dma_start3A_333] : memref<4x125x64xf32, #tpu.memory_space<vmem>> -> memref<1x80x64xf32, #tpu.memory_space<vmem>>
      %dma_start3A_335 = tpu.memref_squeeze %dma_start3A_334 : memref<1x80x64xf32, #tpu.memory_space<vmem>> -> memref<80x64xf32, #tpu.memory_space<vmem>>
      tpu.enqueue_dma source(%dma_start3A_335 : memref<80x64xf32, #tpu.memory_space<vmem>>) target(%dma_start3A_331 : memref<80x64xf32, #tpu.memory_space<vmem_shared>>) target_semaphore(%arg12 : memref<!tpu.dma_semaphore, #tpu.memory_space<semaphore_mem>>)
    } else {
    }
    %add3A_16 = arith.constant 32 : i32
    %add3A_17 = arith.addi %arg1, %add3A_16 : i32
    %lt3A_18 = arith.constant 125 : i32
    %lt3A_19 = arith.cmpi slt, %add3A_17, %lt3A_18 : i32
    %convert_element_type3A_20 = arith.extui %lt3A_19 : i1 to i32
    %cond3A_21 = arith.constant 0 : i32
    %cond3A_22 = arith.cmpi ne, %convert_element_type3A_20, %cond3A_21 : i32
    scf.if %cond3A_22 {
      %mul3A_321 = arith.constant 80 : i32
      %mul3A_322 = arith.muli %add3A_17, %mul3A_321 : i32
      %dma_start3A_323 = arith.constant 3 : i32
      %dma_start3A_324 = arith.constant 0 : i32
      %dma_start3A_325 = arith.constant 0 : i32
      %dma_start3A_326 = tpu.memref_slice %arg10[%dma_start3A_323, %dma_start3A_324, %dma_start3A_325] : memref<4x125x64xf32, #tpu.memory_space<vmem>> -> memref<1x80x64xf32, #tpu.memory_space<vmem>>
      %dma_start3A_327 = tpu.memref_squeeze %dma_start3A_326 : memref<1x80x64xf32, #tpu.memory_space<vmem>> -> memref<80x64xf32, #tpu.memory_space<vmem>>
      %dma_start3A_328 = arith.constant 0 : i32
      %dma_start3A_329 = tpu.memref_slice %arg11[%mul3A_322, %dma_start3A_328] : memref<10000x64xf32, #tpu.memory_space<vmem_shared>> -> memref<80x64xf32, #tpu.memory_space<vmem_shared>>
      %dma_start3A_330 = arith.constant 0 : i32
      %dma_start3A_331 = tpu.memref_slice %arg11[%mul3A_322, %dma_start3A_330] : memref<10000x64xf32, #tpu.memory_space<vmem_shared>> -> memref<80x64xf32, #tpu.memory_space<vmem_shared>>
      %dma_start3A_332 = arith.constant 0 : i32
      %dma_start3A_333 = arith.constant 0 : i32
      %dma_start3A_334 = tpu.memref_slice %arg10[%dma_start3A_323, %dma_start3A_332, %dma_start3A_333] : memref<4x125x64xf32, #tpu.memory_space<vmem>> -> memref<1x80x64xf32, #tpu.memory_space<vmem>>
      %dma_start3A_335 = tpu.memref_squeeze %dma_start3A_334 : memref<1x80x64xf32, #tpu.memory_space<vmem>> -> memref<80x64xf32, #tpu.memory_space<vmem>>
      tpu.enqueue_dma source(%dma_start3A_335 : memref<80x64xf32, #tpu.memory_space<vmem>>) target(%dma_start3A_331 : memref<80x64xf32, #tpu.memory_space<vmem_shared>>) target_semaphore(%arg12 : memref<!tpu.dma_semaphore, #tpu.memory_space<semaphore_mem>>)
    } else {
    }
    %add3A_23 = arith.constant 48 : i32
    %add3A_24 = arith.addi %arg1, %add3A_23 : i32
    %lt3A_25 = arith.constant 125 : i32
    %lt3A_26 = arith.cmpi slt, %add3A_24, %lt3A_25 : i32
    %convert_element_type3A_27 = arith.extui %lt3A_26 : i1 to i32
    %cond3A_28 = arith.constant 0 : i32
    %cond3A_29 = arith.cmpi ne, %convert_element_type3A_27, %cond3A_28 : i32
    scf.if %cond3A_29 {
      %mul3A_321 = arith.constant 80 : i32
      %mul3A_322 = arith.muli %add3A_24, %mul3A_321 : i32
      %dma_start3A_323 = arith.constant 3 : i32
      %dma_start3A_324 = arith.constant 0 : i32
      %dma_start3A_325 = arith.constant 0 : i32
      %dma_start3A_326 = tpu.memref_slice %arg10[%dma_start3A_323, %dma_start3A_324, %dma_start3A_325] : memref<4x125x64xf32, #tpu.memory_space<vmem>> -> memref<1x80x64xf32, #tpu.memory_space<vmem>>
      %dma_start3A_327 = tpu.memref_squeeze %dma_start3A_326 : memref<1x80x64xf32, #tpu.memory_space<vmem>> -> memref<80x64xf32, #tpu.memory_space<vmem>>
      %dma_start3A_328 = arith.constant 0 : i32
      %dma_start3A_329 = tpu.memref_slice %arg11[%mul3A_322, %dma_start3A_328] : memref<10000x64xf32, #tpu.memory_space<vmem_shared>> -> memref<80x64xf32, #tpu.memory_space<vmem_shared>>
      %dma_start3A_330 = arith.constant 0 : i32
      %dma_start3A_331 = tpu.memref_slice %arg11[%mul3A_322, %dma_start3A_330] : memref<10000x64xf32, #tpu.memory_space<vmem_shared>> -> memref<80x64xf32, #tpu.memory_space<vmem_shared>>
      %dma_start3A_332 = arith.constant 0 : i32
      %dma_start3A_333 = arith.constant 0 : i32
      %dma_start3A_334 = tpu.memref_slice %arg10[%dma_start3A_323, %dma_start3A_332, %dma_start3A_333] : memref<4x125x64xf32, #tpu.memory_space<vmem>> -> memref<1x80x64xf32, #tpu.memory_space<vmem>>
      %dma_start3A_335 = tpu.memref_squeeze %dma_start3A_334 : memref<1x80x64xf32, #tpu.memory_space<vmem>> -> memref<80x64xf32, #tpu.memory_space<vmem>>
      tpu.enqueue_dma source(%dma_start3A_335 : memref<80x64xf32, #tpu.memory_space<vmem>>) target(%dma_start3A_331 : memref<80x64xf32, #tpu.memory_space<vmem_shared>>) target_semaphore(%arg12 : memref<!tpu.dma_semaphore, #tpu.memory_space<semaphore_mem>>)
    } else {
    }
    %add3A_30 = arith.constant 64 : i32
    %add3A_31 = arith.addi %arg1, %add3A_30 : i32
    %lt3A_32 = arith.constant 125 : i32
    %lt3A_33 = arith.cmpi slt, %add3A_31, %lt3A_32 : i32
    %convert_element_type3A_34 = arith.extui %lt3A_33 : i1 to i32
    %cond3A_35 = arith.constant 0 : i32
    %cond3A_36 = arith.cmpi ne, %convert_element_type3A_34, %cond3A_35 : i32
    scf.if %cond3A_36 {
      %mul3A_321 = arith.constant 80 : i32
      %mul3A_322 = arith.muli %add3A_31, %mul3A_321 : i32
      %dma_start3A_323 = arith.constant 3 : i32
      %dma_start3A_324 = arith.constant 0 : i32
      %dma_start3A_325 = arith.constant 0 : i32
      %dma_start3A_326 = tpu.memref_slice %arg10[%dma_start3A_323, %dma_start3A_324, %dma_start3A_325] : memref<4x125x64xf32, #tpu.memory_space<vmem>> -> memref<1x80x64xf32, #tpu.memory_space<vmem>>
      %dma_start3A_327 = tpu.memref_squeeze %dma_start3A_326 : memref<1x80x64xf32, #tpu.memory_space<vmem>> -> memref<80x64xf32, #tpu.memory_space<vmem>>
      %dma_start3A_328 = arith.constant 0 : i32
      %dma_start3A_329 = tpu.memref_slice %arg11[%mul3A_322, %dma_start3A_328] : memref<10000x64xf32, #tpu.memory_space<vmem_shared>> -> memref<80x64xf32, #tpu.memory_space<vmem_shared>>
      %dma_start3A_330 = arith.constant 0 : i32
      %dma_start3A_331 = tpu.memref_slice %arg11[%mul3A_322, %dma_start3A_330] : memref<10000x64xf32, #tpu.memory_space<vmem_shared>> -> memref<80x64xf32, #tpu.memory_space<vmem_shared>>
      %dma_start3A_332 = arith.constant 0 : i32
      %dma_start3A_333 = arith.constant 0 : i32
      %dma_start3A_334 = tpu.memref_slice %arg10[%dma_start3A_323, %dma_start3A_332, %dma_start3A_333] : memref<4x125x64xf32, #tpu.memory_space<vmem>> -> memref<1x80x64xf32, #tpu.memory_space<vmem>>
      %dma_start3A_335 = tpu.memref_squeeze %dma_start3A_334 : memref<1x80x64xf32, #tpu.memory_space<vmem>> -> memref<80x64xf32, #tpu.memory_space<vmem>>
      tpu.enqueue_dma source(%dma_start3A_335 : memref<80x64xf32, #tpu.memory_space<vmem>>) target(%dma_start3A_331 : memref<80x64xf32, #tpu.memory_space<vmem_shared>>) target_semaphore(%arg12 : memref<!tpu.dma_semaphore, #tpu.memory_space<semaphore_mem>>)
    } else {
    }
    %add3A_37 = arith.constant 80 : i32
    %add3A_38 = arith.addi %arg1, %add3A_37 : i32
    %lt3A_39 = arith.constant 125 : i32
    %lt3A_40 = arith.cmpi slt, %add3A_38, %lt3A_39 : i32
    %convert_element_type3A_41 = arith.extui %lt3A_40 : i1 to i32
    %cond3A_42 = arith.constant 0 : i32
    %cond3A_43 = arith.cmpi ne, %convert_element_type3A_41, %cond3A_42 : i32
    scf.if %cond3A_43 {
      %mul3A_321 = arith.constant 80 : i32
      %mul3A_322 = arith.muli %add3A_38, %mul3A_321 : i32
      %dma_start3A_323 = arith.constant 3 : i32
      %dma_start3A_324 = arith.constant 0 : i32
      %dma_start3A_325 = arith.constant 0 : i32
      %dma_start3A_326 = tpu.memref_slice %arg10[%dma_start3A_323, %dma_start3A_324, %dma_start3A_325] : memref<4x125x64xf32, #tpu.memory_space<vmem>> -> memref<1x80x64xf32, #tpu.memory_space<vmem>>
      %dma_start3A_327 = tpu.memref_squeeze %dma_start3A_326 : memref<1x80x64xf32, #tpu.memory_space<vmem>> -> memref<80x64xf32, #tpu.memory_space<vmem>>
      %dma_start3A_328 = arith.constant 0 : i32
      %dma_start3A_329 = tpu.memref_slice %arg11[%mul3A_322, %dma_start3A_328] : memref<10000x64xf32, #tpu.memory_space<vmem_shared>> -> memref<80x64xf32, #tpu.memory_space<vmem_shared>>
      %dma_start3A_330 = arith.constant 0 : i32
      %dma_start3A_331 = tpu.memref_slice %arg11[%mul3A_322, %dma_start3A_330] : memref<10000x64xf32, #tpu.memory_space<vmem_shared>> -> memref<80x64xf32, #tpu.memory_space<vmem_shared>>
      %dma_start3A_332 = arith.constant 0 : i32
      %dma_start3A_333 = arith.constant 0 : i32
      %dma_start3A_334 = tpu.memref_slice %arg10[%dma_start3A_323, %dma_start3A_332, %dma_start3A_333] : memref<4x125x64xf32, #tpu.memory_space<vmem>> -> memref<1x80x64xf32, #tpu.memory_space<vmem>>
      %dma_start3A_335 = tpu.memref_squeeze %dma_start3A_334 : memref<1x80x64xf32, #tpu.memory_space<vmem>> -> memref<80x64xf32, #tpu.memory_space<vmem>>
      tpu.enqueue_dma source(%dma_start3A_335 : memref<80x64xf32, #tpu.memory_space<vmem>>) target(%dma_start3A_331 : memref<80x64xf32, #tpu.memory_space<vmem_shared>>) target_semaphore(%arg12 : memref<!tpu.dma_semaphore, #tpu.memory_space<semaphore_mem>>)
    } else {
    }
    %add3A_44 = arith.constant 96 : i32
    %add3A_45 = arith.addi %arg1, %add3A_44 : i32
    %lt3A_46 = arith.constant 125 : i32
    %lt3A_47 = arith.cmpi slt, %add3A_45, %lt3A_46 : i32
    %convert_element_type3A_48 = arith.extui %lt3A_47 : i1 to i32
    %cond3A_49 = arith.constant 0 : i32
    %cond3A_50 = arith.cmpi ne, %convert_element_type3A_48, %cond3A_49 : i32
    scf.if %cond3A_50 {
      %mul3A_321 = arith.constant 80 : i32
      %mul3A_322 = arith.muli %add3A_45, %mul3A_321 : i32
      %dma_start3A_323 = arith.constant 3 : i32
      %dma_start3A_324 = arith.constant 0 : i32
      %dma_start3A_325 = arith.constant 0 : i32
      %dma_start3A_326 = tpu.memref_slice %arg10[%dma_start3A_323, %dma_start3A_324, %dma_start3A_325] : memref<4x125x64xf32, #tpu.memory_space<vmem>> -> memref<1x80x64xf32, #tpu.memory_space<vmem>>
      %dma_start3A_327 = tpu.memref_squeeze %dma_start3A_326 : memref<1x80x64xf32, #tpu.memory_space<vmem>> -> memref<80x64xf32, #tpu.memory_space<vmem>>
      %dma_start3A_328 = arith.constant 0 : i32
      %dma_start3A_329 = tpu.memref_slice %arg11[%mul3A_322, %dma_start3A_328] : memref<10000x64xf32, #tpu.memory_space<vmem_shared>> -> memref<80x64xf32, #tpu.memory_space<vmem_shared>>
      %dma_start3A_330 = arith.constant 0 : i32
      %dma_start3A_331 = tpu.memref_slice %arg11[%mul3A_322, %dma_start3A_330] : memref<10000x64xf32, #tpu.memory_space<vmem_shared>> -> memref<80x64xf32, #tpu.memory_space<vmem_shared>>
      %dma_start3A_332 = arith.constant 0 : i32
      %dma_start3A_333 = arith.constant 0 : i32
      %dma_start3A_334 = tpu.memref_slice %arg10[%dma_start3A_323, %dma_start3A_332, %dma_start3A_333] : memref<4x125x64xf32, #tpu.memory_space<vmem>> -> memref<1x80x64xf32, #tpu.memory_space<vmem>>
      %dma_start3A_335 = tpu.memref_squeeze %dma_start3A_334 : memref<1x80x64xf32, #tpu.memory_space<vmem>> -> memref<80x64xf32, #tpu.memory_space<vmem>>
      tpu.enqueue_dma source(%dma_start3A_335 : memref<80x64xf32, #tpu.memory_space<vmem>>) target(%dma_start3A_331 : memref<80x64xf32, #tpu.memory_space<vmem_shared>>) target_semaphore(%arg12 : memref<!tpu.dma_semaphore, #tpu.memory_space<semaphore_mem>>)
    } else {
    }
    %add3A_51 = arith.constant 112 : i32
    %add3A_52 = arith.addi %arg1, %add3A_51 : i32
    %lt3A_53 = arith.constant 125 : i32
    %lt3A_54 = arith.cmpi slt, %add3A_52, %lt3A_53 : i32
    %convert_element_type3A_55 = arith.extui %lt3A_54 : i1 to i32
    %cond3A_56 = arith.constant 0 : i32
    %cond3A_57 = arith.cmpi ne, %convert_element_type3A_55, %cond3A_56 : i32
    scf.if %cond3A_57 {
      %mul3A_321 = arith.constant 80 : i32
      %mul3A_322 = arith.muli %add3A_52, %mul3A_321 : i32
      %dma_start3A_323 = arith.constant 3 : i32
      %dma_start3A_324 = arith.constant 0 : i32
      %dma_start3A_325 = arith.constant 0 : i32
      %dma_start3A_326 = tpu.memref_slice %arg10[%dma_start3A_323, %dma_start3A_324, %dma_start3A_325] : memref<4x125x64xf32, #tpu.memory_space<vmem>> -> memref<1x80x64xf32, #tpu.memory_space<vmem>>
      %dma_start3A_327 = tpu.memref_squeeze %dma_start3A_326 : memref<1x80x64xf32, #tpu.memory_space<vmem>> -> memref<80x64xf32, #tpu.memory_space<vmem>>
      %dma_start3A_328 = arith.constant 0 : i32
      %dma_start3A_329 = tpu.memref_slice %arg11[%mul3A_322, %dma_start3A_328] : memref<10000x64xf32, #tpu.memory_space<vmem_shared>> -> memref<80x64xf32, #tpu.memory_space<vmem_shared>>
      %dma_start3A_330 = arith.constant 0 : i32
      %dma_start3A_331 = tpu.memref_slice %arg11[%mul3A_322, %dma_start3A_330] : memref<10000x64xf32, #tpu.memory_space<vmem_shared>> -> memref<80x64xf32, #tpu.memory_space<vmem_shared>>
      %dma_start3A_332 = arith.constant 0 : i32
      %dma_start3A_333 = arith.constant 0 : i32
      %dma_start3A_334 = tpu.memref_slice %arg10[%dma_start3A_323, %dma_start3A_332, %dma_start3A_333] : memref<4x125x64xf32, #tpu.memory_space<vmem>> -> memref<1x80x64xf32, #tpu.memory_space<vmem>>
      %dma_start3A_335 = tpu.memref_squeeze %dma_start3A_334 : memref<1x80x64xf32, #tpu.memory_space<vmem>> -> memref<80x64xf32, #tpu.memory_space<vmem>>
      tpu.enqueue_dma source(%dma_start3A_335 : memref<80x64xf32, #tpu.memory_space<vmem>>) target(%dma_start3A_331 : memref<80x64xf32, #tpu.memory_space<vmem_shared>>) target_semaphore(%arg12 : memref<!tpu.dma_semaphore, #tpu.memory_space<semaphore_mem>>)
    } else {
    }
    %add3A_58 = arith.constant 0 : i32
    %add3A_59 = arith.addi %arg1, %add3A_58 : i32
    %lt3A_60 = arith.constant 125 : i32
    %lt3A_61 = arith.cmpi slt, %add3A_59, %lt3A_60 : i32
    %convert_element_type3A_62 = arith.extui %lt3A_61 : i1 to i32
    %cond3A_63 = arith.constant 0 : i32
    %cond3A_64 = arith.cmpi ne, %convert_element_type3A_62, %cond3A_63 : i32
    scf.if %cond3A_64 {
      %mul3A_321 = arith.constant 80 : i32
      %mul3A_322 = arith.muli %add3A_59, %mul3A_321 : i32
      %dma_wait3A_323 = arith.constant 3 : i32
      %dma_wait3A_324 = arith.constant 0 : i32
      %dma_wait3A_325 = arith.constant 0 : i32
      %dma_wait3A_326 = tpu.memref_slice %arg10[%dma_wait3A_323, %dma_wait3A_324, %dma_wait3A_325] : memref<4x125x64xf32, #tpu.memory_space<vmem>> -> memref<1x80x64xf32, #tpu.memory_space<vmem>>
      %dma_wait3A_327 = tpu.memref_squeeze %dma_wait3A_326 : memref<1x80x64xf32, #tpu.memory_space<vmem>> -> memref<80x64xf32, #tpu.memory_space<vmem>>
      %dma_wait3A_328 = arith.constant 0 : i32
      %dma_wait3A_329 = tpu.memref_slice %arg11[%mul3A_322, %dma_wait3A_328] : memref<10000x64xf32, #tpu.memory_space<vmem_shared>> -> memref<80x64xf32, #tpu.memory_space<vmem_shared>>
      %dma_wait3A_330 = arith.constant 0 : i32
      %dma_wait3A_331 = tpu.memref_slice %arg11[%mul3A_322, %dma_wait3A_330] : memref<10000x64xf32, #tpu.memory_space<vmem_shared>> -> memref<80x64xf32, #tpu.memory_space<vmem_shared>>
      %dma_wait3A_332 = arith.constant 0 : i32
      %dma_wait3A_333 = arith.constant 0 : i32
      %dma_wait3A_334 = tpu.memref_slice %arg10[%dma_wait3A_323, %dma_wait3A_332, %dma_wait3A_333] : memref<4x125x64xf32, #tpu.memory_space<vmem>> -> memref<1x80x64xf32, #tpu.memory_space<vmem>>
      %dma_wait3A_335 = tpu.memref_squeeze %dma_wait3A_334 : memref<1x80x64xf32, #tpu.memory_space<vmem>> -> memref<80x64xf32, #tpu.memory_space<vmem>>
      tpu.wait_dma2 semaphore(%arg12 : memref<!tpu.dma_semaphore, #tpu.memory_space<semaphore_mem>>) src(%dma_wait3A_335 : memref<80x64xf32, #tpu.memory_space<vmem>>) dst(%dma_wait3A_331 : memref<80x64xf32, #tpu.memory_space<vmem_shared>>)
    } else {
    }
    %add3A_65 = arith.constant 16 : i32
    %add3A_66 = arith.addi %arg1, %add3A_65 : i32
    %lt3A_67 = arith.constant 125 : i32
    %lt3A_68 = arith.cmpi slt, %add3A_66, %lt3A_67 : i32
    %convert_element_type3A_69 = arith.extui %lt3A_68 : i1 to i32
    %cond3A_70 = arith.constant 0 : i32
    %cond3A_71 = arith.cmpi ne, %convert_element_type3A_69, %cond3A_70 : i32
    scf.if %cond3A_71 {
      %mul3A_321 = arith.constant 80 : i32
      %mul3A_322 = arith.muli %add3A_66, %mul3A_321 : i32
      %dma_wait3A_323 = arith.constant 3 : i32
      %dma_wait3A_324 = arith.constant 0 : i32
      %dma_wait3A_325 = arith.constant 0 : i32
      %dma_wait3A_326 = tpu.memref_slice %arg10[%dma_wait3A_323, %dma_wait3A_324, %dma_wait3A_325] : memref<4x125x64xf32, #tpu.memory_space<vmem>> -> memref<1x80x64xf32, #tpu.memory_space<vmem>>
      %dma_wait3A_327 = tpu.memref_squeeze %dma_wait3A_326 : memref<1x80x64xf32, #tpu.memory_space<vmem>> -> memref<80x64xf32, #tpu.memory_space<vmem>>
      %dma_wait3A_328 = arith.constant 0 : i32
      %dma_wait3A_329 = tpu.memref_slice %arg11[%mul3A_322, %dma_wait3A_328] : memref<10000x64xf32, #tpu.memory_space<vmem_shared>> -> memref<80x64xf32, #tpu.memory_space<vmem_shared>>
      %dma_wait3A_330 = arith.constant 0 : i32
      %dma_wait3A_331 = tpu.memref_slice %arg11[%mul3A_322, %dma_wait3A_330] : memref<10000x64xf32, #tpu.memory_space<vmem_shared>> -> memref<80x64xf32, #tpu.memory_space<vmem_shared>>
      %dma_wait3A_332 = arith.constant 0 : i32
      %dma_wait3A_333 = arith.constant 0 : i32
      %dma_wait3A_334 = tpu.memref_slice %arg10[%dma_wait3A_323, %dma_wait3A_332, %dma_wait3A_333] : memref<4x125x64xf32, #tpu.memory_space<vmem>> -> memref<1x80x64xf32, #tpu.memory_space<vmem>>
      %dma_wait3A_335 = tpu.memref_squeeze %dma_wait3A_334 : memref<1x80x64xf32, #tpu.memory_space<vmem>> -> memref<80x64xf32, #tpu.memory_space<vmem>>
      tpu.wait_dma2 semaphore(%arg12 : memref<!tpu.dma_semaphore, #tpu.memory_space<semaphore_mem>>) src(%dma_wait3A_335 : memref<80x64xf32, #tpu.memory_space<vmem>>) dst(%dma_wait3A_331 : memref<80x64xf32, #tpu.memory_space<vmem_shared>>)
    } else {
    }
    %add3A_72 = arith.constant 32 : i32
    %add3A_73 = arith.addi %arg1, %add3A_72 : i32
    %lt3A_74 = arith.constant 125 : i32
    %lt3A_75 = arith.cmpi slt, %add3A_73, %lt3A_74 : i32
    %convert_element_type3A_76 = arith.extui %lt3A_75 : i1 to i32
    %cond3A_77 = arith.constant 0 : i32
    %cond3A_78 = arith.cmpi ne, %convert_element_type3A_76, %cond3A_77 : i32
    scf.if %cond3A_78 {
      %mul3A_321 = arith.constant 80 : i32
      %mul3A_322 = arith.muli %add3A_73, %mul3A_321 : i32
      %dma_wait3A_323 = arith.constant 3 : i32
      %dma_wait3A_324 = arith.constant 0 : i32
      %dma_wait3A_325 = arith.constant 0 : i32
      %dma_wait3A_326 = tpu.memref_slice %arg10[%dma_wait3A_323, %dma_wait3A_324, %dma_wait3A_325] : memref<4x125x64xf32, #tpu.memory_space<vmem>> -> memref<1x80x64xf32, #tpu.memory_space<vmem>>
      %dma_wait3A_327 = tpu.memref_squeeze %dma_wait3A_326 : memref<1x80x64xf32, #tpu.memory_space<vmem>> -> memref<80x64xf32, #tpu.memory_space<vmem>>
      %dma_wait3A_328 = arith.constant 0 : i32
      %dma_wait3A_329 = tpu.memref_slice %arg11[%mul3A_322, %dma_wait3A_328] : memref<10000x64xf32, #tpu.memory_space<vmem_shared>> -> memref<80x64xf32, #tpu.memory_space<vmem_shared>>
      %dma_wait3A_330 = arith.constant 0 : i32
      %dma_wait3A_331 = tpu.memref_slice %arg11[%mul3A_322, %dma_wait3A_330] : memref<10000x64xf32, #tpu.memory_space<vmem_shared>> -> memref<80x64xf32, #tpu.memory_space<vmem_shared>>
      %dma_wait3A_332 = arith.constant 0 : i32
      %dma_wait3A_333 = arith.constant 0 : i32
      %dma_wait3A_334 = tpu.memref_slice %arg10[%dma_wait3A_323, %dma_wait3A_332, %dma_wait3A_333] : memref<4x125x64xf32, #tpu.memory_space<vmem>> -> memref<1x80x64xf32, #tpu.memory_space<vmem>>
      %dma_wait3A_335 = tpu.memref_squeeze %dma_wait3A_334 : memref<1x80x64xf32, #tpu.memory_space<vmem>> -> memref<80x64xf32, #tpu.memory_space<vmem>>
      tpu.wait_dma2 semaphore(%arg12 : memref<!tpu.dma_semaphore, #tpu.memory_space<semaphore_mem>>) src(%dma_wait3A_335 : memref<80x64xf32, #tpu.memory_space<vmem>>) dst(%dma_wait3A_331 : memref<80x64xf32, #tpu.memory_space<vmem_shared>>)
    } else {
    }
    %add3A_79 = arith.constant 48 : i32
    %add3A_80 = arith.addi %arg1, %add3A_79 : i32
    %lt3A_81 = arith.constant 125 : i32
    %lt3A_82 = arith.cmpi slt, %add3A_80, %lt3A_81 : i32
    %convert_element_type3A_83 = arith.extui %lt3A_82 : i1 to i32
    %cond3A_84 = arith.constant 0 : i32
    %cond3A_85 = arith.cmpi ne, %convert_element_type3A_83, %cond3A_84 : i32
    scf.if %cond3A_85 {
      %mul3A_321 = arith.constant 80 : i32
      %mul3A_322 = arith.muli %add3A_80, %mul3A_321 : i32
      %dma_wait3A_323 = arith.constant 3 : i32
      %dma_wait3A_324 = arith.constant 0 : i32
      %dma_wait3A_325 = arith.constant 0 : i32
      %dma_wait3A_326 = tpu.memref_slice %arg10[%dma_wait3A_323, %dma_wait3A_324, %dma_wait3A_325] : memref<4x125x64xf32, #tpu.memory_space<vmem>> -> memref<1x80x64xf32, #tpu.memory_space<vmem>>
      %dma_wait3A_327 = tpu.memref_squeeze %dma_wait3A_326 : memref<1x80x64xf32, #tpu.memory_space<vmem>> -> memref<80x64xf32, #tpu.memory_space<vmem>>
      %dma_wait3A_328 = arith.constant 0 : i32
      %dma_wait3A_329 = tpu.memref_slice %arg11[%mul3A_322, %dma_wait3A_328] : memref<10000x64xf32, #tpu.memory_space<vmem_shared>> -> memref<80x64xf32, #tpu.memory_space<vmem_shared>>
      %dma_wait3A_330 = arith.constant 0 : i32
      %dma_wait3A_331 = tpu.memref_slice %arg11[%mul3A_322, %dma_wait3A_330] : memref<10000x64xf32, #tpu.memory_space<vmem_shared>> -> memref<80x64xf32, #tpu.memory_space<vmem_shared>>
      %dma_wait3A_332 = arith.constant 0 : i32
      %dma_wait3A_333 = arith.constant 0 : i32
      %dma_wait3A_334 = tpu.memref_slice %arg10[%dma_wait3A_323, %dma_wait3A_332, %dma_wait3A_333] : memref<4x125x64xf32, #tpu.memory_space<vmem>> -> memref<1x80x64xf32, #tpu.memory_space<vmem>>
      %dma_wait3A_335 = tpu.memref_squeeze %dma_wait3A_334 : memref<1x80x64xf32, #tpu.memory_space<vmem>> -> memref<80x64xf32, #tpu.memory_space<vmem>>
      tpu.wait_dma2 semaphore(%arg12 : memref<!tpu.dma_semaphore, #tpu.memory_space<semaphore_mem>>) src(%dma_wait3A_335 : memref<80x64xf32, #tpu.memory_space<vmem>>) dst(%dma_wait3A_331 : memref<80x64xf32, #tpu.memory_space<vmem_shared>>)
    } else {
    }
    %add3A_86 = arith.constant 64 : i32
    %add3A_87 = arith.addi %arg1, %add3A_86 : i32
    %lt3A_88 = arith.constant 125 : i32
    %lt3A_89 = arith.cmpi slt, %add3A_87, %lt3A_88 : i32
    %convert_element_type3A_90 = arith.extui %lt3A_89 : i1 to i32
    %cond3A_91 = arith.constant 0 : i32
    %cond3A_92 = arith.cmpi ne, %convert_element_type3A_90, %cond3A_91 : i32
    scf.if %cond3A_92 {
      %mul3A_321 = arith.constant 80 : i32
      %mul3A_322 = arith.muli %add3A_87, %mul3A_321 : i32
      %dma_wait3A_323 = arith.constant 3 : i32
      %dma_wait3A_324 = arith.constant 0 : i32
      %dma_wait3A_325 = arith.constant 0 : i32
      %dma_wait3A_326 = tpu.memref_slice %arg10[%dma_wait3A_323, %dma_wait3A_324, %dma_wait3A_325] : memref<4x125x64xf32, #tpu.memory_space<vmem>> -> memref<1x80x64xf32, #tpu.memory_space<vmem>>
      %dma_wait3A_327 = tpu.memref_squeeze %dma_wait3A_326 : memref<1x80x64xf32, #tpu.memory_space<vmem>> -> memref<80x64xf32, #tpu.memory_space<vmem>>
      %dma_wait3A_328 = arith.constant 0 : i32
      %dma_wait3A_329 = tpu.memref_slice %arg11[%mul3A_322, %dma_wait3A_328] : memref<10000x64xf32, #tpu.memory_space<vmem_shared>> -> memref<80x64xf32, #tpu.memory_space<vmem_shared>>
      %dma_wait3A_330 = arith.constant 0 : i32
      %dma_wait3A_331 = tpu.memref_slice %arg11[%mul3A_322, %dma_wait3A_330] : memref<10000x64xf32, #tpu.memory_space<vmem_shared>> -> memref<80x64xf32, #tpu.memory_space<vmem_shared>>
      %dma_wait3A_332 = arith.constant 0 : i32
      %dma_wait3A_333 = arith.constant 0 : i32
      %dma_wait3A_334 = tpu.memref_slice %arg10[%dma_wait3A_323, %dma_wait3A_332, %dma_wait3A_333] : memref<4x125x64xf32, #tpu.memory_space<vmem>> -> memref<1x80x64xf32, #tpu.memory_space<vmem>>
      %dma_wait3A_335 = tpu.memref_squeeze %dma_wait3A_334 : memref<1x80x64xf32, #tpu.memory_space<vmem>> -> memref<80x64xf32, #tpu.memory_space<vmem>>
      tpu.wait_dma2 semaphore(%arg12 : memref<!tpu.dma_semaphore, #tpu.memory_space<semaphore_mem>>) src(%dma_wait3A_335 : memref<80x64xf32, #tpu.memory_space<vmem>>) dst(%dma_wait3A_331 : memref<80x64xf32, #tpu.memory_space<vmem_shared>>)
    } else {
    }
    %add3A_93 = arith.constant 80 : i32
    %add3A_94 = arith.addi %arg1, %add3A_93 : i32
    %lt3A_95 = arith.constant 125 : i32
    %lt3A_96 = arith.cmpi slt, %add3A_94, %lt3A_95 : i32
    %convert_element_type3A_97 = arith.extui %lt3A_96 : i1 to i32
    %cond3A_98 = arith.constant 0 : i32
    %cond3A_99 = arith.cmpi ne, %convert_element_type3A_97, %cond3A_98 : i32
    scf.if %cond3A_99 {
      %mul3A_321 = arith.constant 80 : i32
      %mul3A_322 = arith.muli %add3A_94, %mul3A_321 : i32
      %dma_wait3A_323 = arith.constant 3 : i32
      %dma_wait3A_324 = arith.constant 0 : i32
      %dma_wait3A_325 = arith.constant 0 : i32
      %dma_wait3A_326 = tpu.memref_slice %arg10[%dma_wait3A_323, %dma_wait3A_324, %dma_wait3A_325] : memref<4x125x64xf32, #tpu.memory_space<vmem>> -> memref<1x80x64xf32, #tpu.memory_space<vmem>>
      %dma_wait3A_327 = tpu.memref_squeeze %dma_wait3A_326 : memref<1x80x64xf32, #tpu.memory_space<vmem>> -> memref<80x64xf32, #tpu.memory_space<vmem>>
      %dma_wait3A_328 = arith.constant 0 : i32
      %dma_wait3A_329 = tpu.memref_slice %arg11[%mul3A_322, %dma_wait3A_328] : memref<10000x64xf32, #tpu.memory_space<vmem_shared>> -> memref<80x64xf32, #tpu.memory_space<vmem_shared>>
      %dma_wait3A_330 = arith.constant 0 : i32
      %dma_wait3A_331 = tpu.memref_slice %arg11[%mul3A_322, %dma_wait3A_330] : memref<10000x64xf32, #tpu.memory_space<vmem_shared>> -> memref<80x64xf32, #tpu.memory_space<vmem_shared>>
      %dma_wait3A_332 = arith.constant 0 : i32
      %dma_wait3A_333 = arith.constant 0 : i32
      %dma_wait3A_334 = tpu.memref_slice %arg10[%dma_wait3A_323, %dma_wait3A_332, %dma_wait3A_333] : memref<4x125x64xf32, #tpu.memory_space<vmem>> -> memref<1x80x64xf32, #tpu.memory_space<vmem>>
      %dma_wait3A_335 = tpu.memref_squeeze %dma_wait3A_334 : memref<1x80x64xf32, #tpu.memory_space<vmem>> -> memref<80x64xf32, #tpu.memory_space<vmem>>
      tpu.wait_dma2 semaphore(%arg12 : memref<!tpu.dma_semaphore, #tpu.memory_space<semaphore_mem>>) src(%dma_wait3A_335 : memref<80x64xf32, #tpu.memory_space<vmem>>) dst(%dma_wait3A_331 : memref<80x64xf32, #tpu.memory_space<vmem_shared>>)
    } else {
    }
    %add3A_100 = arith.constant 96 : i32
    %add3A_101 = arith.addi %arg1, %add3A_100 : i32
    %lt3A_102 = arith.constant 125 : i32
    %lt3A_103 = arith.cmpi slt, %add3A_101, %lt3A_102 : i32
    %convert_element_type3A_104 = arith.extui %lt3A_103 : i1 to i32
    %cond3A_105 = arith.constant 0 : i32
    %cond3A_106 = arith.cmpi ne, %convert_element_type3A_104, %cond3A_105 : i32
    scf.if %cond3A_106 {
      %mul3A_321 = arith.constant 80 : i32
      %mul3A_322 = arith.muli %add3A_101, %mul3A_321 : i32
      %dma_wait3A_323 = arith.constant 3 : i32
      %dma_wait3A_324 = arith.constant 0 : i32
      %dma_wait3A_325 = arith.constant 0 : i32
      %dma_wait3A_326 = tpu.memref_slice %arg10[%dma_wait3A_323, %dma_wait3A_324, %dma_wait3A_325] : memref<4x125x64xf32, #tpu.memory_space<vmem>> -> memref<1x80x64xf32, #tpu.memory_space<vmem>>
      %dma_wait3A_327 = tpu.memref_squeeze %dma_wait3A_326 : memref<1x80x64xf32, #tpu.memory_space<vmem>> -> memref<80x64xf32, #tpu.memory_space<vmem>>
      %dma_wait3A_328 = arith.constant 0 : i32
      %dma_wait3A_329 = tpu.memref_slice %arg11[%mul3A_322, %dma_wait3A_328] : memref<10000x64xf32, #tpu.memory_space<vmem_shared>> -> memref<80x64xf32, #tpu.memory_space<vmem_shared>>
      %dma_wait3A_330 = arith.constant 0 : i32
      %dma_wait3A_331 = tpu.memref_slice %arg11[%mul3A_322, %dma_wait3A_330] : memref<10000x64xf32, #tpu.memory_space<vmem_shared>> -> memref<80x64xf32, #tpu.memory_space<vmem_shared>>
      %dma_wait3A_332 = arith.constant 0 : i32
      %dma_wait3A_333 = arith.constant 0 : i32
      %dma_wait3A_334 = tpu.memref_slice %arg10[%dma_wait3A_323, %dma_wait3A_332, %dma_wait3A_333] : memref<4x125x64xf32, #tpu.memory_space<vmem>> -> memref<1x80x64xf32, #tpu.memory_space<vmem>>
      %dma_wait3A_335 = tpu.memref_squeeze %dma_wait3A_334 : memref<1x80x64xf32, #tpu.memory_space<vmem>> -> memref<80x64xf32, #tpu.memory_space<vmem>>
      tpu.wait_dma2 semaphore(%arg12 : memref<!tpu.dma_semaphore, #tpu.memory_space<semaphore_mem>>) src(%dma_wait3A_335 : memref<80x64xf32, #tpu.memory_space<vmem>>) dst(%dma_wait3A_331 : memref<80x64xf32, #tpu.memory_space<vmem_shared>>)
    } else {
    }
    %add3A_107 = arith.constant 112 : i32
    %add3A_108 = arith.addi %arg1, %add3A_107 : i32
    %lt3A_109 = arith.constant 125 : i32
    %lt3A_110 = arith.cmpi slt, %add3A_108, %lt3A_109 : i32
    %convert_element_type3A_111 = arith.extui %lt3A_110 : i1 to i32
    %cond3A_112 = arith.constant 0 : i32
    %cond3A_113 = arith.cmpi ne, %convert_element_type3A_111, %cond3A_112 : i32
    scf.if %cond3A_113 {
      %mul3A_321 = arith.constant 80 : i32
      %mul3A_322 = arith.muli %add3A_108, %mul3A_321 : i32
      %dma_wait3A_323 = arith.constant 3 : i32
      %dma_wait3A_324 = arith.constant 0 : i32
      %dma_wait3A_325 = arith.constant 0 : i32
      %dma_wait3A_326 = tpu.memref_slice %arg10[%dma_wait3A_323, %dma_wait3A_324, %dma_wait3A_325] : memref<4x125x64xf32, #tpu.memory_space<vmem>> -> memref<1x80x64xf32, #tpu.memory_space<vmem>>
      %dma_wait3A_327 = tpu.memref_squeeze %dma_wait3A_326 : memref<1x80x64xf32, #tpu.memory_space<vmem>> -> memref<80x64xf32, #tpu.memory_space<vmem>>
      %dma_wait3A_328 = arith.constant 0 : i32
      %dma_wait3A_329 = tpu.memref_slice %arg11[%mul3A_322, %dma_wait3A_328] : memref<10000x64xf32, #tpu.memory_space<vmem_shared>> -> memref<80x64xf32, #tpu.memory_space<vmem_shared>>
      %dma_wait3A_330 = arith.constant 0 : i32
      %dma_wait3A_331 = tpu.memref_slice %arg11[%mul3A_322, %dma_wait3A_330] : memref<10000x64xf32, #tpu.memory_space<vmem_shared>> -> memref<80x64xf32, #tpu.memory_space<vmem_shared>>
      %dma_wait3A_332 = arith.constant 0 : i32
      %dma_wait3A_333 = arith.constant 0 : i32
      %dma_wait3A_334 = tpu.memref_slice %arg10[%dma_wait3A_323, %dma_wait3A_332, %dma_wait3A_333] : memref<4x125x64xf32, #tpu.memory_space<vmem>> -> memref<1x80x64xf32, #tpu.memory_space<vmem>>
      %dma_wait3A_335 = tpu.memref_squeeze %dma_wait3A_334 : memref<1x80x64xf32, #tpu.memory_space<vmem>> -> memref<80x64xf32, #tpu.memory_space<vmem>>
      tpu.wait_dma2 semaphore(%arg12 : memref<!tpu.dma_semaphore, #tpu.memory_space<semaphore_mem>>) src(%dma_wait3A_335 : memref<80x64xf32, #tpu.memory_space<vmem>>) dst(%dma_wait3A_331 : memref<80x64xf32, #tpu.memory_space<vmem_shared>>)
    } else {
    }
    %barrier3A = arith.constant 0 : index
    tpu.barrier barrier_id(%barrier3A)
    %eq3A = arith.constant 0 : i32
    %eq3A_114 = arith.cmpi eq, %arg0, %eq3A : i32
    %convert_element_type3A_115 = arith.extui %eq3A_114 : i1 to i32
    %cond3A_116 = arith.constant 0 : i32
    %cond3A_117 = arith.cmpi ne, %convert_element_type3A_115, %cond3A_116 : i32
    scf.if %cond3A_117 {
      %mul3A_321 = arith.constant 160 : i32
      %mul3A_322 = arith.muli %arg1, %mul3A_321 : i32
      %dma_start3A_323 = arith.constant 0 : i32
      %dma_start3A_324 = tpu.memref_slice %arg3[%mul3A_322, %dma_start3A_323] : memref<2560x125xi32, #tpu.memory_space<hbm>> -> memref<160x125xi32, #tpu.memory_space<hbm>>
      %dma_start3A_325 = arith.constant 0 : i32
      %dma_start3A_326 = tpu.memref_slice %arg3[%mul3A_322, %dma_start3A_325] : memref<2560x125xi32, #tpu.memory_space<hbm>> -> memref<160x125xi32, #tpu.memory_space<hbm>>
      tpu.enqueue_dma source(%dma_start3A_326 : memref<160x125xi32, #tpu.memory_space<hbm>>) target(%arg8 : memref<160x125xi32, #tpu.memory_space<vmem>>) target_semaphore(%arg12 : memref<!tpu.dma_semaphore, #tpu.memory_space<semaphore_mem>>)
    } else {
    }
    %eq3A_118 = arith.constant 1 : i32
    %eq3A_119 = arith.cmpi eq, %arg0, %eq3A_118 : i32
    %convert_element_type3A_120 = arith.extui %eq3A_119 : i1 to i32
    %cond3A_121 = arith.constant 0 : i32
    %cond3A_122 = arith.cmpi ne, %convert_element_type3A_120, %cond3A_121 : i32
    scf.if %cond3A_122 {
      %mul3A_321 = arith.constant 160 : i32
      %mul3A_322 = arith.muli %arg1, %mul3A_321 : i32
      %dma_start3A_323 = arith.constant 0 : i32
      %dma_start3A_324 = tpu.memref_slice %arg4[%mul3A_322, %dma_start3A_323] : memref<2560x125xi32, #tpu.memory_space<hbm>> -> memref<160x125xi32, #tpu.memory_space<hbm>>
      %dma_start3A_325 = arith.constant 0 : i32
      %dma_start3A_326 = tpu.memref_slice %arg4[%mul3A_322, %dma_start3A_325] : memref<2560x125xi32, #tpu.memory_space<hbm>> -> memref<160x125xi32, #tpu.memory_space<hbm>>
      tpu.enqueue_dma source(%dma_start3A_326 : memref<160x125xi32, #tpu.memory_space<hbm>>) target(%arg8 : memref<160x125xi32, #tpu.memory_space<vmem>>) target_semaphore(%arg12 : memref<!tpu.dma_semaphore, #tpu.memory_space<semaphore_mem>>)
    } else {
    }
    %mul3A = arith.constant 160 : i32
    %mul3A_123 = arith.muli %arg1, %mul3A : i32
    %dma_start3A = arith.constant 0 : i32
    %dma_start3A_124 = tpu.memref_slice %arg5[%mul3A_123, %dma_start3A] : memref<2560x125xi32, #tpu.memory_space<hbm>> -> memref<160x125xi32, #tpu.memory_space<hbm>>
    %dma_start3A_125 = arith.constant 0 : i32
    %dma_start3A_126 = tpu.memref_slice %arg5[%mul3A_123, %dma_start3A_125] : memref<2560x125xi32, #tpu.memory_space<hbm>> -> memref<160x125xi32, #tpu.memory_space<hbm>>
    tpu.enqueue_dma source(%dma_start3A_126 : memref<160x125xi32, #tpu.memory_space<hbm>>) target(%arg9 : memref<160x125xi32, #tpu.memory_space<vmem>>) target_semaphore(%arg12 : memref<!tpu.dma_semaphore, #tpu.memory_space<semaphore_mem>>)
    %mul3A_127 = arith.constant 160 : i32
    %mul3A_128 = arith.muli %arg1, %mul3A_127 : i32
    %dma_wait3A = arith.constant 0 : i32
    %dma_wait3A_129 = tpu.memref_slice %arg3[%mul3A_128, %dma_wait3A] : memref<2560x125xi32, #tpu.memory_space<hbm>> -> memref<160x125xi32, #tpu.memory_space<hbm>>
    %dma_wait3A_130 = arith.constant 0 : i32
    %dma_wait3A_131 = tpu.memref_slice %arg3[%mul3A_128, %dma_wait3A_130] : memref<2560x125xi32, #tpu.memory_space<hbm>> -> memref<160x125xi32, #tpu.memory_space<hbm>>
    tpu.wait_dma2 semaphore(%arg12 : memref<!tpu.dma_semaphore, #tpu.memory_space<semaphore_mem>>) src(%dma_wait3A_131 : memref<160x125xi32, #tpu.memory_space<hbm>>) dst(%arg8 : memref<160x125xi32, #tpu.memory_space<vmem>>)
    %mul3A_132 = arith.constant 160 : i32
    %mul3A_133 = arith.muli %arg1, %mul3A_132 : i32
    %dma_wait3A_134 = arith.constant 0 : i32
    %dma_wait3A_135 = tpu.memref_slice %arg5[%mul3A_133, %dma_wait3A_134] : memref<2560x125xi32, #tpu.memory_space<hbm>> -> memref<160x125xi32, #tpu.memory_space<hbm>>
    %dma_wait3A_136 = arith.constant 0 : i32
    %dma_wait3A_137 = tpu.memref_slice %arg5[%mul3A_133, %dma_wait3A_136] : memref<2560x125xi32, #tpu.memory_space<hbm>> -> memref<160x125xi32, #tpu.memory_space<hbm>>
    tpu.wait_dma2 semaphore(%arg12 : memref<!tpu.dma_semaphore, #tpu.memory_space<semaphore_mem>>) src(%dma_wait3A_137 : memref<160x125xi32, #tpu.memory_space<hbm>>) dst(%arg9 : memref<160x125xi32, #tpu.memory_space<vmem>>)
    %dma_start3A_138 = arith.constant 3 : i32
    %dma_start3A_139 = arith.constant 0 : i32
    %dma_start3A_140 = arith.constant 0 : i32
    %dma_start3A_141 = arith.constant 0 : i32
    %dma_start3A_142 = tpu.memref_slice %arg10[%dma_start3A_138, %dma_start3A_140, %dma_start3A_141] : memref<4x125x64xf32, #tpu.memory_space<vmem>> -> memref<1x125x64xf32, #tpu.memory_space<vmem>>
    %dma_start3A_143 = tpu.memref_squeeze %dma_start3A_142 : memref<1x125x64xf32, #tpu.memory_space<vmem>> -> memref<125x64xf32, #tpu.memory_space<vmem>>
    %dma_start3A_144 = arith.constant 0 : i32
    %dma_start3A_145 = tpu.memref_slice %arg9[%dma_start3A_139, %dma_start3A_144] : memref<160x125xi32, #tpu.memory_space<vmem>> -> memref<1x125xi32, #tpu.memory_space<vmem>>
    %dma_start3A_146 = tpu.memref_squeeze %dma_start3A_145 : memref<1x125xi32, #tpu.memory_space<vmem>> -> memref<125xi32, #tpu.memory_space<vmem>>
    %dma_start3A_147 = arith.constant 0 : i32
    %dma_start3A_148 = arith.constant 0 : i32
    %dma_start3A_149 = tpu.memref_slice %arg11[%dma_start3A_147, %dma_start3A_148] : memref<10000x64xf32, #tpu.memory_space<vmem_shared>> -> memref<10000x64xf32, #tpu.memory_space<vmem_shared>>
    tpu.enqueue_indirect_dma source(%dma_start3A_143 : memref<125x64xf32, #tpu.memory_space<vmem>>) target(%dma_start3A_149 : memref<10000x64xf32, #tpu.memory_space<vmem_shared>>) offsets(%dma_start3A_146 : memref<125xi32, #tpu.memory_space<vmem>>) semaphore(%arg19 : memref<!tpu.dma_semaphore, #tpu.memory_space<semaphore_mem>>) {add = true}
    %dma_start3A_150 = arith.constant 0 : i32
    %dma_start3A_151 = arith.constant 0 : i32
    %dma_start3A_152 = arith.constant 0 : i32
    %dma_start3A_153 = arith.constant 0 : i32
    %dma_start3A_154 = tpu.memref_slice %arg10[%dma_start3A_151, %dma_start3A_152, %dma_start3A_153] : memref<4x125x64xf32, #tpu.memory_space<vmem>> -> memref<1x125x64xf32, #tpu.memory_space<vmem>>
    %dma_start3A_155 = tpu.memref_squeeze %dma_start3A_154 : memref<1x125x64xf32, #tpu.memory_space<vmem>> -> memref<125x64xf32, #tpu.memory_space<vmem>>
    %dma_start3A_156 = arith.constant 0 : i32
    %dma_start3A_157 = tpu.memref_slice %arg8[%dma_start3A_150, %dma_start3A_156] : memref<160x125xi32, #tpu.memory_space<vmem>> -> memref<1x125xi32, #tpu.memory_space<vmem>>
    %dma_start3A_158 = tpu.memref_squeeze %dma_start3A_157 : memref<1x125xi32, #tpu.memory_space<vmem>> -> memref<125xi32, #tpu.memory_space<vmem>>
    %dma_start3A_159 = arith.constant 0 : i32
    %dma_start3A_160 = arith.constant 0 : i32
    %dma_start3A_161 = tpu.memref_slice %arg2[%dma_start3A_159, %dma_start3A_160] : memref<20000x64xf32, #tpu.memory_space<hbm>> -> memref<20000x64xf32, #tpu.memory_space<hbm>>
    tpu.enqueue_indirect_dma source(%dma_start3A_161 : memref<20000x64xf32, #tpu.memory_space<hbm>>) target(%dma_start3A_155 : memref<125x64xf32, #tpu.memory_space<vmem>>) offsets(%dma_start3A_158 : memref<125xi32, #tpu.memory_space<vmem>>) semaphore(%arg12 : memref<!tpu.dma_semaphore, #tpu.memory_space<semaphore_mem>>)
    %dma_start3A_162 = arith.constant 1 : i32
    %dma_start3A_163 = arith.constant 1 : i32
    %dma_start3A_164 = arith.constant 0 : i32
    %dma_start3A_165 = arith.constant 0 : i32
    %dma_start3A_166 = tpu.memref_slice %arg10[%dma_start3A_163, %dma_start3A_164, %dma_start3A_165] : memref<4x125x64xf32, #tpu.memory_space<vmem>> -> memref<1x125x64xf32, #tpu.memory_space<vmem>>
    %dma_start3A_167 = tpu.memref_squeeze %dma_start3A_166 : memref<1x125x64xf32, #tpu.memory_space<vmem>> -> memref<125x64xf32, #tpu.memory_space<vmem>>
    %dma_start3A_168 = arith.constant 0 : i32
    %dma_start3A_169 = tpu.memref_slice %arg8[%dma_start3A_162, %dma_start3A_168] : memref<160x125xi32, #tpu.memory_space<vmem>> -> memref<1x125xi32, #tpu.memory_space<vmem>>
    %dma_start3A_170 = tpu.memref_squeeze %dma_start3A_169 : memref<1x125xi32, #tpu.memory_space<vmem>> -> memref<125xi32, #tpu.memory_space<vmem>>
    %dma_start3A_171 = arith.constant 0 : i32
    %dma_start3A_172 = arith.constant 0 : i32
    %dma_start3A_173 = tpu.memref_slice %arg2[%dma_start3A_171, %dma_start3A_172] : memref<20000x64xf32, #tpu.memory_space<hbm>> -> memref<20000x64xf32, #tpu.memory_space<hbm>>
    tpu.enqueue_indirect_dma source(%dma_start3A_173 : memref<20000x64xf32, #tpu.memory_space<hbm>>) target(%dma_start3A_167 : memref<125x64xf32, #tpu.memory_space<vmem>>) offsets(%dma_start3A_170 : memref<125xi32, #tpu.memory_space<vmem>>) semaphore(%arg13 : memref<!tpu.dma_semaphore, #tpu.memory_space<semaphore_mem>>)
    %dma_start3A_174 = arith.constant 2 : i32
    %dma_start3A_175 = arith.constant 2 : i32
    %dma_start3A_176 = arith.constant 0 : i32
    %dma_start3A_177 = arith.constant 0 : i32
    %dma_start3A_178 = tpu.memref_slice %arg10[%dma_start3A_175, %dma_start3A_176, %dma_start3A_177] : memref<4x125x64xf32, #tpu.memory_space<vmem>> -> memref<1x125x64xf32, #tpu.memory_space<vmem>>
    %dma_start3A_179 = tpu.memref_squeeze %dma_start3A_178 : memref<1x125x64xf32, #tpu.memory_space<vmem>> -> memref<125x64xf32, #tpu.memory_space<vmem>>
    %dma_start3A_180 = arith.constant 0 : i32
    %dma_start3A_181 = tpu.memref_slice %arg8[%dma_start3A_174, %dma_start3A_180] : memref<160x125xi32, #tpu.memory_space<vmem>> -> memref<1x125xi32, #tpu.memory_space<vmem>>
    %dma_start3A_182 = tpu.memref_squeeze %dma_start3A_181 : memref<1x125xi32, #tpu.memory_space<vmem>> -> memref<125xi32, #tpu.memory_space<vmem>>
    %dma_start3A_183 = arith.constant 0 : i32
    %dma_start3A_184 = arith.constant 0 : i32
    %dma_start3A_185 = tpu.memref_slice %arg2[%dma_start3A_183, %dma_start3A_184] : memref<20000x64xf32, #tpu.memory_space<hbm>> -> memref<20000x64xf32, #tpu.memory_space<hbm>>
    tpu.enqueue_indirect_dma source(%dma_start3A_185 : memref<20000x64xf32, #tpu.memory_space<hbm>>) target(%dma_start3A_179 : memref<125x64xf32, #tpu.memory_space<vmem>>) offsets(%dma_start3A_182 : memref<125xi32, #tpu.memory_space<vmem>>) semaphore(%arg14 : memref<!tpu.dma_semaphore, #tpu.memory_space<semaphore_mem>>)
    %scan3A_186 = arith.constant 0 : i32
    %scan3A_187 = arith.constant 0 : i32
    %scan3A_188 = arith.constant 3 : i32
    %scan3A_189 = arith.constant 1 : i32
    %scan3A_190 = arith.constant 2 : i32
    %scan3A_191 = arith.constant 0 : i32
    %scan3A_192 = arith.constant 40 : i32
    %scan3A_193 = arith.addi %scan3A_191, %scan3A_192 : i32
    %scan3A_194 = arith.constant 1 : i32
    scf.for %scan3A_321 = %scan3A_191 to %scan3A_193 step %scan3A_194  : i32 {
      %mul3A_322 = arith.constant 4 : i32
      %mul3A_323 = arith.muli %mul3A_322, %scan3A_321 : i32
      %add3A_324 = arith.constant 0 : i32
      %add3A_325 = arith.addi %mul3A_323, %add3A_324 : i32
      %dma_wait3A_326 = arith.constant 0 : i32
      %dma_wait3A_327 = arith.constant 0 : i32
      %dma_wait3A_328 = arith.constant 0 : i32
      %dma_wait3A_329 = tpu.memref_slice %arg10[%scan3A_187, %dma_wait3A_327, %dma_wait3A_328] : memref<4x125x64xf32, #tpu.memory_space<vmem>> -> memref<1x125x64xf32, #tpu.memory_space<vmem>>
      %dma_wait3A_330 = tpu.memref_squeeze %dma_wait3A_329 : memref<1x125x64xf32, #tpu.memory_space<vmem>> -> memref<125x64xf32, #tpu.memory_space<vmem>>
      %dma_wait3A_331 = arith.constant 0 : i32
      %dma_wait3A_332 = tpu.memref_slice %arg8[%dma_wait3A_326, %dma_wait3A_331] : memref<160x125xi32, #tpu.memory_space<vmem>> -> memref<1x125xi32, #tpu.memory_space<vmem>>
      %dma_wait3A_333 = tpu.memref_squeeze %dma_wait3A_332 : memref<1x125xi32, #tpu.memory_space<vmem>> -> memref<125xi32, #tpu.memory_space<vmem>>
      %dma_wait3A_334 = arith.constant 0 : i32
      %dma_wait3A_335 = arith.constant 0 : i32
      %dma_wait3A_336 = tpu.memref_slice %arg2[%dma_wait3A_334, %dma_wait3A_335] : memref<20000x64xf32, #tpu.memory_space<hbm>> -> memref<20000x64xf32, #tpu.memory_space<hbm>>
      tpu.wait_indirect_dma semaphore(%arg12 : memref<!tpu.dma_semaphore, #tpu.memory_space<semaphore_mem>>) src(%dma_wait3A_336 : memref<20000x64xf32, #tpu.memory_space<hbm>>) dst(%dma_wait3A_330 : memref<125x64xf32, #tpu.memory_space<vmem>>)
      %sub3A = arith.constant 1 : i32
      %sub3A_337 = arith.subi %add3A_325, %sub3A : i32
      %dma_wait3A_338 = arith.constant 0 : i32
      %dma_wait3A_339 = arith.constant 0 : i32
      %dma_wait3A_340 = arith.constant 0 : i32
      %dma_wait3A_341 = tpu.memref_slice %arg10[%scan3A_188, %dma_wait3A_339, %dma_wait3A_340] : memref<4x125x64xf32, #tpu.memory_space<vmem>> -> memref<1x125x64xf32, #tpu.memory_space<vmem>>
      %dma_wait3A_342 = tpu.memref_squeeze %dma_wait3A_341 : memref<1x125x64xf32, #tpu.memory_space<vmem>> -> memref<125x64xf32, #tpu.memory_space<vmem>>
      %dma_wait3A_343 = arith.constant 0 : i32
      %dma_wait3A_344 = tpu.memref_slice %arg9[%dma_wait3A_338, %dma_wait3A_343] : memref<160x125xi32, #tpu.memory_space<vmem>> -> memref<1x125xi32, #tpu.memory_space<vmem>>
      %dma_wait3A_345 = tpu.memref_squeeze %dma_wait3A_344 : memref<1x125xi32, #tpu.memory_space<vmem>> -> memref<125xi32, #tpu.memory_space<vmem>>
      %dma_wait3A_346 = arith.constant 0 : i32
      %dma_wait3A_347 = arith.constant 0 : i32
      %dma_wait3A_348 = tpu.memref_slice %arg11[%dma_wait3A_346, %dma_wait3A_347] : memref<10000x64xf32, #tpu.memory_space<vmem_shared>> -> memref<10000x64xf32, #tpu.memory_space<vmem_shared>>
      tpu.wait_indirect_dma semaphore(%arg19 : memref<!tpu.dma_semaphore, #tpu.memory_space<semaphore_mem>>) src(%dma_wait3A_342 : memref<125x64xf32, #tpu.memory_space<vmem>>) dst(%dma_wait3A_348 : memref<10000x64xf32, #tpu.memory_space<vmem_shared>>)
      %add3A_349 = arith.constant 3 : i32
      %add3A_350 = arith.addi %add3A_325, %add3A_349 : i32
      %lt3A_351 = arith.constant 160 : i32
      %lt3A_352 = arith.cmpi slt, %add3A_350, %lt3A_351 : i32
      %convert_element_type3A_353 = arith.extui %lt3A_352 : i1 to i32
      %cond3A_354 = arith.constant 0 : i32
      %cond3A_355 = arith.cmpi ne, %convert_element_type3A_353, %cond3A_354 : i32
      scf.if %cond3A_355 {
        %add3A_501 = arith.constant 3 : i32
        %add3A_502 = arith.addi %add3A_325, %add3A_501 : i32
        %dma_start3A_503 = arith.constant 0 : i32
        %dma_start3A_504 = arith.constant 0 : i32
        %dma_start3A_505 = tpu.memref_slice %arg10[%scan3A_188, %dma_start3A_503, %dma_start3A_504] : memref<4x125x64xf32, #tpu.memory_space<vmem>> -> memref<1x125x64xf32, #tpu.memory_space<vmem>>
        %dma_start3A_506 = tpu.memref_squeeze %dma_start3A_505 : memref<1x125x64xf32, #tpu.memory_space<vmem>> -> memref<125x64xf32, #tpu.memory_space<vmem>>
        %dma_start3A_507 = arith.constant 0 : i32
        %dma_start3A_508 = tpu.memref_slice %arg8[%add3A_502, %dma_start3A_507] : memref<160x125xi32, #tpu.memory_space<vmem>> -> memref<1x125xi32, #tpu.memory_space<vmem>>
        %dma_start3A_509 = tpu.memref_squeeze %dma_start3A_508 : memref<1x125xi32, #tpu.memory_space<vmem>> -> memref<125xi32, #tpu.memory_space<vmem>>
        %dma_start3A_510 = arith.constant 0 : i32
        %dma_start3A_511 = arith.constant 0 : i32
        %dma_start3A_512 = tpu.memref_slice %arg2[%dma_start3A_510, %dma_start3A_511] : memref<20000x64xf32, #tpu.memory_space<hbm>> -> memref<20000x64xf32, #tpu.memory_space<hbm>>
        tpu.enqueue_indirect_dma source(%dma_start3A_512 : memref<20000x64xf32, #tpu.memory_space<hbm>>) target(%dma_start3A_506 : memref<125x64xf32, #tpu.memory_space<vmem>>) offsets(%dma_start3A_509 : memref<125xi32, #tpu.memory_space<vmem>>) semaphore(%arg15 : memref<!tpu.dma_semaphore, #tpu.memory_space<semaphore_mem>>)
      } else {
      }
      %dma_start3A_356 = arith.constant 0 : i32
      %dma_start3A_357 = arith.constant 0 : i32
      %dma_start3A_358 = tpu.memref_slice %arg10[%scan3A_187, %dma_start3A_356, %dma_start3A_357] : memref<4x125x64xf32, #tpu.memory_space<vmem>> -> memref<1x125x64xf32, #tpu.memory_space<vmem>>
      %dma_start3A_359 = tpu.memref_squeeze %dma_start3A_358 : memref<1x125x64xf32, #tpu.memory_space<vmem>> -> memref<125x64xf32, #tpu.memory_space<vmem>>
      %dma_start3A_360 = arith.constant 0 : i32
      %dma_start3A_361 = tpu.memref_slice %arg9[%add3A_325, %dma_start3A_360] : memref<160x125xi32, #tpu.memory_space<vmem>> -> memref<1x125xi32, #tpu.memory_space<vmem>>
      %dma_start3A_362 = tpu.memref_squeeze %dma_start3A_361 : memref<1x125xi32, #tpu.memory_space<vmem>> -> memref<125xi32, #tpu.memory_space<vmem>>
      %dma_start3A_363 = arith.constant 0 : i32
      %dma_start3A_364 = arith.constant 0 : i32
      %dma_start3A_365 = tpu.memref_slice %arg11[%dma_start3A_363, %dma_start3A_364] : memref<10000x64xf32, #tpu.memory_space<vmem_shared>> -> memref<10000x64xf32, #tpu.memory_space<vmem_shared>>
      tpu.enqueue_indirect_dma source(%dma_start3A_359 : memref<125x64xf32, #tpu.memory_space<vmem>>) target(%dma_start3A_365 : memref<10000x64xf32, #tpu.memory_space<vmem_shared>>) offsets(%dma_start3A_362 : memref<125xi32, #tpu.memory_space<vmem>>) semaphore(%arg16 : memref<!tpu.dma_semaphore, #tpu.memory_space<semaphore_mem>>) {add = true}
      %mul3A_366 = arith.constant 4 : i32
      %mul3A_367 = arith.muli %mul3A_366, %scan3A_321 : i32
      %add3A_368 = arith.constant 1 : i32
      %add3A_369 = arith.addi %mul3A_367, %add3A_368 : i32
      %dma_wait3A_370 = arith.constant 0 : i32
      %dma_wait3A_371 = arith.constant 0 : i32
      %dma_wait3A_372 = arith.constant 0 : i32
      %dma_wait3A_373 = tpu.memref_slice %arg10[%scan3A_189, %dma_wait3A_371, %dma_wait3A_372] : memref<4x125x64xf32, #tpu.memory_space<vmem>> -> memref<1x125x64xf32, #tpu.memory_space<vmem>>
      %dma_wait3A_374 = tpu.memref_squeeze %dma_wait3A_373 : memref<1x125x64xf32, #tpu.memory_space<vmem>> -> memref<125x64xf32, #tpu.memory_space<vmem>>
      %dma_wait3A_375 = arith.constant 0 : i32
      %dma_wait3A_376 = tpu.memref_slice %arg8[%dma_wait3A_370, %dma_wait3A_375] : memref<160x125xi32, #tpu.memory_space<vmem>> -> memref<1x125xi32, #tpu.memory_space<vmem>>
      %dma_wait3A_377 = tpu.memref_squeeze %dma_wait3A_376 : memref<1x125xi32, #tpu.memory_space<vmem>> -> memref<125xi32, #tpu.memory_space<vmem>>
      %dma_wait3A_378 = arith.constant 0 : i32
      %dma_wait3A_379 = arith.constant 0 : i32
      %dma_wait3A_380 = tpu.memref_slice %arg2[%dma_wait3A_378, %dma_wait3A_379] : memref<20000x64xf32, #tpu.memory_space<hbm>> -> memref<20000x64xf32, #tpu.memory_space<hbm>>
      tpu.wait_indirect_dma semaphore(%arg13 : memref<!tpu.dma_semaphore, #tpu.memory_space<semaphore_mem>>) src(%dma_wait3A_380 : memref<20000x64xf32, #tpu.memory_space<hbm>>) dst(%dma_wait3A_374 : memref<125x64xf32, #tpu.memory_space<vmem>>)
      %sub3A_381 = arith.constant 1 : i32
      %sub3A_382 = arith.subi %add3A_369, %sub3A_381 : i32
      %dma_wait3A_383 = arith.constant 0 : i32
      %dma_wait3A_384 = arith.constant 0 : i32
      %dma_wait3A_385 = arith.constant 0 : i32
      %dma_wait3A_386 = tpu.memref_slice %arg10[%scan3A_187, %dma_wait3A_384, %dma_wait3A_385] : memref<4x125x64xf32, #tpu.memory_space<vmem>> -> memref<1x125x64xf32, #tpu.memory_space<vmem>>
      %dma_wait3A_387 = tpu.memref_squeeze %dma_wait3A_386 : memref<1x125x64xf32, #tpu.memory_space<vmem>> -> memref<125x64xf32, #tpu.memory_space<vmem>>
      %dma_wait3A_388 = arith.constant 0 : i32
      %dma_wait3A_389 = tpu.memref_slice %arg9[%dma_wait3A_383, %dma_wait3A_388] : memref<160x125xi32, #tpu.memory_space<vmem>> -> memref<1x125xi32, #tpu.memory_space<vmem>>
      %dma_wait3A_390 = tpu.memref_squeeze %dma_wait3A_389 : memref<1x125xi32, #tpu.memory_space<vmem>> -> memref<125xi32, #tpu.memory_space<vmem>>
      %dma_wait3A_391 = arith.constant 0 : i32
      %dma_wait3A_392 = arith.constant 0 : i32
      %dma_wait3A_393 = tpu.memref_slice %arg11[%dma_wait3A_391, %dma_wait3A_392] : memref<10000x64xf32, #tpu.memory_space<vmem_shared>> -> memref<10000x64xf32, #tpu.memory_space<vmem_shared>>
      tpu.wait_indirect_dma semaphore(%arg16 : memref<!tpu.dma_semaphore, #tpu.memory_space<semaphore_mem>>) src(%dma_wait3A_387 : memref<125x64xf32, #tpu.memory_space<vmem>>) dst(%dma_wait3A_393 : memref<10000x64xf32, #tpu.memory_space<vmem_shared>>)
      %add3A_394 = arith.constant 3 : i32
      %add3A_395 = arith.addi %add3A_369, %add3A_394 : i32
      %lt3A_396 = arith.constant 160 : i32
      %lt3A_397 = arith.cmpi slt, %add3A_395, %lt3A_396 : i32
      %convert_element_type3A_398 = arith.extui %lt3A_397 : i1 to i32
      %cond3A_399 = arith.constant 0 : i32
      %cond3A_400 = arith.cmpi ne, %convert_element_type3A_398, %cond3A_399 : i32
      scf.if %cond3A_400 {
        %add3A_501 = arith.constant 3 : i32
        %add3A_502 = arith.addi %add3A_369, %add3A_501 : i32
        %dma_start3A_503 = arith.constant 0 : i32
        %dma_start3A_504 = arith.constant 0 : i32
        %dma_start3A_505 = tpu.memref_slice %arg10[%scan3A_187, %dma_start3A_503, %dma_start3A_504] : memref<4x125x64xf32, #tpu.memory_space<vmem>> -> memref<1x125x64xf32, #tpu.memory_space<vmem>>
        %dma_start3A_506 = tpu.memref_squeeze %dma_start3A_505 : memref<1x125x64xf32, #tpu.memory_space<vmem>> -> memref<125x64xf32, #tpu.memory_space<vmem>>
        %dma_start3A_507 = arith.constant 0 : i32
        %dma_start3A_508 = tpu.memref_slice %arg8[%add3A_502, %dma_start3A_507] : memref<160x125xi32, #tpu.memory_space<vmem>> -> memref<1x125xi32, #tpu.memory_space<vmem>>
        %dma_start3A_509 = tpu.memref_squeeze %dma_start3A_508 : memref<1x125xi32, #tpu.memory_space<vmem>> -> memref<125xi32, #tpu.memory_space<vmem>>
        %dma_start3A_510 = arith.constant 0 : i32
        %dma_start3A_511 = arith.constant 0 : i32
        %dma_start3A_512 = tpu.memref_slice %arg2[%dma_start3A_510, %dma_start3A_511] : memref<20000x64xf32, #tpu.memory_space<hbm>> -> memref<20000x64xf32, #tpu.memory_space<hbm>>
        tpu.enqueue_indirect_dma source(%dma_start3A_512 : memref<20000x64xf32, #tpu.memory_space<hbm>>) target(%dma_start3A_506 : memref<125x64xf32, #tpu.memory_space<vmem>>) offsets(%dma_start3A_509 : memref<125xi32, #tpu.memory_space<vmem>>) semaphore(%arg12 : memref<!tpu.dma_semaphore, #tpu.memory_space<semaphore_mem>>)
      } else {
      }
      %dma_start3A_401 = arith.constant 0 : i32
      %dma_start3A_402 = arith.constant 0 : i32
      %dma_start3A_403 = tpu.memref_slice %arg10[%scan3A_189, %dma_start3A_401, %dma_start3A_402] : memref<4x125x64xf32, #tpu.memory_space<vmem>> -> memref<1x125x64xf32, #tpu.memory_space<vmem>>
      %dma_start3A_404 = tpu.memref_squeeze %dma_start3A_403 : memref<1x125x64xf32, #tpu.memory_space<vmem>> -> memref<125x64xf32, #tpu.memory_space<vmem>>
      %dma_start3A_405 = arith.constant 0 : i32
      %dma_start3A_406 = tpu.memref_slice %arg9[%add3A_369, %dma_start3A_405] : memref<160x125xi32, #tpu.memory_space<vmem>> -> memref<1x125xi32, #tpu.memory_space<vmem>>
      %dma_start3A_407 = tpu.memref_squeeze %dma_start3A_406 : memref<1x125xi32, #tpu.memory_space<vmem>> -> memref<125xi32, #tpu.memory_space<vmem>>
      %dma_start3A_408 = arith.constant 0 : i32
      %dma_start3A_409 = arith.constant 0 : i32
      %dma_start3A_410 = tpu.memref_slice %arg11[%dma_start3A_408, %dma_start3A_409] : memref<10000x64xf32, #tpu.memory_space<vmem_shared>> -> memref<10000x64xf32, #tpu.memory_space<vmem_shared>>
      tpu.enqueue_indirect_dma source(%dma_start3A_404 : memref<125x64xf32, #tpu.memory_space<vmem>>) target(%dma_start3A_410 : memref<10000x64xf32, #tpu.memory_space<vmem_shared>>) offsets(%dma_start3A_407 : memref<125xi32, #tpu.memory_space<vmem>>) semaphore(%arg17 : memref<!tpu.dma_semaphore, #tpu.memory_space<semaphore_mem>>) {add = true}
      %mul3A_411 = arith.constant 4 : i32
      %mul3A_412 = arith.muli %mul3A_411, %scan3A_321 : i32
      %add3A_413 = arith.constant 2 : i32
      %add3A_414 = arith.addi %mul3A_412, %add3A_413 : i32
      %dma_wait3A_415 = arith.constant 0 : i32
      %dma_wait3A_416 = arith.constant 0 : i32
      %dma_wait3A_417 = arith.constant 0 : i32
      %dma_wait3A_418 = tpu.memref_slice %arg10[%scan3A_190, %dma_wait3A_416, %dma_wait3A_417] : memref<4x125x64xf32, #tpu.memory_space<vmem>> -> memref<1x125x64xf32, #tpu.memory_space<vmem>>
      %dma_wait3A_419 = tpu.memref_squeeze %dma_wait3A_418 : memref<1x125x64xf32, #tpu.memory_space<vmem>> -> memref<125x64xf32, #tpu.memory_space<vmem>>
      %dma_wait3A_420 = arith.constant 0 : i32
      %dma_wait3A_421 = tpu.memref_slice %arg8[%dma_wait3A_415, %dma_wait3A_420] : memref<160x125xi32, #tpu.memory_space<vmem>> -> memref<1x125xi32, #tpu.memory_space<vmem>>
      %dma_wait3A_422 = tpu.memref_squeeze %dma_wait3A_421 : memref<1x125xi32, #tpu.memory_space<vmem>> -> memref<125xi32, #tpu.memory_space<vmem>>
      %dma_wait3A_423 = arith.constant 0 : i32
      %dma_wait3A_424 = arith.constant 0 : i32
      %dma_wait3A_425 = tpu.memref_slice %arg2[%dma_wait3A_423, %dma_wait3A_424] : memref<20000x64xf32, #tpu.memory_space<hbm>> -> memref<20000x64xf32, #tpu.memory_space<hbm>>
      tpu.wait_indirect_dma semaphore(%arg14 : memref<!tpu.dma_semaphore, #tpu.memory_space<semaphore_mem>>) src(%dma_wait3A_425 : memref<20000x64xf32, #tpu.memory_space<hbm>>) dst(%dma_wait3A_419 : memref<125x64xf32, #tpu.memory_space<vmem>>)
      %sub3A_426 = arith.constant 1 : i32
      %sub3A_427 = arith.subi %add3A_414, %sub3A_426 : i32
      %dma_wait3A_428 = arith.constant 0 : i32
      %dma_wait3A_429 = arith.constant 0 : i32
      %dma_wait3A_430 = arith.constant 0 : i32
      %dma_wait3A_431 = tpu.memref_slice %arg10[%scan3A_189, %dma_wait3A_429, %dma_wait3A_430] : memref<4x125x64xf32, #tpu.memory_space<vmem>> -> memref<1x125x64xf32, #tpu.memory_space<vmem>>
      %dma_wait3A_432 = tpu.memref_squeeze %dma_wait3A_431 : memref<1x125x64xf32, #tpu.memory_space<vmem>> -> memref<125x64xf32, #tpu.memory_space<vmem>>
      %dma_wait3A_433 = arith.constant 0 : i32
      %dma_wait3A_434 = tpu.memref_slice %arg9[%dma_wait3A_428, %dma_wait3A_433] : memref<160x125xi32, #tpu.memory_space<vmem>> -> memref<1x125xi32, #tpu.memory_space<vmem>>
      %dma_wait3A_435 = tpu.memref_squeeze %dma_wait3A_434 : memref<1x125xi32, #tpu.memory_space<vmem>> -> memref<125xi32, #tpu.memory_space<vmem>>
      %dma_wait3A_436 = arith.constant 0 : i32
      %dma_wait3A_437 = arith.constant 0 : i32
      %dma_wait3A_438 = tpu.memref_slice %arg11[%dma_wait3A_436, %dma_wait3A_437] : memref<10000x64xf32, #tpu.memory_space<vmem_shared>> -> memref<10000x64xf32, #tpu.memory_space<vmem_shared>>
      tpu.wait_indirect_dma semaphore(%arg17 : memref<!tpu.dma_semaphore, #tpu.memory_space<semaphore_mem>>) src(%dma_wait3A_432 : memref<125x64xf32, #tpu.memory_space<vmem>>) dst(%dma_wait3A_438 : memref<10000x64xf32, #tpu.memory_space<vmem_shared>>)
      %add3A_439 = arith.constant 3 : i32
      %add3A_440 = arith.addi %add3A_414, %add3A_439 : i32
      %lt3A_441 = arith.constant 160 : i32
      %lt3A_442 = arith.cmpi slt, %add3A_440, %lt3A_441 : i32
      %convert_element_type3A_443 = arith.extui %lt3A_442 : i1 to i32
      %cond3A_444 = arith.constant 0 : i32
      %cond3A_445 = arith.cmpi ne, %convert_element_type3A_443, %cond3A_444 : i32
      scf.if %cond3A_445 {
        %add3A_501 = arith.constant 3 : i32
        %add3A_502 = arith.addi %add3A_414, %add3A_501 : i32
        %dma_start3A_503 = arith.constant 0 : i32
        %dma_start3A_504 = arith.constant 0 : i32
        %dma_start3A_505 = tpu.memref_slice %arg10[%scan3A_189, %dma_start3A_503, %dma_start3A_504] : memref<4x125x64xf32, #tpu.memory_space<vmem>> -> memref<1x125x64xf32, #tpu.memory_space<vmem>>
        %dma_start3A_506 = tpu.memref_squeeze %dma_start3A_505 : memref<1x125x64xf32, #tpu.memory_space<vmem>> -> memref<125x64xf32, #tpu.memory_space<vmem>>
        %dma_start3A_507 = arith.constant 0 : i32
        %dma_start3A_508 = tpu.memref_slice %arg8[%add3A_502, %dma_start3A_507] : memref<160x125xi32, #tpu.memory_space<vmem>> -> memref<1x125xi32, #tpu.memory_space<vmem>>
        %dma_start3A_509 = tpu.memref_squeeze %dma_start3A_508 : memref<1x125xi32, #tpu.memory_space<vmem>> -> memref<125xi32, #tpu.memory_space<vmem>>
        %dma_start3A_510 = arith.constant 0 : i32
        %dma_start3A_511 = arith.constant 0 : i32
        %dma_start3A_512 = tpu.memref_slice %arg2[%dma_start3A_510, %dma_start3A_511] : memref<20000x64xf32, #tpu.memory_space<hbm>> -> memref<20000x64xf32, #tpu.memory_space<hbm>>
        tpu.enqueue_indirect_dma source(%dma_start3A_512 : memref<20000x64xf32, #tpu.memory_space<hbm>>) target(%dma_start3A_506 : memref<125x64xf32, #tpu.memory_space<vmem>>) offsets(%dma_start3A_509 : memref<125xi32, #tpu.memory_space<vmem>>) semaphore(%arg13 : memref<!tpu.dma_semaphore, #tpu.memory_space<semaphore_mem>>)
      } else {
      }
      %dma_start3A_446 = arith.constant 0 : i32
      %dma_start3A_447 = arith.constant 0 : i32
      %dma_start3A_448 = tpu.memref_slice %arg10[%scan3A_190, %dma_start3A_446, %dma_start3A_447] : memref<4x125x64xf32, #tpu.memory_space<vmem>> -> memref<1x125x64xf32, #tpu.memory_space<vmem>>
      %dma_start3A_449 = tpu.memref_squeeze %dma_start3A_448 : memref<1x125x64xf32, #tpu.memory_space<vmem>> -> memref<125x64xf32, #tpu.memory_space<vmem>>
      %dma_start3A_450 = arith.constant 0 : i32
      %dma_start3A_451 = tpu.memref_slice %arg9[%add3A_414, %dma_start3A_450] : memref<160x125xi32, #tpu.memory_space<vmem>> -> memref<1x125xi32, #tpu.memory_space<vmem>>
      %dma_start3A_452 = tpu.memref_squeeze %dma_start3A_451 : memref<1x125xi32, #tpu.memory_space<vmem>> -> memref<125xi32, #tpu.memory_space<vmem>>
      %dma_start3A_453 = arith.constant 0 : i32
      %dma_start3A_454 = arith.constant 0 : i32
      %dma_start3A_455 = tpu.memref_slice %arg11[%dma_start3A_453, %dma_start3A_454] : memref<10000x64xf32, #tpu.memory_space<vmem_shared>> -> memref<10000x64xf32, #tpu.memory_space<vmem_shared>>
      tpu.enqueue_indirect_dma source(%dma_start3A_449 : memref<125x64xf32, #tpu.memory_space<vmem>>) target(%dma_start3A_455 : memref<10000x64xf32, #tpu.memory_space<vmem_shared>>) offsets(%dma_start3A_452 : memref<125xi32, #tpu.memory_space<vmem>>) semaphore(%arg18 : memref<!tpu.dma_semaphore, #tpu.memory_space<semaphore_mem>>) {add = true}
      %mul3A_456 = arith.constant 4 : i32
      %mul3A_457 = arith.muli %mul3A_456, %scan3A_321 : i32
      %add3A_458 = arith.constant 3 : i32
      %add3A_459 = arith.addi %mul3A_457, %add3A_458 : i32
      %dma_wait3A_460 = arith.constant 0 : i32
      %dma_wait3A_461 = arith.constant 0 : i32
      %dma_wait3A_462 = arith.constant 0 : i32
      %dma_wait3A_463 = tpu.memref_slice %arg10[%scan3A_188, %dma_wait3A_461, %dma_wait3A_462] : memref<4x125x64xf32, #tpu.memory_space<vmem>> -> memref<1x125x64xf32, #tpu.memory_space<vmem>>
      %dma_wait3A_464 = tpu.memref_squeeze %dma_wait3A_463 : memref<1x125x64xf32, #tpu.memory_space<vmem>> -> memref<125x64xf32, #tpu.memory_space<vmem>>
      %dma_wait3A_465 = arith.constant 0 : i32
      %dma_wait3A_466 = tpu.memref_slice %arg8[%dma_wait3A_460, %dma_wait3A_465] : memref<160x125xi32, #tpu.memory_space<vmem>> -> memref<1x125xi32, #tpu.memory_space<vmem>>
      %dma_wait3A_467 = tpu.memref_squeeze %dma_wait3A_466 : memref<1x125xi32, #tpu.memory_space<vmem>> -> memref<125xi32, #tpu.memory_space<vmem>>
      %dma_wait3A_468 = arith.constant 0 : i32
      %dma_wait3A_469 = arith.constant 0 : i32
      %dma_wait3A_470 = tpu.memref_slice %arg2[%dma_wait3A_468, %dma_wait3A_469] : memref<20000x64xf32, #tpu.memory_space<hbm>> -> memref<20000x64xf32, #tpu.memory_space<hbm>>
      tpu.wait_indirect_dma semaphore(%arg15 : memref<!tpu.dma_semaphore, #tpu.memory_space<semaphore_mem>>) src(%dma_wait3A_470 : memref<20000x64xf32, #tpu.memory_space<hbm>>) dst(%dma_wait3A_464 : memref<125x64xf32, #tpu.memory_space<vmem>>)
      %sub3A_471 = arith.constant 1 : i32
      %sub3A_472 = arith.subi %add3A_459, %sub3A_471 : i32
      %dma_wait3A_473 = arith.constant 0 : i32
      %dma_wait3A_474 = arith.constant 0 : i32
      %dma_wait3A_475 = arith.constant 0 : i32
      %dma_wait3A_476 = tpu.memref_slice %arg10[%scan3A_190, %dma_wait3A_474, %dma_wait3A_475] : memref<4x125x64xf32, #tpu.memory_space<vmem>> -> memref<1x125x64xf32, #tpu.memory_space<vmem>>
      %dma_wait3A_477 = tpu.memref_squeeze %dma_wait3A_476 : memref<1x125x64xf32, #tpu.memory_space<vmem>> -> memref<125x64xf32, #tpu.memory_space<vmem>>
      %dma_wait3A_478 = arith.constant 0 : i32
      %dma_wait3A_479 = tpu.memref_slice %arg9[%dma_wait3A_473, %dma_wait3A_478] : memref<160x125xi32, #tpu.memory_space<vmem>> -> memref<1x125xi32, #tpu.memory_space<vmem>>
      %dma_wait3A_480 = tpu.memref_squeeze %dma_wait3A_479 : memref<1x125xi32, #tpu.memory_space<vmem>> -> memref<125xi32, #tpu.memory_space<vmem>>
      %dma_wait3A_481 = arith.constant 0 : i32
      %dma_wait3A_482 = arith.constant 0 : i32
      %dma_wait3A_483 = tpu.memref_slice %arg11[%dma_wait3A_481, %dma_wait3A_482] : memref<10000x64xf32, #tpu.memory_space<vmem_shared>> -> memref<10000x64xf32, #tpu.memory_space<vmem_shared>>
      tpu.wait_indirect_dma semaphore(%arg18 : memref<!tpu.dma_semaphore, #tpu.memory_space<semaphore_mem>>) src(%dma_wait3A_477 : memref<125x64xf32, #tpu.memory_space<vmem>>) dst(%dma_wait3A_483 : memref<10000x64xf32, #tpu.memory_space<vmem_shared>>)
      %add3A_484 = arith.constant 3 : i32
      %add3A_485 = arith.addi %add3A_459, %add3A_484 : i32
      %lt3A_486 = arith.constant 160 : i32
      %lt3A_487 = arith.cmpi slt, %add3A_485, %lt3A_486 : i32
      %convert_element_type3A_488 = arith.extui %lt3A_487 : i1 to i32
      %cond3A_489 = arith.constant 0 : i32
      %cond3A_490 = arith.cmpi ne, %convert_element_type3A_488, %cond3A_489 : i32
      scf.if %cond3A_490 {
        %add3A_501 = arith.constant 3 : i32
        %add3A_502 = arith.addi %add3A_459, %add3A_501 : i32
        %dma_start3A_503 = arith.constant 0 : i32
        %dma_start3A_504 = arith.constant 0 : i32
        %dma_start3A_505 = tpu.memref_slice %arg10[%scan3A_190, %dma_start3A_503, %dma_start3A_504] : memref<4x125x64xf32, #tpu.memory_space<vmem>> -> memref<1x125x64xf32, #tpu.memory_space<vmem>>
        %dma_start3A_506 = tpu.memref_squeeze %dma_start3A_505 : memref<1x125x64xf32, #tpu.memory_space<vmem>> -> memref<125x64xf32, #tpu.memory_space<vmem>>
        %dma_start3A_507 = arith.constant 0 : i32
        %dma_start3A_508 = tpu.memref_slice %arg8[%add3A_502, %dma_start3A_507] : memref<160x125xi32, #tpu.memory_space<vmem>> -> memref<1x125xi32, #tpu.memory_space<vmem>>
        %dma_start3A_509 = tpu.memref_squeeze %dma_start3A_508 : memref<1x125xi32, #tpu.memory_space<vmem>> -> memref<125xi32, #tpu.memory_space<vmem>>
        %dma_start3A_510 = arith.constant 0 : i32
        %dma_start3A_511 = arith.constant 0 : i32
        %dma_start3A_512 = tpu.memref_slice %arg2[%dma_start3A_510, %dma_start3A_511] : memref<20000x64xf32, #tpu.memory_space<hbm>> -> memref<20000x64xf32, #tpu.memory_space<hbm>>
        tpu.enqueue_indirect_dma source(%dma_start3A_512 : memref<20000x64xf32, #tpu.memory_space<hbm>>) target(%dma_start3A_506 : memref<125x64xf32, #tpu.memory_space<vmem>>) offsets(%dma_start3A_509 : memref<125xi32, #tpu.memory_space<vmem>>) semaphore(%arg14 : memref<!tpu.dma_semaphore, #tpu.memory_space<semaphore_mem>>)
      } else {
      }
      %dma_start3A_491 = arith.constant 0 : i32
      %dma_start3A_492 = arith.constant 0 : i32
      %dma_start3A_493 = tpu.memref_slice %arg10[%scan3A_188, %dma_start3A_491, %dma_start3A_492] : memref<4x125x64xf32, #tpu.memory_space<vmem>> -> memref<1x125x64xf32, #tpu.memory_space<vmem>>
      %dma_start3A_494 = tpu.memref_squeeze %dma_start3A_493 : memref<1x125x64xf32, #tpu.memory_space<vmem>> -> memref<125x64xf32, #tpu.memory_space<vmem>>
      %dma_start3A_495 = arith.constant 0 : i32
      %dma_start3A_496 = tpu.memref_slice %arg9[%add3A_459, %dma_start3A_495] : memref<160x125xi32, #tpu.memory_space<vmem>> -> memref<1x125xi32, #tpu.memory_space<vmem>>
      %dma_start3A_497 = tpu.memref_squeeze %dma_start3A_496 : memref<1x125xi32, #tpu.memory_space<vmem>> -> memref<125xi32, #tpu.memory_space<vmem>>
      %dma_start3A_498 = arith.constant 0 : i32
      %dma_start3A_499 = arith.constant 0 : i32
      %dma_start3A_500 = tpu.memref_slice %arg11[%dma_start3A_498, %dma_start3A_499] : memref<10000x64xf32, #tpu.memory_space<vmem_shared>> -> memref<10000x64xf32, #tpu.memory_space<vmem_shared>>
      tpu.enqueue_indirect_dma source(%dma_start3A_494 : memref<125x64xf32, #tpu.memory_space<vmem>>) target(%dma_start3A_500 : memref<10000x64xf32, #tpu.memory_space<vmem_shared>>) offsets(%dma_start3A_497 : memref<125xi32, #tpu.memory_space<vmem>>) semaphore(%arg19 : memref<!tpu.dma_semaphore, #tpu.memory_space<semaphore_mem>>) {add = true}
    }
    %scan3A_195 = arith.constant 40 : i32
    %dma_wait3A_196 = arith.constant 3 : i32
    %dma_wait3A_197 = arith.constant 0 : i32
    %dma_wait3A_198 = arith.constant 0 : i32
    %dma_wait3A_199 = arith.constant 0 : i32
    %dma_wait3A_200 = tpu.memref_slice %arg10[%dma_wait3A_196, %dma_wait3A_198, %dma_wait3A_199] : memref<4x125x64xf32, #tpu.memory_space<vmem>> -> memref<1x125x64xf32, #tpu.memory_space<vmem>>
    %dma_wait3A_201 = tpu.memref_squeeze %dma_wait3A_200 : memref<1x125x64xf32, #tpu.memory_space<vmem>> -> memref<125x64xf32, #tpu.memory_space<vmem>>
    %dma_wait3A_202 = arith.constant 0 : i32
    %dma_wait3A_203 = tpu.memref_slice %arg9[%dma_wait3A_197, %dma_wait3A_202] : memref<160x125xi32, #tpu.memory_space<vmem>> -> memref<1x125xi32, #tpu.memory_space<vmem>>
    %dma_wait3A_204 = tpu.memref_squeeze %dma_wait3A_203 : memref<1x125xi32, #tpu.memory_space<vmem>> -> memref<125xi32, #tpu.memory_space<vmem>>
    %dma_wait3A_205 = arith.constant 0 : i32
    %dma_wait3A_206 = arith.constant 0 : i32
    %dma_wait3A_207 = tpu.memref_slice %arg11[%dma_wait3A_205, %dma_wait3A_206] : memref<10000x64xf32, #tpu.memory_space<vmem_shared>> -> memref<10000x64xf32, #tpu.memory_space<vmem_shared>>
    tpu.wait_indirect_dma semaphore(%arg19 : memref<!tpu.dma_semaphore, #tpu.memory_space<semaphore_mem>>) src(%dma_wait3A_201 : memref<125x64xf32, #tpu.memory_space<vmem>>) dst(%dma_wait3A_207 : memref<10000x64xf32, #tpu.memory_space<vmem_shared>>)
    %barrier3A_208 = arith.constant 0 : index
    tpu.barrier barrier_id(%barrier3A_208)
    %add3A_209 = arith.constant 0 : i32
    %add3A_210 = arith.addi %arg1, %add3A_209 : i32
    %lt3A_211 = arith.constant 125 : i32
    %lt3A_212 = arith.cmpi slt, %add3A_210, %lt3A_211 : i32
    %convert_element_type3A_213 = arith.extui %lt3A_212 : i1 to i32
    %cond3A_214 = arith.constant 0 : i32
    %cond3A_215 = arith.cmpi ne, %convert_element_type3A_213, %cond3A_214 : i32
    scf.if %cond3A_215 {
      %eq3A_321 = arith.constant 0 : i32
      %eq3A_322 = arith.cmpi eq, %arg0, %eq3A_321 : i32
      %convert_element_type3A_323 = arith.extui %eq3A_322 : i1 to i32
      %cond3A_324 = arith.constant 0 : i32
      %cond3A_325 = arith.cmpi ne, %convert_element_type3A_323, %cond3A_324 : i32
      scf.if %cond3A_325 {
        %mul3A_331 = arith.constant 80 : i32
        %mul3A_332 = arith.muli %add3A_210, %mul3A_331 : i32
        %dma_start3A_333 = arith.constant 0 : i32
        %dma_start3A_334 = arith.constant 0 : i32
        %dma_start3A_335 = tpu.memref_slice %arg6[%add3A_210, %dma_start3A_333, %dma_start3A_334] : memref<125x80x64xf32, #tpu.memory_space<hbm>> -> memref<1x80x64xf32, #tpu.memory_space<hbm>>
        %dma_start3A_336 = tpu.memref_squeeze %dma_start3A_335 : memref<1x80x64xf32, #tpu.memory_space<hbm>> -> memref<80x64xf32, #tpu.memory_space<hbm>>
        %dma_start3A_337 = arith.constant 0 : i32
        %dma_start3A_338 = tpu.memref_slice %arg11[%mul3A_332, %dma_start3A_337] : memref<10000x64xf32, #tpu.memory_space<vmem_shared>> -> memref<80x64xf32, #tpu.memory_space<vmem_shared>>
        tpu.enqueue_dma source(%dma_start3A_338 : memref<80x64xf32, #tpu.memory_space<vmem_shared>>) target(%dma_start3A_336 : memref<80x64xf32, #tpu.memory_space<hbm>>) target_semaphore(%arg12 : memref<!tpu.dma_semaphore, #tpu.memory_space<semaphore_mem>>)
      } else {
      }
      %eq3A_326 = arith.constant 1 : i32
      %eq3A_327 = arith.cmpi eq, %arg0, %eq3A_326 : i32
      %convert_element_type3A_328 = arith.extui %eq3A_327 : i1 to i32
      %cond3A_329 = arith.constant 0 : i32
      %cond3A_330 = arith.cmpi ne, %convert_element_type3A_328, %cond3A_329 : i32
      scf.if %cond3A_330 {
        %mul3A_331 = arith.constant 80 : i32
        %mul3A_332 = arith.muli %add3A_210, %mul3A_331 : i32
        %dma_start3A_333 = arith.constant 0 : i32
        %dma_start3A_334 = arith.constant 0 : i32
        %dma_start3A_335 = tpu.memref_slice %arg7[%add3A_210, %dma_start3A_333, %dma_start3A_334] : memref<125x80x64xf32, #tpu.memory_space<hbm>> -> memref<1x80x64xf32, #tpu.memory_space<hbm>>
        %dma_start3A_336 = tpu.memref_squeeze %dma_start3A_335 : memref<1x80x64xf32, #tpu.memory_space<hbm>> -> memref<80x64xf32, #tpu.memory_space<hbm>>
        %dma_start3A_337 = arith.constant 0 : i32
        %dma_start3A_338 = tpu.memref_slice %arg11[%mul3A_332, %dma_start3A_337] : memref<10000x64xf32, #tpu.memory_space<vmem_shared>> -> memref<80x64xf32, #tpu.memory_space<vmem_shared>>
        tpu.enqueue_dma source(%dma_start3A_338 : memref<80x64xf32, #tpu.memory_space<vmem_shared>>) target(%dma_start3A_336 : memref<80x64xf32, #tpu.memory_space<hbm>>) target_semaphore(%arg12 : memref<!tpu.dma_semaphore, #tpu.memory_space<semaphore_mem>>)
      } else {
      }
    } else {
    }
    %add3A_216 = arith.constant 16 : i32
    %add3A_217 = arith.addi %arg1, %add3A_216 : i32
    %lt3A_218 = arith.constant 125 : i32
    %lt3A_219 = arith.cmpi slt, %add3A_217, %lt3A_218 : i32
    %convert_element_type3A_220 = arith.extui %lt3A_219 : i1 to i32
    %cond3A_221 = arith.constant 0 : i32
    %cond3A_222 = arith.cmpi ne, %convert_element_type3A_220, %cond3A_221 : i32
    scf.if %cond3A_222 {
      %eq3A_321 = arith.constant 0 : i32
      %eq3A_322 = arith.cmpi eq, %arg0, %eq3A_321 : i32
      %convert_element_type3A_323 = arith.extui %eq3A_322 : i1 to i32
      %cond3A_324 = arith.constant 0 : i32
      %cond3A_325 = arith.cmpi ne, %convert_element_type3A_323, %cond3A_324 : i32
      scf.if %cond3A_325 {
        %mul3A_331 = arith.constant 80 : i32
        %mul3A_332 = arith.muli %add3A_217, %mul3A_331 : i32
        %dma_start3A_333 = arith.constant 0 : i32
        %dma_start3A_334 = arith.constant 0 : i32
        %dma_start3A_335 = tpu.memref_slice %arg6[%add3A_217, %dma_start3A_333, %dma_start3A_334] : memref<125x80x64xf32, #tpu.memory_space<hbm>> -> memref<1x80x64xf32, #tpu.memory_space<hbm>>
        %dma_start3A_336 = tpu.memref_squeeze %dma_start3A_335 : memref<1x80x64xf32, #tpu.memory_space<hbm>> -> memref<80x64xf32, #tpu.memory_space<hbm>>
        %dma_start3A_337 = arith.constant 0 : i32
        %dma_start3A_338 = tpu.memref_slice %arg11[%mul3A_332, %dma_start3A_337] : memref<10000x64xf32, #tpu.memory_space<vmem_shared>> -> memref<80x64xf32, #tpu.memory_space<vmem_shared>>
        tpu.enqueue_dma source(%dma_start3A_338 : memref<80x64xf32, #tpu.memory_space<vmem_shared>>) target(%dma_start3A_336 : memref<80x64xf32, #tpu.memory_space<hbm>>) target_semaphore(%arg12 : memref<!tpu.dma_semaphore, #tpu.memory_space<semaphore_mem>>)
      } else {
      }
      %eq3A_326 = arith.constant 1 : i32
      %eq3A_327 = arith.cmpi eq, %arg0, %eq3A_326 : i32
      %convert_element_type3A_328 = arith.extui %eq3A_327 : i1 to i32
      %cond3A_329 = arith.constant 0 : i32
      %cond3A_330 = arith.cmpi ne, %convert_element_type3A_328, %cond3A_329 : i32
      scf.if %cond3A_330 {
        %mul3A_331 = arith.constant 80 : i32
        %mul3A_332 = arith.muli %add3A_217, %mul3A_331 : i32
        %dma_start3A_333 = arith.constant 0 : i32
        %dma_start3A_334 = arith.constant 0 : i32
        %dma_start3A_335 = tpu.memref_slice %arg7[%add3A_217, %dma_start3A_333, %dma_start3A_334] : memref<125x80x64xf32, #tpu.memory_space<hbm>> -> memref<1x80x64xf32, #tpu.memory_space<hbm>>
        %dma_start3A_336 = tpu.memref_squeeze %dma_start3A_335 : memref<1x80x64xf32, #tpu.memory_space<hbm>> -> memref<80x64xf32, #tpu.memory_space<hbm>>
        %dma_start3A_337 = arith.constant 0 : i32
        %dma_start3A_338 = tpu.memref_slice %arg11[%mul3A_332, %dma_start3A_337] : memref<10000x64xf32, #tpu.memory_space<vmem_shared>> -> memref<80x64xf32, #tpu.memory_space<vmem_shared>>
        tpu.enqueue_dma source(%dma_start3A_338 : memref<80x64xf32, #tpu.memory_space<vmem_shared>>) target(%dma_start3A_336 : memref<80x64xf32, #tpu.memory_space<hbm>>) target_semaphore(%arg12 : memref<!tpu.dma_semaphore, #tpu.memory_space<semaphore_mem>>)
      } else {
      }
    } else {
    }
    %add3A_223 = arith.constant 32 : i32
    %add3A_224 = arith.addi %arg1, %add3A_223 : i32
    %lt3A_225 = arith.constant 125 : i32
    %lt3A_226 = arith.cmpi slt, %add3A_224, %lt3A_225 : i32
    %convert_element_type3A_227 = arith.extui %lt3A_226 : i1 to i32
    %cond3A_228 = arith.constant 0 : i32
    %cond3A_229 = arith.cmpi ne, %convert_element_type3A_227, %cond3A_228 : i32
    scf.if %cond3A_229 {
      %eq3A_321 = arith.constant 0 : i32
      %eq3A_322 = arith.cmpi eq, %arg0, %eq3A_321 : i32
      %convert_element_type3A_323 = arith.extui %eq3A_322 : i1 to i32
      %cond3A_324 = arith.constant 0 : i32
      %cond3A_325 = arith.cmpi ne, %convert_element_type3A_323, %cond3A_324 : i32
      scf.if %cond3A_325 {
        %mul3A_331 = arith.constant 80 : i32
        %mul3A_332 = arith.muli %add3A_224, %mul3A_331 : i32
        %dma_start3A_333 = arith.constant 0 : i32
        %dma_start3A_334 = arith.constant 0 : i32
        %dma_start3A_335 = tpu.memref_slice %arg6[%add3A_224, %dma_start3A_333, %dma_start3A_334] : memref<125x80x64xf32, #tpu.memory_space<hbm>> -> memref<1x80x64xf32, #tpu.memory_space<hbm>>
        %dma_start3A_336 = tpu.memref_squeeze %dma_start3A_335 : memref<1x80x64xf32, #tpu.memory_space<hbm>> -> memref<80x64xf32, #tpu.memory_space<hbm>>
        %dma_start3A_337 = arith.constant 0 : i32
        %dma_start3A_338 = tpu.memref_slice %arg11[%mul3A_332, %dma_start3A_337] : memref<10000x64xf32, #tpu.memory_space<vmem_shared>> -> memref<80x64xf32, #tpu.memory_space<vmem_shared>>
        tpu.enqueue_dma source(%dma_start3A_338 : memref<80x64xf32, #tpu.memory_space<vmem_shared>>) target(%dma_start3A_336 : memref<80x64xf32, #tpu.memory_space<hbm>>) target_semaphore(%arg12 : memref<!tpu.dma_semaphore, #tpu.memory_space<semaphore_mem>>)
      } else {
      }
      %eq3A_326 = arith.constant 1 : i32
      %eq3A_327 = arith.cmpi eq, %arg0, %eq3A_326 : i32
      %convert_element_type3A_328 = arith.extui %eq3A_327 : i1 to i32
      %cond3A_329 = arith.constant 0 : i32
      %cond3A_330 = arith.cmpi ne, %convert_element_type3A_328, %cond3A_329 : i32
      scf.if %cond3A_330 {
        %mul3A_331 = arith.constant 80 : i32
        %mul3A_332 = arith.muli %add3A_224, %mul3A_331 : i32
        %dma_start3A_333 = arith.constant 0 : i32
        %dma_start3A_334 = arith.constant 0 : i32
        %dma_start3A_335 = tpu.memref_slice %arg7[%add3A_224, %dma_start3A_333, %dma_start3A_334] : memref<125x80x64xf32, #tpu.memory_space<hbm>> -> memref<1x80x64xf32, #tpu.memory_space<hbm>>
        %dma_start3A_336 = tpu.memref_squeeze %dma_start3A_335 : memref<1x80x64xf32, #tpu.memory_space<hbm>> -> memref<80x64xf32, #tpu.memory_space<hbm>>
        %dma_start3A_337 = arith.constant 0 : i32
        %dma_start3A_338 = tpu.memref_slice %arg11[%mul3A_332, %dma_start3A_337] : memref<10000x64xf32, #tpu.memory_space<vmem_shared>> -> memref<80x64xf32, #tpu.memory_space<vmem_shared>>
        tpu.enqueue_dma source(%dma_start3A_338 : memref<80x64xf32, #tpu.memory_space<vmem_shared>>) target(%dma_start3A_336 : memref<80x64xf32, #tpu.memory_space<hbm>>) target_semaphore(%arg12 : memref<!tpu.dma_semaphore, #tpu.memory_space<semaphore_mem>>)
      } else {
      }
    } else {
    }
    %add3A_230 = arith.constant 48 : i32
    %add3A_231 = arith.addi %arg1, %add3A_230 : i32
    %lt3A_232 = arith.constant 125 : i32
    %lt3A_233 = arith.cmpi slt, %add3A_231, %lt3A_232 : i32
    %convert_element_type3A_234 = arith.extui %lt3A_233 : i1 to i32
    %cond3A_235 = arith.constant 0 : i32
    %cond3A_236 = arith.cmpi ne, %convert_element_type3A_234, %cond3A_235 : i32
    scf.if %cond3A_236 {
      %eq3A_321 = arith.constant 0 : i32
      %eq3A_322 = arith.cmpi eq, %arg0, %eq3A_321 : i32
      %convert_element_type3A_323 = arith.extui %eq3A_322 : i1 to i32
      %cond3A_324 = arith.constant 0 : i32
      %cond3A_325 = arith.cmpi ne, %convert_element_type3A_323, %cond3A_324 : i32
      scf.if %cond3A_325 {
        %mul3A_331 = arith.constant 80 : i32
        %mul3A_332 = arith.muli %add3A_231, %mul3A_331 : i32
        %dma_start3A_333 = arith.constant 0 : i32
        %dma_start3A_334 = arith.constant 0 : i32
        %dma_start3A_335 = tpu.memref_slice %arg6[%add3A_231, %dma_start3A_333, %dma_start3A_334] : memref<125x80x64xf32, #tpu.memory_space<hbm>> -> memref<1x80x64xf32, #tpu.memory_space<hbm>>
        %dma_start3A_336 = tpu.memref_squeeze %dma_start3A_335 : memref<1x80x64xf32, #tpu.memory_space<hbm>> -> memref<80x64xf32, #tpu.memory_space<hbm>>
        %dma_start3A_337 = arith.constant 0 : i32
        %dma_start3A_338 = tpu.memref_slice %arg11[%mul3A_332, %dma_start3A_337] : memref<10000x64xf32, #tpu.memory_space<vmem_shared>> -> memref<80x64xf32, #tpu.memory_space<vmem_shared>>
        tpu.enqueue_dma source(%dma_start3A_338 : memref<80x64xf32, #tpu.memory_space<vmem_shared>>) target(%dma_start3A_336 : memref<80x64xf32, #tpu.memory_space<hbm>>) target_semaphore(%arg12 : memref<!tpu.dma_semaphore, #tpu.memory_space<semaphore_mem>>)
      } else {
      }
      %eq3A_326 = arith.constant 1 : i32
      %eq3A_327 = arith.cmpi eq, %arg0, %eq3A_326 : i32
      %convert_element_type3A_328 = arith.extui %eq3A_327 : i1 to i32
      %cond3A_329 = arith.constant 0 : i32
      %cond3A_330 = arith.cmpi ne, %convert_element_type3A_328, %cond3A_329 : i32
      scf.if %cond3A_330 {
        %mul3A_331 = arith.constant 80 : i32
        %mul3A_332 = arith.muli %add3A_231, %mul3A_331 : i32
        %dma_start3A_333 = arith.constant 0 : i32
        %dma_start3A_334 = arith.constant 0 : i32
        %dma_start3A_335 = tpu.memref_slice %arg7[%add3A_231, %dma_start3A_333, %dma_start3A_334] : memref<125x80x64xf32, #tpu.memory_space<hbm>> -> memref<1x80x64xf32, #tpu.memory_space<hbm>>
        %dma_start3A_336 = tpu.memref_squeeze %dma_start3A_335 : memref<1x80x64xf32, #tpu.memory_space<hbm>> -> memref<80x64xf32, #tpu.memory_space<hbm>>
        %dma_start3A_337 = arith.constant 0 : i32
        %dma_start3A_338 = tpu.memref_slice %arg11[%mul3A_332, %dma_start3A_337] : memref<10000x64xf32, #tpu.memory_space<vmem_shared>> -> memref<80x64xf32, #tpu.memory_space<vmem_shared>>
        tpu.enqueue_dma source(%dma_start3A_338 : memref<80x64xf32, #tpu.memory_space<vmem_shared>>) target(%dma_start3A_336 : memref<80x64xf32, #tpu.memory_space<hbm>>) target_semaphore(%arg12 : memref<!tpu.dma_semaphore, #tpu.memory_space<semaphore_mem>>)
      } else {
      }
    } else {
    }
    %add3A_237 = arith.constant 64 : i32
    %add3A_238 = arith.addi %arg1, %add3A_237 : i32
    %lt3A_239 = arith.constant 125 : i32
    %lt3A_240 = arith.cmpi slt, %add3A_238, %lt3A_239 : i32
    %convert_element_type3A_241 = arith.extui %lt3A_240 : i1 to i32
    %cond3A_242 = arith.constant 0 : i32
    %cond3A_243 = arith.cmpi ne, %convert_element_type3A_241, %cond3A_242 : i32
    scf.if %cond3A_243 {
      %eq3A_321 = arith.constant 0 : i32
      %eq3A_322 = arith.cmpi eq, %arg0, %eq3A_321 : i32
      %convert_element_type3A_323 = arith.extui %eq3A_322 : i1 to i32
      %cond3A_324 = arith.constant 0 : i32
      %cond3A_325 = arith.cmpi ne, %convert_element_type3A_323, %cond3A_324 : i32
      scf.if %cond3A_325 {
        %mul3A_331 = arith.constant 80 : i32
        %mul3A_332 = arith.muli %add3A_238, %mul3A_331 : i32
        %dma_start3A_333 = arith.constant 0 : i32
        %dma_start3A_334 = arith.constant 0 : i32
        %dma_start3A_335 = tpu.memref_slice %arg6[%add3A_238, %dma_start3A_333, %dma_start3A_334] : memref<125x80x64xf32, #tpu.memory_space<hbm>> -> memref<1x80x64xf32, #tpu.memory_space<hbm>>
        %dma_start3A_336 = tpu.memref_squeeze %dma_start3A_335 : memref<1x80x64xf32, #tpu.memory_space<hbm>> -> memref<80x64xf32, #tpu.memory_space<hbm>>
        %dma_start3A_337 = arith.constant 0 : i32
        %dma_start3A_338 = tpu.memref_slice %arg11[%mul3A_332, %dma_start3A_337] : memref<10000x64xf32, #tpu.memory_space<vmem_shared>> -> memref<80x64xf32, #tpu.memory_space<vmem_shared>>
        tpu.enqueue_dma source(%dma_start3A_338 : memref<80x64xf32, #tpu.memory_space<vmem_shared>>) target(%dma_start3A_336 : memref<80x64xf32, #tpu.memory_space<hbm>>) target_semaphore(%arg12 : memref<!tpu.dma_semaphore, #tpu.memory_space<semaphore_mem>>)
      } else {
      }
      %eq3A_326 = arith.constant 1 : i32
      %eq3A_327 = arith.cmpi eq, %arg0, %eq3A_326 : i32
      %convert_element_type3A_328 = arith.extui %eq3A_327 : i1 to i32
      %cond3A_329 = arith.constant 0 : i32
      %cond3A_330 = arith.cmpi ne, %convert_element_type3A_328, %cond3A_329 : i32
      scf.if %cond3A_330 {
        %mul3A_331 = arith.constant 80 : i32
        %mul3A_332 = arith.muli %add3A_238, %mul3A_331 : i32
        %dma_start3A_333 = arith.constant 0 : i32
        %dma_start3A_334 = arith.constant 0 : i32
        %dma_start3A_335 = tpu.memref_slice %arg7[%add3A_238, %dma_start3A_333, %dma_start3A_334] : memref<125x80x64xf32, #tpu.memory_space<hbm>> -> memref<1x80x64xf32, #tpu.memory_space<hbm>>
        %dma_start3A_336 = tpu.memref_squeeze %dma_start3A_335 : memref<1x80x64xf32, #tpu.memory_space<hbm>> -> memref<80x64xf32, #tpu.memory_space<hbm>>
        %dma_start3A_337 = arith.constant 0 : i32
        %dma_start3A_338 = tpu.memref_slice %arg11[%mul3A_332, %dma_start3A_337] : memref<10000x64xf32, #tpu.memory_space<vmem_shared>> -> memref<80x64xf32, #tpu.memory_space<vmem_shared>>
        tpu.enqueue_dma source(%dma_start3A_338 : memref<80x64xf32, #tpu.memory_space<vmem_shared>>) target(%dma_start3A_336 : memref<80x64xf32, #tpu.memory_space<hbm>>) target_semaphore(%arg12 : memref<!tpu.dma_semaphore, #tpu.memory_space<semaphore_mem>>)
      } else {
      }
    } else {
    }
    %add3A_244 = arith.constant 80 : i32
    %add3A_245 = arith.addi %arg1, %add3A_244 : i32
    %lt3A_246 = arith.constant 125 : i32
    %lt3A_247 = arith.cmpi slt, %add3A_245, %lt3A_246 : i32
    %convert_element_type3A_248 = arith.extui %lt3A_247 : i1 to i32
    %cond3A_249 = arith.constant 0 : i32
    %cond3A_250 = arith.cmpi ne, %convert_element_type3A_248, %cond3A_249 : i32
    scf.if %cond3A_250 {
      %eq3A_321 = arith.constant 0 : i32
      %eq3A_322 = arith.cmpi eq, %arg0, %eq3A_321 : i32
      %convert_element_type3A_323 = arith.extui %eq3A_322 : i1 to i32
      %cond3A_324 = arith.constant 0 : i32
      %cond3A_325 = arith.cmpi ne, %convert_element_type3A_323, %cond3A_324 : i32
      scf.if %cond3A_325 {
        %mul3A_331 = arith.constant 80 : i32
        %mul3A_332 = arith.muli %add3A_245, %mul3A_331 : i32
        %dma_start3A_333 = arith.constant 0 : i32
        %dma_start3A_334 = arith.constant 0 : i32
        %dma_start3A_335 = tpu.memref_slice %arg6[%add3A_245, %dma_start3A_333, %dma_start3A_334] : memref<125x80x64xf32, #tpu.memory_space<hbm>> -> memref<1x80x64xf32, #tpu.memory_space<hbm>>
        %dma_start3A_336 = tpu.memref_squeeze %dma_start3A_335 : memref<1x80x64xf32, #tpu.memory_space<hbm>> -> memref<80x64xf32, #tpu.memory_space<hbm>>
        %dma_start3A_337 = arith.constant 0 : i32
        %dma_start3A_338 = tpu.memref_slice %arg11[%mul3A_332, %dma_start3A_337] : memref<10000x64xf32, #tpu.memory_space<vmem_shared>> -> memref<80x64xf32, #tpu.memory_space<vmem_shared>>
        tpu.enqueue_dma source(%dma_start3A_338 : memref<80x64xf32, #tpu.memory_space<vmem_shared>>) target(%dma_start3A_336 : memref<80x64xf32, #tpu.memory_space<hbm>>) target_semaphore(%arg12 : memref<!tpu.dma_semaphore, #tpu.memory_space<semaphore_mem>>)
      } else {
      }
      %eq3A_326 = arith.constant 1 : i32
      %eq3A_327 = arith.cmpi eq, %arg0, %eq3A_326 : i32
      %convert_element_type3A_328 = arith.extui %eq3A_327 : i1 to i32
      %cond3A_329 = arith.constant 0 : i32
      %cond3A_330 = arith.cmpi ne, %convert_element_type3A_328, %cond3A_329 : i32
      scf.if %cond3A_330 {
        %mul3A_331 = arith.constant 80 : i32
        %mul3A_332 = arith.muli %add3A_245, %mul3A_331 : i32
        %dma_start3A_333 = arith.constant 0 : i32
        %dma_start3A_334 = arith.constant 0 : i32
        %dma_start3A_335 = tpu.memref_slice %arg7[%add3A_245, %dma_start3A_333, %dma_start3A_334] : memref<125x80x64xf32, #tpu.memory_space<hbm>> -> memref<1x80x64xf32, #tpu.memory_space<hbm>>
        %dma_start3A_336 = tpu.memref_squeeze %dma_start3A_335 : memref<1x80x64xf32, #tpu.memory_space<hbm>> -> memref<80x64xf32, #tpu.memory_space<hbm>>
        %dma_start3A_337 = arith.constant 0 : i32
        %dma_start3A_338 = tpu.memref_slice %arg11[%mul3A_332, %dma_start3A_337] : memref<10000x64xf32, #tpu.memory_space<vmem_shared>> -> memref<80x64xf32, #tpu.memory_space<vmem_shared>>
        tpu.enqueue_dma source(%dma_start3A_338 : memref<80x64xf32, #tpu.memory_space<vmem_shared>>) target(%dma_start3A_336 : memref<80x64xf32, #tpu.memory_space<hbm>>) target_semaphore(%arg12 : memref<!tpu.dma_semaphore, #tpu.memory_space<semaphore_mem>>)
      } else {
      }
    } else {
    }
    %add3A_251 = arith.constant 96 : i32
    %add3A_252 = arith.addi %arg1, %add3A_251 : i32
    %lt3A_253 = arith.constant 125 : i32
    %lt3A_254 = arith.cmpi slt, %add3A_252, %lt3A_253 : i32
    %convert_element_type3A_255 = arith.extui %lt3A_254 : i1 to i32
    %cond3A_256 = arith.constant 0 : i32
    %cond3A_257 = arith.cmpi ne, %convert_element_type3A_255, %cond3A_256 : i32
    scf.if %cond3A_257 {
      %eq3A_321 = arith.constant 0 : i32
      %eq3A_322 = arith.cmpi eq, %arg0, %eq3A_321 : i32
      %convert_element_type3A_323 = arith.extui %eq3A_322 : i1 to i32
      %cond3A_324 = arith.constant 0 : i32
      %cond3A_325 = arith.cmpi ne, %convert_element_type3A_323, %cond3A_324 : i32
      scf.if %cond3A_325 {
        %mul3A_331 = arith.constant 80 : i32
        %mul3A_332 = arith.muli %add3A_252, %mul3A_331 : i32
        %dma_start3A_333 = arith.constant 0 : i32
        %dma_start3A_334 = arith.constant 0 : i32
        %dma_start3A_335 = tpu.memref_slice %arg6[%add3A_252, %dma_start3A_333, %dma_start3A_334] : memref<125x80x64xf32, #tpu.memory_space<hbm>> -> memref<1x80x64xf32, #tpu.memory_space<hbm>>
        %dma_start3A_336 = tpu.memref_squeeze %dma_start3A_335 : memref<1x80x64xf32, #tpu.memory_space<hbm>> -> memref<80x64xf32, #tpu.memory_space<hbm>>
        %dma_start3A_337 = arith.constant 0 : i32
        %dma_start3A_338 = tpu.memref_slice %arg11[%mul3A_332, %dma_start3A_337] : memref<10000x64xf32, #tpu.memory_space<vmem_shared>> -> memref<80x64xf32, #tpu.memory_space<vmem_shared>>
        tpu.enqueue_dma source(%dma_start3A_338 : memref<80x64xf32, #tpu.memory_space<vmem_shared>>) target(%dma_start3A_336 : memref<80x64xf32, #tpu.memory_space<hbm>>) target_semaphore(%arg12 : memref<!tpu.dma_semaphore, #tpu.memory_space<semaphore_mem>>)
      } else {
      }
      %eq3A_326 = arith.constant 1 : i32
      %eq3A_327 = arith.cmpi eq, %arg0, %eq3A_326 : i32
      %convert_element_type3A_328 = arith.extui %eq3A_327 : i1 to i32
      %cond3A_329 = arith.constant 0 : i32
      %cond3A_330 = arith.cmpi ne, %convert_element_type3A_328, %cond3A_329 : i32
      scf.if %cond3A_330 {
        %mul3A_331 = arith.constant 80 : i32
        %mul3A_332 = arith.muli %add3A_252, %mul3A_331 : i32
        %dma_start3A_333 = arith.constant 0 : i32
        %dma_start3A_334 = arith.constant 0 : i32
        %dma_start3A_335 = tpu.memref_slice %arg7[%add3A_252, %dma_start3A_333, %dma_start3A_334] : memref<125x80x64xf32, #tpu.memory_space<hbm>> -> memref<1x80x64xf32, #tpu.memory_space<hbm>>
        %dma_start3A_336 = tpu.memref_squeeze %dma_start3A_335 : memref<1x80x64xf32, #tpu.memory_space<hbm>> -> memref<80x64xf32, #tpu.memory_space<hbm>>
        %dma_start3A_337 = arith.constant 0 : i32
        %dma_start3A_338 = tpu.memref_slice %arg11[%mul3A_332, %dma_start3A_337] : memref<10000x64xf32, #tpu.memory_space<vmem_shared>> -> memref<80x64xf32, #tpu.memory_space<vmem_shared>>
        tpu.enqueue_dma source(%dma_start3A_338 : memref<80x64xf32, #tpu.memory_space<vmem_shared>>) target(%dma_start3A_336 : memref<80x64xf32, #tpu.memory_space<hbm>>) target_semaphore(%arg12 : memref<!tpu.dma_semaphore, #tpu.memory_space<semaphore_mem>>)
      } else {
      }
    } else {
    }
    %add3A_258 = arith.constant 112 : i32
    %add3A_259 = arith.addi %arg1, %add3A_258 : i32
    %lt3A_260 = arith.constant 125 : i32
    %lt3A_261 = arith.cmpi slt, %add3A_259, %lt3A_260 : i32
    %convert_element_type3A_262 = arith.extui %lt3A_261 : i1 to i32
    %cond3A_263 = arith.constant 0 : i32
    %cond3A_264 = arith.cmpi ne, %convert_element_type3A_262, %cond3A_263 : i32
    scf.if %cond3A_264 {
      %eq3A_321 = arith.constant 0 : i32
      %eq3A_322 = arith.cmpi eq, %arg0, %eq3A_321 : i32
      %convert_element_type3A_323 = arith.extui %eq3A_322 : i1 to i32
      %cond3A_324 = arith.constant 0 : i32
      %cond3A_325 = arith.cmpi ne, %convert_element_type3A_323, %cond3A_324 : i32
      scf.if %cond3A_325 {
        %mul3A_331 = arith.constant 80 : i32
        %mul3A_332 = arith.muli %add3A_259, %mul3A_331 : i32
        %dma_start3A_333 = arith.constant 0 : i32
        %dma_start3A_334 = arith.constant 0 : i32
        %dma_start3A_335 = tpu.memref_slice %arg6[%add3A_259, %dma_start3A_333, %dma_start3A_334] : memref<125x80x64xf32, #tpu.memory_space<hbm>> -> memref<1x80x64xf32, #tpu.memory_space<hbm>>
        %dma_start3A_336 = tpu.memref_squeeze %dma_start3A_335 : memref<1x80x64xf32, #tpu.memory_space<hbm>> -> memref<80x64xf32, #tpu.memory_space<hbm>>
        %dma_start3A_337 = arith.constant 0 : i32
        %dma_start3A_338 = tpu.memref_slice %arg11[%mul3A_332, %dma_start3A_337] : memref<10000x64xf32, #tpu.memory_space<vmem_shared>> -> memref<80x64xf32, #tpu.memory_space<vmem_shared>>
        tpu.enqueue_dma source(%dma_start3A_338 : memref<80x64xf32, #tpu.memory_space<vmem_shared>>) target(%dma_start3A_336 : memref<80x64xf32, #tpu.memory_space<hbm>>) target_semaphore(%arg12 : memref<!tpu.dma_semaphore, #tpu.memory_space<semaphore_mem>>)
      } else {
      }
      %eq3A_326 = arith.constant 1 : i32
      %eq3A_327 = arith.cmpi eq, %arg0, %eq3A_326 : i32
      %convert_element_type3A_328 = arith.extui %eq3A_327 : i1 to i32
      %cond3A_329 = arith.constant 0 : i32
      %cond3A_330 = arith.cmpi ne, %convert_element_type3A_328, %cond3A_329 : i32
      scf.if %cond3A_330 {
        %mul3A_331 = arith.constant 80 : i32
        %mul3A_332 = arith.muli %add3A_259, %mul3A_331 : i32
        %dma_start3A_333 = arith.constant 0 : i32
        %dma_start3A_334 = arith.constant 0 : i32
        %dma_start3A_335 = tpu.memref_slice %arg7[%add3A_259, %dma_start3A_333, %dma_start3A_334] : memref<125x80x64xf32, #tpu.memory_space<hbm>> -> memref<1x80x64xf32, #tpu.memory_space<hbm>>
        %dma_start3A_336 = tpu.memref_squeeze %dma_start3A_335 : memref<1x80x64xf32, #tpu.memory_space<hbm>> -> memref<80x64xf32, #tpu.memory_space<hbm>>
        %dma_start3A_337 = arith.constant 0 : i32
        %dma_start3A_338 = tpu.memref_slice %arg11[%mul3A_332, %dma_start3A_337] : memref<10000x64xf32, #tpu.memory_space<vmem_shared>> -> memref<80x64xf32, #tpu.memory_space<vmem_shared>>
        tpu.enqueue_dma source(%dma_start3A_338 : memref<80x64xf32, #tpu.memory_space<vmem_shared>>) target(%dma_start3A_336 : memref<80x64xf32, #tpu.memory_space<hbm>>) target_semaphore(%arg12 : memref<!tpu.dma_semaphore, #tpu.memory_space<semaphore_mem>>)
      } else {
      }
    } else {
    }
    %add3A_265 = arith.constant 0 : i32
    %add3A_266 = arith.addi %arg1, %add3A_265 : i32
    %lt3A_267 = arith.constant 125 : i32
    %lt3A_268 = arith.cmpi slt, %add3A_266, %lt3A_267 : i32
    %convert_element_type3A_269 = arith.extui %lt3A_268 : i1 to i32
    %cond3A_270 = arith.constant 0 : i32
    %cond3A_271 = arith.cmpi ne, %convert_element_type3A_269, %cond3A_270 : i32
    scf.if %cond3A_271 {
      %mul3A_321 = arith.constant 80 : i32
      %mul3A_322 = arith.muli %add3A_266, %mul3A_321 : i32
      %dma_wait3A_323 = arith.constant 0 : i32
      %dma_wait3A_324 = arith.constant 0 : i32
      %dma_wait3A_325 = tpu.memref_slice %arg6[%add3A_266, %dma_wait3A_323, %dma_wait3A_324] : memref<125x80x64xf32, #tpu.memory_space<hbm>> -> memref<1x80x64xf32, #tpu.memory_space<hbm>>
      %dma_wait3A_326 = tpu.memref_squeeze %dma_wait3A_325 : memref<1x80x64xf32, #tpu.memory_space<hbm>> -> memref<80x64xf32, #tpu.memory_space<hbm>>
      %dma_wait3A_327 = arith.constant 0 : i32
      %dma_wait3A_328 = tpu.memref_slice %arg11[%mul3A_322, %dma_wait3A_327] : memref<10000x64xf32, #tpu.memory_space<vmem_shared>> -> memref<80x64xf32, #tpu.memory_space<vmem_shared>>
      tpu.wait_dma2 semaphore(%arg12 : memref<!tpu.dma_semaphore, #tpu.memory_space<semaphore_mem>>) src(%dma_wait3A_328 : memref<80x64xf32, #tpu.memory_space<vmem_shared>>) dst(%dma_wait3A_326 : memref<80x64xf32, #tpu.memory_space<hbm>>)
    } else {
    }
    %add3A_272 = arith.constant 16 : i32
    %add3A_273 = arith.addi %arg1, %add3A_272 : i32
    %lt3A_274 = arith.constant 125 : i32
    %lt3A_275 = arith.cmpi slt, %add3A_273, %lt3A_274 : i32
    %convert_element_type3A_276 = arith.extui %lt3A_275 : i1 to i32
    %cond3A_277 = arith.constant 0 : i32
    %cond3A_278 = arith.cmpi ne, %convert_element_type3A_276, %cond3A_277 : i32
    scf.if %cond3A_278 {
      %mul3A_321 = arith.constant 80 : i32
      %mul3A_322 = arith.muli %add3A_273, %mul3A_321 : i32
      %dma_wait3A_323 = arith.constant 0 : i32
      %dma_wait3A_324 = arith.constant 0 : i32
      %dma_wait3A_325 = tpu.memref_slice %arg6[%add3A_273, %dma_wait3A_323, %dma_wait3A_324] : memref<125x80x64xf32, #tpu.memory_space<hbm>> -> memref<1x80x64xf32, #tpu.memory_space<hbm>>
      %dma_wait3A_326 = tpu.memref_squeeze %dma_wait3A_325 : memref<1x80x64xf32, #tpu.memory_space<hbm>> -> memref<80x64xf32, #tpu.memory_space<hbm>>
      %dma_wait3A_327 = arith.constant 0 : i32
      %dma_wait3A_328 = tpu.memref_slice %arg11[%mul3A_322, %dma_wait3A_327] : memref<10000x64xf32, #tpu.memory_space<vmem_shared>> -> memref<80x64xf32, #tpu.memory_space<vmem_shared>>
      tpu.wait_dma2 semaphore(%arg12 : memref<!tpu.dma_semaphore, #tpu.memory_space<semaphore_mem>>) src(%dma_wait3A_328 : memref<80x64xf32, #tpu.memory_space<vmem_shared>>) dst(%dma_wait3A_326 : memref<80x64xf32, #tpu.memory_space<hbm>>)
    } else {
    }
    %add3A_279 = arith.constant 32 : i32
    %add3A_280 = arith.addi %arg1, %add3A_279 : i32
    %lt3A_281 = arith.constant 125 : i32
    %lt3A_282 = arith.cmpi slt, %add3A_280, %lt3A_281 : i32
    %convert_element_type3A_283 = arith.extui %lt3A_282 : i1 to i32
    %cond3A_284 = arith.constant 0 : i32
    %cond3A_285 = arith.cmpi ne, %convert_element_type3A_283, %cond3A_284 : i32
    scf.if %cond3A_285 {
      %mul3A_321 = arith.constant 80 : i32
      %mul3A_322 = arith.muli %add3A_280, %mul3A_321 : i32
      %dma_wait3A_323 = arith.constant 0 : i32
      %dma_wait3A_324 = arith.constant 0 : i32
      %dma_wait3A_325 = tpu.memref_slice %arg6[%add3A_280, %dma_wait3A_323, %dma_wait3A_324] : memref<125x80x64xf32, #tpu.memory_space<hbm>> -> memref<1x80x64xf32, #tpu.memory_space<hbm>>
      %dma_wait3A_326 = tpu.memref_squeeze %dma_wait3A_325 : memref<1x80x64xf32, #tpu.memory_space<hbm>> -> memref<80x64xf32, #tpu.memory_space<hbm>>
      %dma_wait3A_327 = arith.constant 0 : i32
      %dma_wait3A_328 = tpu.memref_slice %arg11[%mul3A_322, %dma_wait3A_327] : memref<10000x64xf32, #tpu.memory_space<vmem_shared>> -> memref<80x64xf32, #tpu.memory_space<vmem_shared>>
      tpu.wait_dma2 semaphore(%arg12 : memref<!tpu.dma_semaphore, #tpu.memory_space<semaphore_mem>>) src(%dma_wait3A_328 : memref<80x64xf32, #tpu.memory_space<vmem_shared>>) dst(%dma_wait3A_326 : memref<80x64xf32, #tpu.memory_space<hbm>>)
    } else {
    }
    %add3A_286 = arith.constant 48 : i32
    %add3A_287 = arith.addi %arg1, %add3A_286 : i32
    %lt3A_288 = arith.constant 125 : i32
    %lt3A_289 = arith.cmpi slt, %add3A_287, %lt3A_288 : i32
    %convert_element_type3A_290 = arith.extui %lt3A_289 : i1 to i32
    %cond3A_291 = arith.constant 0 : i32
    %cond3A_292 = arith.cmpi ne, %convert_element_type3A_290, %cond3A_291 : i32
    scf.if %cond3A_292 {
      %mul3A_321 = arith.constant 80 : i32
      %mul3A_322 = arith.muli %add3A_287, %mul3A_321 : i32
      %dma_wait3A_323 = arith.constant 0 : i32
      %dma_wait3A_324 = arith.constant 0 : i32
      %dma_wait3A_325 = tpu.memref_slice %arg6[%add3A_287, %dma_wait3A_323, %dma_wait3A_324] : memref<125x80x64xf32, #tpu.memory_space<hbm>> -> memref<1x80x64xf32, #tpu.memory_space<hbm>>
      %dma_wait3A_326 = tpu.memref_squeeze %dma_wait3A_325 : memref<1x80x64xf32, #tpu.memory_space<hbm>> -> memref<80x64xf32, #tpu.memory_space<hbm>>
      %dma_wait3A_327 = arith.constant 0 : i32
      %dma_wait3A_328 = tpu.memref_slice %arg11[%mul3A_322, %dma_wait3A_327] : memref<10000x64xf32, #tpu.memory_space<vmem_shared>> -> memref<80x64xf32, #tpu.memory_space<vmem_shared>>
      tpu.wait_dma2 semaphore(%arg12 : memref<!tpu.dma_semaphore, #tpu.memory_space<semaphore_mem>>) src(%dma_wait3A_328 : memref<80x64xf32, #tpu.memory_space<vmem_shared>>) dst(%dma_wait3A_326 : memref<80x64xf32, #tpu.memory_space<hbm>>)
    } else {
    }
    %add3A_293 = arith.constant 64 : i32
    %add3A_294 = arith.addi %arg1, %add3A_293 : i32
    %lt3A_295 = arith.constant 125 : i32
    %lt3A_296 = arith.cmpi slt, %add3A_294, %lt3A_295 : i32
    %convert_element_type3A_297 = arith.extui %lt3A_296 : i1 to i32
    %cond3A_298 = arith.constant 0 : i32
    %cond3A_299 = arith.cmpi ne, %convert_element_type3A_297, %cond3A_298 : i32
    scf.if %cond3A_299 {
      %mul3A_321 = arith.constant 80 : i32
      %mul3A_322 = arith.muli %add3A_294, %mul3A_321 : i32
      %dma_wait3A_323 = arith.constant 0 : i32
      %dma_wait3A_324 = arith.constant 0 : i32
      %dma_wait3A_325 = tpu.memref_slice %arg6[%add3A_294, %dma_wait3A_323, %dma_wait3A_324] : memref<125x80x64xf32, #tpu.memory_space<hbm>> -> memref<1x80x64xf32, #tpu.memory_space<hbm>>
      %dma_wait3A_326 = tpu.memref_squeeze %dma_wait3A_325 : memref<1x80x64xf32, #tpu.memory_space<hbm>> -> memref<80x64xf32, #tpu.memory_space<hbm>>
      %dma_wait3A_327 = arith.constant 0 : i32
      %dma_wait3A_328 = tpu.memref_slice %arg11[%mul3A_322, %dma_wait3A_327] : memref<10000x64xf32, #tpu.memory_space<vmem_shared>> -> memref<80x64xf32, #tpu.memory_space<vmem_shared>>
      tpu.wait_dma2 semaphore(%arg12 : memref<!tpu.dma_semaphore, #tpu.memory_space<semaphore_mem>>) src(%dma_wait3A_328 : memref<80x64xf32, #tpu.memory_space<vmem_shared>>) dst(%dma_wait3A_326 : memref<80x64xf32, #tpu.memory_space<hbm>>)
    } else {
    }
    %add3A_300 = arith.constant 80 : i32
    %add3A_301 = arith.addi %arg1, %add3A_300 : i32
    %lt3A_302 = arith.constant 125 : i32
    %lt3A_303 = arith.cmpi slt, %add3A_301, %lt3A_302 : i32
    %convert_element_type3A_304 = arith.extui %lt3A_303 : i1 to i32
    %cond3A_305 = arith.constant 0 : i32
    %cond3A_306 = arith.cmpi ne, %convert_element_type3A_304, %cond3A_305 : i32
    scf.if %cond3A_306 {
      %mul3A_321 = arith.constant 80 : i32
      %mul3A_322 = arith.muli %add3A_301, %mul3A_321 : i32
      %dma_wait3A_323 = arith.constant 0 : i32
      %dma_wait3A_324 = arith.constant 0 : i32
      %dma_wait3A_325 = tpu.memref_slice %arg6[%add3A_301, %dma_wait3A_323, %dma_wait3A_324] : memref<125x80x64xf32, #tpu.memory_space<hbm>> -> memref<1x80x64xf32, #tpu.memory_space<hbm>>
      %dma_wait3A_326 = tpu.memref_squeeze %dma_wait3A_325 : memref<1x80x64xf32, #tpu.memory_space<hbm>> -> memref<80x64xf32, #tpu.memory_space<hbm>>
      %dma_wait3A_327 = arith.constant 0 : i32
      %dma_wait3A_328 = tpu.memref_slice %arg11[%mul3A_322, %dma_wait3A_327] : memref<10000x64xf32, #tpu.memory_space<vmem_shared>> -> memref<80x64xf32, #tpu.memory_space<vmem_shared>>
      tpu.wait_dma2 semaphore(%arg12 : memref<!tpu.dma_semaphore, #tpu.memory_space<semaphore_mem>>) src(%dma_wait3A_328 : memref<80x64xf32, #tpu.memory_space<vmem_shared>>) dst(%dma_wait3A_326 : memref<80x64xf32, #tpu.memory_space<hbm>>)
    } else {
    }
    %add3A_307 = arith.constant 96 : i32
    %add3A_308 = arith.addi %arg1, %add3A_307 : i32
    %lt3A_309 = arith.constant 125 : i32
    %lt3A_310 = arith.cmpi slt, %add3A_308, %lt3A_309 : i32
    %convert_element_type3A_311 = arith.extui %lt3A_310 : i1 to i32
    %cond3A_312 = arith.constant 0 : i32
    %cond3A_313 = arith.cmpi ne, %convert_element_type3A_311, %cond3A_312 : i32
    scf.if %cond3A_313 {
      %mul3A_321 = arith.constant 80 : i32
      %mul3A_322 = arith.muli %add3A_308, %mul3A_321 : i32
      %dma_wait3A_323 = arith.constant 0 : i32
      %dma_wait3A_324 = arith.constant 0 : i32
      %dma_wait3A_325 = tpu.memref_slice %arg6[%add3A_308, %dma_wait3A_323, %dma_wait3A_324] : memref<125x80x64xf32, #tpu.memory_space<hbm>> -> memref<1x80x64xf32, #tpu.memory_space<hbm>>
      %dma_wait3A_326 = tpu.memref_squeeze %dma_wait3A_325 : memref<1x80x64xf32, #tpu.memory_space<hbm>> -> memref<80x64xf32, #tpu.memory_space<hbm>>
      %dma_wait3A_327 = arith.constant 0 : i32
      %dma_wait3A_328 = tpu.memref_slice %arg11[%mul3A_322, %dma_wait3A_327] : memref<10000x64xf32, #tpu.memory_space<vmem_shared>> -> memref<80x64xf32, #tpu.memory_space<vmem_shared>>
      tpu.wait_dma2 semaphore(%arg12 : memref<!tpu.dma_semaphore, #tpu.memory_space<semaphore_mem>>) src(%dma_wait3A_328 : memref<80x64xf32, #tpu.memory_space<vmem_shared>>) dst(%dma_wait3A_326 : memref<80x64xf32, #tpu.memory_space<hbm>>)
    } else {
    }
    %add3A_314 = arith.constant 112 : i32
    %add3A_315 = arith.addi %arg1, %add3A_314 : i32
    %lt3A_316 = arith.constant 125 : i32
    %lt3A_317 = arith.cmpi slt, %add3A_315, %lt3A_316 : i32
    %convert_element_type3A_318 = arith.extui %lt3A_317 : i1 to i32
    %cond3A_319 = arith.constant 0 : i32
    %cond3A_320 = arith.cmpi ne, %convert_element_type3A_318, %cond3A_319 : i32
    scf.if %cond3A_320 {
      %mul3A_321 = arith.constant 80 : i32
      %mul3A_322 = arith.muli %add3A_315, %mul3A_321 : i32
      %dma_wait3A_323 = arith.constant 0 : i32
      %dma_wait3A_324 = arith.constant 0 : i32
      %dma_wait3A_325 = tpu.memref_slice %arg6[%add3A_315, %dma_wait3A_323, %dma_wait3A_324] : memref<125x80x64xf32, #tpu.memory_space<hbm>> -> memref<1x80x64xf32, #tpu.memory_space<hbm>>
      %dma_wait3A_326 = tpu.memref_squeeze %dma_wait3A_325 : memref<1x80x64xf32, #tpu.memory_space<hbm>> -> memref<80x64xf32, #tpu.memory_space<hbm>>
      %dma_wait3A_327 = arith.constant 0 : i32
      %dma_wait3A_328 = tpu.memref_slice %arg11[%mul3A_322, %dma_wait3A_327] : memref<10000x64xf32, #tpu.memory_space<vmem_shared>> -> memref<80x64xf32, #tpu.memory_space<vmem_shared>>
      tpu.wait_dma2 semaphore(%arg12 : memref<!tpu.dma_semaphore, #tpu.memory_space<semaphore_mem>>) src(%dma_wait3A_328 : memref<80x64xf32, #tpu.memory_space<vmem_shared>>) dst(%dma_wait3A_326 : memref<80x64xf32, #tpu.memory_space<hbm>>)
    } else {
    }
    return
  }
}

module attributes {stable_mosaic.version = 14 : i64} {
  func.func @_tc_layer_body(%arg0: i32, %arg1: memref<1000x64xf32, #tpu.memory_space<vmem>>, %arg2: memref<1000x64xf32, #tpu.memory_space<vmem>>, %arg3: memref<1000x16xf32, #tpu.memory_space<vmem>>, %arg4: memref<1000x16xf32, #tpu.memory_space<vmem>>, %arg5: memref<1000x128xf32, #tpu.memory_space<vmem>>, %arg6: memref<128x64xf32, #tpu.memory_space<vmem>>, %arg7: memref<128x64xf32, #tpu.memory_space<vmem>>, %arg8: memref<128x128xf32, #tpu.memory_space<vmem>>, %arg9: memref<1x128xf32, #tpu.memory_space<vmem>>, %arg10: memref<1000x128xf32, #tpu.memory_space<vmem>>) attributes {dimension_semantics = [#tpu.dimension_semantics<arbitrary>], iteration_bounds = array<i64: 10>, scalar_prefetch = 0 : i64, scratch_operands = 0 : i64, tpu.core_type = #tpu.core_type<tc>, window_params = [{transform_indices = @transform_0, window_bounds = array<i64: 1000, 64>}, {transform_indices = @transform_1, window_bounds = array<i64: 1000, 64>}, {transform_indices = @transform_2, window_bounds = array<i64: 1000, 16>}, {transform_indices = @transform_3, window_bounds = array<i64: 1000, 16>}, {transform_indices = @transform_4, window_bounds = array<i64: 1000, 128>}, {pipeline_mode = #tpu.pipeline_mode<synchronous>, transform_indices = @transform_5, window_bounds = array<i64: 128, 64>}, {pipeline_mode = #tpu.pipeline_mode<synchronous>, transform_indices = @transform_6, window_bounds = array<i64: 128, 64>}, {pipeline_mode = #tpu.pipeline_mode<synchronous>, transform_indices = @transform_7, window_bounds = array<i64: 128, 128>}, {pipeline_mode = #tpu.pipeline_mode<synchronous>, transform_indices = @transform_8, window_bounds = array<i64: 1, 128>}, {transform_indices = @transform_9, window_bounds = array<i64: 1000, 128>}]} {
    %get3A = arith.constant 0 : index
    %get3A_0 = arith.constant 0 : index
    %get3A_1 = vector.load %arg3[%get3A, %get3A_0] : memref<1000x16xf32, #tpu.memory_space<vmem>>, vector<1000x1xf32>
    %get3A_2 = arith.constant 0 : index
    %get3A_3 = arith.constant 0 : index
    %get3A_4 = vector.load %arg4[%get3A_2, %get3A_3] : memref<1000x16xf32, #tpu.memory_space<vmem>>, vector<1000x1xf32>
    %add3A = arith.addf %get3A_1, %get3A_4 : vector<1000x1xf32>
    %max3A = arith.constant 1.000000e+00 : f32
    %max3A_5 = vector.broadcast %max3A : f32 to vector<1000x1xf32>
    %max3A_6 = arith.maximumf %add3A, %max3A_5 : vector<1000x1xf32>
    %div3A = arith.constant 1.000000e+00 : f32
    %div3A_7 = vector.broadcast %div3A : f32 to vector<1000x1xf32>
    %div3A_8 = arith.divf %div3A_7, %max3A_6 : vector<1000x1xf32>
    %get3A_9 = arith.constant 0 : index
    %get3A_10 = arith.constant 0 : index
    %get3A_11 = vector.load %arg1[%get3A_9, %get3A_10] : memref<1000x64xf32, #tpu.memory_space<vmem>>, vector<1000x64xf32>
    %mul3A = vector.broadcast %div3A_8 : vector<1000x1xf32> to vector<1000x64xf32>
    %mul3A_12 = arith.mulf %get3A_11, %mul3A : vector<1000x64xf32>
    %get3A_13 = arith.constant 0 : index
    %get3A_14 = arith.constant 0 : index
    %get3A_15 = vector.load %arg6[%get3A_13, %get3A_14] : memref<128x64xf32, #tpu.memory_space<vmem>>, vector<128x64xf32>
    %dot_general3A = arith.constant dense<0.000000e+00> : vector<1000x128xf32>
    %dot_general3A_16 = tpu.matmul %mul3A_12, %get3A_15, %dot_general3A {dimension_numbers = #tpu.dot_dimension_numbers<[1], [1], [0], [0], [0, 0, 1, 0], [], []>, transpose_lhs_hint = false} : vector<1000x64xf32>, vector<128x64xf32>, vector<1000x128xf32> -> vector<1000x128xf32>
    %get3A_17 = arith.constant 0 : index
    %get3A_18 = arith.constant 0 : index
    %get3A_19 = vector.load %arg2[%get3A_17, %get3A_18] : memref<1000x64xf32, #tpu.memory_space<vmem>>, vector<1000x64xf32>
    %mul3A_20 = vector.broadcast %div3A_8 : vector<1000x1xf32> to vector<1000x64xf32>
    %mul3A_21 = arith.mulf %get3A_19, %mul3A_20 : vector<1000x64xf32>
    %get3A_22 = arith.constant 0 : index
    %get3A_23 = arith.constant 0 : index
    %get3A_24 = vector.load %arg7[%get3A_22, %get3A_23] : memref<128x64xf32, #tpu.memory_space<vmem>>, vector<128x64xf32>
    %dot_general3A_25 = arith.constant dense<0.000000e+00> : vector<1000x128xf32>
    %dot_general3A_26 = tpu.matmul %mul3A_21, %get3A_24, %dot_general3A_25 {dimension_numbers = #tpu.dot_dimension_numbers<[1], [1], [0], [0], [0, 0, 1, 0], [], []>, transpose_lhs_hint = false} : vector<1000x64xf32>, vector<128x64xf32>, vector<1000x128xf32> -> vector<1000x128xf32>
    %add3A_27 = arith.addf %dot_general3A_16, %dot_general3A_26 : vector<1000x128xf32>
    %get3A_28 = arith.constant 0 : index
    %get3A_29 = arith.constant 0 : index
    %get3A_30 = vector.load %arg5[%get3A_28, %get3A_29] : memref<1000x128xf32, #tpu.memory_space<vmem>>, vector<1000x128xf32>
    %get3A_31 = arith.constant 0 : index
    %get3A_32 = arith.constant 0 : index
    %get3A_33 = vector.load %arg8[%get3A_31, %get3A_32] : memref<128x128xf32, #tpu.memory_space<vmem>>, vector<128x128xf32>
    %dot_general3A_34 = arith.constant dense<0.000000e+00> : vector<1000x128xf32>
    %dot_general3A_35 = tpu.matmul %get3A_30, %get3A_33, %dot_general3A_34 {dimension_numbers = #tpu.dot_dimension_numbers<[1], [1], [0], [0], [0, 0, 1, 0], [], []>, transpose_lhs_hint = false} : vector<1000x128xf32>, vector<128x128xf32>, vector<1000x128xf32> -> vector<1000x128xf32>
    %add3A_36 = arith.addf %add3A_27, %dot_general3A_35 : vector<1000x128xf32>
    %get3A_37 = arith.constant 0 : index
    %get3A_38 = arith.constant 0 : index
    %get3A_39 = vector.load %arg9[%get3A_37, %get3A_38] : memref<1x128xf32, #tpu.memory_space<vmem>>, vector<1x128xf32>
    %add3A_40 = vector.broadcast %get3A_39 : vector<1x128xf32> to vector<1000x128xf32>
    %add3A_41 = arith.addf %add3A_36, %add3A_40 : vector<1000x128xf32>
    %max3A_42 = arith.constant 0.000000e+00 : f32
    %max3A_43 = vector.broadcast %max3A_42 : f32 to vector<1000x128xf32>
    %max3A_44 = arith.maximumf %add3A_41, %max3A_43 : vector<1000x128xf32>
    %swap3A = arith.constant 0 : index
    %swap3A_45 = arith.constant 0 : index
    %swap3A_46 = vector.load %arg10[%swap3A, %swap3A_45] : memref<1000x128xf32, #tpu.memory_space<vmem>>, vector<1000x128xf32>
    tpu.vector_store %arg10[%swap3A, %swap3A_45], %max3A_44 {strides = array<i32>} : memref<1000x128xf32, #tpu.memory_space<vmem>>, vector<1000x128xf32>,
    return
  }
  func.func @transform_0(%arg0: i32) -> (i32, i32) {
    %c0_i32 = arith.constant 0 : i32
    %c0_i32_0 = arith.constant 0 : i32
    return %arg0, %c0_i32 : i32, i32
  }
  func.func @transform_1(%arg0: i32) -> (i32, i32) {
    %c0_i32 = arith.constant 0 : i32
    %c0_i32_0 = arith.constant 0 : i32
    return %arg0, %c0_i32 : i32, i32
  }
  func.func @transform_2(%arg0: i32) -> (i32, i32) {
    %c0_i32 = arith.constant 0 : i32
    %c0_i32_0 = arith.constant 0 : i32
    return %arg0, %c0_i32 : i32, i32
  }
  func.func @transform_3(%arg0: i32) -> (i32, i32) {
    %c0_i32 = arith.constant 0 : i32
    %c0_i32_0 = arith.constant 0 : i32
    return %arg0, %c0_i32 : i32, i32
  }
  func.func @transform_4(%arg0: i32) -> (i32, i32) {
    %c0_i32 = arith.constant 0 : i32
    %c0_i32_0 = arith.constant 0 : i32
    return %arg0, %c0_i32 : i32, i32
  }
  func.func @transform_5(%arg0: i32) -> (i32, i32) {
    %c0_i32 = arith.constant 0 : i32
    %c0_i32_0 = arith.constant 0 : i32
    %c0_i32_1 = arith.constant 0 : i32
    return %c0_i32, %c0_i32_0 : i32, i32
  }
  func.func @transform_6(%arg0: i32) -> (i32, i32) {
    %c0_i32 = arith.constant 0 : i32
    %c0_i32_0 = arith.constant 0 : i32
    %c0_i32_1 = arith.constant 0 : i32
    return %c0_i32, %c0_i32_0 : i32, i32
  }
  func.func @transform_7(%arg0: i32) -> (i32, i32) {
    %c0_i32 = arith.constant 0 : i32
    %c0_i32_0 = arith.constant 0 : i32
    %c0_i32_1 = arith.constant 0 : i32
    return %c0_i32, %c0_i32_0 : i32, i32
  }
  func.func @transform_8(%arg0: i32) -> (i32, i32) {
    %c0_i32 = arith.constant 0 : i32
    %c0_i32_0 = arith.constant 0 : i32
    %c0_i32_1 = arith.constant 0 : i32
    return %c0_i32, %c0_i32_0 : i32, i32
  }
  func.func @transform_9(%arg0: i32) -> (i32, i32) {
    %c0_i32 = arith.constant 0 : i32
    %c0_i32_0 = arith.constant 0 : i32
    return %arg0, %c0_i32 : i32, i32
  }
}

module attributes {stable_mosaic.version = 14 : i64} {
  func.func @_tc_head_body(%arg0: i32, %arg1: memref<1000x64xf32, #tpu.memory_space<vmem>>, %arg2: memref<1000x64xf32, #tpu.memory_space<vmem>>, %arg3: memref<1000x16xf32, #tpu.memory_space<vmem>>, %arg4: memref<1000x16xf32, #tpu.memory_space<vmem>>, %arg5: memref<1000x128xf32, #tpu.memory_space<vmem>>, %arg6: memref<128x64xf32, #tpu.memory_space<vmem>>, %arg7: memref<128x64xf32, #tpu.memory_space<vmem>>, %arg8: memref<128x128xf32, #tpu.memory_space<vmem>>, %arg9: memref<1x128xf32, #tpu.memory_space<vmem>>, %arg10: memref<128x128xf32, #tpu.memory_space<vmem>>, %arg11: memref<1x1xf32, #tpu.memory_space<vmem>>, %arg12: memref<1000x1xf32, #tpu.memory_space<vmem>>) attributes {dimension_semantics = [#tpu.dimension_semantics<arbitrary>], iteration_bounds = array<i64: 10>, scalar_prefetch = 0 : i64, scratch_operands = 0 : i64, tpu.core_type = #tpu.core_type<tc>, window_params = [{transform_indices = @transform_0, window_bounds = array<i64: 1000, 64>}, {transform_indices = @transform_1, window_bounds = array<i64: 1000, 64>}, {transform_indices = @transform_2, window_bounds = array<i64: 1000, 16>}, {transform_indices = @transform_3, window_bounds = array<i64: 1000, 16>}, {transform_indices = @transform_4, window_bounds = array<i64: 1000, 128>}, {pipeline_mode = #tpu.pipeline_mode<synchronous>, transform_indices = @transform_5, window_bounds = array<i64: 128, 64>}, {pipeline_mode = #tpu.pipeline_mode<synchronous>, transform_indices = @transform_6, window_bounds = array<i64: 128, 64>}, {pipeline_mode = #tpu.pipeline_mode<synchronous>, transform_indices = @transform_7, window_bounds = array<i64: 128, 128>}, {pipeline_mode = #tpu.pipeline_mode<synchronous>, transform_indices = @transform_8, window_bounds = array<i64: 1, 128>}, {pipeline_mode = #tpu.pipeline_mode<synchronous>, transform_indices = @transform_9, window_bounds = array<i64: 128, 128>}, {pipeline_mode = #tpu.pipeline_mode<synchronous>, transform_indices = @transform_10, window_bounds = array<i64: 1, 1>}, {transform_indices = @transform_11, window_bounds = array<i64: 1000, 1>}]} {
    %get3A = arith.constant 0 : index
    %get3A_0 = arith.constant 0 : index
    %get3A_1 = vector.load %arg3[%get3A, %get3A_0] : memref<1000x16xf32, #tpu.memory_space<vmem>>, vector<1000x1xf32>
    %get3A_2 = arith.constant 0 : index
    %get3A_3 = arith.constant 0 : index
    %get3A_4 = vector.load %arg4[%get3A_2, %get3A_3] : memref<1000x16xf32, #tpu.memory_space<vmem>>, vector<1000x1xf32>
    %add3A = arith.addf %get3A_1, %get3A_4 : vector<1000x1xf32>
    %max3A = arith.constant 1.000000e+00 : f32
    %max3A_5 = vector.broadcast %max3A : f32 to vector<1000x1xf32>
    %max3A_6 = arith.maximumf %add3A, %max3A_5 : vector<1000x1xf32>
    %div3A = arith.constant 1.000000e+00 : f32
    %div3A_7 = vector.broadcast %div3A : f32 to vector<1000x1xf32>
    %div3A_8 = arith.divf %div3A_7, %max3A_6 : vector<1000x1xf32>
    %get3A_9 = arith.constant 0 : index
    %get3A_10 = arith.constant 0 : index
    %get3A_11 = vector.load %arg1[%get3A_9, %get3A_10] : memref<1000x64xf32, #tpu.memory_space<vmem>>, vector<1000x64xf32>
    %mul3A = vector.broadcast %div3A_8 : vector<1000x1xf32> to vector<1000x64xf32>
    %mul3A_12 = arith.mulf %get3A_11, %mul3A : vector<1000x64xf32>
    %get3A_13 = arith.constant 0 : index
    %get3A_14 = arith.constant 0 : index
    %get3A_15 = vector.load %arg6[%get3A_13, %get3A_14] : memref<128x64xf32, #tpu.memory_space<vmem>>, vector<128x64xf32>
    %dot_general3A = arith.constant dense<0.000000e+00> : vector<1000x128xf32>
    %dot_general3A_16 = tpu.matmul %mul3A_12, %get3A_15, %dot_general3A {dimension_numbers = #tpu.dot_dimension_numbers<[1], [1], [0], [0], [0, 0, 1, 0], [], []>, transpose_lhs_hint = false} : vector<1000x64xf32>, vector<128x64xf32>, vector<1000x128xf32> -> vector<1000x128xf32>
    %get3A_17 = arith.constant 0 : index
    %get3A_18 = arith.constant 0 : index
    %get3A_19 = vector.load %arg2[%get3A_17, %get3A_18] : memref<1000x64xf32, #tpu.memory_space<vmem>>, vector<1000x64xf32>
    %mul3A_20 = vector.broadcast %div3A_8 : vector<1000x1xf32> to vector<1000x64xf32>
    %mul3A_21 = arith.mulf %get3A_19, %mul3A_20 : vector<1000x64xf32>
    %get3A_22 = arith.constant 0 : index
    %get3A_23 = arith.constant 0 : index
    %get3A_24 = vector.load %arg7[%get3A_22, %get3A_23] : memref<128x64xf32, #tpu.memory_space<vmem>>, vector<128x64xf32>
    %dot_general3A_25 = arith.constant dense<0.000000e+00> : vector<1000x128xf32>
    %dot_general3A_26 = tpu.matmul %mul3A_21, %get3A_24, %dot_general3A_25 {dimension_numbers = #tpu.dot_dimension_numbers<[1], [1], [0], [0], [0, 0, 1, 0], [], []>, transpose_lhs_hint = false} : vector<1000x64xf32>, vector<128x64xf32>, vector<1000x128xf32> -> vector<1000x128xf32>
    %add3A_27 = arith.addf %dot_general3A_16, %dot_general3A_26 : vector<1000x128xf32>
    %get3A_28 = arith.constant 0 : index
    %get3A_29 = arith.constant 0 : index
    %get3A_30 = vector.load %arg5[%get3A_28, %get3A_29] : memref<1000x128xf32, #tpu.memory_space<vmem>>, vector<1000x128xf32>
    %get3A_31 = arith.constant 0 : index
    %get3A_32 = arith.constant 0 : index
    %get3A_33 = vector.load %arg8[%get3A_31, %get3A_32] : memref<128x128xf32, #tpu.memory_space<vmem>>, vector<128x128xf32>
    %dot_general3A_34 = arith.constant dense<0.000000e+00> : vector<1000x128xf32>
    %dot_general3A_35 = tpu.matmul %get3A_30, %get3A_33, %dot_general3A_34 {dimension_numbers = #tpu.dot_dimension_numbers<[1], [1], [0], [0], [0, 0, 1, 0], [], []>, transpose_lhs_hint = false} : vector<1000x128xf32>, vector<128x128xf32>, vector<1000x128xf32> -> vector<1000x128xf32>
    %add3A_36 = arith.addf %add3A_27, %dot_general3A_35 : vector<1000x128xf32>
    %get3A_37 = arith.constant 0 : index
    %get3A_38 = arith.constant 0 : index
    %get3A_39 = vector.load %arg9[%get3A_37, %get3A_38] : memref<1x128xf32, #tpu.memory_space<vmem>>, vector<1x128xf32>
    %add3A_40 = vector.broadcast %get3A_39 : vector<1x128xf32> to vector<1000x128xf32>
    %add3A_41 = arith.addf %add3A_36, %add3A_40 : vector<1000x128xf32>
    %max3A_42 = arith.constant 0.000000e+00 : f32
    %max3A_43 = vector.broadcast %max3A_42 : f32 to vector<1000x128xf32>
    %max3A_44 = arith.maximumf %add3A_41, %max3A_43 : vector<1000x128xf32>
    %get3A_45 = arith.constant 0 : index
    %get3A_46 = arith.constant 0 : index
    %get3A_47 = vector.load %arg10[%get3A_45, %get3A_46] : memref<128x128xf32, #tpu.memory_space<vmem>>, vector<128x128xf32>
    %dot_general3A_48 = arith.constant dense<0.000000e+00> : vector<1000x128xf32>
    %dot_general3A_49 = tpu.matmul %max3A_44, %get3A_47, %dot_general3A_48 {dimension_numbers = #tpu.dot_dimension_numbers<[1], [1], [0], [0], [0, 0, 1, 0], [], []>, transpose_lhs_hint = false} : vector<1000x128xf32>, vector<128x128xf32>, vector<1000x128xf32> -> vector<1000x128xf32>
    %slice3A = vector.extract_strided_slice %dot_general3A_49 {offsets = [0, 0], sizes = [1000, 1], strides = [1, 1]} : vector<1000x128xf32> to vector<1000x1xf32>
    %get3A_50 = arith.constant 0 : index
    %get3A_51 = arith.constant 0 : index
    %get3A_52 = vector.load %arg11[%get3A_50, %get3A_51] : memref<1x1xf32, #tpu.memory_space<vmem>>, vector<1x1xf32>
    %get3A_53 = vector.extract %get3A_52[0, 0] : f32 from vector<1x1xf32>
    %add3A_54 = vector.broadcast %get3A_53 : f32 to vector<1000x1xf32>
    %add3A_55 = arith.addf %slice3A, %add3A_54 : vector<1000x1xf32>
    %swap3A = arith.constant 0 : index
    %swap3A_56 = arith.constant 0 : index
    %swap3A_57 = vector.load %arg12[%swap3A, %swap3A_56] : memref<1000x1xf32, #tpu.memory_space<vmem>>, vector<1000x1xf32>
    tpu.vector_store %arg12[%swap3A, %swap3A_56], %add3A_55 {strides = array<i32>} : memref<1000x1xf32, #tpu.memory_space<vmem>>, vector<1000x1xf32>,
    return
  }
  func.func @transform_0(%arg0: i32) -> (i32, i32) {
    %c0_i32 = arith.constant 0 : i32
    %c0_i32_0 = arith.constant 0 : i32
    return %arg0, %c0_i32 : i32, i32
  }
  func.func @transform_1(%arg0: i32) -> (i32, i32) {
    %c0_i32 = arith.constant 0 : i32
    %c0_i32_0 = arith.constant 0 : i32
    return %arg0, %c0_i32 : i32, i32
  }
  func.func @transform_2(%arg0: i32) -> (i32, i32) {
    %c0_i32 = arith.constant 0 : i32
    %c0_i32_0 = arith.constant 0 : i32
    return %arg0, %c0_i32 : i32, i32
  }
  func.func @transform_3(%arg0: i32) -> (i32, i32) {
    %c0_i32 = arith.constant 0 : i32
    %c0_i32_0 = arith.constant 0 : i32
    return %arg0, %c0_i32 : i32, i32
  }
  func.func @transform_4(%arg0: i32) -> (i32, i32) {
    %c0_i32 = arith.constant 0 : i32
    %c0_i32_0 = arith.constant 0 : i32
    return %arg0, %c0_i32 : i32, i32
  }
  func.func @transform_5(%arg0: i32) -> (i32, i32) {
    %c0_i32 = arith.constant 0 : i32
    %c0_i32_0 = arith.constant 0 : i32
    %c0_i32_1 = arith.constant 0 : i32
    return %c0_i32, %c0_i32_0 : i32, i32
  }
  func.func @transform_6(%arg0: i32) -> (i32, i32) {
    %c0_i32 = arith.constant 0 : i32
    %c0_i32_0 = arith.constant 0 : i32
    %c0_i32_1 = arith.constant 0 : i32
    return %c0_i32, %c0_i32_0 : i32, i32
  }
  func.func @transform_7(%arg0: i32) -> (i32, i32) {
    %c0_i32 = arith.constant 0 : i32
    %c0_i32_0 = arith.constant 0 : i32
    %c0_i32_1 = arith.constant 0 : i32
    return %c0_i32, %c0_i32_0 : i32, i32
  }
  func.func @transform_8(%arg0: i32) -> (i32, i32) {
    %c0_i32 = arith.constant 0 : i32
    %c0_i32_0 = arith.constant 0 : i32
    %c0_i32_1 = arith.constant 0 : i32
    return %c0_i32, %c0_i32_0 : i32, i32
  }
  func.func @transform_9(%arg0: i32) -> (i32, i32) {
    %c0_i32 = arith.constant 0 : i32
    %c0_i32_0 = arith.constant 0 : i32
    %c0_i32_1 = arith.constant 0 : i32
    return %c0_i32, %c0_i32_0 : i32, i32
  }
  func.func @transform_10(%arg0: i32) -> (i32, i32) {
    %c0_i32 = arith.constant 0 : i32
    %c0_i32_0 = arith.constant 0 : i32
    %c0_i32_1 = arith.constant 0 : i32
    return %c0_i32, %c0_i32_0 : i32, i32
  }
  func.func @transform_11(%arg0: i32) -> (i32, i32) {
    %c0_i32 = arith.constant 0 : i32
    %c0_i32_0 = arith.constant 0 : i32
    return %arg0, %c0_i32 : i32, i32
  }
}

</mosaic_0001>

<sc_bundles>
// kernel: kernel.6.cloned.1.call-start
scs
__scs_entry_jumppad:
0x0: {  	(pc) =	sbr.rel $0x88, $3  }
0x1: {  	(tag) =	ssettag $0x0;
	lr =	simm.s32 $0x1  }
0x2: {  	[smem:$0x3F97] =	sst lr;
	_ =	strace $0xD0000000  }
0x3: {  	_ = 	snop  }
0x4: {  	_ = 	snop  }
0x5: {  	_ = 	snop  }
0x6: {  	_ = 	snop  }
0x7: {  	_ = 	snop  }
__scs_overlays_trampoline_lowered:
0x8: {  	[smem:$0x3FA6] =	sst s0  }
0x9: {  	[smem:$0x3FA7] =	sst s1  }
0xa: {  	[smem:$0x3FA8] =	sst s2  }
0xb: {  	[smem:$0x3FA9] =	sst s3  }
0xc: {  	[smem:$0x3FAA] =	sst s4  }
0xd: {  	[smem:$0x3FAB] =	sst s5  }
0xe: {  	[smem:$0x3FAC] =	sst s6  }
0xf: {  	[smem:$0x3FAD] =	sst s7  }
0x10: {  	[smem:$0x3FAE] =	sst s8  }
0x11: {  	[smem:$0x3FAF] =	sst s9;
	s0 =	simm.s32 @!p0 $0x0  }
0x12: {  	s1 =	sld [smem:$0x3F95];
	s0 =	simm.s32 @p0 $0x1  }
0x13: {  	[smem:$0x3FB0] =	sst s0;
	s0 =	simm.s32 @!p1 $0x0  }
0x14: {  	s2 =	sld [smem:$0x3F94];
	s0 =	simm.s32 @p1 $0x1  }
0x15: {  	[smem:$0x3FB1] =	sst s0;
	s0 =	simm.s32 @!p2 $0x0  }
0x16: {  	s3 =	sld [smem:$0x3FDB];
	s0 =	simm.s32 @p2 $0x1  }
0x17: {  	s4 =	simm.s32 $0x1BF5;
	[smem:$0x3FB3] =	sst s0  }
0x18: {  	s0 =	sld [smem:$0x3F96];
	_ =	swait.ge [sflag:s4], $0x0  }
0x19: {  	s7 =	sld [smem:$0x3F97]  }
0x1a: {  	s8 =	sadd.s32 $0xFFFFE003, lr  }
0x1b: {  	s9 =	sadd.s32 $0xFFFFFEF7, lr;
	s5 =	simm.s32 $0xFFFFFFFF;
	p2 =	slt.u32 s8, $0xFFFFF086  }
0x1c: {  	p1 =	slt.u32 s9, $0xF7A;
	s5 =	simm.s32 @!p2 $0x0  }
0x1d: {  	s5 =	simm.s32 @p1 $0x1;
	p0 =	seq.s32 s7, s2  }
0x1e: {  	s7 =	smul.u32 @!p0 $0xF7A, s2;
	p2 =	seq.s32 @!p0 s5, $0x0  }
0x1f: {  	s9 =	smul.u32 $0xF7A, s1;
	s8 =	simm.s32 @!p0 $0x1BF5;
	p2 =	por !p2, p0  }
0x20: {  	[sflag:s8] =	ssyncset.s32 @!p0 $0xFFFFF086;
	s6 =	sadd.s32 @!p0 s3, s7;
	s7 =	simm.s32 @!p0 $0x108  }
0x21: {  	s3 =	sadd.s32 s3, s9;
	s6 =	sadd.s32 @!p0 $0x88, s6;
	s7 =	simm.s32 @p2 $0x1082  }
0x22: {  	[simem:s7], [sflag:s8] =	dma.local @!p0 [hbm:s6], $0xF7A  }
0x23: {  	s9 =	sor.u32 $0xD0000000, s2;
	s6 =	simm.s32 $0x108;
	_ =	swait.ge @!p0 [sflag:s8], $0x0  }
0x24: {  	s3 =	sadd.s32 $0x88, s3;
	s6 =	simm.s32 @!p1 $0x1082;
	[sflag:s4] =	ssyncset.s32 $0xFFFFF086  }
0x25: {  	[simem:s6], [sflag:s4] =	dma.local [hbm:s3], $0xF7A  }
0x26: {  	[smem:$0x3F97] =	sst s1;
	(tag) =	ssettag s2;
	_ =	strace s9  }
0x27: {  	s1 =	sld [smem:$0x3FA7]  }
0x28: {  	s2 =	sld [smem:$0x3FA8]  }
0x29: {  	s4 =	sld [smem:$0x3FAA]  }
0x2a: {  	p0 =	seq.s32 s5, $0x0;
	s5 =	sld [smem:$0x3FAB]  }
0x2b: {  	s6 =	sld [smem:$0x3FAC]  }
0x2c: {  	s7 =	sld [smem:$0x3FAD]  }
0x2d: {  	s3 =	simm.s32 $0x108;
	s8 =	sld [smem:$0x3FAE]  }
0x2e: {  	s3 =	simm.s32 @!p0 $0x1082;
	s9 =	sld [smem:$0x3FAF]  }
0x2f: {  	lr =	sadd.s32 s0, s3;
	s0 =	sld [smem:$0x3FA6]  }
0x30: {  	s3 =	sld [smem:$0x3FA9]  }
0x31: {  	[smem:$0x3FB2] =	sst s10  }
0x32: {  	s10 =	sld [smem:$0x3FB0];
	_ =	sdelay $0x3  }
0x33: {  	p0 =	seq.s32 s10, $0x1;
	s10 =	sld [smem:$0x3FB2];
	_ =	sdelay $0x3  }
0x34: {  	[smem:$0x3FB2] =	sst s10  }
0x35: {  	s10 =	sld [smem:$0x3FB1];
	_ =	sdelay $0x3  }
0x36: {  	p1 =	seq.s32 s10, $0x1;
	s10 =	sld [smem:$0x3FB2];
	_ =	sdelay $0x3  }
0x37: {  	[smem:$0x3FB2] =	sst s10  }
0x38: {  	s10 =	sld [smem:$0x3FB3]  }
0x39: {  	_ = 	snop;
	(pc) =	sbr.ind lr, $3  }
0x3a: {  	_ = 	snop  }
0x3b: {  	_ = 	snop  }
0x3c: {  	p2 =	seq.s32 s10, $0x1;
	s10 =	sld [smem:$0x3FB2]  }
0x3d: {  	_ =	shalt  }
0x3e: {  	_ =	shalt  }
0x3f: {  	_ =	shalt  }
0x40: {  	_ =	shalt  }
0x41: {  	_ =	shalt  }
0x42: {  	_ =	shalt  }
0x43: {  	_ =	shalt  }
0x44: {  	_ =	shalt  }
0x45: {  	_ =	shalt  }
0x46: {  	_ =	shalt  }
0x47: {  	_ =	shalt  }
0x48: {  	_ =	shalt  }
0x49: {  	_ =	shalt  }
0x4a: {  	_ =	shalt  }
0x4b: {  	_ =	shalt  }
0x4c: {  	_ =	shalt  }
0x4d: {  	_ =	shalt  }
0x4e: {  	_ =	shalt  }
0x4f: {  	_ =	shalt  }
0x50: {  	_ =	shalt  }
0x51: {  	_ =	shalt  }
0x52: {  	_ =	shalt  }
0x53: {  	_ =	shalt  }
0x54: {  	_ =	shalt  }
0x55: {  	_ =	shalt  }
0x56: {  	_ =	shalt  }
0x57: {  	_ =	shalt  }
0x58: {  	_ =	shalt  }
0x59: {  	_ =	shalt  }
0x5a: {  	_ =	shalt  }
0x5b: {  	_ =	shalt  }
0x5c: {  	_ =	shalt  }
0x5d: {  	_ =	shalt  }
0x5e: {  	_ =	shalt  }
0x5f: {  	_ =	shalt  }
0x60: {  	_ =	shalt  }
0x61: {  	_ =	shalt  }
0x62: {  	_ =	shalt  }
0x63: {  	_ =	shalt  }
0x64: {  	_ =	shalt  }
0x65: {  	_ =	shalt  }
0x66: {  	_ =	shalt  }
0x67: {  	_ =	shalt  }
0x68: {  	_ =	shalt  }
0x69: {  	_ =	shalt  }
0x6a: {  	_ =	shalt  }
0x6b: {  	_ =	shalt  }
0x6c: {  	_ =	shalt  }
0x6d: {  	_ =	shalt  }
0x6e: {  	_ =	shalt  }
0x6f: {  	_ =	shalt  }
0x70: {  	_ =	shalt  }
0x71: {  	_ =	shalt  }
0x72: {  	_ =	shalt  }
0x73: {  	_ =	shalt  }
0x74: {  	_ =	shalt  }
0x75: {  	_ =	shalt  }
0x76: {  	_ =	shalt  }
0x77: {  	_ =	shalt  }
0x78: {  	_ =	shalt  }
0x79: {  	_ =	shalt  }
0x7a: {  	_ =	shalt  }
0x7b: {  	_ =	shalt  }
0x7c: {  	_ =	shalt  }
0x7d: {  	_ =	shalt  }
0x7e: {  	_ =	shalt  }
0x7f: {  	_ =	shalt  }
0x80: {  	_ =	shalt  }
0x81: {  	_ =	shalt  }
0x82: {  	_ =	shalt  }
0x83: {  	_ =	shalt  }
0x84: {  	_ =	shalt  }
0x85: {  	_ =	shalt  }
0x86: {  	_ =	shalt  }
0x87: {  	_ =	shalt  }
.Lfunc_end0:
.L_simem_size_0:
called_computation_lowered:
.L_overlay_start_0:
0x88: {  	s2 =	sld [smem:$0x3FD9]  }
0x89: {  	s3 =	sld [smem:$0x3FFE];
	_ =	sdelay $0x1  }
0x8a: {  	s1 =	srdreg.scid  }
0x8b: {  	s0 =	sand.u32 $0x1, s1  }
0x8c: {  	s17 =	sshll.u32 s0, $0xA;
	s2 =	sadd.s32 s3, s2  }
0x8d: {  	s2 =	sadd.s32 s2, s17  }
0x8e: {  	[smem:$0x3FBE] =	sst s2  }
0x8f: {  	_ = 	snop  }
0x90: {  	s2 =	sld [smem:$0x3FC9];
	(tm) =	ssettm $0x1  }
0x91: {  	s18 =	sld [smem:$0x3FFB];
	_ =	sdelay $0x3  }
0x92: {  	_ =	strace s18  }
0x93: {  	s3 =	sld [smem:$0x3FFC];
	_ =	sdelay $0x3  }
0x94: {  	_ =	strace s3  }
0x95: {  	s3 =	sld [smem:$0x3FFD];
	_ =	sdelay $0x3  }
0x96: {  	_ =	strace s3  }
0x97: {  	_ =	strace $0x8FFFFFFF  }
0x98: {  	s19 =	sld [smem:$0x3FDB];
	_ =	sdelay $0x1  }
0x99: {  	s4 =	simm.s32 $_scs_section_size  }
0x9a: {  	s5 =	simm.s32 $_size__tile_overlayer_lowered;
	s6 =	simm.s32 $_tile_overlayer_lowered  }
0x9b: {  	s22 =	simm.s32 $0x1BFF;
	s21 =	sshll.u32 s6, $0x1;
	s3 =	sadd.s32 s4, s19  }
0x9c: {  	s7 =	simm.s32 $0x0;
	s20 =	sshll.u32 s5, $0x1;
	s5 =	sadd.s32 s21, s3  }
0x9d: {  	[timem:s7], [sflag:s22] =	dma.local [hbm:s5], s20  }
0x9e: {  	_ =	swait.ge [sflag:s22], s20  }
0x9f: {  	s4 =	ssub.s32 $0x0, s20;
	[sflag:s22] =	ssyncset.done $0x0  }
0xa0: {  	[sflag:s22] =	ssyncadd.s32 s4;
	_ =	sdelay $0x1  }
0xa1: {  	s23 =	simm.s32 $0x1B8B  }
0xa2: {  	_ =	swait.ge [sflag:s23], $0x1  }
0xa3: {  	[sflag:s23] =	ssyncset.done $0x0  }
0xa4: {  	s25 =	simm.s32 $0x1B8E;
	s24 =	sld [smem:$0x3FFE];
	[sflag:s23] =	ssyncadd.s32 $0xFFFFFFFF  }
0xa5: {  	s26 =	simm.s32 $execute0_lowered;
	[smem:$0x3FD2] =	sst s25  }
0xa6: {  	s5 =	sshll.u32 s26, $0x1;
	_ =	strace $0x80000046;
	[dreg:$0x1] =	wrdreg $0xFFFFFFFF  }
0xa7: {  	s28 =	simm.s32 $_size_execute0_lowered;
	s3 =	sadd.s32 s3, s5;
	[dreg:$0x0] =	wrdreg $0x0  }
0xa8: {  	s5 =	sshll.u32 s28, $0x1;
	[dreg:$0x2] =	wrdreg s3  }
0xa9: {  	[dreg:$0x3] =	wrdreg s5  }
0xaa: {  	[dreg:$0x4] =	wrdreg $0xC0  }
0xab: {  	_ =	task [dreg:s7], $0x5FFFF  }
0xac: {  	[dreg:$0x1] =	wrdreg $0xFFFFFFFF  }
0xad: {  	[dreg:$0x0] =	wrdreg $0x60  }
0xae: {  	[dreg:$0x2] =	wrdreg s2  }
0xaf: {  	[dreg:$0x3] =	wrdreg s24  }
0xb0: {  	[dreg:$0x4] =	wrdreg $0x11D000  }
0xb1: {  	[dreg:$0x5] =	wrdreg $0x1C8E00  }
0xb2: {  	[dreg:$0x6] =	wrdreg $0x9  }
0xb3: {  	_ =	task.clear_ibuf [dreg:s7], $0x7FFFF;
	_ =	strace $0x90000046  }
0xb4: {  	s29 =	simm.s32 $0x9;
	_ =	strace $0x80000048  }
0xb5: {  	_ =	swait.ge [sflag:s29], $0x1  }
0xb6: {  	[sflag:s29] =	ssyncadd.s32 $0xFFFFFFFF  }
0xb7: {  	_ =	strace $0x90000048  }
0xb8: {  	_ =	sfence  }
0xb9: {  	s30 =	sld [smem:$0x0];
	_ =	sdelay $0x2  }
0xba: {  	s31 =	sshll.u32 s1, $0xD;
	s1 =	sshrl.u32 s1, $0x2  }
0xbb: {  	s3 =	sand.u32 $0x4000, s31;
	s1 =	sadd.s32 s1, s30  }
0xbc: {  	s0 =	sor.u32 s3, s0;
	s1 =	sshll.u32 s1, $0x11  }
0xbd: {  	s0 =	sor.u32 s1, s0  }
0xbe: {  	s0 =	sadd.s32 $0x8F2B, s0  }
0xbf: {  	[sflag:s0] =	ssyncadd.remote.s32 $0x1  }
0xc0: {  	_ =	sfence.sel $0xFFFF  }
0xc1: {  	[dreg:$0x0] =	wrdreg $0xFFFFFFFF;
	(pc) =	sbr.abs _section_cstart, $3  }
0xc2: {  	[dreg:$0x1] =	wrdreg $0xFFFFFFFF  }
0xc3: {  	_ =	task.clear_ibuf [dreg:s7], $0x2FFFF;
	_ =	strace $0x9FFFFFFF  }
0xc4: {  	(tm) =	ssettm $0x7FFFFFFF  }
0xc5: {  	_ =	shalt  }
tec
execute0_lowered:
.L_overlay_start_1:
0x0: {  	(tag) =	ssettag $0x1  }
0x1: {  	s0 =	srdreg.scid  }
0x2: {  	s3 =	rddreg [dreg:$0x1];
	s15 =	stileid.u32;
	s28 =	simm.s32 $0x1C110  }
0x3: {  	s29 =	simm.s32 $0x1;
	s31 =	simm.s32 $0x7D;
	s30 =	simm.s32 $0x0  }
0x4: {  	s5 =	sand.u32 $0x1, s0;
	s4 =	sadd.s32 $0x33E00, s3;
	s8 =	sadd.s32 $0x20400, s3  }
0x5: {  	s11 =	sor.u32 $0x10, s15;
	s10 =	sor.u32 $0x20, s15;
	s12 =	smul.u32 $0x280, s15  }
0x6: {  	s9 =	sor.u32 $0x30, s15;
	s7 =	sor.u32 $0x40, s15;
	s13 =	smul.u32 $0x280, s11  }
0x7: {  	s6 =	sor.u32 $0x50, s15;
	s2 =	sor.u32 $0x60, s15;
	s26 =	smul.u32 $0x280, s10  }
0x8: {  	p5 =	sgt.u32 s15, $0xC;
	s0 =	ssub.s32 $0x2, s5;
	s17 =	smul.u32 $0x280, s9  }
0x9: {  	s19 =	smul.u32 $0x280, s7;
	p0 =	seq.s32 s5, $0x1;
	p2 =	sne.s32 s5, $0x0  }
0xa: {  	p4 =	sne.s32 @!p5 s5, $0x0;
	s5 =	rddreg [dreg:$0x3];
	s14 =	sadd.s32 s4, s12  }
0xb: {  	s21 =	smul.u32 $0x280, s6;
	s12 =	sadd.s32 s8, s12;
	[dreg:$0x5] =	wrdreg s14  }
0xc: {  	s23 =	smul.u32 $0x280, s2;
	[dreg:$0x6] =	wrdreg s12;
	s16 =	sadd.s32 s4, s13  }
0xd: {  	s1 =	sshrl.u32 s0, $0x1;
	s13 =	sadd.s32 s8, s13;
	[dreg:$0x7] =	wrdreg s16  }
0xe: {  	p3 =	por !p0, !p0;
	s18 =	sadd.s32 s4, s26;
	[dreg:$0x8] =	wrdreg s13  }
0xf: {  	p1 =	por p4, p5;
	s14 =	sadd.s32 s8, s26;
	[dreg:$0x9] =	wrdreg s18  }
0x10: {  	s0 =	ssub.s32 s0, s1;
	s20 =	sadd.s32 s4, s17;
	[dreg:$0xa] =	wrdreg s14  }
0x11: {  	s1 =	sor.u32 $0x70, s15;
	s12 =	sadd.s32 s8, s17;
	[dreg:$0xb] =	wrdreg s20  }
0x12: {  	s22 =	sadd.s32 s4, s19;
	s26 =	smul.u32 $0xA00, s15;
	[dreg:$0xc] =	wrdreg s12  }
0x13: {  	s24 =	sadd.s32 s4, s21;
	s17 =	smul.u32 $0xA0, s10;
	[dreg:$0xd] =	wrdreg s22  }
0x14: {  	s13 =	sadd.s32 s8, s19;
	[dreg:$0xf] =	wrdreg s24;
	s25 =	smul.u32 $0x280, s1  }
0x15: {  	s14 =	sadd.s32 s8, s21;
	s19 =	smul.u32 $0xA0, s9;
	[dreg:$0xe] =	wrdreg s13  }
0x16: {  	s16 =	sadd.s32 s4, s23;
	s21 =	smul.u32 $0xA0, s7;
	[dreg:$0x10] =	wrdreg s14  }
0x17: {  	s12 =	sadd.s32 s8, s23;
	s23 =	smul.u32 $0xA0, s6;
	[dreg:$0x11] =	wrdreg s16  }
0x18: {  	s0 =	smax.u32 s0, $0x1;
	[dreg:$0x12] =	wrdreg s12;
	s12 =	smul.u32 $0xA0, s15  }
0x19: {  	s14 =	smul.u32 $0xA0, s11;
	s13 =	sadd.s32 $0x47800, s3;
	s4 =	sadd.s32 s4, s25  }
0x1a: {  	s16 =	smul.u32 $0x5000, s7;
	s8 =	sadd.s32 s8, s25;
	[dreg:$0x13] =	wrdreg s4  }
0x1b: {  	s7 =	smul.u32 $0x1400, s7;
	s22 =	sadd.s32 s13, s17;
	[dreg:$0x14] =	wrdreg s8  }
0x1c: {  	s24 =	sadd.s32 s13, s19;
	s25 =	smul.u32 $0xA0, s2;
	[dreg:$0x19] =	wrdreg s22  }
0x1d: {  	s8 =	sadd.s32 s26, s3;
	s18 =	sadd.s32 s13, s12;
	[dreg:$0x1b] =	wrdreg s24  }
0x1e: {  	s3 =	sadd.s32 $0x4C800, s3;
	s20 =	sadd.s32 s13, s14;
	[dreg:$0x15] =	wrdreg s18  }
0x1f: {  	s26 =	sadd.s32 s13, s21;
	s22 =	smul.u32 $0x5000, s15;
	[dreg:$0x17] =	wrdreg s20  }
0x20: {  	s4 =	sadd.s32 s3, s12;
	s12 =	sadd.s32 s3, s14;
	[dreg:$0x1d] =	wrdreg s26  }
0x21: {  	s14 =	sadd.s32 s3, s17;
	s17 =	smul.u32 $0xA0, s1;
	[dreg:$0x16] =	wrdreg s4  }
0x22: {  	s7 =	sshrl.u32 s7, $0x2;
	s26 =	smul.u32 $0x5000, s10;
	[dreg:$0x18] =	wrdreg s12  }
0x23: {  	s18 =	sadd.s32 s13, s23;
	s10 =	smul.u32 $0x1400, s10;
	[dreg:$0x1a] =	wrdreg s14  }
0x24: {  	s4 =	sadd.s32 s3, s19;
	s12 =	sadd.s32 s3, s21;
	[dreg:$0x1f] =	wrdreg s18  }
0x25: {  	s14 =	sadd.s32 s3, s23;
	s23 =	smul.u32 $0x5000, s11;
	[dreg:$0x1c] =	wrdreg s4  }
0x26: {  	s19 =	sadd.s32 s13, s25;
	s11 =	smul.u32 $0x1400, s11;
	[dreg:$0x1e] =	wrdreg s12  }
0x27: {  	s21 =	simm.s32 $0x0;
	s18 =	smul.u32 $0x5000, s6;
	[smem:$0x7E9] =	sst s14  }
0x28: {  	s6 =	smul.u32 $0x1400, s6;
	[smem:$0x7EA] =	sst s19;
	s4 =	sadd.s32 s3, s25  }
0x29: {  	s20 =	sadd.s32 s13, s17;
	[smem:$0x7FF] =	sst s21;
	s25 =	smul.u32 $0x1400, s15  }
0x2a: {  	s3 =	sadd.s32 s3, s17;
	s15 =	smul.u32 $0x5000, s9;
	[smem:$0x7EB] =	sst s4  }
0x2b: {  	s12 =	sshrl.u32 s22, $0x2;
	s9 =	smul.u32 $0x1400, s9;
	[smem:$0x7EC] =	sst s20  }
0x2c: {  	s10 =	sshrl.u32 s10, $0x2;
	s19 =	smul.u32 $0x5000, s2;
	[smem:$0x7ED] =	sst s3  }
0x2d: {  	s2 =	smul.u32 $0x1400, s2;
	s22 =	sadd.s32 $0x2400, s8;
	s3 =	rddreg [dreg:$0x0]  }
0x2e: {  	s4 =	rddreg [dreg:$0x2];
	s13 =	sshrl.u32 s23, $0x2;
	s20 =	smul.u32 $0x5000, s1  }
0x2f: {  	s11 =	sshrl.u32 s11, $0x2;
	s6 =	sshrl.u32 s6, $0x2;
	s1 =	smul.u32 $0x1400, s1  }
0x30: {  	s23 =	sadd.s32 $0x16400, s8;
	_ =	strace $0x80000047;
	s24 =	sadd.s32 s12, s4  }
0x31: {  	s14 =	sshrl.u32 s25, $0x2;
	s13 =	sadd.s32 s13, s4;
	s12 =	sshrl.u32 s26, $0x2  }
0x32: {  	s11 =	sadd.s32 s11, s5;
	s17 =	sshrl.u32 s15, $0x2;
	[smem:$0x7F1] =	sst s22  }
0x33: {  	s9 =	sshrl.u32 s9, $0x2;
	s15 =	sadd.s32 s7, s5;
	[smem:$0x7F2] =	sst s23  }
0x34: {  	s2 =	sshrl.u32 s2, $0x2;
	s26 =	sadd.s32 $0xC400, s8;
	[smem:$0x7F4] =	sst s0  }
0x35: {  	s0 =	simm.s32 @!p1 $0x0;
	s22 =	simm.s32 $0xDE80;
	s23 =	simm.s32 $0x8  }
0x36: {  	s25 =	sadd.s32 s14, s5;
	[smem:$0x7EE] =	sst s13;
	s12 =	sadd.s32 s12, s4  }
0x37: {  	s13 =	sadd.s32 s10, s5;
	s14 =	sshrl.u32 s16, $0x2;
	[smem:$0x7F3] =	sst s26  }
0x38: {  	s9 =	sadd.s32 s9, s5;
	s10 =	sshrl.u32 s18, $0x2;
	[smem:$0x7F8] =	sst s24  }
0x39: {  	s21 =	sshrl.u32 s20, $0x2;
	s1 =	sshrl.u32 s1, $0x2;
	[smem:$0x7FA] =	sst s11  }
0x3a: {  	s0 =	simm.s32 @p1 $0x1;
	p1 =	por !p0, p5;
	[smem:$0x7EF] =	sst s12  }
0x3b: {  	s26 =	simm.s32 $0xFDC0;
	s12 =	sadd.s32 s17, s4;
	[smem:$0x7F0] =	sst s9  }
0x3c: {  	s14 =	sadd.s32 s14, s4;
	s16 =	sadd.s32 s10, s4;
	[smem:$0x7F5] =	sst s0  }
0x3d: {  	s9 =	sshrl.u32 s19, $0x2;
	s17 =	sadd.s32 s6, s5;
	[smem:$0x7F9] =	sst s25  }
0x3e: {  	s19 =	sadd.s32 s2, s5;
	s0 =	simm.s32 @!p1 $0x0;
	[smem:$0x7FB] =	sst s13  }
0x3f: {  	s20 =	sadd.s32 s21, s4;
	s0 =	simm.s32 @p1 $0x1;
	[smem:$0x7FC] =	sst s12  }
0x40: {  	s21 =	sadd.s32 s1, s5;
	[smem:$0x7F6] =	sst s0;
	s0 =	simm.s32 @!p5 $0x0  }
0x41: {  	s1 =	simm.s32 $0xA000;
	[smem:$0x7FD] =	sst s14;
	s0 =	simm.s32 @p5 $0x1  }
0x42: {  	v0 =	vimm.f32 $0.0e+00;
	v1 =	vimm.f32 $1.000000000e+00;
	s2 =	simm.s32 $0xBF40;
	s18 =	sadd.s32 s9, s4;
	[smem:$0x7F7] =	sst s0  }
.LBB2_1:
0x43: {  	s0 =	simm.s32 $0x0;
	s6 =	simm.s32 $0x0  }
.LBB2_2:
0x44: {  	p4 =	sne.s32 s6, $0x7CC0  }
.Ltmp0:
0x45: {  	_ = 	snop;
	(pc) =	sbr.rel @p4 .LBB2_2-.Ltmp0, $4  }
0x46: {  	s7 =	sand.u32 $0x7F00, s6  }
0x47: {  	s8 =	sand.u32 $0x30, s0;
	s7 =	sshrl.u32 s7, $0x2  }
0x48: {  	s7 =	sor.u32 s8, s7  }
0x49: {  	s0 =	sadd.s32 $0x10, s0;
	s6 =	sadd.s32 $0x40, s6;
	[tilespmem:s7+$0xFDC0] =	vst v0  }
0x4a: {  	s0 =	simm.s32 $0x40;
	s6 =	simm.s32 $0x0  }
.LBB2_4:
0x4b: {  	p4 =	sne.s32 s0, $0x1F00;
	[tilespmem:s6+$0x1B940] =	vst v1;
	s7 =	smov.u32 s0;
	s0 =	sadd.s32 $0x40, s0  }
.Ltmp1:
0x4c: {  	[tilespmem:s6+$0x1C110] =	vst v0;
	(pc) =	sbr.rel @p4 .LBB2_4-.Ltmp1, $2  }
0x4d: {  	_ =	sdelay $0x2  }
0x4e: {  	s6 =	sshra.s32 s7, $0x2  }
0x4f: {  	[tilespmem:s6+$0x1B940] =	vst v1  }
0x50: {  	[tilespmem:s6+$0x1C110] =	vst v0  }
0x51: {  	[spmem:s24] =	stream.linear.scatter [tilespmem:s26], [sflag:$0x1], $0x1400, $0x38;
	[tilespmem:$0x1EFF0] =	vst v63  }
0x52: {  	s0 =	sld [smem:$0x7EE]  }
0x53: {  	[spmem:s25] =	stream.linear.scatter [tilespmem:s28], [sflag:$0x1], $0x500, $0x38;
	[tilespmem:$0x1EFF0] =	vst v63  }
0x54: {  	_ = 	snop  }
0x55: {  	[spmem:s0] =	stream.linear.scatter [tilespmem:s26], [sflag:$0x1], $0x1400, $0x38;
	[tilespmem:$0x1EFF0] =	vst v63  }
0x56: {  	s8 =	sld [smem:$0x7EF]  }
0x57: {  	[spmem:s11] =	stream.linear.scatter [tilespmem:s28], [sflag:$0x1], $0x500, $0x38;
	[tilespmem:$0x1EFF0] =	vst v63  }
0x58: {  	_ = 	snop  }
0x59: {  	[spmem:s8] =	stream.linear.scatter [tilespmem:s26], [sflag:$0x1], $0x1400, $0x38;
	[tilespmem:$0x1EFF0] =	vst v63  }
0x5a: {  	_ = 	snop  }
0x5b: {  	[spmem:s13] =	stream.linear.scatter [tilespmem:s28], [sflag:$0x1], $0x500, $0x38;
	[tilespmem:$0x1EFF0] =	vst v63  }
0x5c: {  	s9 =	sld [smem:$0x7F0]  }
0x5d: {  	[spmem:s12] =	stream.linear.scatter [tilespmem:s26], [sflag:$0x1], $0x1400, $0x38;
	[tilespmem:$0x1EFF0] =	vst v63  }
0x5e: {  	_ = 	snop  }
0x5f: {  	[spmem:s9] =	stream.linear.scatter [tilespmem:s28], [sflag:$0x1], $0x500, $0x38;
	[tilespmem:$0x1EFF0] =	vst v63  }
0x60: {  	_ = 	snop  }
0x61: {  	[spmem:s14] =	stream.linear.scatter [tilespmem:s26], [sflag:$0x1], $0x1400, $0x38;
	[tilespmem:$0x1EFF0] =	vst v63  }
0x62: {  	_ = 	snop  }
0x63: {  	[spmem:s15] =	stream.linear.scatter [tilespmem:s28], [sflag:$0x1], $0x500, $0x38;
	[tilespmem:$0x1EFF0] =	vst v63  }
0x64: {  	_ = 	snop  }
0x65: {  	[spmem:s16] =	stream.linear.scatter [tilespmem:s26], [sflag:$0x1], $0x1400, $0x38;
	[tilespmem:$0x1EFF0] =	vst v63  }
0x66: {  	_ = 	snop  }
0x67: {  	[spmem:s17] =	stream.linear.scatter [tilespmem:s28], [sflag:$0x1], $0x500, $0x38;
	[tilespmem:$0x1EFF0] =	vst v63  }
0x68: {  	_ = 	snop  }
0x69: {  	[spmem:s18] =	stream.linear.scatter [tilespmem:s26], [sflag:$0x1], $0x1400, $0x38;
	[tilespmem:$0x1EFF0] =	vst v63  }
0x6a: {  	_ = 	snop  }
0x6b: {  	[spmem:s19] =	stream.linear.scatter [tilespmem:s28], [sflag:$0x1], $0x500, $0x38;
	[tilespmem:$0x1EFF0] =	vst v63  }
0x6c: {  	s0 =	simm.s32 @!p5 $0xFDC0  }
0x6d: {  	[spmem:s20] =	stream.linear.scatter @!p5 [tilespmem:s0], [sflag:$0x1], $0x1400, $0x38;
	[tilespmem:$0x1EFF0] =	vst v63  }
0x6e: {  	s0 =	simm.s32 @!p5 $0x1C110  }
0x6f: {  	[spmem:s21] =	stream.linear.scatter @!p5 [tilespmem:s0], [sflag:$0x1], $0x500, $0x38;
	[tilespmem:$0x1EFF0] =	vst v63  }
0x70: {  	_ =	swait.ge [sflag:s29], $0x1400  }
0x71: {  	[sflag:s29] =	ssyncset.done $0x0  }
0x72: {  	[sflag:s29] =	ssyncadd.s32 $0xFFFFEC00  }
0x73: {  	_ =	swait.ge [sflag:s29], $0x500  }
0x74: {  	[sflag:s29] =	ssyncset.done $0x0  }
0x75: {  	[sflag:s29] =	ssyncadd.s32 $0xFFFFFB00  }
0x76: {  	_ =	swait.ge [sflag:s29], $0x1400  }
0x77: {  	[sflag:s29] =	ssyncset.done $0x0  }
0x78: {  	[sflag:s29] =	ssyncadd.s32 $0xFFFFEC00  }
0x79: {  	_ =	swait.ge [sflag:s29], $0x500  }
0x7a: {  	[sflag:s29] =	ssyncset.done $0x0  }
0x7b: {  	[sflag:s29] =	ssyncadd.s32 $0xFFFFFB00  }
0x7c: {  	_ =	swait.ge [sflag:s29], $0x1400  }
0x7d: {  	[sflag:s29] =	ssyncset.done $0x0  }
0x7e: {  	[sflag:s29] =	ssyncadd.s32 $0xFFFFEC00  }
0x7f: {  	_ =	swait.ge [sflag:s29], $0x500  }
0x80: {  	[sflag:s29] =	ssyncset.done $0x0  }
0x81: {  	[sflag:s29] =	ssyncadd.s32 $0xFFFFFB00  }
0x82: {  	_ =	swait.ge [sflag:s29], $0x1400  }
0x83: {  	[sflag:s29] =	ssyncset.done $0x0  }
0x84: {  	[sflag:s29] =	ssyncadd.s32 $0xFFFFEC00  }
0x85: {  	_ =	swait.ge [sflag:s29], $0x500  }
0x86: {  	[sflag:s29] =	ssyncset.done $0x0  }
0x87: {  	[sflag:s29] =	ssyncadd.s32 $0xFFFFFB00  }
0x88: {  	_ =	swait.ge [sflag:s29], $0x1400  }
0x89: {  	[sflag:s29] =	ssyncset.done $0x0  }
0x8a: {  	[sflag:s29] =	ssyncadd.s32 $0xFFFFEC00  }
0x8b: {  	_ =	swait.ge [sflag:s29], $0x500  }
0x8c: {  	[sflag:s29] =	ssyncset.done $0x0  }
0x8d: {  	[sflag:s29] =	ssyncadd.s32 $0xFFFFFB00  }
0x8e: {  	_ =	swait.ge [sflag:s29], $0x1400  }
0x8f: {  	[sflag:s29] =	ssyncset.done $0x0  }
0x90: {  	[sflag:s29] =	ssyncadd.s32 $0xFFFFEC00  }
0x91: {  	_ =	swait.ge [sflag:s29], $0x500  }
0x92: {  	[sflag:s29] =	ssyncset.done $0x0  }
0x93: {  	[sflag:s29] =	ssyncadd.s32 $0xFFFFFB00  }
0x94: {  	_ =	swait.ge [sflag:s29], $0x1400  }
0x95: {  	[sflag:s29] =	ssyncset.done $0x0  }
0x96: {  	[sflag:s29] =	ssyncadd.s32 $0xFFFFEC00  }
0x97: {  	_ =	swait.ge [sflag:s29], $0x500  }
0x98: {  	[sflag:s29] =	ssyncset.done $0x0  }
0x99: {  	s0 =	simm.s32 @!p5 $0x1;
	[sflag:s29] =	ssyncadd.s32 $0xFFFFFB00  }
0x9a: {  	_ =	swait.ge @!p5 [sflag:s0], $0x1400  }
0x9b: {  	[sflag:s0] =	ssyncset.done @!p5 $0x0  }
0x9c: {  	[sflag:s0] =	ssyncadd.s32 @!p5 $0xFFFFEC00  }
0x9d: {  	_ =	swait.ge @!p5 [sflag:s0], $0x500  }
0x9e: {  	[sflag:s0] =	ssyncset.done @!p5 $0x0  }
0x9f: {  	[sflag:s0] =	ssyncadd.s32 @!p5 $0xFFFFFB00  }
0xa0: {  	[bflag:$0x0] =	sbarrier.arrive $0xFFFF  }
0xa1: {  	s6 =	sld [smem:$0x7F1];
	_ =	sdelay $0x1  }
0xa2: {  	s0 =	simm.s32 @!p2 $0x0  }
0xa3: {  	[tilespmem:s0], [sflag:$0x1] =	stream.linear.gather @!p2 [hbm4b:s6+s0], $0x5000, $0x38;
	[tilespmem:$0x1EFF0] =	vst v63  }
0xa4: {  	s6 =	sld [smem:$0x7F2];
	_ =	sdelay $0x1  }
0xa5: {  	s11 =	sld [smem:$0x7F3];
	s0 =	simm.s32 @p0 $0x0  }
0xa6: {  	[tilespmem:s0], [sflag:$0x1] =	stream.linear.gather @p0 [hbm4b:s6+s0], $0x5000, $0x38;
	[tilespmem:$0x1EFF0] =	vst v63  }
0xa7: {  	s10 =	simm.s32 $0x0;
	s7 =	simm.s32 $0x5000  }
0xa8: {  	[tilespmem:s7], [sflag:$0x1] =	stream.linear.gather [hbm4b:s11+s10], $0x5000, $0x38;
	[tilespmem:$0x1EFF0] =	vst v63  }
0xa9: {  	_ =	swait.ge [sflag:s29], $0x5000  }
0xaa: {  	[sflag:s29] =	ssyncset.done $0x0  }
0xab: {  	[sflag:s29] =	ssyncadd.s32 $0xFFFFB000  }
0xac: {  	_ =	swait.ge [sflag:s29], $0x5000  }
0xad: {  	[sflag:s29] =	ssyncset.done $0x0  }
0xae: {  	[sflag:s29] =	ssyncadd.s32 $0xFFFFB000  }
0xaf: {  	[spmem:s4] =	stream.indirect.scatter.add.f32 [tilespmem:s26], [sflag:$0x8], $0x40, s7, s31, $0xb8;
	[tilespmem:$0x1EFF0] =	vst v63  }
0xb0: {  	s0 =	simm.s32 @!p2 $0x7D;
	s6 =	simm.s32 @!p2 $0x5000;
	s7 =	simm.s32 @!p2 $0x1C110  }
0xb1: {  	[spmem:s5] =	stream.indirect.scatter.add.f32 @!p2 [tilespmem:s7], [sflag:$0x8], $0x10, s6, s0, $0xb8;
	[tilespmem:$0x1EFF0] =	vst v63  }
0xb2: {  	s24 =	simm.s32 $0x0  }
0xb3: {  	[tilespmem:s1], [sflag:$0x1] =	stream.indirect.gather [hbm4b:s3+s31], $0x40, s24, s31, $0xb8;
	[tilespmem:$0x1EFF0] =	vst v63  }
0xb4: {  	s12 =	simm.s32 $0x80  }
0xb5: {  	[tilespmem:s2], [sflag:$0x2] =	stream.indirect.gather [hbm4b:s3+s31], $0x40, s12, s31, $0xb8;
	[tilespmem:$0x1EFF0] =	vst v63  }
0xb6: {  	s13 =	simm.s32 $0x100  }
0xb7: {  	[tilespmem:s22], [sflag:$0x3] =	stream.indirect.gather [hbm4b:s3+s31], $0x40, s13, s31, $0xb8;
	[tilespmem:$0x1EFF0] =	vst v63  }
0xb8: {  	_ =	swait.ge [sflag:s29], $0x1F40  }
0xb9: {  	p4 =	por $0x1, $0x1;
	[sflag:s29] =	ssyncset.done $0x0  }
0xba: {  	s25 =	simm.s32 $0x1;
	s0 =	simm.s32 $0x1;
	[sflag:s29] =	ssyncadd.s32 $0xFFFFE0C0  }
0xbb: {  	s25 =	simm.s32 @!p0 $0x0;
	s0 =	simm.s32 @!p4 $0x0;
	_ =	swait.ge [sflag:s23], $0x1F40  }
0xbc: {  	p4 =	seq.s32 s0, s25;
	[sflag:s23] =	ssyncset.done $0x0  }
0xbd: {  	s0 =	simm.s32 @!p4 $0x8;
	[sflag:s23] =	ssyncadd.s32 $0xFFFFE0C0  }
0xbe: {  	_ =	swait.ge @!p4 [sflag:s0], $0x7D0  }
0xbf: {  	p6 =	por p3, p3;
	p5 =	por $0x1, $0x1;
	[sflag:s0] =	ssyncset.done @!p4 $0x0  }
0xc0: {  	s14 =	simm.s32 $0x180;
	p6 =	por @!p5 p0, p0;
	[sflag:s0] =	ssyncadd.s32 @!p4 $0xFFFFF830  }
0xc1: {  	[tilespmem:s26], [sflag:$0x4] =	stream.indirect.gather [hbm4b:s3+s31], $0x40, s14, s31, $0xb8;
	[tilespmem:$0x1EFF0] =	vst v63  }
0xc2: {  	s7 =	simm.s32 $0x5000;
	s0 =	simm.s32 @!p6 $0x2  }
0xc3: {  	[spmem:s4] =	stream.indirect.scatter.add.f32 [tilespmem:s1], [sflag:$0x5], $0x40, s7, s31, $0xb8;
	[tilespmem:$0x1EFF0] =	vst v63  }
0xc4: {  	_ =	swait.ge @!p6 [sflag:s0], $0x1F40  }
0xc5: {  	[sflag:s0] =	ssyncset.done @!p6 $0x0  }
0xc6: {  	s8 =	simm.s32 @!p6 $0x5;
	[sflag:s0] =	ssyncadd.s32 @!p6 $0xFFFFE0C0  }
0xc7: {  	_ =	swait.ge @!p6 [sflag:s8], $0x1F40  }
0xc8: {  	s6 =	simm.s32 @p6 $0x1B940;
	[sflag:s8] =	ssyncset.done @!p6 $0x0  }
0xc9: {  	s0 =	simm.s32 @p6 $0x7D;
	[sflag:s8] =	ssyncadd.s32 @!p6 $0xFFFFE0C0;
	s8 =	simm.s32 @p6 $0x2  }
0xca: {  	[spmem:s5] =	stream.indirect.scatter.add.f32 @p6 [tilespmem:s6], [sflag:$0x5], $0x10, s7, s0, $0xb8;
	[tilespmem:$0x1EFF0] =	vst v63  }
0xcb: {  	_ =	swait.ge @p6 [sflag:s8], $0x1F40  }
0xcc: {  	[sflag:s8] =	ssyncset.done @p6 $0x0  }
0xcd: {  	s7 =	simm.s32 @p6 $0x5;
	[sflag:s8] =	ssyncadd.s32 @p6 $0xFFFFE0C0  }
0xce: {  	_ =	swait.ge @p6 [sflag:s7], $0x1F40  }
0xcf: {  	[sflag:s7] =	ssyncset.done @p6 $0x0  }
0xd0: {  	[sflag:s7] =	ssyncadd.s32 @p6 $0xFFFFE0C0  }
0xd1: {  	p4 =	por $0x0, $0x0;
	_ =	swait.ge @p6 [sflag:s7], $0x7D0  }
0xd2: {  	s9 =	simm.s32 @!p4 $0x200;
	[sflag:s7] =	ssyncset.done @p6 $0x0  }
0xd3: {  	s8 =	simm.s32 @!p4 $0xA000;
	[sflag:s7] =	ssyncadd.s32 @p6 $0xFFFFF830;
	s7 =	simm.s32 @!p4 $0x7D  }
0xd4: {  	[tilespmem:s8], [sflag:$0x1] =	stream.indirect.gather @!p4 [hbm4b:s3+s7], $0x40, s9, s7, $0xb8;
	[tilespmem:$0x1EFF0] =	vst v63  }
0xd5: {  	s8 =	simm.s32 $0x5080;
	s9 =	simm.s32 @!p6 $0x3  }
0xd6: {  	[spmem:s4] =	stream.indirect.scatter.add.f32 [tilespmem:s2], [sflag:$0x6], $0x40, s8, s31, $0xb8;
	[tilespmem:$0x1EFF0] =	vst v63  }
0xd7: {  	_ =	swait.ge @!p6 [sflag:s9], $0x1F40  }
0xd8: {  	[sflag:s9] =	ssyncset.done @!p6 $0x0  }
0xd9: {  	[sflag:s9] =	ssyncadd.s32 @!p6 $0xFFFFE0C0;
	s9 =	simm.s32 @!p6 $0x6  }
0xda: {  	_ =	swait.ge @!p6 [sflag:s9], $0x1F40  }
0xdb: {  	[sflag:s9] =	ssyncset.done @!p6 $0x0  }
0xdc: {  	[sflag:s9] =	ssyncadd.s32 @!p6 $0xFFFFE0C0;
	s9 =	simm.s32 @p6 $0x3  }
0xdd: {  	[spmem:s5] =	stream.indirect.scatter.add.f32 @p6 [tilespmem:s6], [sflag:$0x6], $0x10, s8, s0, $0xb8;
	[tilespmem:$0x1EFF0] =	vst v63  }
0xde: {  	_ =	swait.ge @p6 [sflag:s9], $0x1F40  }
0xdf: {  	[sflag:s9] =	ssyncset.done @p6 $0x0  }
0xe0: {  	s8 =	simm.s32 @p6 $0x6;
	[sflag:s9] =	ssyncadd.s32 @p6 $0xFFFFE0C0  }
0xe1: {  	_ =	swait.ge @p6 [sflag:s8], $0x1F40  }
0xe2: {  	[sflag:s8] =	ssyncset.done @p6 $0x0  }
0xe3: {  	[sflag:s8] =	ssyncadd.s32 @p6 $0xFFFFE0C0  }
0xe4: {  	_ =	swait.ge @p6 [sflag:s8], $0x7D0  }
0xe5: {  	[sflag:s8] =	ssyncset.done @p6 $0x0  }
0xe6: {  	s9 =	simm.s32 @!p4 $0x280;
	[sflag:s8] =	ssyncadd.s32 @p6 $0xFFFFF830;
	s8 =	simm.s32 @!p4 $0xBF40  }
0xe7: {  	[tilespmem:s8], [sflag:$0x2] =	stream.indirect.gather @!p4 [hbm4b:s3+s7], $0x40, s9, s7, $0xb8;
	[tilespmem:$0x1EFF0] =	vst v63  }
0xe8: {  	s8 =	simm.s32 $0x5100;
	s9 =	simm.s32 @!p6 $0x4  }
0xe9: {  	[spmem:s4] =	stream.indirect.scatter.add.f32 [tilespmem:s22], [sflag:$0x7], $0x40, s8, s31, $0xb8;
	[tilespmem:$0x1EFF0] =	vst v63  }
0xea: {  	_ =	swait.ge @!p6 [sflag:s9], $0x1F40  }
0xeb: {  	[sflag:s9] =	ssyncset.done @!p6 $0x0  }
0xec: {  	[sflag:s9] =	ssyncadd.s32 @!p6 $0xFFFFE0C0;
	s9 =	simm.s32 @!p6 $0x7  }
0xed: {  	_ =	swait.ge @!p6 [sflag:s9], $0x1F40  }
0xee: {  	[sflag:s9] =	ssyncset.done @!p6 $0x0  }
0xef: {  	[sflag:s9] =	ssyncadd.s32 @!p6 $0xFFFFE0C0;
	s9 =	simm.s32 @p6 $0x4  }
0xf0: {  	[spmem:s5] =	stream.indirect.scatter.add.f32 @p6 [tilespmem:s6], [sflag:$0x7], $0x10, s8, s0, $0xb8;
	[tilespmem:$0x1EFF0] =	vst v63  }
0xf1: {  	_ =	swait.ge @p6 [sflag:s9], $0x1F40  }
0xf2: {  	[sflag:s9] =	ssyncset.done @p6 $0x0  }
0xf3: {  	s8 =	simm.s32 @p6 $0x7;
	[sflag:s9] =	ssyncadd.s32 @p6 $0xFFFFE0C0  }
0xf4: {  	_ =	swait.ge @p6 [sflag:s8], $0x1F40  }
0xf5: {  	[sflag:s8] =	ssyncset.done @p6 $0x0  }
0xf6: {  	[sflag:s8] =	ssyncadd.s32 @p6 $0xFFFFE0C0  }
0xf7: {  	_ =	swait.ge @p6 [sflag:s8], $0x7D0  }
0xf8: {  	[sflag:s8] =	ssyncset.done @p6 $0x0  }
0xf9: {  	s9 =	simm.s32 @!p4 $0x300;
	[sflag:s8] =	ssyncadd.s32 @p6 $0xFFFFF830;
	s8 =	simm.s32 @!p4 $0xDE80  }
0xfa: {  	[tilespmem:s8], [sflag:$0x3] =	stream.indirect.gather @!p4 [hbm4b:s3+s7], $0x40, s9, s7, $0xb8;
	[tilespmem:$0x1EFF0] =	vst v63  }
0xfb: {  	s8 =	simm.s32 $0x5180;
	s7 =	simm.s32 $0x800  }
0xfc: {  	[spmem:s4] =	stream.indirect.scatter.add.f32 [tilespmem:s26], [sflag:$0x8], $0x40, s8, s31, $0xb8;
	[tilespmem:$0x1EFF0] =	vst v63  }
.LBB2_6:
0xfd: {  	s24 =	sadd.s32 $0x1, s24;
	s9 =	smov.u32 s7;
	s7 =	sadd.s32 $0x800, s7  }
0xfe: {  	[spmem:s5] =	stream.indirect.scatter.add.f32 @p6 [tilespmem:s6], [sflag:$0x8], $0x10, s8, s0, $0xb8;
	[tilespmem:$0x1EFF0] =	vst v63  }
0xff: {  	p4 =	sne.s32 s7, $0x14000;
	_ =	swait.ge [sflag:s29], $0x1F40  }
0x100: {  	p5 =	slt.u32 s24, $0x15;
	s0 =	simm.s32 $0x1;
	[sflag:s29] =	ssyncset.done $0x0  }
0x101: {  	s0 =	simm.s32 @!p5 $0x0;
	[sflag:s29] =	ssyncadd.s32 $0xFFFFE0C0  }
0x102: {  	p5 =	seq.s32 s0, s25;
	_ =	swait.ge [sflag:s23], $0x1F40  }
0x103: {  	s0 =	simm.s32 @!p5 $0x8;
	[sflag:s23] =	ssyncset.done $0x0  }
0x104: {  	[sflag:s23] =	ssyncadd.s32 $0xFFFFE0C0  }
0x105: {  	s8 =	sshra.s32 s9, $0x2;
	p1 =	slt.u32 s24, $0x14;
	_ =	swait.ge @!p5 [sflag:s0], $0x7D0  }
0x106: {  	p6 =	por p3, p3;
	s6 =	sadd.s32 $0x180, s8;
	[sflag:s0] =	ssyncset.done @!p5 $0x0  }
0x107: {  	p6 =	por @!p1 p0, p0;
	[sflag:s0] =	ssyncadd.s32 @!p5 $0xFFFFF830  }
0x108: {  	[tilespmem:s26], [sflag:$0x4] =	stream.indirect.gather [hbm4b:s3+s31], $0x40, s6, s31, $0xb8;
	[tilespmem:$0x1EFF0] =	vst v63  }
0x109: {  	s10 =	sadd.s32 $0x5000, s8;
	s0 =	simm.s32 @!p6 $0x2  }
0x10a: {  	[spmem:s4] =	stream.indirect.scatter.add.f32 [tilespmem:s1], [sflag:$0x5], $0x40, s10, s31, $0xb8;
	[tilespmem:$0x1EFF0] =	vst v63  }
0x10b: {  	_ =	swait.ge @!p6 [sflag:s0], $0x1F40  }
0x10c: {  	s11 =	simm.s32 @!p6 $0x5;
	[sflag:s0] =	ssyncset.done @!p6 $0x0  }
0x10d: {  	[sflag:s0] =	ssyncadd.s32 @!p6 $0xFFFFE0C0  }
0x10e: {  	_ =	swait.ge @!p6 [sflag:s11], $0x1F40  }
0x10f: {  	s6 =	simm.s32 @p6 $0x1B940;
	s0 =	simm.s32 @p6 $0x7D;
	[sflag:s11] =	ssyncset.done @!p6 $0x0  }
0x110: {  	[sflag:s11] =	ssyncadd.s32 @!p6 $0xFFFFE0C0;
	s11 =	simm.s32 @p6 $0x2  }
0x111: {  	[spmem:s5] =	stream.indirect.scatter.add.f32 @p6 [tilespmem:s6], [sflag:$0x5], $0x10, s10, s0, $0xb8;
	[tilespmem:$0x1EFF0] =	vst v63  }
0x112: {  	_ =	swait.ge @p6 [sflag:s11], $0x1F40  }
0x113: {  	s10 =	simm.s32 @p6 $0x5;
	[sflag:s11] =	ssyncset.done @p6 $0x0  }
0x114: {  	[sflag:s11] =	ssyncadd.s32 @p6 $0xFFFFE0C0  }
0x115: {  	_ =	swait.ge @p6 [sflag:s10], $0x1F40  }
0x116: {  	[sflag:s10] =	ssyncset.done @p6 $0x0  }
0x117: {  	p5 =	seq.s32 s9, $0x13800;
	[sflag:s10] =	ssyncadd.s32 @p6 $0xFFFFE0C0  }
0x118: {  	s12 =	simm.s32 @!p5 $0xA000;
	s11 =	sshra.s32 @!p5 s9, $0x2;
	_ =	swait.ge @p6 [sflag:s10], $0x7D0  }
0x119: {  	s9 =	simm.s32 @!p5 $0x7D;
	s13 =	sadd.s32 @!p5 $0x200, s11;
	[sflag:s10] =	ssyncset.done @p6 $0x0  }
0x11a: {  	s14 =	sadd.s32 $0x5080, s8;
	[sflag:s10] =	ssyncadd.s32 @p6 $0xFFFFF830;
	s10 =	sadd.s32 @!p5 $0x300, s11  }
0x11b: {  	[tilespmem:s12], [sflag:$0x1] =	stream.indirect.gather @!p5 [hbm4b:s3+s9], $0x40, s13, s9, $0xb8;
	[tilespmem:$0x1EFF0] =	vst v63  }
0x11c: {  	s11 =	sadd.s32 @!p5 $0x280, s11;
	s12 =	simm.s32 @!p6 $0x3  }
0x11d: {  	[spmem:s4] =	stream.indirect.scatter.add.f32 [tilespmem:s2], [sflag:$0x6], $0x40, s14, s31, $0xb8;
	[tilespmem:$0x1EFF0] =	vst v63  }
0x11e: {  	_ =	swait.ge @!p6 [sflag:s12], $0x1F40  }
0x11f: {  	s13 =	simm.s32 @!p6 $0x6;
	[sflag:s12] =	ssyncset.done @!p6 $0x0  }
0x120: {  	[sflag:s12] =	ssyncadd.s32 @!p6 $0xFFFFE0C0  }
0x121: {  	_ =	swait.ge @!p6 [sflag:s13], $0x1F40  }
0x122: {  	[sflag:s13] =	ssyncset.done @!p6 $0x0  }
0x123: {  	s12 =	simm.s32 @p6 $0x3;
	[sflag:s13] =	ssyncadd.s32 @!p6 $0xFFFFE0C0  }
0x124: {  	[spmem:s5] =	stream.indirect.scatter.add.f32 @p6 [tilespmem:s6], [sflag:$0x6], $0x10, s14, s0, $0xb8;
	[tilespmem:$0x1EFF0] =	vst v63  }
0x125: {  	_ =	swait.ge @p6 [sflag:s12], $0x1F40  }
0x126: {  	s13 =	simm.s32 @p6 $0x6;
	[sflag:s12] =	ssyncset.done @p6 $0x0  }
0x127: {  	[sflag:s12] =	ssyncadd.s32 @p6 $0xFFFFE0C0  }
0x128: {  	_ =	swait.ge @p6 [sflag:s13], $0x1F40  }
0x129: {  	[sflag:s13] =	ssyncset.done @p6 $0x0  }
0x12a: {  	[sflag:s13] =	ssyncadd.s32 @p6 $0xFFFFE0C0  }
0x12b: {  	_ =	swait.ge @p6 [sflag:s13], $0x7D0  }
0x12c: {  	s12 =	simm.s32 @!p5 $0xBF40;
	[sflag:s13] =	ssyncset.done @p6 $0x0  }
0x12d: {  	[sflag:s13] =	ssyncadd.s32 @p6 $0xFFFFF830;
	s13 =	sadd.s32 $0x5100, s8  }
0x12e: {  	[tilespmem:s12], [sflag:$0x2] =	stream.indirect.gather @!p5 [hbm4b:s3+s9], $0x40, s11, s9, $0xb8;
	[tilespmem:$0x1EFF0] =	vst v63  }
0x12f: {  	s11 =	simm.s32 @!p6 $0x4  }
0x130: {  	[spmem:s4] =	stream.indirect.scatter.add.f32 [tilespmem:s22], [sflag:$0x7], $0x40, s13, s31, $0xb8;
	[tilespmem:$0x1EFF0] =	vst v63  }
0x131: {  	_ =	swait.ge @!p6 [sflag:s11], $0x1F40  }
0x132: {  	s12 =	simm.s32 @!p6 $0x7;
	[sflag:s11] =	ssyncset.done @!p6 $0x0  }
0x133: {  	[sflag:s11] =	ssyncadd.s32 @!p6 $0xFFFFE0C0  }
0x134: {  	_ =	swait.ge @!p6 [sflag:s12], $0x1F40  }
0x135: {  	[sflag:s12] =	ssyncset.done @!p6 $0x0  }
0x136: {  	s11 =	simm.s32 @p6 $0x4;
	[sflag:s12] =	ssyncadd.s32 @!p6 $0xFFFFE0C0  }
0x137: {  	[spmem:s5] =	stream.indirect.scatter.add.f32 @p6 [tilespmem:s6], [sflag:$0x7], $0x10, s13, s0, $0xb8;
	[tilespmem:$0x1EFF0] =	vst v63  }
0x138: {  	_ =	swait.ge @p6 [sflag:s11], $0x1F40  }
0x139: {  	s12 =	simm.s32 @p6 $0x7;
	[sflag:s11] =	ssyncset.done @p6 $0x0  }
0x13a: {  	[sflag:s11] =	ssyncadd.s32 @p6 $0xFFFFE0C0  }
0x13b: {  	_ =	swait.ge @p6 [sflag:s12], $0x1F40  }
0x13c: {  	[sflag:s12] =	ssyncset.done @p6 $0x0  }
0x13d: {  	[sflag:s12] =	ssyncadd.s32 @p6 $0xFFFFE0C0  }
0x13e: {  	_ =	swait.ge @p6 [sflag:s12], $0x7D0  }
.Ltmp2:
0x13f: {  	s11 =	simm.s32 @!p5 $0xDE80;
	[sflag:s12] =	ssyncset.done @p6 $0x0;
	(pc) =	sbr.rel @p4 .LBB2_6-.Ltmp2, $4  }
0x140: {  	s8 =	sadd.s32 $0x5180, s8;
	[sflag:s12] =	ssyncadd.s32 @p6 $0xFFFFF830  }
0x141: {  	[tilespmem:s11], [sflag:$0x3] =	stream.indirect.gather @!p5 [hbm4b:s3+s9], $0x40, s10, s9, $0xb8;
	[tilespmem:$0x1EFF0] =	vst v63  }
0x142: {  	_ = 	snop  }
0x143: {  	[spmem:s4] =	stream.indirect.scatter.add.f32 [tilespmem:s26], [sflag:$0x8], $0x40, s8, s31, $0xb8;
	[tilespmem:$0x1EFF0] =	vst v63  }
0x144: {  	[spmem:s5] =	stream.indirect.scatter.add.f32 @p6 [tilespmem:s6], [sflag:$0x8], $0x10, s8, s0, $0xb8;
	[tilespmem:$0x1EFF0] =	vst v63  }
0x145: {  	_ =	swait.ge [sflag:s23], $0x1F40  }
0x146: {  	[sflag:s23] =	ssyncset.done $0x0  }
0x147: {  	s0 =	simm.s32 @p0 $0x8;
	[sflag:s23] =	ssyncadd.s32 $0xFFFFE0C0  }
0x148: {  	_ =	swait.ge @p0 [sflag:s0], $0x7D0  }
0x149: {  	[sflag:s0] =	ssyncset.done @p0 $0x0  }
0x14a: {  	[sflag:s0] =	ssyncadd.s32 @p0 $0xFFFFF830  }
0x14b: {  	[bflag:$0x0] =	sbarrier.arrive $0xFFFF  }
0x14c: {  	s24 =	sld [smem:$0x7F8]  }
0x14d: {  	s8 =	stileid.u32  }
0x14e: {  	s0 =	sshll.u32 @!p2 s8, $0x6  }
0x14f: {  	s0 =	sor.u32 @!p2 $0x1C01, s0;
	s7 =	rddreg [dreg:$0x5];
	s6 =	sshrl.u32 @!p2 s24, $0x3  }
0x150: {  	[hbm:s7], [sflag:s0] =	dma.local @!p2 [spmem:s6], $0x280  }
0x151: {  	s25 =	sld [smem:$0x7F9];
	_ =	sdelay $0x2  }
0x152: {  	s7 =	rddreg [dreg:$0x15];
	s6 =	sshrl.u32 @!p2 s25, $0x3  }
0x153: {  	[hbm:s7], [sflag:s0] =	dma.local @!p2 [spmem:s6], $0xA0  }
0x154: {  	s6 =	sshll.u32 @p0 s8, $0x6  }
0x155: {  	s7 =	sshrl.u32 @p0 s24, $0x3;
	s6 =	sor.u32 @p0 $0x1C01, s6;
	s9 =	rddreg [dreg:$0x6]  }
0x156: {  	[hbm:s9], [sflag:s6] =	dma.local @p0 [spmem:s7], $0x280  }
0x157: {  	s7 =	sshrl.u32 @p0 s25, $0x3;
	s9 =	rddreg [dreg:$0x16]  }
0x158: {  	[hbm:s9], [sflag:s6] =	dma.local @p0 [spmem:s7], $0xA0  }
0x159: {  	s10 =	sld [smem:$0x7EE];
	_ =	sdelay $0x2  }
0x15a: {  	s9 =	rddreg [dreg:$0x7];
	s7 =	sshrl.u32 @!p2 s10, $0x3  }
0x15b: {  	[hbm:s9], [sflag:s0] =	dma.local @!p2 [spmem:s7], $0x280  }
0x15c: {  	s11 =	sld [smem:$0x7FA];
	_ =	sdelay $0x2  }
0x15d: {  	s9 =	rddreg [dreg:$0x17];
	s7 =	sshrl.u32 @!p2 s11, $0x3  }
0x15e: {  	[hbm:s9], [sflag:s0] =	dma.local @!p2 [spmem:s7], $0xA0  }
0x15f: {  	s7 =	sshrl.u32 @p0 s10, $0x3;
	s9 =	rddreg [dreg:$0x8]  }
0x160: {  	[hbm:s9], [sflag:s6] =	dma.local @p0 [spmem:s7], $0x280  }
0x161: {  	s7 =	sshrl.u32 @p0 s11, $0x3;
	s9 =	rddreg [dreg:$0x18]  }
0x162: {  	[hbm:s9], [sflag:s6] =	dma.local @p0 [spmem:s7], $0xA0  }
0x163: {  	s10 =	sld [smem:$0x7EF];
	_ =	sdelay $0x2  }
0x164: {  	s9 =	rddreg [dreg:$0x9];
	s7 =	sshrl.u32 @!p2 s10, $0x3  }
0x165: {  	[hbm:s9], [sflag:s0] =	dma.local @!p2 [spmem:s7], $0x280  }
0x166: {  	s13 =	sld [smem:$0x7FB];
	_ =	sdelay $0x2  }
0x167: {  	s9 =	rddreg [dreg:$0x19];
	s7 =	sshrl.u32 @!p2 s13, $0x3  }
0x168: {  	[hbm:s9], [sflag:s0] =	dma.local @!p2 [spmem:s7], $0xA0  }
0x169: {  	s7 =	sshrl.u32 @p0 s10, $0x3;
	s9 =	rddreg [dreg:$0xa]  }
0x16a: {  	[hbm:s9], [sflag:s6] =	dma.local @p0 [spmem:s7], $0x280  }
0x16b: {  	s7 =	sshrl.u32 @p0 s13, $0x3;
	s9 =	rddreg [dreg:$0x1a]  }
0x16c: {  	[hbm:s9], [sflag:s6] =	dma.local @p0 [spmem:s7], $0xA0  }
0x16d: {  	s12 =	sld [smem:$0x7FC];
	_ =	sdelay $0x2  }
0x16e: {  	s9 =	rddreg [dreg:$0xb];
	s7 =	sshrl.u32 @!p2 s12, $0x3  }
0x16f: {  	[hbm:s9], [sflag:s0] =	dma.local @!p2 [spmem:s7], $0x280  }
0x170: {  	s10 =	sld [smem:$0x7F0];
	_ =	sdelay $0x2  }
0x171: {  	s9 =	rddreg [dreg:$0x1b];
	s7 =	sshrl.u32 @!p2 s10, $0x3  }
0x172: {  	[hbm:s9], [sflag:s0] =	dma.local @!p2 [spmem:s7], $0xA0  }
0x173: {  	s7 =	sshrl.u32 @p0 s12, $0x3;
	s9 =	rddreg [dreg:$0xc]  }
0x174: {  	[hbm:s9], [sflag:s6] =	dma.local @p0 [spmem:s7], $0x280  }
0x175: {  	s7 =	sshrl.u32 @p0 s10, $0x3;
	s9 =	rddreg [dreg:$0x1c]  }
0x176: {  	[hbm:s9], [sflag:s6] =	dma.local @p0 [spmem:s7], $0xA0  }
0x177: {  	s14 =	sld [smem:$0x7FD];
	_ =	sdelay $0x2  }
0x178: {  	s9 =	rddreg [dreg:$0xd];
	s7 =	sshrl.u32 @!p2 s14, $0x3  }
0x179: {  	[hbm:s9], [sflag:s0] =	dma.local @!p2 [spmem:s7], $0x280  }
0x17a: {  	s7 =	sshrl.u32 @!p2 s15, $0x3;
	s9 =	rddreg [dreg:$0x1d]  }
0x17b: {  	[hbm:s9], [sflag:s0] =	dma.local @!p2 [spmem:s7], $0xA0  }
0x17c: {  	s7 =	sshrl.u32 @p0 s14, $0x3;
	s9 =	rddreg [dreg:$0xe]  }
0x17d: {  	[hbm:s9], [sflag:s6] =	dma.local @p0 [spmem:s7], $0x280  }
0x17e: {  	s7 =	sshrl.u32 @p0 s15, $0x3;
	s9 =	rddreg [dreg:$0x1e]  }
0x17f: {  	[hbm:s9], [sflag:s6] =	dma.local @p0 [spmem:s7], $0xA0  }
0x180: {  	s7 =	sshrl.u32 @!p2 s16, $0x3;
	s9 =	rddreg [dreg:$0xf]  }
0x181: {  	[hbm:s9], [sflag:s0] =	dma.local @!p2 [spmem:s7], $0x280  }
0x182: {  	s7 =	sshrl.u32 @!p2 s17, $0x3;
	s9 =	rddreg [dreg:$0x1f]  }
0x183: {  	[hbm:s9], [sflag:s0] =	dma.local @!p2 [spmem:s7], $0xA0  }
0x184: {  	s7 =	sshrl.u32 @p0 s16, $0x3;
	s9 =	rddreg [dreg:$0x10]  }
0x185: {  	[hbm:s9], [sflag:s6] =	dma.local @p0 [spmem:s7], $0x280  }
0x186: {  	s9 =	sld [smem:$0x7E9];
	_ =	sdelay $0x1  }
0x187: {  	s7 =	sshrl.u32 @p0 s17, $0x3  }
0x188: {  	[hbm:s9], [sflag:s6] =	dma.local @p0 [spmem:s7], $0xA0  }
0x189: {  	s7 =	sshrl.u32 @!p2 s18, $0x3;
	s9 =	rddreg [dreg:$0x11]  }
0x18a: {  	[hbm:s9], [sflag:s0] =	dma.local @!p2 [spmem:s7], $0x280  }
0x18b: {  	s9 =	sld [smem:$0x7EA];
	_ =	sdelay $0x1  }
0x18c: {  	s7 =	sshrl.u32 @!p2 s19, $0x3  }
0x18d: {  	[hbm:s9], [sflag:s0] =	dma.local @!p2 [spmem:s7], $0xA0  }
0x18e: {  	s0 =	sshrl.u32 @p0 s18, $0x3;
	s7 =	rddreg [dreg:$0x12]  }
0x18f: {  	[hbm:s7], [sflag:s6] =	dma.local @p0 [spmem:s0], $0x280  }
0x190: {  	s7 =	sld [smem:$0x7EB];
	_ =	sdelay $0x1  }
0x191: {  	s0 =	sshrl.u32 @p0 s19, $0x3  }
0x192: {  	[hbm:s7], [sflag:s6] =	dma.local @p0 [spmem:s0], $0xA0  }
0x193: {  	s0 =	sld [smem:$0x7F5];
	_ =	sdelay $0x2  }
0x194: {  	p1 =	seq.s32 s0, $0x1  }
0x195: {  	s0 =	sshll.u32 @!p1 s8, $0x6  }
0x196: {  	s7 =	rddreg [dreg:$0x13];
	s6 =	sshrl.u32 @!p1 s20, $0x3;
	s0 =	sor.u32 @!p1 $0x1C01, s0  }
0x197: {  	[hbm:s7], [sflag:s0] =	dma.local @!p1 [spmem:s6], $0x280  }
0x198: {  	s7 =	sld [smem:$0x7EC];
	_ =	sdelay $0x1  }
0x199: {  	s6 =	sshrl.u32 @!p1 s21, $0x3  }
0x19a: {  	[hbm:s7], [sflag:s0] =	dma.local @!p1 [spmem:s6], $0xA0  }
0x19b: {  	s0 =	sld [smem:$0x7F6];
	_ =	sdelay $0x2  }
0x19c: {  	p1 =	seq.s32 s0, $0x1  }
0x19d: {  	s0 =	sshll.u32 @!p1 s8, $0x6  }
0x19e: {  	s6 =	sshrl.u32 @!p1 s20, $0x3;
	s8 =	rddreg [dreg:$0x14];
	s0 =	sor.u32 @!p1 $0x1C01, s0  }
0x19f: {  	[hbm:s8], [sflag:s0] =	dma.local @!p1 [spmem:s6], $0x280  }
0x1a0: {  	s8 =	sld [smem:$0x7ED];
	_ =	sdelay $0x1  }
0x1a1: {  	s6 =	sshrl.u32 @!p1 s21, $0x3  }
0x1a2: {  	[hbm:s8], [sflag:s0] =	dma.local @!p1 [spmem:s6], $0xA0  }
0x1a3: {  	_ =	swait.ge [sflag:s29], $0x280  }
0x1a4: {  	[sflag:s29] =	ssyncset.done $0x0  }
0x1a5: {  	[sflag:s29] =	ssyncadd.s32 $0xFFFFFD80  }
0x1a6: {  	_ =	swait.ge [sflag:s29], $0xA0  }
0x1a7: {  	[sflag:s29] =	ssyncset.done $0x0  }
0x1a8: {  	[sflag:s29] =	ssyncadd.s32 $0xFFFFFF60  }
0x1a9: {  	_ =	swait.ge [sflag:s29], $0x280  }
0x1aa: {  	[sflag:s29] =	ssyncset.done $0x0  }
0x1ab: {  	[sflag:s29] =	ssyncadd.s32 $0xFFFFFD80  }
0x1ac: {  	_ =	swait.ge [sflag:s29], $0xA0  }
0x1ad: {  	[sflag:s29] =	ssyncset.done $0x0  }
0x1ae: {  	[sflag:s29] =	ssyncadd.s32 $0xFFFFFF60  }
0x1af: {  	_ =	swait.ge [sflag:s29], $0x280  }
0x1b0: {  	[sflag:s29] =	ssyncset.done $0x0  }
0x1b1: {  	[sflag:s29] =	ssyncadd.s32 $0xFFFFFD80  }
0x1b2: {  	_ =	swait.ge [sflag:s29], $0xA0  }
0x1b3: {  	[sflag:s29] =	ssyncset.done $0x0  }
0x1b4: {  	[sflag:s29] =	ssyncadd.s32 $0xFFFFFF60  }
0x1b5: {  	_ =	swait.ge [sflag:s29], $0x280  }
0x1b6: {  	[sflag:s29] =	ssyncset.done $0x0  }
0x1b7: {  	[sflag:s29] =	ssyncadd.s32 $0xFFFFFD80  }
0x1b8: {  	_ =	swait.ge [sflag:s29], $0xA0  }
0x1b9: {  	[sflag:s29] =	ssyncset.done $0x0  }
0x1ba: {  	[sflag:s29] =	ssyncadd.s32 $0xFFFFFF60  }
0x1bb: {  	_ =	swait.ge [sflag:s29], $0x280  }
0x1bc: {  	[sflag:s29] =	ssyncset.done $0x0  }
0x1bd: {  	[sflag:s29] =	ssyncadd.s32 $0xFFFFFD80  }
0x1be: {  	_ =	swait.ge [sflag:s29], $0xA0  }
0x1bf: {  	[sflag:s29] =	ssyncset.done $0x0  }
0x1c0: {  	[sflag:s29] =	ssyncadd.s32 $0xFFFFFF60  }
0x1c1: {  	_ =	swait.ge [sflag:s29], $0x280  }
0x1c2: {  	[sflag:s29] =	ssyncset.done $0x0  }
0x1c3: {  	[sflag:s29] =	ssyncadd.s32 $0xFFFFFD80  }
0x1c4: {  	_ =	swait.ge [sflag:s29], $0xA0  }
0x1c5: {  	[sflag:s29] =	ssyncset.done $0x0  }
0x1c6: {  	[sflag:s29] =	ssyncadd.s32 $0xFFFFFF60  }
0x1c7: {  	_ =	swait.ge [sflag:s29], $0x280  }
0x1c8: {  	[sflag:s29] =	ssyncset.done $0x0  }
0x1c9: {  	[sflag:s29] =	ssyncadd.s32 $0xFFFFFD80  }
0x1ca: {  	_ =	swait.ge [sflag:s29], $0xA0  }
0x1cb: {  	s9 =	sld [smem:$0x7F7];
	_ =	sdelay $0x2  }
0x1cc: {  	[sflag:s29] =	ssyncset.done $0x0;
	p5 =	seq.s32 s9, $0x1  }
0x1cd: {  	[sflag:s29] =	ssyncadd.s32 $0xFFFFFF60;
	s0 =	simm.s32 @!p5 $0x1  }
0x1ce: {  	_ =	swait.ge @!p5 [sflag:s0], $0x280  }
0x1cf: {  	[sflag:s0] =	ssyncset.done @!p5 $0x0  }
0x1d0: {  	[sflag:s0] =	ssyncadd.s32 @!p5 $0xFFFFFD80  }
0x1d1: {  	_ =	swait.ge @!p5 [sflag:s0], $0xA0  }
0x1d2: {  	s10 =	sld [smem:$0x7F4];
	_ =	sdelay $0x1  }
0x1d3: {  	s30 =	sadd.s32 $0x1, s30  }
0x1d4: {  	p1 =	sne.s32 s30, s10  }
.Ltmp3:
0x1d5: {  	_ = 	snop;
	(pc) =	sbr.rel @p1 .LBB2_1-.Ltmp3, $3  }
0x1d6: {  	_ =	sdelay $0x1  }
0x1d7: {  	[sflag:s0] =	ssyncset.done @!p5 $0x0  }
0x1d8: {  	s7 =	stileid.u32;
	[sflag:s0] =	ssyncadd.s32 @!p5 $0xFFFFFF60  }
0x1d9: {  	_ =	sfence.sel $0x180000  }
0x1da: {  	[bflag:$0x0] =	sbarrier.arrive $0xFFFF  }
0x1db: {  	_ =	strace $0x90000047  }
0x1dc: {  	[bflag:$0x2] =	sbarrier.arrive $0xFFFF  }
0x1dd: {  	p0 =	sne.s32 s7, $0x0;
	s0 =	rddreg [dreg:$0x4]  }
0x1de: {  	s0 =	sadd.s32 @!p0 $0x100000, s0  }
0x1df: {  	[sflag:s0] =	ssyncadd.tile.s32 @!p0 $0x1;
	_ =	shalt  }
.Lfunc_end2:
_tile_overlayer_lowered:
.L_overlay_start_2:
0x1e0: {  	(tag) =	ssettag $0x2  }
0x1e1: {  	s0 =	rddreg [dreg:$0x0];
	s2 =	stileid.u32  }
0x1e2: {  	s1 =	rddreg [dreg:$0x1];
	p0 =	sne.s32 s2, $0x0  }
0x1e3: {  	s3 =	rddreg [dreg:$0x2];
	[bflag:$0x3] =	sbarrier.arrive $0xFFFF;
	s2 =	simm.s32 @!p0 $0x1C09  }
0x1e4: {  	[timem:s3], [sflag:s2] =	dma.local @!p0 [hbm:s0], s1  }
0x1e5: {  	s0 =	simm.s32 @!p0 $0x9  }
0x1e6: {  	_ =	swait.ge @!p0 [sflag:s0], s1  }
0x1e7: {  	s1 =	ssub.s32 @!p0 $0x0, s1;
	[sflag:s0] =	ssyncset.done @!p0 $0x0  }
0x1e8: {  	[sflag:s0] =	ssyncadd.s32 @!p0 s1  }
0x1e9: {  	[bflag:$0x3] =	sbarrier.arrive $0xFFFF  }
0x1ea: {  	_ =	shalt  }

// kernel: kernel.9.cloned.1.call-start
scs
__scs_entry_jumppad:
0x0: {  	(pc) =	sbr.rel $0x88, $3  }
0x1: {  	(tag) =	ssettag $0x0;
	lr =	simm.s32 $0x1  }
0x2: {  	[smem:$0x3F97] =	sst lr;
	_ =	strace $0xD0000000  }
0x3: {  	_ = 	snop  }
0x4: {  	_ = 	snop  }
0x5: {  	_ = 	snop  }
0x6: {  	_ = 	snop  }
0x7: {  	_ = 	snop  }
__scs_overlays_trampoline_lowered:
0x8: {  	[smem:$0x3FA6] =	sst s0  }
0x9: {  	[smem:$0x3FA7] =	sst s1  }
0xa: {  	[smem:$0x3FA8] =	sst s2  }
0xb: {  	[smem:$0x3FA9] =	sst s3  }
0xc: {  	[smem:$0x3FAA] =	sst s4  }
0xd: {  	[smem:$0x3FAB] =	sst s5  }
0xe: {  	[smem:$0x3FAC] =	sst s6  }
0xf: {  	[smem:$0x3FAD] =	sst s7  }
0x10: {  	[smem:$0x3FAE] =	sst s8  }
0x11: {  	[smem:$0x3FAF] =	sst s9;
	s0 =	simm.s32 @!p0 $0x0  }
0x12: {  	s1 =	sld [smem:$0x3F95];
	s0 =	simm.s32 @p0 $0x1  }
0x13: {  	[smem:$0x3FB0] =	sst s0;
	s0 =	simm.s32 @!p1 $0x0  }
0x14: {  	s2 =	sld [smem:$0x3F94];
	s0 =	simm.s32 @p1 $0x1  }
0x15: {  	[smem:$0x3FB1] =	sst s0;
	s0 =	simm.s32 @!p2 $0x0  }
0x16: {  	s3 =	sld [smem:$0x3FDB];
	s0 =	simm.s32 @p2 $0x1  }
0x17: {  	s4 =	simm.s32 $0x1BF5;
	[smem:$0x3FB3] =	sst s0  }
0x18: {  	s0 =	sld [smem:$0x3F96];
	_ =	swait.ge [sflag:s4], $0x0  }
0x19: {  	s7 =	sld [smem:$0x3F97]  }
0x1a: {  	s8 =	sadd.s32 $0xFFFFE003, lr  }
0x1b: {  	s9 =	sadd.s32 $0xFFFFFEF7, lr;
	s5 =	simm.s32 $0xFFFFFFFF;
	p2 =	slt.u32 s8, $0xFFFFF086  }
0x1c: {  	p1 =	slt.u32 s9, $0xF7A;
	s5 =	simm.s32 @!p2 $0x0  }
0x1d: {  	s5 =	simm.s32 @p1 $0x1;
	p0 =	seq.s32 s7, s2  }
0x1e: {  	s7 =	smul.u32 @!p0 $0xF7A, s2;
	p2 =	seq.s32 @!p0 s5, $0x0  }
0x1f: {  	s9 =	smul.u32 $0xF7A, s1;
	s8 =	simm.s32 @!p0 $0x1BF5;
	p2 =	por !p2, p0  }
0x20: {  	[sflag:s8] =	ssyncset.s32 @!p0 $0xFFFFF086;
	s6 =	sadd.s32 @!p0 s3, s7;
	s7 =	simm.s32 @!p0 $0x108  }
0x21: {  	s3 =	sadd.s32 s3, s9;
	s6 =	sadd.s32 @!p0 $0x88, s6;
	s7 =	simm.s32 @p2 $0x1082  }
0x22: {  	[simem:s7], [sflag:s8] =	dma.local @!p0 [hbm:s6], $0xF7A  }
0x23: {  	s9 =	sor.u32 $0xD0000000, s2;
	s6 =	simm.s32 $0x108;
	_ =	swait.ge @!p0 [sflag:s8], $0x0  }
0x24: {  	s3 =	sadd.s32 $0x88, s3;
	s6 =	simm.s32 @!p1 $0x1082;
	[sflag:s4] =	ssyncset.s32 $0xFFFFF086  }
0x25: {  	[simem:s6], [sflag:s4] =	dma.local [hbm:s3], $0xF7A  }
0x26: {  	[smem:$0x3F97] =	sst s1;
	(tag) =	ssettag s2;
	_ =	strace s9  }
0x27: {  	s1 =	sld [smem:$0x3FA7]  }
0x28: {  	s2 =	sld [smem:$0x3FA8]  }
0x29: {  	s4 =	sld [smem:$0x3FAA]  }
0x2a: {  	p0 =	seq.s32 s5, $0x0;
	s5 =	sld [smem:$0x3FAB]  }
0x2b: {  	s6 =	sld [smem:$0x3FAC]  }
0x2c: {  	s7 =	sld [smem:$0x3FAD]  }
0x2d: {  	s3 =	simm.s32 $0x108;
	s8 =	sld [smem:$0x3FAE]  }
0x2e: {  	s3 =	simm.s32 @!p0 $0x1082;
	s9 =	sld [smem:$0x3FAF]  }
0x2f: {  	lr =	sadd.s32 s0, s3;
	s0 =	sld [smem:$0x3FA6]  }
0x30: {  	s3 =	sld [smem:$0x3FA9]  }
0x31: {  	[smem:$0x3FB2] =	sst s10  }
0x32: {  	s10 =	sld [smem:$0x3FB0];
	_ =	sdelay $0x3  }
0x33: {  	p0 =	seq.s32 s10, $0x1;
	s10 =	sld [smem:$0x3FB2];
	_ =	sdelay $0x3  }
0x34: {  	[smem:$0x3FB2] =	sst s10  }
0x35: {  	s10 =	sld [smem:$0x3FB1];
	_ =	sdelay $0x3  }
0x36: {  	p1 =	seq.s32 s10, $0x1;
	s10 =	sld [smem:$0x3FB2];
	_ =	sdelay $0x3  }
0x37: {  	[smem:$0x3FB2] =	sst s10  }
0x38: {  	s10 =	sld [smem:$0x3FB3]  }
0x39: {  	_ = 	snop;
	(pc) =	sbr.ind lr, $3  }
0x3a: {  	_ = 	snop  }
0x3b: {  	_ = 	snop  }
0x3c: {  	p2 =	seq.s32 s10, $0x1;
	s10 =	sld [smem:$0x3FB2]  }
0x3d: {  	_ =	shalt  }
0x3e: {  	_ =	shalt  }
0x3f: {  	_ =	shalt  }
0x40: {  	_ =	shalt  }
0x41: {  	_ =	shalt  }
0x42: {  	_ =	shalt  }
0x43: {  	_ =	shalt  }
0x44: {  	_ =	shalt  }
0x45: {  	_ =	shalt  }
0x46: {  	_ =	shalt  }
0x47: {  	_ =	shalt  }
0x48: {  	_ =	shalt  }
0x49: {  	_ =	shalt  }
0x4a: {  	_ =	shalt  }
0x4b: {  	_ =	shalt  }
0x4c: {  	_ =	shalt  }
0x4d: {  	_ =	shalt  }
0x4e: {  	_ =	shalt  }
0x4f: {  	_ =	shalt  }
0x50: {  	_ =	shalt  }
0x51: {  	_ =	shalt  }
0x52: {  	_ =	shalt  }
0x53: {  	_ =	shalt  }
0x54: {  	_ =	shalt  }
0x55: {  	_ =	shalt  }
0x56: {  	_ =	shalt  }
0x57: {  	_ =	shalt  }
0x58: {  	_ =	shalt  }
0x59: {  	_ =	shalt  }
0x5a: {  	_ =	shalt  }
0x5b: {  	_ =	shalt  }
0x5c: {  	_ =	shalt  }
0x5d: {  	_ =	shalt  }
0x5e: {  	_ =	shalt  }
0x5f: {  	_ =	shalt  }
0x60: {  	_ =	shalt  }
0x61: {  	_ =	shalt  }
0x62: {  	_ =	shalt  }
0x63: {  	_ =	shalt  }
0x64: {  	_ =	shalt  }
0x65: {  	_ =	shalt  }
0x66: {  	_ =	shalt  }
0x67: {  	_ =	shalt  }
0x68: {  	_ =	shalt  }
0x69: {  	_ =	shalt  }
0x6a: {  	_ =	shalt  }
0x6b: {  	_ =	shalt  }
0x6c: {  	_ =	shalt  }
0x6d: {  	_ =	shalt  }
0x6e: {  	_ =	shalt  }
0x6f: {  	_ =	shalt  }
0x70: {  	_ =	shalt  }
0x71: {  	_ =	shalt  }
0x72: {  	_ =	shalt  }
0x73: {  	_ =	shalt  }
0x74: {  	_ =	shalt  }
0x75: {  	_ =	shalt  }
0x76: {  	_ =	shalt  }
0x77: {  	_ =	shalt  }
0x78: {  	_ =	shalt  }
0x79: {  	_ =	shalt  }
0x7a: {  	_ =	shalt  }
0x7b: {  	_ =	shalt  }
0x7c: {  	_ =	shalt  }
0x7d: {  	_ =	shalt  }
0x7e: {  	_ =	shalt  }
0x7f: {  	_ =	shalt  }
0x80: {  	_ =	shalt  }
0x81: {  	_ =	shalt  }
0x82: {  	_ =	shalt  }
0x83: {  	_ =	shalt  }
0x84: {  	_ =	shalt  }
0x85: {  	_ =	shalt  }
0x86: {  	_ =	shalt  }
0x87: {  	_ =	shalt  }
.Lfunc_end0:
.L_simem_size_0:
called_computation.1_lowered:
.L_overlay_start_0:
0x88: {  	s2 =	sld [smem:$0x3FD9]  }
0x89: {  	s3 =	sld [smem:$0x3FFE];
	_ =	sdelay $0x1  }
0x8a: {  	s1 =	srdreg.scid  }
0x8b: {  	s0 =	sand.u32 $0x1, s1  }
0x8c: {  	s16 =	sshll.u32 s0, $0xA;
	s2 =	sadd.s32 s3, s2  }
0x8d: {  	s2 =	sadd.s32 s2, s16  }
0x8e: {  	[smem:$0x3FBE] =	sst s2  }
0x8f: {  	_ = 	snop  }
0x90: {  	(tm) =	ssettm $0x1  }
0x91: {  	s17 =	sld [smem:$0x3FFB];
	_ =	sdelay $0x3  }
0x92: {  	_ =	strace s17  }
0x93: {  	s2 =	sld [smem:$0x3FFC];
	_ =	sdelay $0x3  }
0x94: {  	_ =	strace s2  }
0x95: {  	s2 =	sld [smem:$0x3FFD];
	_ =	sdelay $0x3  }
0x96: {  	_ =	strace s2  }
0x97: {  	_ =	strace $0x8FFFFFFF  }
0x98: {  	s18 =	sld [smem:$0x3FDB];
	_ =	sdelay $0x1  }
0x99: {  	s19 =	simm.s32 $_scs_section_size  }
0x9a: {  	s4 =	simm.s32 $_size__tile_overlayer_lowered;
	s5 =	simm.s32 $_tile_overlayer_lowered  }
0x9b: {  	s22 =	simm.s32 $0x1BFF;
	s21 =	sshll.u32 s5, $0x1;
	s2 =	sadd.s32 s19, s18  }
0x9c: {  	s6 =	simm.s32 $0x0;
	s20 =	sshll.u32 s4, $0x1;
	s4 =	sadd.s32 s21, s2  }
0x9d: {  	[timem:s6], [sflag:s22] =	dma.local [hbm:s4], s20  }
0x9e: {  	_ =	swait.ge [sflag:s22], s20  }
0x9f: {  	s3 =	ssub.s32 $0x0, s20;
	[sflag:s22] =	ssyncset.done $0x0  }
0xa0: {  	[sflag:s22] =	ssyncadd.s32 s3;
	_ =	sdelay $0x1  }
0xa1: {  	s23 =	simm.s32 $0x1B8B  }
0xa2: {  	_ =	swait.ge [sflag:s23], $0x1  }
0xa3: {  	[sflag:s23] =	ssyncset.done $0x0  }
0xa4: {  	s25 =	simm.s32 $0x1B8E;
	s24 =	sld [smem:$0x3FFE];
	[sflag:s23] =	ssyncadd.s32 $0xFFFFFFFF  }
0xa5: {  	s26 =	simm.s32 $execute0_lowered;
	[smem:$0x3FD2] =	sst s25  }
0xa6: {  	s4 =	sshll.u32 s26, $0x1;
	_ =	strace $0x80000049;
	[dreg:$0x1] =	wrdreg $0xFFFFFFFF  }
0xa7: {  	s28 =	simm.s32 $_size_execute0_lowered;
	s2 =	sadd.s32 s2, s4;
	[dreg:$0x0] =	wrdreg $0x0  }
0xa8: {  	s4 =	sshll.u32 s28, $0x1;
	[dreg:$0x2] =	wrdreg s2  }
0xa9: {  	[dreg:$0x3] =	wrdreg s4  }
0xaa: {  	[dreg:$0x4] =	wrdreg $0xC0  }
0xab: {  	_ =	task [dreg:s6], $0x5FFFF  }
0xac: {  	[dreg:$0x1] =	wrdreg $0xFFFFFFFF  }
0xad: {  	[dreg:$0x0] =	wrdreg $0x60  }
0xae: {  	[dreg:$0x2] =	wrdreg s24  }
0xaf: {  	[dreg:$0x3] =	wrdreg $0x11D000  }
0xb0: {  	[dreg:$0x4] =	wrdreg $0x9  }
0xb1: {  	_ =	task.clear_ibuf [dreg:s6], $0x5FFFF;
	_ =	strace $0x90000049  }
0xb2: {  	s29 =	simm.s32 $0x9;
	_ =	strace $0x8000004B  }
0xb3: {  	_ =	swait.ge [sflag:s29], $0x1  }
0xb4: {  	[sflag:s29] =	ssyncadd.s32 $0xFFFFFFFF  }
0xb5: {  	_ =	strace $0x9000004B  }
0xb6: {  	_ =	sfence  }
0xb7: {  	s30 =	sld [smem:$0x0];
	_ =	sdelay $0x2  }
0xb8: {  	s31 =	sshll.u32 s1, $0xD;
	s1 =	sshrl.u32 s1, $0x2  }
0xb9: {  	s3 =	sand.u32 $0x4000, s31;
	s1 =	sadd.s32 s1, s30  }
0xba: {  	s0 =	sor.u32 s3, s0;
	s1 =	sshll.u32 s1, $0x11  }
0xbb: {  	s0 =	sor.u32 s1, s0  }
0xbc: {  	s0 =	sadd.s32 $0x8F2B, s0  }
0xbd: {  	[sflag:s0] =	ssyncadd.remote.s32 $0x1  }
0xbe: {  	_ =	sfence.sel $0xFFFF  }
0xbf: {  	[dreg:$0x0] =	wrdreg $0xFFFFFFFF;
	(pc) =	sbr.abs _section_cstart, $3  }
0xc0: {  	[dreg:$0x1] =	wrdreg $0xFFFFFFFF  }
0xc1: {  	_ =	task.clear_ibuf [dreg:s6], $0x2FFFF;
	_ =	strace $0x9FFFFFFF  }
0xc2: {  	(tm) =	ssettm $0x7FFFFFFF  }
0xc3: {  	_ =	shalt  }
tec
execute0_lowered:
.L_overlay_start_1:
0x0: {  	(tag) =	ssettag $0x1  }
0x1: {  	s0 =	rddreg [dreg:$0x0];
	s22 =	stileid.u32  }
0x2: {  	s2 =	rddreg [dreg:$0x1];
	s10 =	smul.u32 $0xA00, s22  }
0x3: {  	s1 =	simm.s32 $0x0;
	s3 =	srdreg.scid;
	s5 =	smul.u32 $0x5000, s22  }
0x4: {  	s28 =	simm.s32 $0x8;
	s6 =	sor.u32 $0x10, s22;
	s21 =	smul.u32 $0x280, s22  }
0x5: {  	s29 =	simm.s32 $0x2;
	s12 =	sor.u32 $0x20, s22;
	s8 =	smul.u32 $0x5000, s6  }
0x6: {  	s30 =	simm.s32 $0x5;
	s15 =	sor.u32 $0x40, s22;
	s9 =	smul.u32 $0x5000, s12  }
0x7: {  	s31 =	simm.s32 $0x6;
	s16 =	sor.u32 $0x50, s22;
	s11 =	smul.u32 $0x5000, s15  }
0x8: {  	[smem:$0x7FF] =	sst s1;
	s17 =	sor.u32 $0x60, s22;
	s13 =	smul.u32 $0x5000, s16  }
0x9: {  	s4 =	sadd.s32 $0x47600, s0;
	s19 =	sor.u32 $0x70, s22;
	s18 =	smul.u32 $0x5000, s17  }
0xa: {  	s23 =	sadd.s32 $0x82200, s0;
	s24 =	sadd.s32 $0x6E800, s0;
	s20 =	smul.u32 $0x5000, s19  }
0xb: {  	s14 =	sor.u32 $0x30, s22;
	p2 =	slt.u32 s22, $0xD;
	s15 =	smul.u32 $0x280, s15  }
0xc: {  	_ =	strace $0x8000004A;
	s17 =	smul.u32 $0x280, s17;
	[dreg:$0x4] =	wrdreg s24  }
0xd: {  	[dreg:$0x3] =	wrdreg s23;
	s1 =	sadd.s32 s10, s0;
	s0 =	sand.u32 $0x1, s3  }
0xe: {  	s5 =	sshrl.u32 s5, $0x2;
	s10 =	smul.u32 $0x5000, s14;
	s3 =	ssub.s32 $0x2, s0  }
0xf: {  	s8 =	sshrl.u32 s8, $0x2;
	s9 =	sshrl.u32 s9, $0x2;
	s13 =	sshrl.u32 s13, $0x2  }
0x10: {  	s25 =	sshrl.u32 s18, $0x2;
	s18 =	smul.u32 $0x280, s12;
	s26 =	sshrl.u32 s20, $0x2  }
0x11: {  	p1 =	seq.s32 s0, $0x0;
	s20 =	smul.u32 $0x280, s16;
	p0 =	sne.s32 s0, $0x0  }
0x12: {  	s0 =	simm.s32 $0x2400;
	s16 =	sadd.s32 $0xC400, s1;
	s7 =	sshrl.u32 s3, $0x1  }
0x13: {  	s8 =	sadd.s32 s8, s2;
	s12 =	sadd.s32 s13, s2;
	s13 =	sadd.s32 s25, s2  }
0x14: {  	s0 =	simm.s32 @!p1 $0x16400;
	s25 =	smul.u32 $0x280, s19;
	s3 =	ssub.s32 s3, s7  }
0x15: {  	s7 =	sadd.s32 s5, s2;
	s5 =	sshrl.u32 s11, $0x2;
	s0 =	sadd.s32 s0, s1  }
0x16: {  	s11 =	sadd.s32 s5, s2;
	s5 =	smul.u32 $0x280, s6;
	[dreg:$0x5] =	wrdreg s0  }
0x17: {  	s1 =	sadd.s32 s23, s21;
	s6 =	smul.u32 $0x280, s14;
	[dreg:$0x6] =	wrdreg s25  }
0x18: {  	s14 =	sadd.s32 s26, s2;
	s26 =	sadd.s32 s24, s21;
	[dreg:$0x8] =	wrdreg s1  }
0x19: {  	s9 =	sadd.s32 s9, s2;
	s25 =	sadd.s32 s24, s18;
	[dreg:$0x7] =	wrdreg s26  }
0x1a: {  	s10 =	sshrl.u32 s10, $0x2;
	[dreg:$0xb] =	wrdreg s25;
	s26 =	sadd.s32 s23, s18  }
0x1b: {  	p1 =	sgt.u32 s22, $0xC;
	s18 =	sadd.s32 s23, s15;
	[dreg:$0xc] =	wrdreg s26  }
0x1c: {  	s22 =	simm.s32 $0xA000;
	s25 =	sadd.s32 s24, s17;
	[dreg:$0x10] =	wrdreg s18  }
0x1d: {  	s10 =	sadd.s32 s10, s2;
	s19 =	sadd.s32 s24, s5;
	[dreg:$0x13] =	wrdreg s25  }
0x1e: {  	s0 =	simm.s32 $0x4;
	s21 =	sadd.s32 s23, s5;
	[dreg:$0x9] =	wrdreg s19  }
0x1f: {  	s1 =	sadd.s32 s24, s6;
	s5 =	sadd.s32 s23, s6;
	[dreg:$0xa] =	wrdreg s21  }
0x20: {  	s6 =	sadd.s32 s24, s15;
	s26 =	sadd.s32 s23, s17;
	[dreg:$0xd] =	wrdreg s1  }
0x21: {  	s17 =	smax.u32 s3, $0x1;
	s18 =	simm.s32 $0xFDC0;
	[dreg:$0xe] =	wrdreg s5  }
.Ltmp0:
0x22: {  	s25 =	simm.s32 $0x7;
	[dreg:$0xf] =	wrdreg s6;
	(pc) =	sbr.rel .LBB2_1-.Ltmp0, $4  }
0x23: {  	s19 =	sadd.s32 s24, s20;
	s21 =	sadd.s32 s23, s20;
	[dreg:$0x14] =	wrdreg s26  }
0x24: {  	s20 =	simm.s32 $0x5000;
	s24 =	simm.s32 $0xBF40;
	s26 =	simm.s32 $0xDE80  }
0x25: {  	s23 =	simm.s32 $0x3;
	s1 =	simm.s32 $0x0;
	[dreg:$0x11] =	wrdreg s19  }
0x26: {  	v0 =	vimm.f32 $0.0e+00;
	[dreg:$0x12] =	wrdreg s21;
	s19 =	simm.s32 $0x1;
	s21 =	simm.s32 $0x7D  }
.LBB2_8:
0x27: {  	s6 =	rddreg [dreg:$0x6]  }
0x28: {  	s15 =	sshrl.u32 s14, $0x3;
	s3 =	sadd.s32 s3, s6  }
0x29: {  	[hbm:s3], [sflag:s5] =	dma.local [spmem:s15], $0x280  }
.LBB2_9:
0x2a: {  	_ =	swait.ge [sflag:s19], $0x280  }
0x2b: {  	[sflag:s19] =	ssyncset.done $0x0  }
0x2c: {  	[sflag:s19] =	ssyncadd.s32 $0xFFFFFD80  }
0x2d: {  	_ =	swait.ge [sflag:s19], $0x280  }
0x2e: {  	[sflag:s19] =	ssyncset.done $0x0  }
0x2f: {  	[sflag:s19] =	ssyncadd.s32 $0xFFFFFD80  }
0x30: {  	_ =	swait.ge [sflag:s19], $0x280  }
0x31: {  	[sflag:s19] =	ssyncset.done $0x0  }
0x32: {  	[sflag:s19] =	ssyncadd.s32 $0xFFFFFD80  }
0x33: {  	_ =	swait.ge [sflag:s19], $0x280  }
0x34: {  	[sflag:s19] =	ssyncset.done $0x0  }
0x35: {  	[sflag:s19] =	ssyncadd.s32 $0xFFFFFD80  }
0x36: {  	_ =	swait.ge [sflag:s19], $0x280  }
0x37: {  	[sflag:s19] =	ssyncset.done $0x0  }
0x38: {  	[sflag:s19] =	ssyncadd.s32 $0xFFFFFD80  }
0x39: {  	_ =	swait.ge [sflag:s19], $0x280  }
0x3a: {  	[sflag:s19] =	ssyncset.done $0x0  }
0x3b: {  	s1 =	sadd.s32 $0x1, s1;
	[sflag:s19] =	ssyncadd.s32 $0xFFFFFD80  }
0x3c: {  	p3 =	sne.s32 s1, s17;
	_ =	swait.ge [sflag:s19], $0x280  }
.Ltmp1:
0x3d: {  	[sflag:s19] =	ssyncset.done $0x0;
	(pc) =	sbr.rel @!p3 .LBB2_10-.Ltmp1, $4  }
0x3e: {  	s3 =	simm.s32 @!p1 $0x1;
	[sflag:s19] =	ssyncadd.s32 $0xFFFFFD80  }
0x3f: {  	_ =	swait.ge @!p1 [sflag:s3], $0x280  }
0x40: {  	[sflag:s3] =	ssyncset.done @!p1 $0x0  }
0x41: {  	[sflag:s3] =	ssyncadd.s32 @!p1 $0xFFFFFD80  }
.LBB2_1:
0x42: {  	s5 =	simm.s32 $0x0  }
0x43: {  	s3 =	sand.u32 $0x7F00, s5  }
0x44: {  	s6 =	sand.u32 $0x30, s5;
	s3 =	sshrl.u32 s3, $0x2  }
0x45: {  	s5 =	simm.s32 $0x40;
	s3 =	sor.u32 s6, s3;
	s6 =	simm.s32 $0x0  }
.LBB2_2:
0x46: {  	p3 =	sne.s32 s5, $0x7CC0  }
0x47: {  	[tilespmem:s3+$0xFDC0] =	vst v0;
	s6 =	sadd.s32 $0x10, s6;
	s3 =	smov.u32 s5;
	s5 =	sadd.s32 $0x40, s5  }
.Ltmp2:
0x48: {  	(pc) =	sbr.rel @p3 .LBB2_2-.Ltmp2, $4  }
0x49: {  	_ = 	snop  }
0x4a: {  	s3 =	sand.u32 $0x7F00, s3  }
0x4b: {  	s15 =	sand.u32 $0x30, s6;
	s3 =	sshrl.u32 s3, $0x2  }
0x4c: {  	s3 =	sor.u32 s15, s3  }
0x4d: {  	[tilespmem:s3+$0xFDC0] =	vst v0  }
0x4e: {  	[spmem:s7] =	stream.linear.scatter [tilespmem:s18], [sflag:$0x1], $0x1400, $0x38;
	[tilespmem:$0x1B940] =	vst v63  }
0x4f: {  	_ = 	snop  }
0x50: {  	[spmem:s8] =	stream.linear.scatter [tilespmem:s18], [sflag:$0x1], $0x1400, $0x38;
	[tilespmem:$0x1B940] =	vst v63  }
0x51: {  	_ = 	snop  }
0x52: {  	[spmem:s9] =	stream.linear.scatter [tilespmem:s18], [sflag:$0x1], $0x1400, $0x38;
	[tilespmem:$0x1B940] =	vst v63  }
0x53: {  	_ = 	snop  }
0x54: {  	[spmem:s10] =	stream.linear.scatter [tilespmem:s18], [sflag:$0x1], $0x1400, $0x38;
	[tilespmem:$0x1B940] =	vst v63  }
0x55: {  	_ = 	snop  }
0x56: {  	[spmem:s11] =	stream.linear.scatter [tilespmem:s18], [sflag:$0x1], $0x1400, $0x38;
	[tilespmem:$0x1B940] =	vst v63  }
0x57: {  	_ = 	snop  }
0x58: {  	[spmem:s12] =	stream.linear.scatter [tilespmem:s18], [sflag:$0x1], $0x1400, $0x38;
	[tilespmem:$0x1B940] =	vst v63  }
0x59: {  	_ = 	snop  }
0x5a: {  	[spmem:s13] =	stream.linear.scatter [tilespmem:s18], [sflag:$0x1], $0x1400, $0x38;
	[tilespmem:$0x1B940] =	vst v63  }
0x5b: {  	s3 =	simm.s32 @!p1 $0xFDC0  }
0x5c: {  	[spmem:s14] =	stream.linear.scatter @!p1 [tilespmem:s3], [sflag:$0x1], $0x1400, $0x38;
	[tilespmem:$0x1B940] =	vst v63  }
0x5d: {  	_ =	swait.ge [sflag:s19], $0x1400  }
0x5e: {  	[sflag:s19] =	ssyncset.done $0x0  }
0x5f: {  	[sflag:s19] =	ssyncadd.s32 $0xFFFFEC00  }
0x60: {  	_ =	swait.ge [sflag:s19], $0x1400  }
0x61: {  	[sflag:s19] =	ssyncset.done $0x0  }
0x62: {  	[sflag:s19] =	ssyncadd.s32 $0xFFFFEC00  }
0x63: {  	_ =	swait.ge [sflag:s19], $0x1400  }
0x64: {  	[sflag:s19] =	ssyncset.done $0x0  }
0x65: {  	[sflag:s19] =	ssyncadd.s32 $0xFFFFEC00  }
0x66: {  	_ =	swait.ge [sflag:s19], $0x1400  }
0x67: {  	[sflag:s19] =	ssyncset.done $0x0  }
0x68: {  	[sflag:s19] =	ssyncadd.s32 $0xFFFFEC00  }
0x69: {  	_ =	swait.ge [sflag:s19], $0x1400  }
0x6a: {  	[sflag:s19] =	ssyncset.done $0x0  }
0x6b: {  	[sflag:s19] =	ssyncadd.s32 $0xFFFFEC00  }
0x6c: {  	_ =	swait.ge [sflag:s19], $0x1400  }
0x6d: {  	[sflag:s19] =	ssyncset.done $0x0  }
0x6e: {  	[sflag:s19] =	ssyncadd.s32 $0xFFFFEC00  }
0x6f: {  	_ =	swait.ge [sflag:s19], $0x1400  }
0x70: {  	[sflag:s19] =	ssyncset.done $0x0  }
0x71: {  	s3 =	simm.s32 @!p1 $0x1;
	[sflag:s19] =	ssyncadd.s32 $0xFFFFEC00  }
0x72: {  	_ =	swait.ge @!p1 [sflag:s3], $0x1400  }
0x73: {  	[sflag:s3] =	ssyncset.done @!p1 $0x0  }
0x74: {  	[sflag:s3] =	ssyncadd.s32 @!p1 $0xFFFFEC00  }
0x75: {  	[bflag:$0x0] =	sbarrier.arrive $0xFFFF  }
0x76: {  	s15 =	simm.s32 $0x0;
	s5 =	rddreg [dreg:$0x5]  }
0x77: {  	[tilespmem:s15], [sflag:$0x1] =	stream.linear.gather [hbm4b:s5+s15], $0x5000, $0x38;
	[tilespmem:$0x1B940] =	vst v63  }
0x78: {  	_ = 	snop  }
0x79: {  	[tilespmem:s20], [sflag:$0x1] =	stream.linear.gather [hbm4b:s16+s15], $0x5000, $0x38;
	[tilespmem:$0x1B940] =	vst v63  }
0x7a: {  	_ =	swait.ge [sflag:s19], $0x5000  }
0x7b: {  	[sflag:s19] =	ssyncset.done $0x0  }
0x7c: {  	[sflag:s19] =	ssyncadd.s32 $0xFFFFB000  }
0x7d: {  	_ =	swait.ge [sflag:s19], $0x5000  }
0x7e: {  	[sflag:s19] =	ssyncset.done $0x0  }
0x7f: {  	[sflag:s19] =	ssyncadd.s32 $0xFFFFB000  }
0x80: {  	[spmem:s2] =	stream.indirect.scatter.add.f32 [tilespmem:s18], [sflag:$0x8], $0x40, s20, s21, $0xb8;
	[tilespmem:$0x1B940] =	vst v63  }
0x81: {  	_ = 	snop  }
0x82: {  	[tilespmem:s22], [sflag:$0x1] =	stream.indirect.gather [hbm4b:s4+s21], $0x40, s15, s21, $0xb8;
	[tilespmem:$0x1B940] =	vst v63  }
0x83: {  	s5 =	simm.s32 $0x80  }
0x84: {  	[tilespmem:s24], [sflag:$0x2] =	stream.indirect.gather [hbm4b:s4+s21], $0x40, s5, s21, $0xb8;
	[tilespmem:$0x1B940] =	vst v63  }
0x85: {  	s6 =	simm.s32 $0x100  }
0x86: {  	[tilespmem:s26], [sflag:$0x3] =	stream.indirect.gather [hbm4b:s4+s21], $0x40, s6, s21, $0xb8;
	[tilespmem:$0x1B940] =	vst v63  }
0x87: {  	_ =	swait.ge [sflag:s19], $0x1F40  }
0x88: {  	[sflag:s19] =	ssyncset.done $0x0  }
0x89: {  	[sflag:s19] =	ssyncadd.s32 $0xFFFFE0C0  }
0x8a: {  	_ =	swait.ge [sflag:s28], $0x1F40  }
0x8b: {  	[sflag:s28] =	ssyncset.done $0x0  }
0x8c: {  	s15 =	simm.s32 $0x180;
	[sflag:s28] =	ssyncadd.s32 $0xFFFFE0C0  }
0x8d: {  	[tilespmem:s18], [sflag:$0x4] =	stream.indirect.gather [hbm4b:s4+s21], $0x40, s15, s21, $0xb8;
	[tilespmem:$0x1B940] =	vst v63  }
0x8e: {  	s5 =	simm.s32 $0x5000  }
0x8f: {  	[spmem:s2] =	stream.indirect.scatter.add.f32 [tilespmem:s22], [sflag:$0x5], $0x40, s5, s21, $0xb8;
	[tilespmem:$0x1B940] =	vst v63  }
0x90: {  	_ =	swait.ge [sflag:s29], $0x1F40  }
0x91: {  	[sflag:s29] =	ssyncset.done $0x0  }
0x92: {  	[sflag:s29] =	ssyncadd.s32 $0xFFFFE0C0  }
0x93: {  	_ =	swait.ge [sflag:s30], $0x1F40  }
0x94: {  	[sflag:s30] =	ssyncset.done $0x0  }
0x95: {  	s6 =	simm.s32 $0x200;
	[sflag:s30] =	ssyncadd.s32 $0xFFFFE0C0  }
0x96: {  	[tilespmem:s22], [sflag:$0x1] =	stream.indirect.gather [hbm4b:s4+s21], $0x40, s6, s21, $0xb8;
	[tilespmem:$0x1B940] =	vst v63  }
0x97: {  	s15 =	simm.s32 $0x5080  }
0x98: {  	[spmem:s2] =	stream.indirect.scatter.add.f32 [tilespmem:s24], [sflag:$0x6], $0x40, s15, s21, $0xb8;
	[tilespmem:$0x1B940] =	vst v63  }
0x99: {  	_ =	swait.ge [sflag:s23], $0x1F40  }
0x9a: {  	[sflag:s23] =	ssyncset.done $0x0  }
0x9b: {  	[sflag:s23] =	ssyncadd.s32 $0xFFFFE0C0  }
0x9c: {  	_ =	swait.ge [sflag:s31], $0x1F40  }
0x9d: {  	[sflag:s31] =	ssyncset.done $0x0  }
0x9e: {  	s5 =	simm.s32 $0x280;
	[sflag:s31] =	ssyncadd.s32 $0xFFFFE0C0  }
0x9f: {  	[tilespmem:s24], [sflag:$0x2] =	stream.indirect.gather [hbm4b:s4+s21], $0x40, s5, s21, $0xb8;
	[tilespmem:$0x1B940] =	vst v63  }
0xa0: {  	s6 =	simm.s32 $0x5100  }
0xa1: {  	[spmem:s2] =	stream.indirect.scatter.add.f32 [tilespmem:s26], [sflag:$0x7], $0x40, s6, s21, $0xb8;
	[tilespmem:$0x1B940] =	vst v63  }
0xa2: {  	_ =	swait.ge [sflag:s0], $0x1F40  }
0xa3: {  	[sflag:s0] =	ssyncset.done $0x0  }
0xa4: {  	[sflag:s0] =	ssyncadd.s32 $0xFFFFE0C0  }
0xa5: {  	_ =	swait.ge [sflag:s25], $0x1F40  }
0xa6: {  	s3 =	simm.s32 $0x5180;
	[sflag:s25] =	ssyncset.done $0x0  }
0xa7: {  	s15 =	simm.s32 $0x300;
	s5 =	simm.s32 $0x800;
	[sflag:s25] =	ssyncadd.s32 $0xFFFFE0C0  }
0xa8: {  	[tilespmem:s26], [sflag:$0x3] =	stream.indirect.gather [hbm4b:s4+s21], $0x40, s15, s21, $0xb8;
	[tilespmem:$0x1B940] =	vst v63  }
.LBB2_4:
0xa9: {  	[spmem:s2] =	stream.indirect.scatter.add.f32 [tilespmem:s18], [sflag:$0x8], $0x40, s3, s21, $0xb8;
	[tilespmem:$0x1B940] =	vst v63  }
0xaa: {  	s3 =	smov.u32 s5  }
0xab: {  	p3 =	sne.s32 s5, $0x13000;
	s5 =	sadd.s32 $0x800, s5;
	_ =	swait.ge [sflag:s19], $0x1F40  }
0xac: {  	[sflag:s19] =	ssyncset.done $0x0  }
0xad: {  	[sflag:s19] =	ssyncadd.s32 $0xFFFFE0C0  }
0xae: {  	_ =	swait.ge [sflag:s28], $0x1F40  }
0xaf: {  	s6 =	sshra.s32 s3, $0x2;
	[sflag:s28] =	ssyncset.done $0x0  }
0xb0: {  	s3 =	sadd.s32 $0x180, s6;
	[sflag:s28] =	ssyncadd.s32 $0xFFFFE0C0  }
0xb1: {  	[tilespmem:s18], [sflag:$0x4] =	stream.indirect.gather [hbm4b:s4+s21], $0x40, s3, s21, $0xb8;
	[tilespmem:$0x1B940] =	vst v63  }
0xb2: {  	s3 =	sadd.s32 $0x5000, s6  }
0xb3: {  	[spmem:s2] =	stream.indirect.scatter.add.f32 [tilespmem:s22], [sflag:$0x5], $0x40, s3, s21, $0xb8;
	[tilespmem:$0x1B940] =	vst v63  }
0xb4: {  	_ =	swait.ge [sflag:s29], $0x1F40  }
0xb5: {  	[sflag:s29] =	ssyncset.done $0x0  }
0xb6: {  	[sflag:s29] =	ssyncadd.s32 $0xFFFFE0C0  }
0xb7: {  	_ =	swait.ge [sflag:s30], $0x1F40  }
0xb8: {  	[sflag:s30] =	ssyncset.done $0x0  }
0xb9: {  	s3 =	sadd.s32 $0x200, s6;
	[sflag:s30] =	ssyncadd.s32 $0xFFFFE0C0  }
0xba: {  	[tilespmem:s22], [sflag:$0x1] =	stream.indirect.gather [hbm4b:s4+s21], $0x40, s3, s21, $0xb8;
	[tilespmem:$0x1B940] =	vst v63  }
0xbb: {  	s3 =	sadd.s32 $0x5080, s6  }
0xbc: {  	[spmem:s2] =	stream.indirect.scatter.add.f32 [tilespmem:s24], [sflag:$0x6], $0x40, s3, s21, $0xb8;
	[tilespmem:$0x1B940] =	vst v63  }
0xbd: {  	_ =	swait.ge [sflag:s23], $0x1F40  }
0xbe: {  	[sflag:s23] =	ssyncset.done $0x0  }
0xbf: {  	[sflag:s23] =	ssyncadd.s32 $0xFFFFE0C0  }
0xc0: {  	_ =	swait.ge [sflag:s31], $0x1F40  }
0xc1: {  	[sflag:s31] =	ssyncset.done $0x0  }
0xc2: {  	s3 =	sadd.s32 $0x280, s6;
	[sflag:s31] =	ssyncadd.s32 $0xFFFFE0C0  }
0xc3: {  	[tilespmem:s24], [sflag:$0x2] =	stream.indirect.gather [hbm4b:s4+s21], $0x40, s3, s21, $0xb8;
	[tilespmem:$0x1B940] =	vst v63  }
0xc4: {  	s3 =	sadd.s32 $0x5100, s6  }
0xc5: {  	[spmem:s2] =	stream.indirect.scatter.add.f32 [tilespmem:s26], [sflag:$0x7], $0x40, s3, s21, $0xb8;
	[tilespmem:$0x1B940] =	vst v63  }
0xc6: {  	_ =	swait.ge [sflag:s0], $0x1F40  }
0xc7: {  	[sflag:s0] =	ssyncset.done $0x0  }
0xc8: {  	[sflag:s0] =	ssyncadd.s32 $0xFFFFE0C0  }
.Ltmp3:
0xc9: {  	_ =	swait.ge [sflag:s25], $0x1F40;
	(pc) =	sbr.rel @p3 .LBB2_4-.Ltmp3, $4  }
0xca: {  	[sflag:s25] =	ssyncset.done $0x0  }
0xcb: {  	s3 =	sadd.s32 $0x300, s6;
	[sflag:s25] =	ssyncadd.s32 $0xFFFFE0C0  }
0xcc: {  	[tilespmem:s26], [sflag:$0x3] =	stream.indirect.gather [hbm4b:s4+s21], $0x40, s3, s21, $0xb8;
	[tilespmem:$0x1B940] =	vst v63  }
0xcd: {  	s3 =	sadd.s32 $0x5180, s6  }
0xce: {  	[spmem:s2] =	stream.indirect.scatter.add.f32 [tilespmem:s18], [sflag:$0x8], $0x40, s3, s21, $0xb8;
	[tilespmem:$0x1B940] =	vst v63  }
0xcf: {  	_ =	swait.ge [sflag:s19], $0x1F40  }
0xd0: {  	[sflag:s19] =	ssyncset.done $0x0  }
0xd1: {  	[sflag:s19] =	ssyncadd.s32 $0xFFFFE0C0  }
0xd2: {  	_ =	swait.ge [sflag:s28], $0x1F40  }
0xd3: {  	[sflag:s28] =	ssyncset.done $0x0  }
0xd4: {  	s5 =	simm.s32 $0x4F80;
	[sflag:s28] =	ssyncadd.s32 $0xFFFFE0C0  }
0xd5: {  	[tilespmem:s18], [sflag:$0x4] =	stream.indirect.gather [hbm4b:s4+s21], $0x40, s5, s21, $0xb8;
	[tilespmem:$0x1B940] =	vst v63  }
0xd6: {  	s6 =	simm.s32 $0x9E00  }
0xd7: {  	[spmem:s2] =	stream.indirect.scatter.add.f32 [tilespmem:s22], [sflag:$0x5], $0x40, s6, s21, $0xb8;
	[tilespmem:$0x1B940] =	vst v63  }
0xd8: {  	_ =	swait.ge [sflag:s29], $0x1F40  }
0xd9: {  	[sflag:s29] =	ssyncset.done $0x0  }
0xda: {  	[sflag:s29] =	ssyncadd.s32 $0xFFFFE0C0  }
0xdb: {  	_ =	swait.ge [sflag:s30], $0x1F40  }
0xdc: {  	[sflag:s30] =	ssyncset.done $0x0  }
0xdd: {  	s15 =	simm.s32 $0x9E80;
	[sflag:s30] =	ssyncadd.s32 $0xFFFFE0C0  }
0xde: {  	[spmem:s2] =	stream.indirect.scatter.add.f32 [tilespmem:s24], [sflag:$0x6], $0x40, s15, s21, $0xb8;
	[tilespmem:$0x1B940] =	vst v63  }
0xdf: {  	_ =	swait.ge [sflag:s23], $0x1F40  }
0xe0: {  	[sflag:s23] =	ssyncset.done $0x0  }
0xe1: {  	[sflag:s23] =	ssyncadd.s32 $0xFFFFE0C0  }
0xe2: {  	_ =	swait.ge [sflag:s31], $0x1F40  }
0xe3: {  	[sflag:s31] =	ssyncset.done $0x0  }
0xe4: {  	s5 =	simm.s32 $0x9F00;
	[sflag:s31] =	ssyncadd.s32 $0xFFFFE0C0  }
0xe5: {  	[spmem:s2] =	stream.indirect.scatter.add.f32 [tilespmem:s26], [sflag:$0x7], $0x40, s5, s21, $0xb8;
	[tilespmem:$0x1B940] =	vst v63  }
0xe6: {  	_ =	swait.ge [sflag:s0], $0x1F40  }
0xe7: {  	[sflag:s0] =	ssyncset.done $0x0  }
0xe8: {  	[sflag:s0] =	ssyncadd.s32 $0xFFFFE0C0  }
0xe9: {  	_ =	swait.ge [sflag:s25], $0x1F40  }
0xea: {  	[sflag:s25] =	ssyncset.done $0x0  }
0xeb: {  	s6 =	simm.s32 $0x9F80;
	[sflag:s25] =	ssyncadd.s32 $0xFFFFE0C0  }
0xec: {  	[spmem:s2] =	stream.indirect.scatter.add.f32 [tilespmem:s18], [sflag:$0x8], $0x40, s6, s21, $0xb8;
	[tilespmem:$0x1B940] =	vst v63  }
.Ltmp4:
0xed: {  	_ =	swait.ge [sflag:s28], $0x1F40;
	(pc) =	sbr.rel @p0 .LBB2_7-.Ltmp4, $4  }
0xee: {  	[sflag:s28] =	ssyncset.done $0x0  }
0xef: {  	s15 =	stileid.u32;
	[sflag:s28] =	ssyncadd.s32 $0xFFFFE0C0  }
0xf0: {  	s15 =	sshll.u32 s15, $0x6;
	[bflag:$0x0] =	sbarrier.arrive $0xFFFF  }
0xf1: {  	s3 =	sshrl.u32 s7, $0x3;
	s5 =	sor.u32 $0x1C01, s15;
	s6 =	sshrl.u32 s8, $0x3  }
0xf2: {  	s5 =	sor.u32 $0x1C01, s15;
	s15 =	rddreg [dreg:$0x8]  }
0xf3: {  	[hbm:s15], [sflag:s5] =	dma.local [spmem:s3], $0x280  }
0xf4: {  	s3 =	rddreg [dreg:$0xa]  }
0xf5: {  	[hbm:s3], [sflag:s5] =	dma.local [spmem:s6], $0x280  }
0xf6: {  	s15 =	sshrl.u32 s9, $0x3;
	s6 =	rddreg [dreg:$0xc]  }
0xf7: {  	[hbm:s6], [sflag:s5] =	dma.local [spmem:s15], $0x280  }
0xf8: {  	s15 =	sshrl.u32 s10, $0x3;
	s6 =	rddreg [dreg:$0xe]  }
0xf9: {  	[hbm:s6], [sflag:s5] =	dma.local [spmem:s15], $0x280  }
0xfa: {  	s15 =	sshrl.u32 s11, $0x3;
	s6 =	rddreg [dreg:$0x10]  }
0xfb: {  	[hbm:s6], [sflag:s5] =	dma.local [spmem:s15], $0x280  }
0xfc: {  	s15 =	sshrl.u32 s12, $0x3;
	s6 =	rddreg [dreg:$0x12]  }
0xfd: {  	[hbm:s6], [sflag:s5] =	dma.local [spmem:s15], $0x280  }
.Ltmp5:
0xfe: {  	_ = 	snop;
	(pc) =	sbr.rel @p2 .LBB2_8-.Ltmp5, $4  }
.Ltmp6:
0xff: {  	_ = 	snop;
	(pc) =	sbr.rel @!p2 .LBB2_9-.Ltmp6, $4  }
0x100: {  	s15 =	sshrl.u32 s13, $0x3;
	s6 =	rddreg [dreg:$0x14]  }
0x101: {  	[hbm:s6], [sflag:s5] =	dma.local [spmem:s15], $0x280  }
0x102: {  	s3 =	rddreg [dreg:$0x3]  }
0x103: {  	_ = 	snop  }
.LBB2_7:
0x104: {  	s15 =	rddreg [dreg:$0x7]  }
0x105: {  	[hbm:s15], [sflag:s5] =	dma.local [spmem:s3], $0x280  }
0x106: {  	s3 =	rddreg [dreg:$0x9]  }
0x107: {  	[hbm:s3], [sflag:s5] =	dma.local [spmem:s6], $0x280  }
0x108: {  	s15 =	sshrl.u32 s9, $0x3;
	s6 =	rddreg [dreg:$0xb]  }
0x109: {  	[hbm:s6], [sflag:s5] =	dma.local [spmem:s15], $0x280  }
0x10a: {  	s15 =	sshrl.u32 s10, $0x3;
	s6 =	rddreg [dreg:$0xd]  }
0x10b: {  	[hbm:s6], [sflag:s5] =	dma.local [spmem:s15], $0x280  }
0x10c: {  	s15 =	sshrl.u32 s11, $0x3;
	s6 =	rddreg [dreg:$0xf]  }
0x10d: {  	[hbm:s6], [sflag:s5] =	dma.local [spmem:s15], $0x280  }
0x10e: {  	s15 =	sshrl.u32 s12, $0x3;
	s6 =	rddreg [dreg:$0x11]  }
0x10f: {  	[hbm:s6], [sflag:s5] =	dma.local [spmem:s15], $0x280  }
.Ltmp7:
0x110: {  	_ = 	snop;
	(pc) =	sbr.rel @p1 .LBB2_9-.Ltmp7, $4  }
.Ltmp8:
0x111: {  	_ = 	snop;
	(pc) =	sbr.rel @!p1 .LBB2_8-.Ltmp8, $4  }
0x112: {  	s15 =	sshrl.u32 s13, $0x3;
	s6 =	rddreg [dreg:$0x13]  }
0x113: {  	[hbm:s6], [sflag:s5] =	dma.local [spmem:s15], $0x280  }
0x114: {  	s3 =	rddreg [dreg:$0x4]  }
0x115: {  	_ = 	snop  }
.LBB2_10:
0x116: {  	_ =	sfence.sel $0x180000  }
0x117: {  	[bflag:$0x0] =	sbarrier.arrive $0xFFFF  }
0x118: {  	_ =	strace $0x9000004A  }
0x119: {  	s0 =	stileid.u32;
	[bflag:$0x2] =	sbarrier.arrive $0xFFFF  }
0x11a: {  	p0 =	sne.s32 s0, $0x0;
	s0 =	rddreg [dreg:$0x2]  }
0x11b: {  	s0 =	sadd.s32 @!p0 $0x100000, s0  }
0x11c: {  	[sflag:s0] =	ssyncadd.tile.s32 @!p0 $0x1;
	_ =	shalt  }
.Lfunc_end2:
_tile_overlayer_lowered:
.L_overlay_start_2:
0x11d: {  	(tag) =	ssettag $0x2  }
0x11e: {  	s0 =	rddreg [dreg:$0x0];
	s2 =	stileid.u32  }
0x11f: {  	s1 =	rddreg [dreg:$0x1];
	p0 =	sne.s32 s2, $0x0  }
0x120: {  	s3 =	rddreg [dreg:$0x2];
	[bflag:$0x3] =	sbarrier.arrive $0xFFFF;
	s2 =	simm.s32 @!p0 $0x1C09  }
0x121: {  	[timem:s3], [sflag:s2] =	dma.local @!p0 [hbm:s0], s1  }
0x122: {  	s0 =	simm.s32 @!p0 $0x9  }
0x123: {  	_ =	swait.ge @!p0 [sflag:s0], s1  }
0x124: {  	s1 =	ssub.s32 @!p0 $0x0, s1;
	[sflag:s0] =	ssyncset.done @!p0 $0x0  }
0x125: {  	[sflag:s0] =	ssyncadd.s32 @!p0 s1  }
0x126: {  	[bflag:$0x3] =	sbarrier.arrive $0xFFFF  }
0x127: {  	_ =	shalt  }

</sc_bundles>
